<compile_context>
chip_gen: v7x
topology: tpu7x:2x2x1
jax: 0.10.2.dev20260603
libtpu: 0.0.44.dev20260713+nightly
codegen_flags: <defaults>
</compile_context>

<pallas_src>
import jax
import jax.numpy as jnp
from jax import lax
from jax.experimental import pallas as pl
from jax.experimental.pallas import tpu as pltpu, tpu_sc as plsc

_N_IN = 512
_L = 16
_T = 6250
_W = 32
_CH = 400
_G = _CH // 16
_TP = 6256
_VALS = _N_IN + 15 * _TP
_STAGE = 6400
_OUT_PAD = 272


def _body(x_hbm, idx_hbm, w_hbm, b_hbm, out_hbm,
          values_v, idxb, wb, bb, ob, stage0, stage1,
          sem_i, sem_w, sem_b, sem_r):
    stages = (stage0, stage1)
    cid = lax.axis_index("c")
    sid = lax.axis_index("s")
    rb = sid * _CH
    iota = lax.iota(jnp.int32, 16)

    def issue(l):
        off = l * (16 * _W * _CH) + sid * (_W * _CH)
        return (
            pltpu.async_copy(idx_hbm.at[pl.ds(off, _W * _CH)], idxb, sem_i),
            pltpu.async_copy(w_hbm.at[pl.ds(off, _W * _CH)], wb, sem_w),
            pltpu.async_copy(b_hbm.at[pl.ds(l * _STAGE + rb, _CH)],
                             bb, sem_b),
        )

    pltpu.sync_copy(x_hbm, values_v.at[pl.ds(0, _N_IN)])
    handles = issue(0)
    refresh = None

    for l in range(_L):
        for h in handles:
            h.wait()
        if refresh is not None:
            refresh.wait()

        def group(g, carry, l=l):
            rows = g * 16 + iota
            zero = jnp.zeros((16,), jnp.float32)
            init = (bb[pl.ds(g * 16, 16)], zero, zero, zero)

            @plsc.parallel_loop(0, _W, unroll=8, carry=init)
            def jloop(j, accs):
                col = j * _CH + rows
                iv = plsc.load_gather(idxb, [col])
                vv = plsc.load_gather(values_v, [iv])
                wv = plsc.load_gather(wb, [col])
                a0, a1, a2, a3 = accs
                return (a1, a2, a3, a0 + wv * vv)

            a0, a1, a2, a3 = jloop
            acc = (a0 + a1) + (a2 + a3)
            if l < _L - 1:
                res = acc / (1.0 + jnp.exp(-acc))
            else:
                res = acc
            ob[pl.ds(g * 16, 16)] = res
            return carry

        lax.fori_loop(0, _G, group, 0)

        if l + 1 < _L:
            handles = issue(l + 1)

        stage = stages[l % 2]
        pltpu.sync_copy(ob, stage.at[pl.ds(rb, _CH)])
        plsc.subcore_barrier()
        if l < _L - 1:
            refresh = pltpu.async_copy(
                stage.at[pl.ds(0, _TP)],
                values_v.at[pl.ds(_N_IN + l * _TP, _TP)], sem_r)
        else:
            @pl.when(jnp.logical_and(cid == 0, sid == 0))
            def _():
                pltpu.sync_copy(stage.at[pl.ds(5984, _OUT_PAD)],
                                ob.at[pl.ds(0, _OUT_PAD)])
                pltpu.sync_copy(ob.at[pl.ds(0, _OUT_PAD)], out_hbm)


@jax.jit
def _forward(x, idx_t, w_t, biases_pad):
    run = pl.kernel(
        _body,
        out_type=jax.ShapeDtypeStruct((_OUT_PAD,), jnp.float32),
        mesh=plsc.VectorSubcoreMesh(core_axis_name="c", subcore_axis_name="s"),
        compiler_params=pltpu.CompilerParams(needs_layout_passes=False),
        scratch_types=[
            pltpu.VMEM((_VALS,), jnp.float32),
            pltpu.VMEM((_W * _CH,), jnp.int32),
            pltpu.VMEM((_W * _CH,), jnp.float32),
            pltpu.VMEM((_CH,), jnp.float32),
            pltpu.VMEM((_CH,), jnp.float32),
            pltpu.VMEM_SHARED((_STAGE,), jnp.float32),
            pltpu.VMEM_SHARED((_STAGE,), jnp.float32),
            pltpu.SemaphoreType.DMA,
            pltpu.SemaphoreType.DMA,
            pltpu.SemaphoreType.DMA,
            pltpu.SemaphoreType.DMA,
        ],
    )
    return run(x, idx_t, w_t, biases_pad)


def kernel(x, indices, weights, biases):
    pad = ((0, 0), (0, 0), (0, _STAGE - _T))
    idx = indices + (_TP - _T) * (jnp.maximum(indices - _N_IN, 0) // _T)

    def _chunked(a):
        a = jnp.pad(a.transpose(0, 2, 1), pad)
        return (a.reshape(_L, _W, 16, _CH)
                 .transpose(0, 2, 1, 3).reshape(-1))

    idx_t = _chunked(idx)
    w_t = _chunked(weights)
    biases_pad = jnp.pad(biases, ((0, 0), (0, _STAGE - _T))).reshape(-1)
    out_pad = _forward(x, idx_t, w_t, biases_pad)
    return out_pad[10:266]

# --- scband reference (transcript-rebuilt; emitter-appended) ---
"""Pipeline reference for scband-neural-network-63556926046364 (READ-ONLY COPY).

The authoritative reference and input builder live on the scoring server;
editing this copy changes nothing except your own understanding.
"""

import jax, jax.numpy as jnp
import numpy as np

N_IN = 512
N_OUT = 256
L = 16      # number of topological batches
T = 6250    # neurons per topological batch
W = 32      # fan-in (max in-degree) per neuron
N = N_IN + L * T  # total neurons = 100512


def setup_inputs(seed: int = 0) -> dict:
    key = jax.random.key(seed)
    ks = jax.random.split(key, 4 + L)
    # forward input written to input neurons
    x = jax.random.normal(ks[0], (N_IN,), dtype=jnp.float32)
    # DAG structure: each neuron in topo batch l gathers from W earlier neurons
    idx_list = []
    for l in range(L):
        maxval = N_IN + l * T  # topological constraint: inputs come from earlier neurons only
        idx_list.append(jax.random.randint(ks[4 + l], (T, W), 0, maxval))
    indices = jnp.stack(idx_list).astype(jnp.int32)  # [L, T, W]
    # learned parameters: per-neuron weight vector over its fan-in + bias
    weights = (jax.random.normal(ks[1], (L, T, W), dtype=jnp.float32) * 0.1)
    biases = (jax.random.normal(ks[2], (L, T), dtype=jnp.float32) * 0.01)
    return {"x": x, "indices": indices, "weights": weights, "biases": biases}


def reference(x, indices, weights, biases):
    # values buffer over all neurons; write input neurons (dropout_p = 0 so keep mask is all-ones)
    values = jnp.zeros((N,), dtype=jnp.float32)
    values = values.at[:N_IN].set(x)
    # fire neurons in topological-batch order
    for l in range(L):
        vals = values[indices[l]]                      # gather collective inputs [T, W]
        z = jnp.sum(weights[l] * vals, axis=1) + biases[l]  # masked affine per neuron
        out = jax.nn.silu(z)                           # hidden activation
        if l == L - 1:
            # output neurons (last N_OUT) use identity output activation
            out = out.at[-N_OUT:].set(z[-N_OUT:])
        start = N_IN + l * T
        values = values.at[start:start + T].set(out)   # scatter-overwrite
    return values[-N_OUT:]

if __name__ == "__main__":
    import jax
    _d = setup_inputs()
    print(jax.jit(kernel)(*tuple(_d.values())))

</pallas_src>

<mosaic_0001>
#map = affine_map<(d0, d1) -> (0)>
module attributes {stable_mosaic.version = 14 : i64} {
  func.func @_body(%arg0: i32, %arg1: i32, %arg2: memref<512xf32, #tpu.memory_space<hbm>>, %arg3: memref<3276800xi32, #tpu.memory_space<hbm>>, %arg4: memref<3276800xf32, #tpu.memory_space<hbm>>, %arg5: memref<102400xf32, #tpu.memory_space<hbm>>, %arg6: memref<272xf32, #tpu.memory_space<hbm>>, %arg7: memref<94352xf32, #tpu.memory_space<vmem>>, %arg8: memref<12800xi32, #tpu.memory_space<vmem>>, %arg9: memref<12800xf32, #tpu.memory_space<vmem>>, %arg10: memref<400xf32, #tpu.memory_space<vmem>>, %arg11: memref<400xf32, #tpu.memory_space<vmem>>, %arg12: memref<6400xf32, #tpu.memory_space<vmem_shared>>, %arg13: memref<6400xf32, #tpu.memory_space<vmem_shared>>, %arg14: memref<!tpu.dma_semaphore, #tpu.memory_space<semaphore_mem>>, %arg15: memref<!tpu.dma_semaphore, #tpu.memory_space<semaphore_mem>>, %arg16: memref<!tpu.dma_semaphore, #tpu.memory_space<semaphore_mem>>, %arg17: memref<!tpu.dma_semaphore, #tpu.memory_space<semaphore_mem>>) attributes {dimension_semantics = [#tpu.dimension_semantics<core_parallel>, #tpu.dimension_semantics<subcore_parallel>], iteration_bounds = array<i64: 2, 16>, scalar_prefetch = 0 : i64, scratch_operands = 11 : i64, tpu.core_type = #tpu.core_type<sc_vector_subcore>, window_params = [{transform_indices = #map}, {transform_indices = #map}, {transform_indices = #map}, {transform_indices = #map}, {transform_indices = #map}]} {
    %mul3A = arith.constant 400 : i32
    %mul3A_0 = arith.muli %arg1, %mul3A : i32
    %iota3A = tpu.iota {dimensions = array<i32: 0>} : vector<16xi32>
    "tpu.region"() ({
      %run_scoped3A = tpu.sem_alloc : memref<!tpu.dma_semaphore, #tpu.memory_space<semaphore_mem>>
      %dma_start3A_640 = arith.constant 0 : i32
      %dma_start3A_641 = tpu.memref_slice %arg7[%dma_start3A_640] : memref<94352xf32, #tpu.memory_space<vmem>> -> memref<512xf32, #tpu.memory_space<vmem>>
      %dma_start3A_642 = arith.constant 0 : i32
      %dma_start3A_643 = tpu.memref_slice %arg7[%dma_start3A_642] : memref<94352xf32, #tpu.memory_space<vmem>> -> memref<512xf32, #tpu.memory_space<vmem>>
      tpu.enqueue_dma source(%arg2 : memref<512xf32, #tpu.memory_space<hbm>>) target(%dma_start3A_643 : memref<512xf32, #tpu.memory_space<vmem>>) target_semaphore(%run_scoped3A : memref<!tpu.dma_semaphore, #tpu.memory_space<semaphore_mem>>)
      %dma_wait3A_644 = arith.constant 0 : i32
      %dma_wait3A_645 = tpu.memref_slice %arg7[%dma_wait3A_644] : memref<94352xf32, #tpu.memory_space<vmem>> -> memref<512xf32, #tpu.memory_space<vmem>>
      %dma_wait3A_646 = arith.constant 0 : i32
      %dma_wait3A_647 = tpu.memref_slice %arg7[%dma_wait3A_646] : memref<94352xf32, #tpu.memory_space<vmem>> -> memref<512xf32, #tpu.memory_space<vmem>>
      tpu.wait_dma2 semaphore(%run_scoped3A : memref<!tpu.dma_semaphore, #tpu.memory_space<semaphore_mem>>) src(%arg2 : memref<512xf32, #tpu.memory_space<hbm>>) dst(%dma_wait3A_647 : memref<512xf32, #tpu.memory_space<vmem>>)
      tpu.yield
    }) : () -> ()
    %mul3A_1 = arith.constant 12800 : i32
    %mul3A_2 = arith.muli %arg1, %mul3A_1 : i32
    %add3A = arith.constant 0 : i32
    %add3A_3 = arith.addi %add3A, %mul3A_2 : i32
    %dma_start3A = tpu.memref_slice %arg3[%add3A_3] : memref<3276800xi32, #tpu.memory_space<hbm>> -> memref<12800xi32, #tpu.memory_space<hbm>>
    %dma_start3A_4 = tpu.memref_slice %arg3[%add3A_3] : memref<3276800xi32, #tpu.memory_space<hbm>> -> memref<12800xi32, #tpu.memory_space<hbm>>
    tpu.enqueue_dma source(%dma_start3A_4 : memref<12800xi32, #tpu.memory_space<hbm>>) target(%arg8 : memref<12800xi32, #tpu.memory_space<vmem>>) target_semaphore(%arg14 : memref<!tpu.dma_semaphore, #tpu.memory_space<semaphore_mem>>)
    %dma_start3A_5 = tpu.memref_slice %arg4[%add3A_3] : memref<3276800xf32, #tpu.memory_space<hbm>> -> memref<12800xf32, #tpu.memory_space<hbm>>
    %dma_start3A_6 = tpu.memref_slice %arg4[%add3A_3] : memref<3276800xf32, #tpu.memory_space<hbm>> -> memref<12800xf32, #tpu.memory_space<hbm>>
    tpu.enqueue_dma source(%dma_start3A_6 : memref<12800xf32, #tpu.memory_space<hbm>>) target(%arg9 : memref<12800xf32, #tpu.memory_space<vmem>>) target_semaphore(%arg15 : memref<!tpu.dma_semaphore, #tpu.memory_space<semaphore_mem>>)
    %add3A_7 = arith.constant 0 : i32
    %add3A_8 = arith.addi %add3A_7, %mul3A_0 : i32
    %dma_start3A_9 = tpu.memref_slice %arg5[%add3A_8] : memref<102400xf32, #tpu.memory_space<hbm>> -> memref<400xf32, #tpu.memory_space<hbm>>
    %dma_start3A_10 = tpu.memref_slice %arg5[%add3A_8] : memref<102400xf32, #tpu.memory_space<hbm>> -> memref<400xf32, #tpu.memory_space<hbm>>
    tpu.enqueue_dma source(%dma_start3A_10 : memref<400xf32, #tpu.memory_space<hbm>>) target(%arg10 : memref<400xf32, #tpu.memory_space<vmem>>) target_semaphore(%arg16 : memref<!tpu.dma_semaphore, #tpu.memory_space<semaphore_mem>>)
    %dma_wait3A = tpu.memref_slice %arg3[%add3A_3] : memref<3276800xi32, #tpu.memory_space<hbm>> -> memref<12800xi32, #tpu.memory_space<hbm>>
    %dma_wait3A_11 = tpu.memref_slice %arg3[%add3A_3] : memref<3276800xi32, #tpu.memory_space<hbm>> -> memref<12800xi32, #tpu.memory_space<hbm>>
    tpu.wait_dma2 semaphore(%arg14 : memref<!tpu.dma_semaphore, #tpu.memory_space<semaphore_mem>>) src(%dma_wait3A_11 : memref<12800xi32, #tpu.memory_space<hbm>>) dst(%arg8 : memref<12800xi32, #tpu.memory_space<vmem>>)
    %dma_wait3A_12 = tpu.memref_slice %arg4[%add3A_3] : memref<3276800xf32, #tpu.memory_space<hbm>> -> memref<12800xf32, #tpu.memory_space<hbm>>
    %dma_wait3A_13 = tpu.memref_slice %arg4[%add3A_3] : memref<3276800xf32, #tpu.memory_space<hbm>> -> memref<12800xf32, #tpu.memory_space<hbm>>
    tpu.wait_dma2 semaphore(%arg15 : memref<!tpu.dma_semaphore, #tpu.memory_space<semaphore_mem>>) src(%dma_wait3A_13 : memref<12800xf32, #tpu.memory_space<hbm>>) dst(%arg9 : memref<12800xf32, #tpu.memory_space<vmem>>)
    %dma_wait3A_14 = tpu.memref_slice %arg5[%add3A_8] : memref<102400xf32, #tpu.memory_space<hbm>> -> memref<400xf32, #tpu.memory_space<hbm>>
    %dma_wait3A_15 = tpu.memref_slice %arg5[%add3A_8] : memref<102400xf32, #tpu.memory_space<hbm>> -> memref<400xf32, #tpu.memory_space<hbm>>
    tpu.wait_dma2 semaphore(%arg16 : memref<!tpu.dma_semaphore, #tpu.memory_space<semaphore_mem>>) src(%dma_wait3A_15 : memref<400xf32, #tpu.memory_space<hbm>>) dst(%arg10 : memref<400xf32, #tpu.memory_space<vmem>>)
    %scan3A = arith.constant 0 : i32
    %scan3A_16 = arith.constant 0 : i32
    %scan3A_17 = arith.constant 25 : i32
    %scan3A_18 = arith.addi %scan3A_16, %scan3A_17 : i32
    %scan3A_19 = arith.constant 1 : i32
    scf.for %scan3A_640 = %scan3A_16 to %scan3A_18 step %scan3A_19  : i32 {
      %mul3A_641 = arith.constant 16 : i32
      %mul3A_642 = arith.muli %scan3A_640, %mul3A_641 : i32
      %add3A_643 = vector.broadcast %mul3A_642 : i32 to vector<16xi32>
      %add3A_644 = arith.addi %add3A_643, %iota3A : vector<16xi32>
      %broadcast_in_dim3A = arith.constant 0.000000e+00 : f32
      %broadcast_in_dim3A_645 = vector.broadcast %broadcast_in_dim3A : f32 to vector<16xf32>
      %mul3A_646 = arith.constant 16 : i32
      %mul3A_647 = arith.muli %scan3A_640, %mul3A_646 : i32
      %get3A = arith.index_cast %mul3A_647 : i32 to index
      %get3A_648 = tpu.vector_load %arg10[%get3A] {strides = array<i32>} : memref<400xf32, #tpu.memory_space<vmem>>, vector<16xf32>,
      %parallel_loop3A = arith.constant 0 : i32
      %parallel_loop3A_649 = arith.constant 32 : i32
      %parallel_loop3A_650 = arith.constant 1 : i32
      %parallel_loop3A_651:4 = scf.for %parallel_loop3A_663 = %parallel_loop3A to %parallel_loop3A_649 step %parallel_loop3A_650 iter_args(%parallel_loop3A_664 = %get3A_648, %parallel_loop3A_665 = %broadcast_in_dim3A_645, %parallel_loop3A_666 = %broadcast_in_dim3A_645, %parallel_loop3A_667 = %broadcast_in_dim3A_645) -> (vector<16xf32>, vector<16xf32>, vector<16xf32>, vector<16xf32>)  : i32 {
        %parallel_loop3A_668 = arith.constant 400 : i32
        %parallel_loop3A_669 = arith.muli %parallel_loop3A_663, %parallel_loop3A_668 : i32
        %parallel_loop3A_670 = vector.broadcast %parallel_loop3A_669 : i32 to vector<16xi32>
        %parallel_loop3A_671 = arith.addi %parallel_loop3A_670, %add3A_644 : vector<16xi32>
        %parallel_loop3A_672 = tpu.vector_load_idx %arg8[%parallel_loop3A_671] : memref<12800xi32, #tpu.memory_space<vmem>>[vector<16xi32>], vector<16xi32>,
        %parallel_loop3A_673 = tpu.vector_load_idx %arg7[%parallel_loop3A_672] : memref<94352xf32, #tpu.memory_space<vmem>>[vector<16xi32>], vector<16xf32>,
        %parallel_loop3A_674 = tpu.vector_load_idx %arg9[%parallel_loop3A_671] : memref<12800xf32, #tpu.memory_space<vmem>>[vector<16xi32>], vector<16xf32>,
        %parallel_loop3A_675 = arith.mulf %parallel_loop3A_674, %parallel_loop3A_673 : vector<16xf32>
        %parallel_loop3A_676 = arith.addf %parallel_loop3A_664, %parallel_loop3A_675 : vector<16xf32>
        scf.yield %parallel_loop3A_665, %parallel_loop3A_666, %parallel_loop3A_667, %parallel_loop3A_676 : vector<16xf32>, vector<16xf32>, vector<16xf32>, vector<16xf32>
      } {sc.loop_unroll_factor = 8 : i64, sc.parallel_access}
      %add3A_652 = arith.addf %parallel_loop3A_651#0, %parallel_loop3A_651#1 : vector<16xf32>
      %add3A_653 = arith.addf %parallel_loop3A_651#2, %parallel_loop3A_651#3 : vector<16xf32>
      %add3A_654 = arith.addf %add3A_652, %add3A_653 : vector<16xf32>
      %neg3A = arith.constant 0.000000e+00 : f32
      %neg3A_655 = vector.broadcast %neg3A : f32 to vector<16xf32>
      %neg3A_656 = arith.subf %neg3A_655, %add3A_654 : vector<16xf32>
      %exp3A = math.exp %neg3A_656 : vector<16xf32>
      %add3A_657 = arith.constant 1.000000e+00 : f32
      %add3A_658 = vector.broadcast %add3A_657 : f32 to vector<16xf32>
      %add3A_659 = arith.addf %add3A_658, %exp3A : vector<16xf32>
      %div3A = arith.divf %add3A_654, %add3A_659 : vector<16xf32>
      %mul3A_660 = arith.constant 16 : i32
      %mul3A_661 = arith.muli %scan3A_640, %mul3A_660 : i32
      %swap3A = arith.index_cast %mul3A_661 : i32 to index
      %swap3A_662 = tpu.vector_load %arg11[%swap3A] {strides = array<i32>} : memref<400xf32, #tpu.memory_space<vmem>>, vector<16xf32>,
      tpu.vector_store %arg11[%swap3A], %div3A {strides = array<i32>} : memref<400xf32, #tpu.memory_space<vmem>>, vector<16xf32>,
    }
    %scan3A_20 = arith.constant 25 : i32
    %mul3A_21 = arith.constant 12800 : i32
    %mul3A_22 = arith.muli %arg1, %mul3A_21 : i32
    %add3A_23 = arith.constant 204800 : i32
    %add3A_24 = arith.addi %add3A_23, %mul3A_22 : i32
    %dma_start3A_25 = tpu.memref_slice %arg3[%add3A_24] : memref<3276800xi32, #tpu.memory_space<hbm>> -> memref<12800xi32, #tpu.memory_space<hbm>>
    %dma_start3A_26 = tpu.memref_slice %arg3[%add3A_24] : memref<3276800xi32, #tpu.memory_space<hbm>> -> memref<12800xi32, #tpu.memory_space<hbm>>
    tpu.enqueue_dma source(%dma_start3A_26 : memref<12800xi32, #tpu.memory_space<hbm>>) target(%arg8 : memref<12800xi32, #tpu.memory_space<vmem>>) target_semaphore(%arg14 : memref<!tpu.dma_semaphore, #tpu.memory_space<semaphore_mem>>)
    %dma_start3A_27 = tpu.memref_slice %arg4[%add3A_24] : memref<3276800xf32, #tpu.memory_space<hbm>> -> memref<12800xf32, #tpu.memory_space<hbm>>
    %dma_start3A_28 = tpu.memref_slice %arg4[%add3A_24] : memref<3276800xf32, #tpu.memory_space<hbm>> -> memref<12800xf32, #tpu.memory_space<hbm>>
    tpu.enqueue_dma source(%dma_start3A_28 : memref<12800xf32, #tpu.memory_space<hbm>>) target(%arg9 : memref<12800xf32, #tpu.memory_space<vmem>>) target_semaphore(%arg15 : memref<!tpu.dma_semaphore, #tpu.memory_space<semaphore_mem>>)
    %add3A_29 = arith.constant 6400 : i32
    %add3A_30 = arith.addi %add3A_29, %mul3A_0 : i32
    %dma_start3A_31 = tpu.memref_slice %arg5[%add3A_30] : memref<102400xf32, #tpu.memory_space<hbm>> -> memref<400xf32, #tpu.memory_space<hbm>>
    %dma_start3A_32 = tpu.memref_slice %arg5[%add3A_30] : memref<102400xf32, #tpu.memory_space<hbm>> -> memref<400xf32, #tpu.memory_space<hbm>>
    tpu.enqueue_dma source(%dma_start3A_32 : memref<400xf32, #tpu.memory_space<hbm>>) target(%arg10 : memref<400xf32, #tpu.memory_space<vmem>>) target_semaphore(%arg16 : memref<!tpu.dma_semaphore, #tpu.memory_space<semaphore_mem>>)
    "tpu.region"() ({
      %run_scoped3A = tpu.sem_alloc : memref<!tpu.dma_semaphore, #tpu.memory_space<semaphore_mem>>
      %dma_start3A_640 = tpu.memref_slice %arg12[%mul3A_0] : memref<6400xf32, #tpu.memory_space<vmem_shared>> -> memref<400xf32, #tpu.memory_space<vmem_shared>>
      %dma_start3A_641 = tpu.memref_slice %arg12[%mul3A_0] : memref<6400xf32, #tpu.memory_space<vmem_shared>> -> memref<400xf32, #tpu.memory_space<vmem_shared>>
      tpu.enqueue_dma source(%arg11 : memref<400xf32, #tpu.memory_space<vmem>>) target(%dma_start3A_641 : memref<400xf32, #tpu.memory_space<vmem_shared>>) target_semaphore(%run_scoped3A : memref<!tpu.dma_semaphore, #tpu.memory_space<semaphore_mem>>)
      %dma_wait3A_642 = tpu.memref_slice %arg12[%mul3A_0] : memref<6400xf32, #tpu.memory_space<vmem_shared>> -> memref<400xf32, #tpu.memory_space<vmem_shared>>
      %dma_wait3A_643 = tpu.memref_slice %arg12[%mul3A_0] : memref<6400xf32, #tpu.memory_space<vmem_shared>> -> memref<400xf32, #tpu.memory_space<vmem_shared>>
      tpu.wait_dma2 semaphore(%run_scoped3A : memref<!tpu.dma_semaphore, #tpu.memory_space<semaphore_mem>>) src(%arg11 : memref<400xf32, #tpu.memory_space<vmem>>) dst(%dma_wait3A_643 : memref<400xf32, #tpu.memory_space<vmem_shared>>)
      tpu.yield
    }) : () -> ()
    %barrier3A = arith.constant 0 : index
    tpu.barrier barrier_id(%barrier3A)
    %dma_start3A_33 = arith.constant 512 : i32
    %dma_start3A_34 = tpu.memref_slice %arg7[%dma_start3A_33] : memref<94352xf32, #tpu.memory_space<vmem>> -> memref<6256xf32, #tpu.memory_space<vmem>>
    %dma_start3A_35 = arith.constant 0 : i32
    %dma_start3A_36 = tpu.memref_slice %arg12[%dma_start3A_35] : memref<6400xf32, #tpu.memory_space<vmem_shared>> -> memref<6256xf32, #tpu.memory_space<vmem_shared>>
    %dma_start3A_37 = arith.constant 512 : i32
    %dma_start3A_38 = tpu.memref_slice %arg7[%dma_start3A_37] : memref<94352xf32, #tpu.memory_space<vmem>> -> memref<6256xf32, #tpu.memory_space<vmem>>
    %dma_start3A_39 = arith.constant 0 : i32
    %dma_start3A_40 = tpu.memref_slice %arg12[%dma_start3A_39] : memref<6400xf32, #tpu.memory_space<vmem_shared>> -> memref<6256xf32, #tpu.memory_space<vmem_shared>>
    tpu.enqueue_dma source(%dma_start3A_40 : memref<6256xf32, #tpu.memory_space<vmem_shared>>) target(%dma_start3A_38 : memref<6256xf32, #tpu.memory_space<vmem>>) target_semaphore(%arg17 : memref<!tpu.dma_semaphore, #tpu.memory_space<semaphore_mem>>)
    %dma_wait3A_41 = tpu.memref_slice %arg3[%add3A_24] : memref<3276800xi32, #tpu.memory_space<hbm>> -> memref<12800xi32, #tpu.memory_space<hbm>>
    %dma_wait3A_42 = tpu.memref_slice %arg3[%add3A_24] : memref<3276800xi32, #tpu.memory_space<hbm>> -> memref<12800xi32, #tpu.memory_space<hbm>>
    tpu.wait_dma2 semaphore(%arg14 : memref<!tpu.dma_semaphore, #tpu.memory_space<semaphore_mem>>) src(%dma_wait3A_42 : memref<12800xi32, #tpu.memory_space<hbm>>) dst(%arg8 : memref<12800xi32, #tpu.memory_space<vmem>>)
    %dma_wait3A_43 = tpu.memref_slice %arg4[%add3A_24] : memref<3276800xf32, #tpu.memory_space<hbm>> -> memref<12800xf32, #tpu.memory_space<hbm>>
    %dma_wait3A_44 = tpu.memref_slice %arg4[%add3A_24] : memref<3276800xf32, #tpu.memory_space<hbm>> -> memref<12800xf32, #tpu.memory_space<hbm>>
    tpu.wait_dma2 semaphore(%arg15 : memref<!tpu.dma_semaphore, #tpu.memory_space<semaphore_mem>>) src(%dma_wait3A_44 : memref<12800xf32, #tpu.memory_space<hbm>>) dst(%arg9 : memref<12800xf32, #tpu.memory_space<vmem>>)
    %dma_wait3A_45 = tpu.memref_slice %arg5[%add3A_30] : memref<102400xf32, #tpu.memory_space<hbm>> -> memref<400xf32, #tpu.memory_space<hbm>>
    %dma_wait3A_46 = tpu.memref_slice %arg5[%add3A_30] : memref<102400xf32, #tpu.memory_space<hbm>> -> memref<400xf32, #tpu.memory_space<hbm>>
    tpu.wait_dma2 semaphore(%arg16 : memref<!tpu.dma_semaphore, #tpu.memory_space<semaphore_mem>>) src(%dma_wait3A_46 : memref<400xf32, #tpu.memory_space<hbm>>) dst(%arg10 : memref<400xf32, #tpu.memory_space<vmem>>)
    %dma_wait3A_47 = arith.constant 512 : i32
    %dma_wait3A_48 = tpu.memref_slice %arg7[%dma_wait3A_47] : memref<94352xf32, #tpu.memory_space<vmem>> -> memref<6256xf32, #tpu.memory_space<vmem>>
    %dma_wait3A_49 = arith.constant 0 : i32
    %dma_wait3A_50 = tpu.memref_slice %arg12[%dma_wait3A_49] : memref<6400xf32, #tpu.memory_space<vmem_shared>> -> memref<6256xf32, #tpu.memory_space<vmem_shared>>
    %dma_wait3A_51 = arith.constant 512 : i32
    %dma_wait3A_52 = tpu.memref_slice %arg7[%dma_wait3A_51] : memref<94352xf32, #tpu.memory_space<vmem>> -> memref<6256xf32, #tpu.memory_space<vmem>>
    %dma_wait3A_53 = arith.constant 0 : i32
    %dma_wait3A_54 = tpu.memref_slice %arg12[%dma_wait3A_53] : memref<6400xf32, #tpu.memory_space<vmem_shared>> -> memref<6256xf32, #tpu.memory_space<vmem_shared>>
    tpu.wait_dma2 semaphore(%arg17 : memref<!tpu.dma_semaphore, #tpu.memory_space<semaphore_mem>>) src(%dma_wait3A_54 : memref<6256xf32, #tpu.memory_space<vmem_shared>>) dst(%dma_wait3A_52 : memref<6256xf32, #tpu.memory_space<vmem>>)
    %scan3A_55 = arith.constant 0 : i32
    %scan3A_56 = arith.constant 0 : i32
    %scan3A_57 = arith.constant 25 : i32
    %scan3A_58 = arith.addi %scan3A_56, %scan3A_57 : i32
    %scan3A_59 = arith.constant 1 : i32
    scf.for %scan3A_640 = %scan3A_56 to %scan3A_58 step %scan3A_59  : i32 {
      %mul3A_641 = arith.constant 16 : i32
      %mul3A_642 = arith.muli %scan3A_640, %mul3A_641 : i32
      %add3A_643 = vector.broadcast %mul3A_642 : i32 to vector<16xi32>
      %add3A_644 = arith.addi %add3A_643, %iota3A : vector<16xi32>
      %broadcast_in_dim3A = arith.constant 0.000000e+00 : f32
      %broadcast_in_dim3A_645 = vector.broadcast %broadcast_in_dim3A : f32 to vector<16xf32>
      %mul3A_646 = arith.constant 16 : i32
      %mul3A_647 = arith.muli %scan3A_640, %mul3A_646 : i32
      %get3A = arith.index_cast %mul3A_647 : i32 to index
      %get3A_648 = tpu.vector_load %arg10[%get3A] {strides = array<i32>} : memref<400xf32, #tpu.memory_space<vmem>>, vector<16xf32>,
      %parallel_loop3A = arith.constant 0 : i32
      %parallel_loop3A_649 = arith.constant 32 : i32
      %parallel_loop3A_650 = arith.constant 1 : i32
      %parallel_loop3A_651:4 = scf.for %parallel_loop3A_663 = %parallel_loop3A to %parallel_loop3A_649 step %parallel_loop3A_650 iter_args(%parallel_loop3A_664 = %get3A_648, %parallel_loop3A_665 = %broadcast_in_dim3A_645, %parallel_loop3A_666 = %broadcast_in_dim3A_645, %parallel_loop3A_667 = %broadcast_in_dim3A_645) -> (vector<16xf32>, vector<16xf32>, vector<16xf32>, vector<16xf32>)  : i32 {
        %parallel_loop3A_668 = arith.constant 400 : i32
        %parallel_loop3A_669 = arith.muli %parallel_loop3A_663, %parallel_loop3A_668 : i32
        %parallel_loop3A_670 = vector.broadcast %parallel_loop3A_669 : i32 to vector<16xi32>
        %parallel_loop3A_671 = arith.addi %parallel_loop3A_670, %add3A_644 : vector<16xi32>
        %parallel_loop3A_672 = tpu.vector_load_idx %arg8[%parallel_loop3A_671] : memref<12800xi32, #tpu.memory_space<vmem>>[vector<16xi32>], vector<16xi32>,
        %parallel_loop3A_673 = tpu.vector_load_idx %arg7[%parallel_loop3A_672] : memref<94352xf32, #tpu.memory_space<vmem>>[vector<16xi32>], vector<16xf32>,
        %parallel_loop3A_674 = tpu.vector_load_idx %arg9[%parallel_loop3A_671] : memref<12800xf32, #tpu.memory_space<vmem>>[vector<16xi32>], vector<16xf32>,
        %parallel_loop3A_675 = arith.mulf %parallel_loop3A_674, %parallel_loop3A_673 : vector<16xf32>
        %parallel_loop3A_676 = arith.addf %parallel_loop3A_664, %parallel_loop3A_675 : vector<16xf32>
        scf.yield %parallel_loop3A_665, %parallel_loop3A_666, %parallel_loop3A_667, %parallel_loop3A_676 : vector<16xf32>, vector<16xf32>, vector<16xf32>, vector<16xf32>
      } {sc.loop_unroll_factor = 8 : i64, sc.parallel_access}
      %add3A_652 = arith.addf %parallel_loop3A_651#0, %parallel_loop3A_651#1 : vector<16xf32>
      %add3A_653 = arith.addf %parallel_loop3A_651#2, %parallel_loop3A_651#3 : vector<16xf32>
      %add3A_654 = arith.addf %add3A_652, %add3A_653 : vector<16xf32>
      %neg3A = arith.constant 0.000000e+00 : f32
      %neg3A_655 = vector.broadcast %neg3A : f32 to vector<16xf32>
      %neg3A_656 = arith.subf %neg3A_655, %add3A_654 : vector<16xf32>
      %exp3A = math.exp %neg3A_656 : vector<16xf32>
      %add3A_657 = arith.constant 1.000000e+00 : f32
      %add3A_658 = vector.broadcast %add3A_657 : f32 to vector<16xf32>
      %add3A_659 = arith.addf %add3A_658, %exp3A : vector<16xf32>
      %div3A = arith.divf %add3A_654, %add3A_659 : vector<16xf32>
      %mul3A_660 = arith.constant 16 : i32
      %mul3A_661 = arith.muli %scan3A_640, %mul3A_660 : i32
      %swap3A = arith.index_cast %mul3A_661 : i32 to index
      %swap3A_662 = tpu.vector_load %arg11[%swap3A] {strides = array<i32>} : memref<400xf32, #tpu.memory_space<vmem>>, vector<16xf32>,
      tpu.vector_store %arg11[%swap3A], %div3A {strides = array<i32>} : memref<400xf32, #tpu.memory_space<vmem>>, vector<16xf32>,
    }
    %scan3A_60 = arith.constant 25 : i32
    %mul3A_61 = arith.constant 12800 : i32
    %mul3A_62 = arith.muli %arg1, %mul3A_61 : i32
    %add3A_63 = arith.constant 409600 : i32
    %add3A_64 = arith.addi %add3A_63, %mul3A_62 : i32
    %dma_start3A_65 = tpu.memref_slice %arg3[%add3A_64] : memref<3276800xi32, #tpu.memory_space<hbm>> -> memref<12800xi32, #tpu.memory_space<hbm>>
    %dma_start3A_66 = tpu.memref_slice %arg3[%add3A_64] : memref<3276800xi32, #tpu.memory_space<hbm>> -> memref<12800xi32, #tpu.memory_space<hbm>>
    tpu.enqueue_dma source(%dma_start3A_66 : memref<12800xi32, #tpu.memory_space<hbm>>) target(%arg8 : memref<12800xi32, #tpu.memory_space<vmem>>) target_semaphore(%arg14 : memref<!tpu.dma_semaphore, #tpu.memory_space<semaphore_mem>>)
    %dma_start3A_67 = tpu.memref_slice %arg4[%add3A_64] : memref<3276800xf32, #tpu.memory_space<hbm>> -> memref<12800xf32, #tpu.memory_space<hbm>>
    %dma_start3A_68 = tpu.memref_slice %arg4[%add3A_64] : memref<3276800xf32, #tpu.memory_space<hbm>> -> memref<12800xf32, #tpu.memory_space<hbm>>
    tpu.enqueue_dma source(%dma_start3A_68 : memref<12800xf32, #tpu.memory_space<hbm>>) target(%arg9 : memref<12800xf32, #tpu.memory_space<vmem>>) target_semaphore(%arg15 : memref<!tpu.dma_semaphore, #tpu.memory_space<semaphore_mem>>)
    %add3A_69 = arith.constant 12800 : i32
    %add3A_70 = arith.addi %add3A_69, %mul3A_0 : i32
    %dma_start3A_71 = tpu.memref_slice %arg5[%add3A_70] : memref<102400xf32, #tpu.memory_space<hbm>> -> memref<400xf32, #tpu.memory_space<hbm>>
    %dma_start3A_72 = tpu.memref_slice %arg5[%add3A_70] : memref<102400xf32, #tpu.memory_space<hbm>> -> memref<400xf32, #tpu.memory_space<hbm>>
    tpu.enqueue_dma source(%dma_start3A_72 : memref<400xf32, #tpu.memory_space<hbm>>) target(%arg10 : memref<400xf32, #tpu.memory_space<vmem>>) target_semaphore(%arg16 : memref<!tpu.dma_semaphore, #tpu.memory_space<semaphore_mem>>)
    "tpu.region"() ({
      %run_scoped3A = tpu.sem_alloc : memref<!tpu.dma_semaphore, #tpu.memory_space<semaphore_mem>>
      %dma_start3A_640 = tpu.memref_slice %arg13[%mul3A_0] : memref<6400xf32, #tpu.memory_space<vmem_shared>> -> memref<400xf32, #tpu.memory_space<vmem_shared>>
      %dma_start3A_641 = tpu.memref_slice %arg13[%mul3A_0] : memref<6400xf32, #tpu.memory_space<vmem_shared>> -> memref<400xf32, #tpu.memory_space<vmem_shared>>
      tpu.enqueue_dma source(%arg11 : memref<400xf32, #tpu.memory_space<vmem>>) target(%dma_start3A_641 : memref<400xf32, #tpu.memory_space<vmem_shared>>) target_semaphore(%run_scoped3A : memref<!tpu.dma_semaphore, #tpu.memory_space<semaphore_mem>>)
      %dma_wait3A_642 = tpu.memref_slice %arg13[%mul3A_0] : memref<6400xf32, #tpu.memory_space<vmem_shared>> -> memref<400xf32, #tpu.memory_space<vmem_shared>>
      %dma_wait3A_643 = tpu.memref_slice %arg13[%mul3A_0] : memref<6400xf32, #tpu.memory_space<vmem_shared>> -> memref<400xf32, #tpu.memory_space<vmem_shared>>
      tpu.wait_dma2 semaphore(%run_scoped3A : memref<!tpu.dma_semaphore, #tpu.memory_space<semaphore_mem>>) src(%arg11 : memref<400xf32, #tpu.memory_space<vmem>>) dst(%dma_wait3A_643 : memref<400xf32, #tpu.memory_space<vmem_shared>>)
      tpu.yield
    }) : () -> ()
    %barrier3A_73 = arith.constant 0 : index
    tpu.barrier barrier_id(%barrier3A_73)
    %dma_start3A_74 = arith.constant 6768 : i32
    %dma_start3A_75 = tpu.memref_slice %arg7[%dma_start3A_74] : memref<94352xf32, #tpu.memory_space<vmem>> -> memref<6256xf32, #tpu.memory_space<vmem>>
    %dma_start3A_76 = arith.constant 0 : i32
    %dma_start3A_77 = tpu.memref_slice %arg13[%dma_start3A_76] : memref<6400xf32, #tpu.memory_space<vmem_shared>> -> memref<6256xf32, #tpu.memory_space<vmem_shared>>
    %dma_start3A_78 = arith.constant 6768 : i32
    %dma_start3A_79 = tpu.memref_slice %arg7[%dma_start3A_78] : memref<94352xf32, #tpu.memory_space<vmem>> -> memref<6256xf32, #tpu.memory_space<vmem>>
    %dma_start3A_80 = arith.constant 0 : i32
    %dma_start3A_81 = tpu.memref_slice %arg13[%dma_start3A_80] : memref<6400xf32, #tpu.memory_space<vmem_shared>> -> memref<6256xf32, #tpu.memory_space<vmem_shared>>
    tpu.enqueue_dma source(%dma_start3A_81 : memref<6256xf32, #tpu.memory_space<vmem_shared>>) target(%dma_start3A_79 : memref<6256xf32, #tpu.memory_space<vmem>>) target_semaphore(%arg17 : memref<!tpu.dma_semaphore, #tpu.memory_space<semaphore_mem>>)
    %dma_wait3A_82 = tpu.memref_slice %arg3[%add3A_64] : memref<3276800xi32, #tpu.memory_space<hbm>> -> memref<12800xi32, #tpu.memory_space<hbm>>
    %dma_wait3A_83 = tpu.memref_slice %arg3[%add3A_64] : memref<3276800xi32, #tpu.memory_space<hbm>> -> memref<12800xi32, #tpu.memory_space<hbm>>
    tpu.wait_dma2 semaphore(%arg14 : memref<!tpu.dma_semaphore, #tpu.memory_space<semaphore_mem>>) src(%dma_wait3A_83 : memref<12800xi32, #tpu.memory_space<hbm>>) dst(%arg8 : memref<12800xi32, #tpu.memory_space<vmem>>)
    %dma_wait3A_84 = tpu.memref_slice %arg4[%add3A_64] : memref<3276800xf32, #tpu.memory_space<hbm>> -> memref<12800xf32, #tpu.memory_space<hbm>>
    %dma_wait3A_85 = tpu.memref_slice %arg4[%add3A_64] : memref<3276800xf32, #tpu.memory_space<hbm>> -> memref<12800xf32, #tpu.memory_space<hbm>>
    tpu.wait_dma2 semaphore(%arg15 : memref<!tpu.dma_semaphore, #tpu.memory_space<semaphore_mem>>) src(%dma_wait3A_85 : memref<12800xf32, #tpu.memory_space<hbm>>) dst(%arg9 : memref<12800xf32, #tpu.memory_space<vmem>>)
    %dma_wait3A_86 = tpu.memref_slice %arg5[%add3A_70] : memref<102400xf32, #tpu.memory_space<hbm>> -> memref<400xf32, #tpu.memory_space<hbm>>
    %dma_wait3A_87 = tpu.memref_slice %arg5[%add3A_70] : memref<102400xf32, #tpu.memory_space<hbm>> -> memref<400xf32, #tpu.memory_space<hbm>>
    tpu.wait_dma2 semaphore(%arg16 : memref<!tpu.dma_semaphore, #tpu.memory_space<semaphore_mem>>) src(%dma_wait3A_87 : memref<400xf32, #tpu.memory_space<hbm>>) dst(%arg10 : memref<400xf32, #tpu.memory_space<vmem>>)
    %dma_wait3A_88 = arith.constant 6768 : i32
    %dma_wait3A_89 = tpu.memref_slice %arg7[%dma_wait3A_88] : memref<94352xf32, #tpu.memory_space<vmem>> -> memref<6256xf32, #tpu.memory_space<vmem>>
    %dma_wait3A_90 = arith.constant 0 : i32
    %dma_wait3A_91 = tpu.memref_slice %arg13[%dma_wait3A_90] : memref<6400xf32, #tpu.memory_space<vmem_shared>> -> memref<6256xf32, #tpu.memory_space<vmem_shared>>
    %dma_wait3A_92 = arith.constant 6768 : i32
    %dma_wait3A_93 = tpu.memref_slice %arg7[%dma_wait3A_92] : memref<94352xf32, #tpu.memory_space<vmem>> -> memref<6256xf32, #tpu.memory_space<vmem>>
    %dma_wait3A_94 = arith.constant 0 : i32
    %dma_wait3A_95 = tpu.memref_slice %arg13[%dma_wait3A_94] : memref<6400xf32, #tpu.memory_space<vmem_shared>> -> memref<6256xf32, #tpu.memory_space<vmem_shared>>
    tpu.wait_dma2 semaphore(%arg17 : memref<!tpu.dma_semaphore, #tpu.memory_space<semaphore_mem>>) src(%dma_wait3A_95 : memref<6256xf32, #tpu.memory_space<vmem_shared>>) dst(%dma_wait3A_93 : memref<6256xf32, #tpu.memory_space<vmem>>)
    %scan3A_96 = arith.constant 0 : i32
    %scan3A_97 = arith.constant 0 : i32
    %scan3A_98 = arith.constant 25 : i32
    %scan3A_99 = arith.addi %scan3A_97, %scan3A_98 : i32
    %scan3A_100 = arith.constant 1 : i32
    scf.for %scan3A_640 = %scan3A_97 to %scan3A_99 step %scan3A_100  : i32 {
      %mul3A_641 = arith.constant 16 : i32
      %mul3A_642 = arith.muli %scan3A_640, %mul3A_641 : i32
      %add3A_643 = vector.broadcast %mul3A_642 : i32 to vector<16xi32>
      %add3A_644 = arith.addi %add3A_643, %iota3A : vector<16xi32>
      %broadcast_in_dim3A = arith.constant 0.000000e+00 : f32
      %broadcast_in_dim3A_645 = vector.broadcast %broadcast_in_dim3A : f32 to vector<16xf32>
      %mul3A_646 = arith.constant 16 : i32
      %mul3A_647 = arith.muli %scan3A_640, %mul3A_646 : i32
      %get3A = arith.index_cast %mul3A_647 : i32 to index
      %get3A_648 = tpu.vector_load %arg10[%get3A] {strides = array<i32>} : memref<400xf32, #tpu.memory_space<vmem>>, vector<16xf32>,
      %parallel_loop3A = arith.constant 0 : i32
      %parallel_loop3A_649 = arith.constant 32 : i32
      %parallel_loop3A_650 = arith.constant 1 : i32
      %parallel_loop3A_651:4 = scf.for %parallel_loop3A_663 = %parallel_loop3A to %parallel_loop3A_649 step %parallel_loop3A_650 iter_args(%parallel_loop3A_664 = %get3A_648, %parallel_loop3A_665 = %broadcast_in_dim3A_645, %parallel_loop3A_666 = %broadcast_in_dim3A_645, %parallel_loop3A_667 = %broadcast_in_dim3A_645) -> (vector<16xf32>, vector<16xf32>, vector<16xf32>, vector<16xf32>)  : i32 {
        %parallel_loop3A_668 = arith.constant 400 : i32
        %parallel_loop3A_669 = arith.muli %parallel_loop3A_663, %parallel_loop3A_668 : i32
        %parallel_loop3A_670 = vector.broadcast %parallel_loop3A_669 : i32 to vector<16xi32>
        %parallel_loop3A_671 = arith.addi %parallel_loop3A_670, %add3A_644 : vector<16xi32>
        %parallel_loop3A_672 = tpu.vector_load_idx %arg8[%parallel_loop3A_671] : memref<12800xi32, #tpu.memory_space<vmem>>[vector<16xi32>], vector<16xi32>,
        %parallel_loop3A_673 = tpu.vector_load_idx %arg7[%parallel_loop3A_672] : memref<94352xf32, #tpu.memory_space<vmem>>[vector<16xi32>], vector<16xf32>,
        %parallel_loop3A_674 = tpu.vector_load_idx %arg9[%parallel_loop3A_671] : memref<12800xf32, #tpu.memory_space<vmem>>[vector<16xi32>], vector<16xf32>,
        %parallel_loop3A_675 = arith.mulf %parallel_loop3A_674, %parallel_loop3A_673 : vector<16xf32>
        %parallel_loop3A_676 = arith.addf %parallel_loop3A_664, %parallel_loop3A_675 : vector<16xf32>
        scf.yield %parallel_loop3A_665, %parallel_loop3A_666, %parallel_loop3A_667, %parallel_loop3A_676 : vector<16xf32>, vector<16xf32>, vector<16xf32>, vector<16xf32>
      } {sc.loop_unroll_factor = 8 : i64, sc.parallel_access}
      %add3A_652 = arith.addf %parallel_loop3A_651#0, %parallel_loop3A_651#1 : vector<16xf32>
      %add3A_653 = arith.addf %parallel_loop3A_651#2, %parallel_loop3A_651#3 : vector<16xf32>
      %add3A_654 = arith.addf %add3A_652, %add3A_653 : vector<16xf32>
      %neg3A = arith.constant 0.000000e+00 : f32
      %neg3A_655 = vector.broadcast %neg3A : f32 to vector<16xf32>
      %neg3A_656 = arith.subf %neg3A_655, %add3A_654 : vector<16xf32>
      %exp3A = math.exp %neg3A_656 : vector<16xf32>
      %add3A_657 = arith.constant 1.000000e+00 : f32
      %add3A_658 = vector.broadcast %add3A_657 : f32 to vector<16xf32>
      %add3A_659 = arith.addf %add3A_658, %exp3A : vector<16xf32>
      %div3A = arith.divf %add3A_654, %add3A_659 : vector<16xf32>
      %mul3A_660 = arith.constant 16 : i32
      %mul3A_661 = arith.muli %scan3A_640, %mul3A_660 : i32
      %swap3A = arith.index_cast %mul3A_661 : i32 to index
      %swap3A_662 = tpu.vector_load %arg11[%swap3A] {strides = array<i32>} : memref<400xf32, #tpu.memory_space<vmem>>, vector<16xf32>,
      tpu.vector_store %arg11[%swap3A], %div3A {strides = array<i32>} : memref<400xf32, #tpu.memory_space<vmem>>, vector<16xf32>,
    }
    %scan3A_101 = arith.constant 25 : i32
    %mul3A_102 = arith.constant 12800 : i32
    %mul3A_103 = arith.muli %arg1, %mul3A_102 : i32
    %add3A_104 = arith.constant 614400 : i32
    %add3A_105 = arith.addi %add3A_104, %mul3A_103 : i32
    %dma_start3A_106 = tpu.memref_slice %arg3[%add3A_105] : memref<3276800xi32, #tpu.memory_space<hbm>> -> memref<12800xi32, #tpu.memory_space<hbm>>
    %dma_start3A_107 = tpu.memref_slice %arg3[%add3A_105] : memref<3276800xi32, #tpu.memory_space<hbm>> -> memref<12800xi32, #tpu.memory_space<hbm>>
    tpu.enqueue_dma source(%dma_start3A_107 : memref<12800xi32, #tpu.memory_space<hbm>>) target(%arg8 : memref<12800xi32, #tpu.memory_space<vmem>>) target_semaphore(%arg14 : memref<!tpu.dma_semaphore, #tpu.memory_space<semaphore_mem>>)
    %dma_start3A_108 = tpu.memref_slice %arg4[%add3A_105] : memref<3276800xf32, #tpu.memory_space<hbm>> -> memref<12800xf32, #tpu.memory_space<hbm>>
    %dma_start3A_109 = tpu.memref_slice %arg4[%add3A_105] : memref<3276800xf32, #tpu.memory_space<hbm>> -> memref<12800xf32, #tpu.memory_space<hbm>>
    tpu.enqueue_dma source(%dma_start3A_109 : memref<12800xf32, #tpu.memory_space<hbm>>) target(%arg9 : memref<12800xf32, #tpu.memory_space<vmem>>) target_semaphore(%arg15 : memref<!tpu.dma_semaphore, #tpu.memory_space<semaphore_mem>>)
    %add3A_110 = arith.constant 19200 : i32
    %add3A_111 = arith.addi %add3A_110, %mul3A_0 : i32
    %dma_start3A_112 = tpu.memref_slice %arg5[%add3A_111] : memref<102400xf32, #tpu.memory_space<hbm>> -> memref<400xf32, #tpu.memory_space<hbm>>
    %dma_start3A_113 = tpu.memref_slice %arg5[%add3A_111] : memref<102400xf32, #tpu.memory_space<hbm>> -> memref<400xf32, #tpu.memory_space<hbm>>
    tpu.enqueue_dma source(%dma_start3A_113 : memref<400xf32, #tpu.memory_space<hbm>>) target(%arg10 : memref<400xf32, #tpu.memory_space<vmem>>) target_semaphore(%arg16 : memref<!tpu.dma_semaphore, #tpu.memory_space<semaphore_mem>>)
    "tpu.region"() ({
      %run_scoped3A = tpu.sem_alloc : memref<!tpu.dma_semaphore, #tpu.memory_space<semaphore_mem>>
      %dma_start3A_640 = tpu.memref_slice %arg12[%mul3A_0] : memref<6400xf32, #tpu.memory_space<vmem_shared>> -> memref<400xf32, #tpu.memory_space<vmem_shared>>
      %dma_start3A_641 = tpu.memref_slice %arg12[%mul3A_0] : memref<6400xf32, #tpu.memory_space<vmem_shared>> -> memref<400xf32, #tpu.memory_space<vmem_shared>>
      tpu.enqueue_dma source(%arg11 : memref<400xf32, #tpu.memory_space<vmem>>) target(%dma_start3A_641 : memref<400xf32, #tpu.memory_space<vmem_shared>>) target_semaphore(%run_scoped3A : memref<!tpu.dma_semaphore, #tpu.memory_space<semaphore_mem>>)
      %dma_wait3A_642 = tpu.memref_slice %arg12[%mul3A_0] : memref<6400xf32, #tpu.memory_space<vmem_shared>> -> memref<400xf32, #tpu.memory_space<vmem_shared>>
      %dma_wait3A_643 = tpu.memref_slice %arg12[%mul3A_0] : memref<6400xf32, #tpu.memory_space<vmem_shared>> -> memref<400xf32, #tpu.memory_space<vmem_shared>>
      tpu.wait_dma2 semaphore(%run_scoped3A : memref<!tpu.dma_semaphore, #tpu.memory_space<semaphore_mem>>) src(%arg11 : memref<400xf32, #tpu.memory_space<vmem>>) dst(%dma_wait3A_643 : memref<400xf32, #tpu.memory_space<vmem_shared>>)
      tpu.yield
    }) : () -> ()
    %barrier3A_114 = arith.constant 0 : index
    tpu.barrier barrier_id(%barrier3A_114)
    %dma_start3A_115 = arith.constant 13024 : i32
    %dma_start3A_116 = tpu.memref_slice %arg7[%dma_start3A_115] : memref<94352xf32, #tpu.memory_space<vmem>> -> memref<6256xf32, #tpu.memory_space<vmem>>
    %dma_start3A_117 = arith.constant 0 : i32
    %dma_start3A_118 = tpu.memref_slice %arg12[%dma_start3A_117] : memref<6400xf32, #tpu.memory_space<vmem_shared>> -> memref<6256xf32, #tpu.memory_space<vmem_shared>>
    %dma_start3A_119 = arith.constant 13024 : i32
    %dma_start3A_120 = tpu.memref_slice %arg7[%dma_start3A_119] : memref<94352xf32, #tpu.memory_space<vmem>> -> memref<6256xf32, #tpu.memory_space<vmem>>
    %dma_start3A_121 = arith.constant 0 : i32
    %dma_start3A_122 = tpu.memref_slice %arg12[%dma_start3A_121] : memref<6400xf32, #tpu.memory_space<vmem_shared>> -> memref<6256xf32, #tpu.memory_space<vmem_shared>>
    tpu.enqueue_dma source(%dma_start3A_122 : memref<6256xf32, #tpu.memory_space<vmem_shared>>) target(%dma_start3A_120 : memref<6256xf32, #tpu.memory_space<vmem>>) target_semaphore(%arg17 : memref<!tpu.dma_semaphore, #tpu.memory_space<semaphore_mem>>)
    %dma_wait3A_123 = tpu.memref_slice %arg3[%add3A_105] : memref<3276800xi32, #tpu.memory_space<hbm>> -> memref<12800xi32, #tpu.memory_space<hbm>>
    %dma_wait3A_124 = tpu.memref_slice %arg3[%add3A_105] : memref<3276800xi32, #tpu.memory_space<hbm>> -> memref<12800xi32, #tpu.memory_space<hbm>>
    tpu.wait_dma2 semaphore(%arg14 : memref<!tpu.dma_semaphore, #tpu.memory_space<semaphore_mem>>) src(%dma_wait3A_124 : memref<12800xi32, #tpu.memory_space<hbm>>) dst(%arg8 : memref<12800xi32, #tpu.memory_space<vmem>>)
    %dma_wait3A_125 = tpu.memref_slice %arg4[%add3A_105] : memref<3276800xf32, #tpu.memory_space<hbm>> -> memref<12800xf32, #tpu.memory_space<hbm>>
    %dma_wait3A_126 = tpu.memref_slice %arg4[%add3A_105] : memref<3276800xf32, #tpu.memory_space<hbm>> -> memref<12800xf32, #tpu.memory_space<hbm>>
    tpu.wait_dma2 semaphore(%arg15 : memref<!tpu.dma_semaphore, #tpu.memory_space<semaphore_mem>>) src(%dma_wait3A_126 : memref<12800xf32, #tpu.memory_space<hbm>>) dst(%arg9 : memref<12800xf32, #tpu.memory_space<vmem>>)
    %dma_wait3A_127 = tpu.memref_slice %arg5[%add3A_111] : memref<102400xf32, #tpu.memory_space<hbm>> -> memref<400xf32, #tpu.memory_space<hbm>>
    %dma_wait3A_128 = tpu.memref_slice %arg5[%add3A_111] : memref<102400xf32, #tpu.memory_space<hbm>> -> memref<400xf32, #tpu.memory_space<hbm>>
    tpu.wait_dma2 semaphore(%arg16 : memref<!tpu.dma_semaphore, #tpu.memory_space<semaphore_mem>>) src(%dma_wait3A_128 : memref<400xf32, #tpu.memory_space<hbm>>) dst(%arg10 : memref<400xf32, #tpu.memory_space<vmem>>)
    %dma_wait3A_129 = arith.constant 13024 : i32
    %dma_wait3A_130 = tpu.memref_slice %arg7[%dma_wait3A_129] : memref<94352xf32, #tpu.memory_space<vmem>> -> memref<6256xf32, #tpu.memory_space<vmem>>
    %dma_wait3A_131 = arith.constant 0 : i32
    %dma_wait3A_132 = tpu.memref_slice %arg12[%dma_wait3A_131] : memref<6400xf32, #tpu.memory_space<vmem_shared>> -> memref<6256xf32, #tpu.memory_space<vmem_shared>>
    %dma_wait3A_133 = arith.constant 13024 : i32
    %dma_wait3A_134 = tpu.memref_slice %arg7[%dma_wait3A_133] : memref<94352xf32, #tpu.memory_space<vmem>> -> memref<6256xf32, #tpu.memory_space<vmem>>
    %dma_wait3A_135 = arith.constant 0 : i32
    %dma_wait3A_136 = tpu.memref_slice %arg12[%dma_wait3A_135] : memref<6400xf32, #tpu.memory_space<vmem_shared>> -> memref<6256xf32, #tpu.memory_space<vmem_shared>>
    tpu.wait_dma2 semaphore(%arg17 : memref<!tpu.dma_semaphore, #tpu.memory_space<semaphore_mem>>) src(%dma_wait3A_136 : memref<6256xf32, #tpu.memory_space<vmem_shared>>) dst(%dma_wait3A_134 : memref<6256xf32, #tpu.memory_space<vmem>>)
    %scan3A_137 = arith.constant 0 : i32
    %scan3A_138 = arith.constant 0 : i32
    %scan3A_139 = arith.constant 25 : i32
    %scan3A_140 = arith.addi %scan3A_138, %scan3A_139 : i32
    %scan3A_141 = arith.constant 1 : i32
    scf.for %scan3A_640 = %scan3A_138 to %scan3A_140 step %scan3A_141  : i32 {
      %mul3A_641 = arith.constant 16 : i32
      %mul3A_642 = arith.muli %scan3A_640, %mul3A_641 : i32
      %add3A_643 = vector.broadcast %mul3A_642 : i32 to vector<16xi32>
      %add3A_644 = arith.addi %add3A_643, %iota3A : vector<16xi32>
      %broadcast_in_dim3A = arith.constant 0.000000e+00 : f32
      %broadcast_in_dim3A_645 = vector.broadcast %broadcast_in_dim3A : f32 to vector<16xf32>
      %mul3A_646 = arith.constant 16 : i32
      %mul3A_647 = arith.muli %scan3A_640, %mul3A_646 : i32
      %get3A = arith.index_cast %mul3A_647 : i32 to index
      %get3A_648 = tpu.vector_load %arg10[%get3A] {strides = array<i32>} : memref<400xf32, #tpu.memory_space<vmem>>, vector<16xf32>,
      %parallel_loop3A = arith.constant 0 : i32
      %parallel_loop3A_649 = arith.constant 32 : i32
      %parallel_loop3A_650 = arith.constant 1 : i32
      %parallel_loop3A_651:4 = scf.for %parallel_loop3A_663 = %parallel_loop3A to %parallel_loop3A_649 step %parallel_loop3A_650 iter_args(%parallel_loop3A_664 = %get3A_648, %parallel_loop3A_665 = %broadcast_in_dim3A_645, %parallel_loop3A_666 = %broadcast_in_dim3A_645, %parallel_loop3A_667 = %broadcast_in_dim3A_645) -> (vector<16xf32>, vector<16xf32>, vector<16xf32>, vector<16xf32>)  : i32 {
        %parallel_loop3A_668 = arith.constant 400 : i32
        %parallel_loop3A_669 = arith.muli %parallel_loop3A_663, %parallel_loop3A_668 : i32
        %parallel_loop3A_670 = vector.broadcast %parallel_loop3A_669 : i32 to vector<16xi32>
        %parallel_loop3A_671 = arith.addi %parallel_loop3A_670, %add3A_644 : vector<16xi32>
        %parallel_loop3A_672 = tpu.vector_load_idx %arg8[%parallel_loop3A_671] : memref<12800xi32, #tpu.memory_space<vmem>>[vector<16xi32>], vector<16xi32>,
        %parallel_loop3A_673 = tpu.vector_load_idx %arg7[%parallel_loop3A_672] : memref<94352xf32, #tpu.memory_space<vmem>>[vector<16xi32>], vector<16xf32>,
        %parallel_loop3A_674 = tpu.vector_load_idx %arg9[%parallel_loop3A_671] : memref<12800xf32, #tpu.memory_space<vmem>>[vector<16xi32>], vector<16xf32>,
        %parallel_loop3A_675 = arith.mulf %parallel_loop3A_674, %parallel_loop3A_673 : vector<16xf32>
        %parallel_loop3A_676 = arith.addf %parallel_loop3A_664, %parallel_loop3A_675 : vector<16xf32>
        scf.yield %parallel_loop3A_665, %parallel_loop3A_666, %parallel_loop3A_667, %parallel_loop3A_676 : vector<16xf32>, vector<16xf32>, vector<16xf32>, vector<16xf32>
      } {sc.loop_unroll_factor = 8 : i64, sc.parallel_access}
      %add3A_652 = arith.addf %parallel_loop3A_651#0, %parallel_loop3A_651#1 : vector<16xf32>
      %add3A_653 = arith.addf %parallel_loop3A_651#2, %parallel_loop3A_651#3 : vector<16xf32>
      %add3A_654 = arith.addf %add3A_652, %add3A_653 : vector<16xf32>
      %neg3A = arith.constant 0.000000e+00 : f32
      %neg3A_655 = vector.broadcast %neg3A : f32 to vector<16xf32>
      %neg3A_656 = arith.subf %neg3A_655, %add3A_654 : vector<16xf32>
      %exp3A = math.exp %neg3A_656 : vector<16xf32>
      %add3A_657 = arith.constant 1.000000e+00 : f32
      %add3A_658 = vector.broadcast %add3A_657 : f32 to vector<16xf32>
      %add3A_659 = arith.addf %add3A_658, %exp3A : vector<16xf32>
      %div3A = arith.divf %add3A_654, %add3A_659 : vector<16xf32>
      %mul3A_660 = arith.constant 16 : i32
      %mul3A_661 = arith.muli %scan3A_640, %mul3A_660 : i32
      %swap3A = arith.index_cast %mul3A_661 : i32 to index
      %swap3A_662 = tpu.vector_load %arg11[%swap3A] {strides = array<i32>} : memref<400xf32, #tpu.memory_space<vmem>>, vector<16xf32>,
      tpu.vector_store %arg11[%swap3A], %div3A {strides = array<i32>} : memref<400xf32, #tpu.memory_space<vmem>>, vector<16xf32>,
    }
    %scan3A_142 = arith.constant 25 : i32
    %mul3A_143 = arith.constant 12800 : i32
    %mul3A_144 = arith.muli %arg1, %mul3A_143 : i32
    %add3A_145 = arith.constant 819200 : i32
    %add3A_146 = arith.addi %add3A_145, %mul3A_144 : i32
    %dma_start3A_147 = tpu.memref_slice %arg3[%add3A_146] : memref<3276800xi32, #tpu.memory_space<hbm>> -> memref<12800xi32, #tpu.memory_space<hbm>>
    %dma_start3A_148 = tpu.memref_slice %arg3[%add3A_146] : memref<3276800xi32, #tpu.memory_space<hbm>> -> memref<12800xi32, #tpu.memory_space<hbm>>
    tpu.enqueue_dma source(%dma_start3A_148 : memref<12800xi32, #tpu.memory_space<hbm>>) target(%arg8 : memref<12800xi32, #tpu.memory_space<vmem>>) target_semaphore(%arg14 : memref<!tpu.dma_semaphore, #tpu.memory_space<semaphore_mem>>)
    %dma_start3A_149 = tpu.memref_slice %arg4[%add3A_146] : memref<3276800xf32, #tpu.memory_space<hbm>> -> memref<12800xf32, #tpu.memory_space<hbm>>
    %dma_start3A_150 = tpu.memref_slice %arg4[%add3A_146] : memref<3276800xf32, #tpu.memory_space<hbm>> -> memref<12800xf32, #tpu.memory_space<hbm>>
    tpu.enqueue_dma source(%dma_start3A_150 : memref<12800xf32, #tpu.memory_space<hbm>>) target(%arg9 : memref<12800xf32, #tpu.memory_space<vmem>>) target_semaphore(%arg15 : memref<!tpu.dma_semaphore, #tpu.memory_space<semaphore_mem>>)
    %add3A_151 = arith.constant 25600 : i32
    %add3A_152 = arith.addi %add3A_151, %mul3A_0 : i32
    %dma_start3A_153 = tpu.memref_slice %arg5[%add3A_152] : memref<102400xf32, #tpu.memory_space<hbm>> -> memref<400xf32, #tpu.memory_space<hbm>>
    %dma_start3A_154 = tpu.memref_slice %arg5[%add3A_152] : memref<102400xf32, #tpu.memory_space<hbm>> -> memref<400xf32, #tpu.memory_space<hbm>>
    tpu.enqueue_dma source(%dma_start3A_154 : memref<400xf32, #tpu.memory_space<hbm>>) target(%arg10 : memref<400xf32, #tpu.memory_space<vmem>>) target_semaphore(%arg16 : memref<!tpu.dma_semaphore, #tpu.memory_space<semaphore_mem>>)
    "tpu.region"() ({
      %run_scoped3A = tpu.sem_alloc : memref<!tpu.dma_semaphore, #tpu.memory_space<semaphore_mem>>
      %dma_start3A_640 = tpu.memref_slice %arg13[%mul3A_0] : memref<6400xf32, #tpu.memory_space<vmem_shared>> -> memref<400xf32, #tpu.memory_space<vmem_shared>>
      %dma_start3A_641 = tpu.memref_slice %arg13[%mul3A_0] : memref<6400xf32, #tpu.memory_space<vmem_shared>> -> memref<400xf32, #tpu.memory_space<vmem_shared>>
      tpu.enqueue_dma source(%arg11 : memref<400xf32, #tpu.memory_space<vmem>>) target(%dma_start3A_641 : memref<400xf32, #tpu.memory_space<vmem_shared>>) target_semaphore(%run_scoped3A : memref<!tpu.dma_semaphore, #tpu.memory_space<semaphore_mem>>)
      %dma_wait3A_642 = tpu.memref_slice %arg13[%mul3A_0] : memref<6400xf32, #tpu.memory_space<vmem_shared>> -> memref<400xf32, #tpu.memory_space<vmem_shared>>
      %dma_wait3A_643 = tpu.memref_slice %arg13[%mul3A_0] : memref<6400xf32, #tpu.memory_space<vmem_shared>> -> memref<400xf32, #tpu.memory_space<vmem_shared>>
      tpu.wait_dma2 semaphore(%run_scoped3A : memref<!tpu.dma_semaphore, #tpu.memory_space<semaphore_mem>>) src(%arg11 : memref<400xf32, #tpu.memory_space<vmem>>) dst(%dma_wait3A_643 : memref<400xf32, #tpu.memory_space<vmem_shared>>)
      tpu.yield
    }) : () -> ()
    %barrier3A_155 = arith.constant 0 : index
    tpu.barrier barrier_id(%barrier3A_155)
    %dma_start3A_156 = arith.constant 19280 : i32
    %dma_start3A_157 = tpu.memref_slice %arg7[%dma_start3A_156] : memref<94352xf32, #tpu.memory_space<vmem>> -> memref<6256xf32, #tpu.memory_space<vmem>>
    %dma_start3A_158 = arith.constant 0 : i32
    %dma_start3A_159 = tpu.memref_slice %arg13[%dma_start3A_158] : memref<6400xf32, #tpu.memory_space<vmem_shared>> -> memref<6256xf32, #tpu.memory_space<vmem_shared>>
    %dma_start3A_160 = arith.constant 19280 : i32
    %dma_start3A_161 = tpu.memref_slice %arg7[%dma_start3A_160] : memref<94352xf32, #tpu.memory_space<vmem>> -> memref<6256xf32, #tpu.memory_space<vmem>>
    %dma_start3A_162 = arith.constant 0 : i32
    %dma_start3A_163 = tpu.memref_slice %arg13[%dma_start3A_162] : memref<6400xf32, #tpu.memory_space<vmem_shared>> -> memref<6256xf32, #tpu.memory_space<vmem_shared>>
    tpu.enqueue_dma source(%dma_start3A_163 : memref<6256xf32, #tpu.memory_space<vmem_shared>>) target(%dma_start3A_161 : memref<6256xf32, #tpu.memory_space<vmem>>) target_semaphore(%arg17 : memref<!tpu.dma_semaphore, #tpu.memory_space<semaphore_mem>>)
    %dma_wait3A_164 = tpu.memref_slice %arg3[%add3A_146] : memref<3276800xi32, #tpu.memory_space<hbm>> -> memref<12800xi32, #tpu.memory_space<hbm>>
    %dma_wait3A_165 = tpu.memref_slice %arg3[%add3A_146] : memref<3276800xi32, #tpu.memory_space<hbm>> -> memref<12800xi32, #tpu.memory_space<hbm>>
    tpu.wait_dma2 semaphore(%arg14 : memref<!tpu.dma_semaphore, #tpu.memory_space<semaphore_mem>>) src(%dma_wait3A_165 : memref<12800xi32, #tpu.memory_space<hbm>>) dst(%arg8 : memref<12800xi32, #tpu.memory_space<vmem>>)
    %dma_wait3A_166 = tpu.memref_slice %arg4[%add3A_146] : memref<3276800xf32, #tpu.memory_space<hbm>> -> memref<12800xf32, #tpu.memory_space<hbm>>
    %dma_wait3A_167 = tpu.memref_slice %arg4[%add3A_146] : memref<3276800xf32, #tpu.memory_space<hbm>> -> memref<12800xf32, #tpu.memory_space<hbm>>
    tpu.wait_dma2 semaphore(%arg15 : memref<!tpu.dma_semaphore, #tpu.memory_space<semaphore_mem>>) src(%dma_wait3A_167 : memref<12800xf32, #tpu.memory_space<hbm>>) dst(%arg9 : memref<12800xf32, #tpu.memory_space<vmem>>)
    %dma_wait3A_168 = tpu.memref_slice %arg5[%add3A_152] : memref<102400xf32, #tpu.memory_space<hbm>> -> memref<400xf32, #tpu.memory_space<hbm>>
    %dma_wait3A_169 = tpu.memref_slice %arg5[%add3A_152] : memref<102400xf32, #tpu.memory_space<hbm>> -> memref<400xf32, #tpu.memory_space<hbm>>
    tpu.wait_dma2 semaphore(%arg16 : memref<!tpu.dma_semaphore, #tpu.memory_space<semaphore_mem>>) src(%dma_wait3A_169 : memref<400xf32, #tpu.memory_space<hbm>>) dst(%arg10 : memref<400xf32, #tpu.memory_space<vmem>>)
    %dma_wait3A_170 = arith.constant 19280 : i32
    %dma_wait3A_171 = tpu.memref_slice %arg7[%dma_wait3A_170] : memref<94352xf32, #tpu.memory_space<vmem>> -> memref<6256xf32, #tpu.memory_space<vmem>>
    %dma_wait3A_172 = arith.constant 0 : i32
    %dma_wait3A_173 = tpu.memref_slice %arg13[%dma_wait3A_172] : memref<6400xf32, #tpu.memory_space<vmem_shared>> -> memref<6256xf32, #tpu.memory_space<vmem_shared>>
    %dma_wait3A_174 = arith.constant 19280 : i32
    %dma_wait3A_175 = tpu.memref_slice %arg7[%dma_wait3A_174] : memref<94352xf32, #tpu.memory_space<vmem>> -> memref<6256xf32, #tpu.memory_space<vmem>>
    %dma_wait3A_176 = arith.constant 0 : i32
    %dma_wait3A_177 = tpu.memref_slice %arg13[%dma_wait3A_176] : memref<6400xf32, #tpu.memory_space<vmem_shared>> -> memref<6256xf32, #tpu.memory_space<vmem_shared>>
    tpu.wait_dma2 semaphore(%arg17 : memref<!tpu.dma_semaphore, #tpu.memory_space<semaphore_mem>>) src(%dma_wait3A_177 : memref<6256xf32, #tpu.memory_space<vmem_shared>>) dst(%dma_wait3A_175 : memref<6256xf32, #tpu.memory_space<vmem>>)
    %scan3A_178 = arith.constant 0 : i32
    %scan3A_179 = arith.constant 0 : i32
    %scan3A_180 = arith.constant 25 : i32
    %scan3A_181 = arith.addi %scan3A_179, %scan3A_180 : i32
    %scan3A_182 = arith.constant 1 : i32
    scf.for %scan3A_640 = %scan3A_179 to %scan3A_181 step %scan3A_182  : i32 {
      %mul3A_641 = arith.constant 16 : i32
      %mul3A_642 = arith.muli %scan3A_640, %mul3A_641 : i32
      %add3A_643 = vector.broadcast %mul3A_642 : i32 to vector<16xi32>
      %add3A_644 = arith.addi %add3A_643, %iota3A : vector<16xi32>
      %broadcast_in_dim3A = arith.constant 0.000000e+00 : f32
      %broadcast_in_dim3A_645 = vector.broadcast %broadcast_in_dim3A : f32 to vector<16xf32>
      %mul3A_646 = arith.constant 16 : i32
      %mul3A_647 = arith.muli %scan3A_640, %mul3A_646 : i32
      %get3A = arith.index_cast %mul3A_647 : i32 to index
      %get3A_648 = tpu.vector_load %arg10[%get3A] {strides = array<i32>} : memref<400xf32, #tpu.memory_space<vmem>>, vector<16xf32>,
      %parallel_loop3A = arith.constant 0 : i32
      %parallel_loop3A_649 = arith.constant 32 : i32
      %parallel_loop3A_650 = arith.constant 1 : i32
      %parallel_loop3A_651:4 = scf.for %parallel_loop3A_663 = %parallel_loop3A to %parallel_loop3A_649 step %parallel_loop3A_650 iter_args(%parallel_loop3A_664 = %get3A_648, %parallel_loop3A_665 = %broadcast_in_dim3A_645, %parallel_loop3A_666 = %broadcast_in_dim3A_645, %parallel_loop3A_667 = %broadcast_in_dim3A_645) -> (vector<16xf32>, vector<16xf32>, vector<16xf32>, vector<16xf32>)  : i32 {
        %parallel_loop3A_668 = arith.constant 400 : i32
        %parallel_loop3A_669 = arith.muli %parallel_loop3A_663, %parallel_loop3A_668 : i32
        %parallel_loop3A_670 = vector.broadcast %parallel_loop3A_669 : i32 to vector<16xi32>
        %parallel_loop3A_671 = arith.addi %parallel_loop3A_670, %add3A_644 : vector<16xi32>
        %parallel_loop3A_672 = tpu.vector_load_idx %arg8[%parallel_loop3A_671] : memref<12800xi32, #tpu.memory_space<vmem>>[vector<16xi32>], vector<16xi32>,
        %parallel_loop3A_673 = tpu.vector_load_idx %arg7[%parallel_loop3A_672] : memref<94352xf32, #tpu.memory_space<vmem>>[vector<16xi32>], vector<16xf32>,
        %parallel_loop3A_674 = tpu.vector_load_idx %arg9[%parallel_loop3A_671] : memref<12800xf32, #tpu.memory_space<vmem>>[vector<16xi32>], vector<16xf32>,
        %parallel_loop3A_675 = arith.mulf %parallel_loop3A_674, %parallel_loop3A_673 : vector<16xf32>
        %parallel_loop3A_676 = arith.addf %parallel_loop3A_664, %parallel_loop3A_675 : vector<16xf32>
        scf.yield %parallel_loop3A_665, %parallel_loop3A_666, %parallel_loop3A_667, %parallel_loop3A_676 : vector<16xf32>, vector<16xf32>, vector<16xf32>, vector<16xf32>
      } {sc.loop_unroll_factor = 8 : i64, sc.parallel_access}
      %add3A_652 = arith.addf %parallel_loop3A_651#0, %parallel_loop3A_651#1 : vector<16xf32>
      %add3A_653 = arith.addf %parallel_loop3A_651#2, %parallel_loop3A_651#3 : vector<16xf32>
      %add3A_654 = arith.addf %add3A_652, %add3A_653 : vector<16xf32>
      %neg3A = arith.constant 0.000000e+00 : f32
      %neg3A_655 = vector.broadcast %neg3A : f32 to vector<16xf32>
      %neg3A_656 = arith.subf %neg3A_655, %add3A_654 : vector<16xf32>
      %exp3A = math.exp %neg3A_656 : vector<16xf32>
      %add3A_657 = arith.constant 1.000000e+00 : f32
      %add3A_658 = vector.broadcast %add3A_657 : f32 to vector<16xf32>
      %add3A_659 = arith.addf %add3A_658, %exp3A : vector<16xf32>
      %div3A = arith.divf %add3A_654, %add3A_659 : vector<16xf32>
      %mul3A_660 = arith.constant 16 : i32
      %mul3A_661 = arith.muli %scan3A_640, %mul3A_660 : i32
      %swap3A = arith.index_cast %mul3A_661 : i32 to index
      %swap3A_662 = tpu.vector_load %arg11[%swap3A] {strides = array<i32>} : memref<400xf32, #tpu.memory_space<vmem>>, vector<16xf32>,
      tpu.vector_store %arg11[%swap3A], %div3A {strides = array<i32>} : memref<400xf32, #tpu.memory_space<vmem>>, vector<16xf32>,
    }
    %scan3A_183 = arith.constant 25 : i32
    %mul3A_184 = arith.constant 12800 : i32
    %mul3A_185 = arith.muli %arg1, %mul3A_184 : i32
    %add3A_186 = arith.constant 1024000 : i32
    %add3A_187 = arith.addi %add3A_186, %mul3A_185 : i32
    %dma_start3A_188 = tpu.memref_slice %arg3[%add3A_187] : memref<3276800xi32, #tpu.memory_space<hbm>> -> memref<12800xi32, #tpu.memory_space<hbm>>
    %dma_start3A_189 = tpu.memref_slice %arg3[%add3A_187] : memref<3276800xi32, #tpu.memory_space<hbm>> -> memref<12800xi32, #tpu.memory_space<hbm>>
    tpu.enqueue_dma source(%dma_start3A_189 : memref<12800xi32, #tpu.memory_space<hbm>>) target(%arg8 : memref<12800xi32, #tpu.memory_space<vmem>>) target_semaphore(%arg14 : memref<!tpu.dma_semaphore, #tpu.memory_space<semaphore_mem>>)
    %dma_start3A_190 = tpu.memref_slice %arg4[%add3A_187] : memref<3276800xf32, #tpu.memory_space<hbm>> -> memref<12800xf32, #tpu.memory_space<hbm>>
    %dma_start3A_191 = tpu.memref_slice %arg4[%add3A_187] : memref<3276800xf32, #tpu.memory_space<hbm>> -> memref<12800xf32, #tpu.memory_space<hbm>>
    tpu.enqueue_dma source(%dma_start3A_191 : memref<12800xf32, #tpu.memory_space<hbm>>) target(%arg9 : memref<12800xf32, #tpu.memory_space<vmem>>) target_semaphore(%arg15 : memref<!tpu.dma_semaphore, #tpu.memory_space<semaphore_mem>>)
    %add3A_192 = arith.constant 32000 : i32
    %add3A_193 = arith.addi %add3A_192, %mul3A_0 : i32
    %dma_start3A_194 = tpu.memref_slice %arg5[%add3A_193] : memref<102400xf32, #tpu.memory_space<hbm>> -> memref<400xf32, #tpu.memory_space<hbm>>
    %dma_start3A_195 = tpu.memref_slice %arg5[%add3A_193] : memref<102400xf32, #tpu.memory_space<hbm>> -> memref<400xf32, #tpu.memory_space<hbm>>
    tpu.enqueue_dma source(%dma_start3A_195 : memref<400xf32, #tpu.memory_space<hbm>>) target(%arg10 : memref<400xf32, #tpu.memory_space<vmem>>) target_semaphore(%arg16 : memref<!tpu.dma_semaphore, #tpu.memory_space<semaphore_mem>>)
    "tpu.region"() ({
      %run_scoped3A = tpu.sem_alloc : memref<!tpu.dma_semaphore, #tpu.memory_space<semaphore_mem>>
      %dma_start3A_640 = tpu.memref_slice %arg12[%mul3A_0] : memref<6400xf32, #tpu.memory_space<vmem_shared>> -> memref<400xf32, #tpu.memory_space<vmem_shared>>
      %dma_start3A_641 = tpu.memref_slice %arg12[%mul3A_0] : memref<6400xf32, #tpu.memory_space<vmem_shared>> -> memref<400xf32, #tpu.memory_space<vmem_shared>>
      tpu.enqueue_dma source(%arg11 : memref<400xf32, #tpu.memory_space<vmem>>) target(%dma_start3A_641 : memref<400xf32, #tpu.memory_space<vmem_shared>>) target_semaphore(%run_scoped3A : memref<!tpu.dma_semaphore, #tpu.memory_space<semaphore_mem>>)
      %dma_wait3A_642 = tpu.memref_slice %arg12[%mul3A_0] : memref<6400xf32, #tpu.memory_space<vmem_shared>> -> memref<400xf32, #tpu.memory_space<vmem_shared>>
      %dma_wait3A_643 = tpu.memref_slice %arg12[%mul3A_0] : memref<6400xf32, #tpu.memory_space<vmem_shared>> -> memref<400xf32, #tpu.memory_space<vmem_shared>>
      tpu.wait_dma2 semaphore(%run_scoped3A : memref<!tpu.dma_semaphore, #tpu.memory_space<semaphore_mem>>) src(%arg11 : memref<400xf32, #tpu.memory_space<vmem>>) dst(%dma_wait3A_643 : memref<400xf32, #tpu.memory_space<vmem_shared>>)
      tpu.yield
    }) : () -> ()
    %barrier3A_196 = arith.constant 0 : index
    tpu.barrier barrier_id(%barrier3A_196)
    %dma_start3A_197 = arith.constant 25536 : i32
    %dma_start3A_198 = tpu.memref_slice %arg7[%dma_start3A_197] : memref<94352xf32, #tpu.memory_space<vmem>> -> memref<6256xf32, #tpu.memory_space<vmem>>
    %dma_start3A_199 = arith.constant 0 : i32
    %dma_start3A_200 = tpu.memref_slice %arg12[%dma_start3A_199] : memref<6400xf32, #tpu.memory_space<vmem_shared>> -> memref<6256xf32, #tpu.memory_space<vmem_shared>>
    %dma_start3A_201 = arith.constant 25536 : i32
    %dma_start3A_202 = tpu.memref_slice %arg7[%dma_start3A_201] : memref<94352xf32, #tpu.memory_space<vmem>> -> memref<6256xf32, #tpu.memory_space<vmem>>
    %dma_start3A_203 = arith.constant 0 : i32
    %dma_start3A_204 = tpu.memref_slice %arg12[%dma_start3A_203] : memref<6400xf32, #tpu.memory_space<vmem_shared>> -> memref<6256xf32, #tpu.memory_space<vmem_shared>>
    tpu.enqueue_dma source(%dma_start3A_204 : memref<6256xf32, #tpu.memory_space<vmem_shared>>) target(%dma_start3A_202 : memref<6256xf32, #tpu.memory_space<vmem>>) target_semaphore(%arg17 : memref<!tpu.dma_semaphore, #tpu.memory_space<semaphore_mem>>)
    %dma_wait3A_205 = tpu.memref_slice %arg3[%add3A_187] : memref<3276800xi32, #tpu.memory_space<hbm>> -> memref<12800xi32, #tpu.memory_space<hbm>>
    %dma_wait3A_206 = tpu.memref_slice %arg3[%add3A_187] : memref<3276800xi32, #tpu.memory_space<hbm>> -> memref<12800xi32, #tpu.memory_space<hbm>>
    tpu.wait_dma2 semaphore(%arg14 : memref<!tpu.dma_semaphore, #tpu.memory_space<semaphore_mem>>) src(%dma_wait3A_206 : memref<12800xi32, #tpu.memory_space<hbm>>) dst(%arg8 : memref<12800xi32, #tpu.memory_space<vmem>>)
    %dma_wait3A_207 = tpu.memref_slice %arg4[%add3A_187] : memref<3276800xf32, #tpu.memory_space<hbm>> -> memref<12800xf32, #tpu.memory_space<hbm>>
    %dma_wait3A_208 = tpu.memref_slice %arg4[%add3A_187] : memref<3276800xf32, #tpu.memory_space<hbm>> -> memref<12800xf32, #tpu.memory_space<hbm>>
    tpu.wait_dma2 semaphore(%arg15 : memref<!tpu.dma_semaphore, #tpu.memory_space<semaphore_mem>>) src(%dma_wait3A_208 : memref<12800xf32, #tpu.memory_space<hbm>>) dst(%arg9 : memref<12800xf32, #tpu.memory_space<vmem>>)
    %dma_wait3A_209 = tpu.memref_slice %arg5[%add3A_193] : memref<102400xf32, #tpu.memory_space<hbm>> -> memref<400xf32, #tpu.memory_space<hbm>>
    %dma_wait3A_210 = tpu.memref_slice %arg5[%add3A_193] : memref<102400xf32, #tpu.memory_space<hbm>> -> memref<400xf32, #tpu.memory_space<hbm>>
    tpu.wait_dma2 semaphore(%arg16 : memref<!tpu.dma_semaphore, #tpu.memory_space<semaphore_mem>>) src(%dma_wait3A_210 : memref<400xf32, #tpu.memory_space<hbm>>) dst(%arg10 : memref<400xf32, #tpu.memory_space<vmem>>)
    %dma_wait3A_211 = arith.constant 25536 : i32
    %dma_wait3A_212 = tpu.memref_slice %arg7[%dma_wait3A_211] : memref<94352xf32, #tpu.memory_space<vmem>> -> memref<6256xf32, #tpu.memory_space<vmem>>
    %dma_wait3A_213 = arith.constant 0 : i32
    %dma_wait3A_214 = tpu.memref_slice %arg12[%dma_wait3A_213] : memref<6400xf32, #tpu.memory_space<vmem_shared>> -> memref<6256xf32, #tpu.memory_space<vmem_shared>>
    %dma_wait3A_215 = arith.constant 25536 : i32
    %dma_wait3A_216 = tpu.memref_slice %arg7[%dma_wait3A_215] : memref<94352xf32, #tpu.memory_space<vmem>> -> memref<6256xf32, #tpu.memory_space<vmem>>
    %dma_wait3A_217 = arith.constant 0 : i32
    %dma_wait3A_218 = tpu.memref_slice %arg12[%dma_wait3A_217] : memref<6400xf32, #tpu.memory_space<vmem_shared>> -> memref<6256xf32, #tpu.memory_space<vmem_shared>>
    tpu.wait_dma2 semaphore(%arg17 : memref<!tpu.dma_semaphore, #tpu.memory_space<semaphore_mem>>) src(%dma_wait3A_218 : memref<6256xf32, #tpu.memory_space<vmem_shared>>) dst(%dma_wait3A_216 : memref<6256xf32, #tpu.memory_space<vmem>>)
    %scan3A_219 = arith.constant 0 : i32
    %scan3A_220 = arith.constant 0 : i32
    %scan3A_221 = arith.constant 25 : i32
    %scan3A_222 = arith.addi %scan3A_220, %scan3A_221 : i32
    %scan3A_223 = arith.constant 1 : i32
    scf.for %scan3A_640 = %scan3A_220 to %scan3A_222 step %scan3A_223  : i32 {
      %mul3A_641 = arith.constant 16 : i32
      %mul3A_642 = arith.muli %scan3A_640, %mul3A_641 : i32
      %add3A_643 = vector.broadcast %mul3A_642 : i32 to vector<16xi32>
      %add3A_644 = arith.addi %add3A_643, %iota3A : vector<16xi32>
      %broadcast_in_dim3A = arith.constant 0.000000e+00 : f32
      %broadcast_in_dim3A_645 = vector.broadcast %broadcast_in_dim3A : f32 to vector<16xf32>
      %mul3A_646 = arith.constant 16 : i32
      %mul3A_647 = arith.muli %scan3A_640, %mul3A_646 : i32
      %get3A = arith.index_cast %mul3A_647 : i32 to index
      %get3A_648 = tpu.vector_load %arg10[%get3A] {strides = array<i32>} : memref<400xf32, #tpu.memory_space<vmem>>, vector<16xf32>,
      %parallel_loop3A = arith.constant 0 : i32
      %parallel_loop3A_649 = arith.constant 32 : i32
      %parallel_loop3A_650 = arith.constant 1 : i32
      %parallel_loop3A_651:4 = scf.for %parallel_loop3A_663 = %parallel_loop3A to %parallel_loop3A_649 step %parallel_loop3A_650 iter_args(%parallel_loop3A_664 = %get3A_648, %parallel_loop3A_665 = %broadcast_in_dim3A_645, %parallel_loop3A_666 = %broadcast_in_dim3A_645, %parallel_loop3A_667 = %broadcast_in_dim3A_645) -> (vector<16xf32>, vector<16xf32>, vector<16xf32>, vector<16xf32>)  : i32 {
        %parallel_loop3A_668 = arith.constant 400 : i32
        %parallel_loop3A_669 = arith.muli %parallel_loop3A_663, %parallel_loop3A_668 : i32
        %parallel_loop3A_670 = vector.broadcast %parallel_loop3A_669 : i32 to vector<16xi32>
        %parallel_loop3A_671 = arith.addi %parallel_loop3A_670, %add3A_644 : vector<16xi32>
        %parallel_loop3A_672 = tpu.vector_load_idx %arg8[%parallel_loop3A_671] : memref<12800xi32, #tpu.memory_space<vmem>>[vector<16xi32>], vector<16xi32>,
        %parallel_loop3A_673 = tpu.vector_load_idx %arg7[%parallel_loop3A_672] : memref<94352xf32, #tpu.memory_space<vmem>>[vector<16xi32>], vector<16xf32>,
        %parallel_loop3A_674 = tpu.vector_load_idx %arg9[%parallel_loop3A_671] : memref<12800xf32, #tpu.memory_space<vmem>>[vector<16xi32>], vector<16xf32>,
        %parallel_loop3A_675 = arith.mulf %parallel_loop3A_674, %parallel_loop3A_673 : vector<16xf32>
        %parallel_loop3A_676 = arith.addf %parallel_loop3A_664, %parallel_loop3A_675 : vector<16xf32>
        scf.yield %parallel_loop3A_665, %parallel_loop3A_666, %parallel_loop3A_667, %parallel_loop3A_676 : vector<16xf32>, vector<16xf32>, vector<16xf32>, vector<16xf32>
      } {sc.loop_unroll_factor = 8 : i64, sc.parallel_access}
      %add3A_652 = arith.addf %parallel_loop3A_651#0, %parallel_loop3A_651#1 : vector<16xf32>
      %add3A_653 = arith.addf %parallel_loop3A_651#2, %parallel_loop3A_651#3 : vector<16xf32>
      %add3A_654 = arith.addf %add3A_652, %add3A_653 : vector<16xf32>
      %neg3A = arith.constant 0.000000e+00 : f32
      %neg3A_655 = vector.broadcast %neg3A : f32 to vector<16xf32>
      %neg3A_656 = arith.subf %neg3A_655, %add3A_654 : vector<16xf32>
      %exp3A = math.exp %neg3A_656 : vector<16xf32>
      %add3A_657 = arith.constant 1.000000e+00 : f32
      %add3A_658 = vector.broadcast %add3A_657 : f32 to vector<16xf32>
      %add3A_659 = arith.addf %add3A_658, %exp3A : vector<16xf32>
      %div3A = arith.divf %add3A_654, %add3A_659 : vector<16xf32>
      %mul3A_660 = arith.constant 16 : i32
      %mul3A_661 = arith.muli %scan3A_640, %mul3A_660 : i32
      %swap3A = arith.index_cast %mul3A_661 : i32 to index
      %swap3A_662 = tpu.vector_load %arg11[%swap3A] {strides = array<i32>} : memref<400xf32, #tpu.memory_space<vmem>>, vector<16xf32>,
      tpu.vector_store %arg11[%swap3A], %div3A {strides = array<i32>} : memref<400xf32, #tpu.memory_space<vmem>>, vector<16xf32>,
    }
    %scan3A_224 = arith.constant 25 : i32
    %mul3A_225 = arith.constant 12800 : i32
    %mul3A_226 = arith.muli %arg1, %mul3A_225 : i32
    %add3A_227 = arith.constant 1228800 : i32
    %add3A_228 = arith.addi %add3A_227, %mul3A_226 : i32
    %dma_start3A_229 = tpu.memref_slice %arg3[%add3A_228] : memref<3276800xi32, #tpu.memory_space<hbm>> -> memref<12800xi32, #tpu.memory_space<hbm>>
    %dma_start3A_230 = tpu.memref_slice %arg3[%add3A_228] : memref<3276800xi32, #tpu.memory_space<hbm>> -> memref<12800xi32, #tpu.memory_space<hbm>>
    tpu.enqueue_dma source(%dma_start3A_230 : memref<12800xi32, #tpu.memory_space<hbm>>) target(%arg8 : memref<12800xi32, #tpu.memory_space<vmem>>) target_semaphore(%arg14 : memref<!tpu.dma_semaphore, #tpu.memory_space<semaphore_mem>>)
    %dma_start3A_231 = tpu.memref_slice %arg4[%add3A_228] : memref<3276800xf32, #tpu.memory_space<hbm>> -> memref<12800xf32, #tpu.memory_space<hbm>>
    %dma_start3A_232 = tpu.memref_slice %arg4[%add3A_228] : memref<3276800xf32, #tpu.memory_space<hbm>> -> memref<12800xf32, #tpu.memory_space<hbm>>
    tpu.enqueue_dma source(%dma_start3A_232 : memref<12800xf32, #tpu.memory_space<hbm>>) target(%arg9 : memref<12800xf32, #tpu.memory_space<vmem>>) target_semaphore(%arg15 : memref<!tpu.dma_semaphore, #tpu.memory_space<semaphore_mem>>)
    %add3A_233 = arith.constant 38400 : i32
    %add3A_234 = arith.addi %add3A_233, %mul3A_0 : i32
    %dma_start3A_235 = tpu.memref_slice %arg5[%add3A_234] : memref<102400xf32, #tpu.memory_space<hbm>> -> memref<400xf32, #tpu.memory_space<hbm>>
    %dma_start3A_236 = tpu.memref_slice %arg5[%add3A_234] : memref<102400xf32, #tpu.memory_space<hbm>> -> memref<400xf32, #tpu.memory_space<hbm>>
    tpu.enqueue_dma source(%dma_start3A_236 : memref<400xf32, #tpu.memory_space<hbm>>) target(%arg10 : memref<400xf32, #tpu.memory_space<vmem>>) target_semaphore(%arg16 : memref<!tpu.dma_semaphore, #tpu.memory_space<semaphore_mem>>)
    "tpu.region"() ({
      %run_scoped3A = tpu.sem_alloc : memref<!tpu.dma_semaphore, #tpu.memory_space<semaphore_mem>>
      %dma_start3A_640 = tpu.memref_slice %arg13[%mul3A_0] : memref<6400xf32, #tpu.memory_space<vmem_shared>> -> memref<400xf32, #tpu.memory_space<vmem_shared>>
      %dma_start3A_641 = tpu.memref_slice %arg13[%mul3A_0] : memref<6400xf32, #tpu.memory_space<vmem_shared>> -> memref<400xf32, #tpu.memory_space<vmem_shared>>
      tpu.enqueue_dma source(%arg11 : memref<400xf32, #tpu.memory_space<vmem>>) target(%dma_start3A_641 : memref<400xf32, #tpu.memory_space<vmem_shared>>) target_semaphore(%run_scoped3A : memref<!tpu.dma_semaphore, #tpu.memory_space<semaphore_mem>>)
      %dma_wait3A_642 = tpu.memref_slice %arg13[%mul3A_0] : memref<6400xf32, #tpu.memory_space<vmem_shared>> -> memref<400xf32, #tpu.memory_space<vmem_shared>>
      %dma_wait3A_643 = tpu.memref_slice %arg13[%mul3A_0] : memref<6400xf32, #tpu.memory_space<vmem_shared>> -> memref<400xf32, #tpu.memory_space<vmem_shared>>
      tpu.wait_dma2 semaphore(%run_scoped3A : memref<!tpu.dma_semaphore, #tpu.memory_space<semaphore_mem>>) src(%arg11 : memref<400xf32, #tpu.memory_space<vmem>>) dst(%dma_wait3A_643 : memref<400xf32, #tpu.memory_space<vmem_shared>>)
      tpu.yield
    }) : () -> ()
    %barrier3A_237 = arith.constant 0 : index
    tpu.barrier barrier_id(%barrier3A_237)
    %dma_start3A_238 = arith.constant 31792 : i32
    %dma_start3A_239 = tpu.memref_slice %arg7[%dma_start3A_238] : memref<94352xf32, #tpu.memory_space<vmem>> -> memref<6256xf32, #tpu.memory_space<vmem>>
    %dma_start3A_240 = arith.constant 0 : i32
    %dma_start3A_241 = tpu.memref_slice %arg13[%dma_start3A_240] : memref<6400xf32, #tpu.memory_space<vmem_shared>> -> memref<6256xf32, #tpu.memory_space<vmem_shared>>
    %dma_start3A_242 = arith.constant 31792 : i32
    %dma_start3A_243 = tpu.memref_slice %arg7[%dma_start3A_242] : memref<94352xf32, #tpu.memory_space<vmem>> -> memref<6256xf32, #tpu.memory_space<vmem>>
    %dma_start3A_244 = arith.constant 0 : i32
    %dma_start3A_245 = tpu.memref_slice %arg13[%dma_start3A_244] : memref<6400xf32, #tpu.memory_space<vmem_shared>> -> memref<6256xf32, #tpu.memory_space<vmem_shared>>
    tpu.enqueue_dma source(%dma_start3A_245 : memref<6256xf32, #tpu.memory_space<vmem_shared>>) target(%dma_start3A_243 : memref<6256xf32, #tpu.memory_space<vmem>>) target_semaphore(%arg17 : memref<!tpu.dma_semaphore, #tpu.memory_space<semaphore_mem>>)
    %dma_wait3A_246 = tpu.memref_slice %arg3[%add3A_228] : memref<3276800xi32, #tpu.memory_space<hbm>> -> memref<12800xi32, #tpu.memory_space<hbm>>
    %dma_wait3A_247 = tpu.memref_slice %arg3[%add3A_228] : memref<3276800xi32, #tpu.memory_space<hbm>> -> memref<12800xi32, #tpu.memory_space<hbm>>
    tpu.wait_dma2 semaphore(%arg14 : memref<!tpu.dma_semaphore, #tpu.memory_space<semaphore_mem>>) src(%dma_wait3A_247 : memref<12800xi32, #tpu.memory_space<hbm>>) dst(%arg8 : memref<12800xi32, #tpu.memory_space<vmem>>)
    %dma_wait3A_248 = tpu.memref_slice %arg4[%add3A_228] : memref<3276800xf32, #tpu.memory_space<hbm>> -> memref<12800xf32, #tpu.memory_space<hbm>>
    %dma_wait3A_249 = tpu.memref_slice %arg4[%add3A_228] : memref<3276800xf32, #tpu.memory_space<hbm>> -> memref<12800xf32, #tpu.memory_space<hbm>>
    tpu.wait_dma2 semaphore(%arg15 : memref<!tpu.dma_semaphore, #tpu.memory_space<semaphore_mem>>) src(%dma_wait3A_249 : memref<12800xf32, #tpu.memory_space<hbm>>) dst(%arg9 : memref<12800xf32, #tpu.memory_space<vmem>>)
    %dma_wait3A_250 = tpu.memref_slice %arg5[%add3A_234] : memref<102400xf32, #tpu.memory_space<hbm>> -> memref<400xf32, #tpu.memory_space<hbm>>
    %dma_wait3A_251 = tpu.memref_slice %arg5[%add3A_234] : memref<102400xf32, #tpu.memory_space<hbm>> -> memref<400xf32, #tpu.memory_space<hbm>>
    tpu.wait_dma2 semaphore(%arg16 : memref<!tpu.dma_semaphore, #tpu.memory_space<semaphore_mem>>) src(%dma_wait3A_251 : memref<400xf32, #tpu.memory_space<hbm>>) dst(%arg10 : memref<400xf32, #tpu.memory_space<vmem>>)
    %dma_wait3A_252 = arith.constant 31792 : i32
    %dma_wait3A_253 = tpu.memref_slice %arg7[%dma_wait3A_252] : memref<94352xf32, #tpu.memory_space<vmem>> -> memref<6256xf32, #tpu.memory_space<vmem>>
    %dma_wait3A_254 = arith.constant 0 : i32
    %dma_wait3A_255 = tpu.memref_slice %arg13[%dma_wait3A_254] : memref<6400xf32, #tpu.memory_space<vmem_shared>> -> memref<6256xf32, #tpu.memory_space<vmem_shared>>
    %dma_wait3A_256 = arith.constant 31792 : i32
    %dma_wait3A_257 = tpu.memref_slice %arg7[%dma_wait3A_256] : memref<94352xf32, #tpu.memory_space<vmem>> -> memref<6256xf32, #tpu.memory_space<vmem>>
    %dma_wait3A_258 = arith.constant 0 : i32
    %dma_wait3A_259 = tpu.memref_slice %arg13[%dma_wait3A_258] : memref<6400xf32, #tpu.memory_space<vmem_shared>> -> memref<6256xf32, #tpu.memory_space<vmem_shared>>
    tpu.wait_dma2 semaphore(%arg17 : memref<!tpu.dma_semaphore, #tpu.memory_space<semaphore_mem>>) src(%dma_wait3A_259 : memref<6256xf32, #tpu.memory_space<vmem_shared>>) dst(%dma_wait3A_257 : memref<6256xf32, #tpu.memory_space<vmem>>)
    %scan3A_260 = arith.constant 0 : i32
    %scan3A_261 = arith.constant 0 : i32
    %scan3A_262 = arith.constant 25 : i32
    %scan3A_263 = arith.addi %scan3A_261, %scan3A_262 : i32
    %scan3A_264 = arith.constant 1 : i32
    scf.for %scan3A_640 = %scan3A_261 to %scan3A_263 step %scan3A_264  : i32 {
      %mul3A_641 = arith.constant 16 : i32
      %mul3A_642 = arith.muli %scan3A_640, %mul3A_641 : i32
      %add3A_643 = vector.broadcast %mul3A_642 : i32 to vector<16xi32>
      %add3A_644 = arith.addi %add3A_643, %iota3A : vector<16xi32>
      %broadcast_in_dim3A = arith.constant 0.000000e+00 : f32
      %broadcast_in_dim3A_645 = vector.broadcast %broadcast_in_dim3A : f32 to vector<16xf32>
      %mul3A_646 = arith.constant 16 : i32
      %mul3A_647 = arith.muli %scan3A_640, %mul3A_646 : i32
      %get3A = arith.index_cast %mul3A_647 : i32 to index
      %get3A_648 = tpu.vector_load %arg10[%get3A] {strides = array<i32>} : memref<400xf32, #tpu.memory_space<vmem>>, vector<16xf32>,
      %parallel_loop3A = arith.constant 0 : i32
      %parallel_loop3A_649 = arith.constant 32 : i32
      %parallel_loop3A_650 = arith.constant 1 : i32
      %parallel_loop3A_651:4 = scf.for %parallel_loop3A_663 = %parallel_loop3A to %parallel_loop3A_649 step %parallel_loop3A_650 iter_args(%parallel_loop3A_664 = %get3A_648, %parallel_loop3A_665 = %broadcast_in_dim3A_645, %parallel_loop3A_666 = %broadcast_in_dim3A_645, %parallel_loop3A_667 = %broadcast_in_dim3A_645) -> (vector<16xf32>, vector<16xf32>, vector<16xf32>, vector<16xf32>)  : i32 {
        %parallel_loop3A_668 = arith.constant 400 : i32
        %parallel_loop3A_669 = arith.muli %parallel_loop3A_663, %parallel_loop3A_668 : i32
        %parallel_loop3A_670 = vector.broadcast %parallel_loop3A_669 : i32 to vector<16xi32>
        %parallel_loop3A_671 = arith.addi %parallel_loop3A_670, %add3A_644 : vector<16xi32>
        %parallel_loop3A_672 = tpu.vector_load_idx %arg8[%parallel_loop3A_671] : memref<12800xi32, #tpu.memory_space<vmem>>[vector<16xi32>], vector<16xi32>,
        %parallel_loop3A_673 = tpu.vector_load_idx %arg7[%parallel_loop3A_672] : memref<94352xf32, #tpu.memory_space<vmem>>[vector<16xi32>], vector<16xf32>,
        %parallel_loop3A_674 = tpu.vector_load_idx %arg9[%parallel_loop3A_671] : memref<12800xf32, #tpu.memory_space<vmem>>[vector<16xi32>], vector<16xf32>,
        %parallel_loop3A_675 = arith.mulf %parallel_loop3A_674, %parallel_loop3A_673 : vector<16xf32>
        %parallel_loop3A_676 = arith.addf %parallel_loop3A_664, %parallel_loop3A_675 : vector<16xf32>
        scf.yield %parallel_loop3A_665, %parallel_loop3A_666, %parallel_loop3A_667, %parallel_loop3A_676 : vector<16xf32>, vector<16xf32>, vector<16xf32>, vector<16xf32>
      } {sc.loop_unroll_factor = 8 : i64, sc.parallel_access}
      %add3A_652 = arith.addf %parallel_loop3A_651#0, %parallel_loop3A_651#1 : vector<16xf32>
      %add3A_653 = arith.addf %parallel_loop3A_651#2, %parallel_loop3A_651#3 : vector<16xf32>
      %add3A_654 = arith.addf %add3A_652, %add3A_653 : vector<16xf32>
      %neg3A = arith.constant 0.000000e+00 : f32
      %neg3A_655 = vector.broadcast %neg3A : f32 to vector<16xf32>
      %neg3A_656 = arith.subf %neg3A_655, %add3A_654 : vector<16xf32>
      %exp3A = math.exp %neg3A_656 : vector<16xf32>
      %add3A_657 = arith.constant 1.000000e+00 : f32
      %add3A_658 = vector.broadcast %add3A_657 : f32 to vector<16xf32>
      %add3A_659 = arith.addf %add3A_658, %exp3A : vector<16xf32>
      %div3A = arith.divf %add3A_654, %add3A_659 : vector<16xf32>
      %mul3A_660 = arith.constant 16 : i32
      %mul3A_661 = arith.muli %scan3A_640, %mul3A_660 : i32
      %swap3A = arith.index_cast %mul3A_661 : i32 to index
      %swap3A_662 = tpu.vector_load %arg11[%swap3A] {strides = array<i32>} : memref<400xf32, #tpu.memory_space<vmem>>, vector<16xf32>,
      tpu.vector_store %arg11[%swap3A], %div3A {strides = array<i32>} : memref<400xf32, #tpu.memory_space<vmem>>, vector<16xf32>,
    }
    %scan3A_265 = arith.constant 25 : i32
    %mul3A_266 = arith.constant 12800 : i32
    %mul3A_267 = arith.muli %arg1, %mul3A_266 : i32
    %add3A_268 = arith.constant 1433600 : i32
    %add3A_269 = arith.addi %add3A_268, %mul3A_267 : i32
    %dma_start3A_270 = tpu.memref_slice %arg3[%add3A_269] : memref<3276800xi32, #tpu.memory_space<hbm>> -> memref<12800xi32, #tpu.memory_space<hbm>>
    %dma_start3A_271 = tpu.memref_slice %arg3[%add3A_269] : memref<3276800xi32, #tpu.memory_space<hbm>> -> memref<12800xi32, #tpu.memory_space<hbm>>
    tpu.enqueue_dma source(%dma_start3A_271 : memref<12800xi32, #tpu.memory_space<hbm>>) target(%arg8 : memref<12800xi32, #tpu.memory_space<vmem>>) target_semaphore(%arg14 : memref<!tpu.dma_semaphore, #tpu.memory_space<semaphore_mem>>)
    %dma_start3A_272 = tpu.memref_slice %arg4[%add3A_269] : memref<3276800xf32, #tpu.memory_space<hbm>> -> memref<12800xf32, #tpu.memory_space<hbm>>
    %dma_start3A_273 = tpu.memref_slice %arg4[%add3A_269] : memref<3276800xf32, #tpu.memory_space<hbm>> -> memref<12800xf32, #tpu.memory_space<hbm>>
    tpu.enqueue_dma source(%dma_start3A_273 : memref<12800xf32, #tpu.memory_space<hbm>>) target(%arg9 : memref<12800xf32, #tpu.memory_space<vmem>>) target_semaphore(%arg15 : memref<!tpu.dma_semaphore, #tpu.memory_space<semaphore_mem>>)
    %add3A_274 = arith.constant 44800 : i32
    %add3A_275 = arith.addi %add3A_274, %mul3A_0 : i32
    %dma_start3A_276 = tpu.memref_slice %arg5[%add3A_275] : memref<102400xf32, #tpu.memory_space<hbm>> -> memref<400xf32, #tpu.memory_space<hbm>>
    %dma_start3A_277 = tpu.memref_slice %arg5[%add3A_275] : memref<102400xf32, #tpu.memory_space<hbm>> -> memref<400xf32, #tpu.memory_space<hbm>>
    tpu.enqueue_dma source(%dma_start3A_277 : memref<400xf32, #tpu.memory_space<hbm>>) target(%arg10 : memref<400xf32, #tpu.memory_space<vmem>>) target_semaphore(%arg16 : memref<!tpu.dma_semaphore, #tpu.memory_space<semaphore_mem>>)
    "tpu.region"() ({
      %run_scoped3A = tpu.sem_alloc : memref<!tpu.dma_semaphore, #tpu.memory_space<semaphore_mem>>
      %dma_start3A_640 = tpu.memref_slice %arg12[%mul3A_0] : memref<6400xf32, #tpu.memory_space<vmem_shared>> -> memref<400xf32, #tpu.memory_space<vmem_shared>>
      %dma_start3A_641 = tpu.memref_slice %arg12[%mul3A_0] : memref<6400xf32, #tpu.memory_space<vmem_shared>> -> memref<400xf32, #tpu.memory_space<vmem_shared>>
      tpu.enqueue_dma source(%arg11 : memref<400xf32, #tpu.memory_space<vmem>>) target(%dma_start3A_641 : memref<400xf32, #tpu.memory_space<vmem_shared>>) target_semaphore(%run_scoped3A : memref<!tpu.dma_semaphore, #tpu.memory_space<semaphore_mem>>)
      %dma_wait3A_642 = tpu.memref_slice %arg12[%mul3A_0] : memref<6400xf32, #tpu.memory_space<vmem_shared>> -> memref<400xf32, #tpu.memory_space<vmem_shared>>
      %dma_wait3A_643 = tpu.memref_slice %arg12[%mul3A_0] : memref<6400xf32, #tpu.memory_space<vmem_shared>> -> memref<400xf32, #tpu.memory_space<vmem_shared>>
      tpu.wait_dma2 semaphore(%run_scoped3A : memref<!tpu.dma_semaphore, #tpu.memory_space<semaphore_mem>>) src(%arg11 : memref<400xf32, #tpu.memory_space<vmem>>) dst(%dma_wait3A_643 : memref<400xf32, #tpu.memory_space<vmem_shared>>)
      tpu.yield
    }) : () -> ()
    %barrier3A_278 = arith.constant 0 : index
    tpu.barrier barrier_id(%barrier3A_278)
    %dma_start3A_279 = arith.constant 38048 : i32
    %dma_start3A_280 = tpu.memref_slice %arg7[%dma_start3A_279] : memref<94352xf32, #tpu.memory_space<vmem>> -> memref<6256xf32, #tpu.memory_space<vmem>>
    %dma_start3A_281 = arith.constant 0 : i32
    %dma_start3A_282 = tpu.memref_slice %arg12[%dma_start3A_281] : memref<6400xf32, #tpu.memory_space<vmem_shared>> -> memref<6256xf32, #tpu.memory_space<vmem_shared>>
    %dma_start3A_283 = arith.constant 38048 : i32
    %dma_start3A_284 = tpu.memref_slice %arg7[%dma_start3A_283] : memref<94352xf32, #tpu.memory_space<vmem>> -> memref<6256xf32, #tpu.memory_space<vmem>>
    %dma_start3A_285 = arith.constant 0 : i32
    %dma_start3A_286 = tpu.memref_slice %arg12[%dma_start3A_285] : memref<6400xf32, #tpu.memory_space<vmem_shared>> -> memref<6256xf32, #tpu.memory_space<vmem_shared>>
    tpu.enqueue_dma source(%dma_start3A_286 : memref<6256xf32, #tpu.memory_space<vmem_shared>>) target(%dma_start3A_284 : memref<6256xf32, #tpu.memory_space<vmem>>) target_semaphore(%arg17 : memref<!tpu.dma_semaphore, #tpu.memory_space<semaphore_mem>>)
    %dma_wait3A_287 = tpu.memref_slice %arg3[%add3A_269] : memref<3276800xi32, #tpu.memory_space<hbm>> -> memref<12800xi32, #tpu.memory_space<hbm>>
    %dma_wait3A_288 = tpu.memref_slice %arg3[%add3A_269] : memref<3276800xi32, #tpu.memory_space<hbm>> -> memref<12800xi32, #tpu.memory_space<hbm>>
    tpu.wait_dma2 semaphore(%arg14 : memref<!tpu.dma_semaphore, #tpu.memory_space<semaphore_mem>>) src(%dma_wait3A_288 : memref<12800xi32, #tpu.memory_space<hbm>>) dst(%arg8 : memref<12800xi32, #tpu.memory_space<vmem>>)
    %dma_wait3A_289 = tpu.memref_slice %arg4[%add3A_269] : memref<3276800xf32, #tpu.memory_space<hbm>> -> memref<12800xf32, #tpu.memory_space<hbm>>
    %dma_wait3A_290 = tpu.memref_slice %arg4[%add3A_269] : memref<3276800xf32, #tpu.memory_space<hbm>> -> memref<12800xf32, #tpu.memory_space<hbm>>
    tpu.wait_dma2 semaphore(%arg15 : memref<!tpu.dma_semaphore, #tpu.memory_space<semaphore_mem>>) src(%dma_wait3A_290 : memref<12800xf32, #tpu.memory_space<hbm>>) dst(%arg9 : memref<12800xf32, #tpu.memory_space<vmem>>)
    %dma_wait3A_291 = tpu.memref_slice %arg5[%add3A_275] : memref<102400xf32, #tpu.memory_space<hbm>> -> memref<400xf32, #tpu.memory_space<hbm>>
    %dma_wait3A_292 = tpu.memref_slice %arg5[%add3A_275] : memref<102400xf32, #tpu.memory_space<hbm>> -> memref<400xf32, #tpu.memory_space<hbm>>
    tpu.wait_dma2 semaphore(%arg16 : memref<!tpu.dma_semaphore, #tpu.memory_space<semaphore_mem>>) src(%dma_wait3A_292 : memref<400xf32, #tpu.memory_space<hbm>>) dst(%arg10 : memref<400xf32, #tpu.memory_space<vmem>>)
    %dma_wait3A_293 = arith.constant 38048 : i32
    %dma_wait3A_294 = tpu.memref_slice %arg7[%dma_wait3A_293] : memref<94352xf32, #tpu.memory_space<vmem>> -> memref<6256xf32, #tpu.memory_space<vmem>>
    %dma_wait3A_295 = arith.constant 0 : i32
    %dma_wait3A_296 = tpu.memref_slice %arg12[%dma_wait3A_295] : memref<6400xf32, #tpu.memory_space<vmem_shared>> -> memref<6256xf32, #tpu.memory_space<vmem_shared>>
    %dma_wait3A_297 = arith.constant 38048 : i32
    %dma_wait3A_298 = tpu.memref_slice %arg7[%dma_wait3A_297] : memref<94352xf32, #tpu.memory_space<vmem>> -> memref<6256xf32, #tpu.memory_space<vmem>>
    %dma_wait3A_299 = arith.constant 0 : i32
    %dma_wait3A_300 = tpu.memref_slice %arg12[%dma_wait3A_299] : memref<6400xf32, #tpu.memory_space<vmem_shared>> -> memref<6256xf32, #tpu.memory_space<vmem_shared>>
    tpu.wait_dma2 semaphore(%arg17 : memref<!tpu.dma_semaphore, #tpu.memory_space<semaphore_mem>>) src(%dma_wait3A_300 : memref<6256xf32, #tpu.memory_space<vmem_shared>>) dst(%dma_wait3A_298 : memref<6256xf32, #tpu.memory_space<vmem>>)
    %scan3A_301 = arith.constant 0 : i32
    %scan3A_302 = arith.constant 0 : i32
    %scan3A_303 = arith.constant 25 : i32
    %scan3A_304 = arith.addi %scan3A_302, %scan3A_303 : i32
    %scan3A_305 = arith.constant 1 : i32
    scf.for %scan3A_640 = %scan3A_302 to %scan3A_304 step %scan3A_305  : i32 {
      %mul3A_641 = arith.constant 16 : i32
      %mul3A_642 = arith.muli %scan3A_640, %mul3A_641 : i32
      %add3A_643 = vector.broadcast %mul3A_642 : i32 to vector<16xi32>
      %add3A_644 = arith.addi %add3A_643, %iota3A : vector<16xi32>
      %broadcast_in_dim3A = arith.constant 0.000000e+00 : f32
      %broadcast_in_dim3A_645 = vector.broadcast %broadcast_in_dim3A : f32 to vector<16xf32>
      %mul3A_646 = arith.constant 16 : i32
      %mul3A_647 = arith.muli %scan3A_640, %mul3A_646 : i32
      %get3A = arith.index_cast %mul3A_647 : i32 to index
      %get3A_648 = tpu.vector_load %arg10[%get3A] {strides = array<i32>} : memref<400xf32, #tpu.memory_space<vmem>>, vector<16xf32>,
      %parallel_loop3A = arith.constant 0 : i32
      %parallel_loop3A_649 = arith.constant 32 : i32
      %parallel_loop3A_650 = arith.constant 1 : i32
      %parallel_loop3A_651:4 = scf.for %parallel_loop3A_663 = %parallel_loop3A to %parallel_loop3A_649 step %parallel_loop3A_650 iter_args(%parallel_loop3A_664 = %get3A_648, %parallel_loop3A_665 = %broadcast_in_dim3A_645, %parallel_loop3A_666 = %broadcast_in_dim3A_645, %parallel_loop3A_667 = %broadcast_in_dim3A_645) -> (vector<16xf32>, vector<16xf32>, vector<16xf32>, vector<16xf32>)  : i32 {
        %parallel_loop3A_668 = arith.constant 400 : i32
        %parallel_loop3A_669 = arith.muli %parallel_loop3A_663, %parallel_loop3A_668 : i32
        %parallel_loop3A_670 = vector.broadcast %parallel_loop3A_669 : i32 to vector<16xi32>
        %parallel_loop3A_671 = arith.addi %parallel_loop3A_670, %add3A_644 : vector<16xi32>
        %parallel_loop3A_672 = tpu.vector_load_idx %arg8[%parallel_loop3A_671] : memref<12800xi32, #tpu.memory_space<vmem>>[vector<16xi32>], vector<16xi32>,
        %parallel_loop3A_673 = tpu.vector_load_idx %arg7[%parallel_loop3A_672] : memref<94352xf32, #tpu.memory_space<vmem>>[vector<16xi32>], vector<16xf32>,
        %parallel_loop3A_674 = tpu.vector_load_idx %arg9[%parallel_loop3A_671] : memref<12800xf32, #tpu.memory_space<vmem>>[vector<16xi32>], vector<16xf32>,
        %parallel_loop3A_675 = arith.mulf %parallel_loop3A_674, %parallel_loop3A_673 : vector<16xf32>
        %parallel_loop3A_676 = arith.addf %parallel_loop3A_664, %parallel_loop3A_675 : vector<16xf32>
        scf.yield %parallel_loop3A_665, %parallel_loop3A_666, %parallel_loop3A_667, %parallel_loop3A_676 : vector<16xf32>, vector<16xf32>, vector<16xf32>, vector<16xf32>
      } {sc.loop_unroll_factor = 8 : i64, sc.parallel_access}
      %add3A_652 = arith.addf %parallel_loop3A_651#0, %parallel_loop3A_651#1 : vector<16xf32>
      %add3A_653 = arith.addf %parallel_loop3A_651#2, %parallel_loop3A_651#3 : vector<16xf32>
      %add3A_654 = arith.addf %add3A_652, %add3A_653 : vector<16xf32>
      %neg3A = arith.constant 0.000000e+00 : f32
      %neg3A_655 = vector.broadcast %neg3A : f32 to vector<16xf32>
      %neg3A_656 = arith.subf %neg3A_655, %add3A_654 : vector<16xf32>
      %exp3A = math.exp %neg3A_656 : vector<16xf32>
      %add3A_657 = arith.constant 1.000000e+00 : f32
      %add3A_658 = vector.broadcast %add3A_657 : f32 to vector<16xf32>
      %add3A_659 = arith.addf %add3A_658, %exp3A : vector<16xf32>
      %div3A = arith.divf %add3A_654, %add3A_659 : vector<16xf32>
      %mul3A_660 = arith.constant 16 : i32
      %mul3A_661 = arith.muli %scan3A_640, %mul3A_660 : i32
      %swap3A = arith.index_cast %mul3A_661 : i32 to index
      %swap3A_662 = tpu.vector_load %arg11[%swap3A] {strides = array<i32>} : memref<400xf32, #tpu.memory_space<vmem>>, vector<16xf32>,
      tpu.vector_store %arg11[%swap3A], %div3A {strides = array<i32>} : memref<400xf32, #tpu.memory_space<vmem>>, vector<16xf32>,
    }
    %scan3A_306 = arith.constant 25 : i32
    %mul3A_307 = arith.constant 12800 : i32
    %mul3A_308 = arith.muli %arg1, %mul3A_307 : i32
    %add3A_309 = arith.constant 1638400 : i32
    %add3A_310 = arith.addi %add3A_309, %mul3A_308 : i32
    %dma_start3A_311 = tpu.memref_slice %arg3[%add3A_310] : memref<3276800xi32, #tpu.memory_space<hbm>> -> memref<12800xi32, #tpu.memory_space<hbm>>
    %dma_start3A_312 = tpu.memref_slice %arg3[%add3A_310] : memref<3276800xi32, #tpu.memory_space<hbm>> -> memref<12800xi32, #tpu.memory_space<hbm>>
    tpu.enqueue_dma source(%dma_start3A_312 : memref<12800xi32, #tpu.memory_space<hbm>>) target(%arg8 : memref<12800xi32, #tpu.memory_space<vmem>>) target_semaphore(%arg14 : memref<!tpu.dma_semaphore, #tpu.memory_space<semaphore_mem>>)
    %dma_start3A_313 = tpu.memref_slice %arg4[%add3A_310] : memref<3276800xf32, #tpu.memory_space<hbm>> -> memref<12800xf32, #tpu.memory_space<hbm>>
    %dma_start3A_314 = tpu.memref_slice %arg4[%add3A_310] : memref<3276800xf32, #tpu.memory_space<hbm>> -> memref<12800xf32, #tpu.memory_space<hbm>>
    tpu.enqueue_dma source(%dma_start3A_314 : memref<12800xf32, #tpu.memory_space<hbm>>) target(%arg9 : memref<12800xf32, #tpu.memory_space<vmem>>) target_semaphore(%arg15 : memref<!tpu.dma_semaphore, #tpu.memory_space<semaphore_mem>>)
    %add3A_315 = arith.constant 51200 : i32
    %add3A_316 = arith.addi %add3A_315, %mul3A_0 : i32
    %dma_start3A_317 = tpu.memref_slice %arg5[%add3A_316] : memref<102400xf32, #tpu.memory_space<hbm>> -> memref<400xf32, #tpu.memory_space<hbm>>
    %dma_start3A_318 = tpu.memref_slice %arg5[%add3A_316] : memref<102400xf32, #tpu.memory_space<hbm>> -> memref<400xf32, #tpu.memory_space<hbm>>
    tpu.enqueue_dma source(%dma_start3A_318 : memref<400xf32, #tpu.memory_space<hbm>>) target(%arg10 : memref<400xf32, #tpu.memory_space<vmem>>) target_semaphore(%arg16 : memref<!tpu.dma_semaphore, #tpu.memory_space<semaphore_mem>>)
    "tpu.region"() ({
      %run_scoped3A = tpu.sem_alloc : memref<!tpu.dma_semaphore, #tpu.memory_space<semaphore_mem>>
      %dma_start3A_640 = tpu.memref_slice %arg13[%mul3A_0] : memref<6400xf32, #tpu.memory_space<vmem_shared>> -> memref<400xf32, #tpu.memory_space<vmem_shared>>
      %dma_start3A_641 = tpu.memref_slice %arg13[%mul3A_0] : memref<6400xf32, #tpu.memory_space<vmem_shared>> -> memref<400xf32, #tpu.memory_space<vmem_shared>>
      tpu.enqueue_dma source(%arg11 : memref<400xf32, #tpu.memory_space<vmem>>) target(%dma_start3A_641 : memref<400xf32, #tpu.memory_space<vmem_shared>>) target_semaphore(%run_scoped3A : memref<!tpu.dma_semaphore, #tpu.memory_space<semaphore_mem>>)
      %dma_wait3A_642 = tpu.memref_slice %arg13[%mul3A_0] : memref<6400xf32, #tpu.memory_space<vmem_shared>> -> memref<400xf32, #tpu.memory_space<vmem_shared>>
      %dma_wait3A_643 = tpu.memref_slice %arg13[%mul3A_0] : memref<6400xf32, #tpu.memory_space<vmem_shared>> -> memref<400xf32, #tpu.memory_space<vmem_shared>>
      tpu.wait_dma2 semaphore(%run_scoped3A : memref<!tpu.dma_semaphore, #tpu.memory_space<semaphore_mem>>) src(%arg11 : memref<400xf32, #tpu.memory_space<vmem>>) dst(%dma_wait3A_643 : memref<400xf32, #tpu.memory_space<vmem_shared>>)
      tpu.yield
    }) : () -> ()
    %barrier3A_319 = arith.constant 0 : index
    tpu.barrier barrier_id(%barrier3A_319)
    %dma_start3A_320 = arith.constant 44304 : i32
    %dma_start3A_321 = tpu.memref_slice %arg7[%dma_start3A_320] : memref<94352xf32, #tpu.memory_space<vmem>> -> memref<6256xf32, #tpu.memory_space<vmem>>
    %dma_start3A_322 = arith.constant 0 : i32
    %dma_start3A_323 = tpu.memref_slice %arg13[%dma_start3A_322] : memref<6400xf32, #tpu.memory_space<vmem_shared>> -> memref<6256xf32, #tpu.memory_space<vmem_shared>>
    %dma_start3A_324 = arith.constant 44304 : i32
    %dma_start3A_325 = tpu.memref_slice %arg7[%dma_start3A_324] : memref<94352xf32, #tpu.memory_space<vmem>> -> memref<6256xf32, #tpu.memory_space<vmem>>
    %dma_start3A_326 = arith.constant 0 : i32
    %dma_start3A_327 = tpu.memref_slice %arg13[%dma_start3A_326] : memref<6400xf32, #tpu.memory_space<vmem_shared>> -> memref<6256xf32, #tpu.memory_space<vmem_shared>>
    tpu.enqueue_dma source(%dma_start3A_327 : memref<6256xf32, #tpu.memory_space<vmem_shared>>) target(%dma_start3A_325 : memref<6256xf32, #tpu.memory_space<vmem>>) target_semaphore(%arg17 : memref<!tpu.dma_semaphore, #tpu.memory_space<semaphore_mem>>)
    %dma_wait3A_328 = tpu.memref_slice %arg3[%add3A_310] : memref<3276800xi32, #tpu.memory_space<hbm>> -> memref<12800xi32, #tpu.memory_space<hbm>>
    %dma_wait3A_329 = tpu.memref_slice %arg3[%add3A_310] : memref<3276800xi32, #tpu.memory_space<hbm>> -> memref<12800xi32, #tpu.memory_space<hbm>>
    tpu.wait_dma2 semaphore(%arg14 : memref<!tpu.dma_semaphore, #tpu.memory_space<semaphore_mem>>) src(%dma_wait3A_329 : memref<12800xi32, #tpu.memory_space<hbm>>) dst(%arg8 : memref<12800xi32, #tpu.memory_space<vmem>>)
    %dma_wait3A_330 = tpu.memref_slice %arg4[%add3A_310] : memref<3276800xf32, #tpu.memory_space<hbm>> -> memref<12800xf32, #tpu.memory_space<hbm>>
    %dma_wait3A_331 = tpu.memref_slice %arg4[%add3A_310] : memref<3276800xf32, #tpu.memory_space<hbm>> -> memref<12800xf32, #tpu.memory_space<hbm>>
    tpu.wait_dma2 semaphore(%arg15 : memref<!tpu.dma_semaphore, #tpu.memory_space<semaphore_mem>>) src(%dma_wait3A_331 : memref<12800xf32, #tpu.memory_space<hbm>>) dst(%arg9 : memref<12800xf32, #tpu.memory_space<vmem>>)
    %dma_wait3A_332 = tpu.memref_slice %arg5[%add3A_316] : memref<102400xf32, #tpu.memory_space<hbm>> -> memref<400xf32, #tpu.memory_space<hbm>>
    %dma_wait3A_333 = tpu.memref_slice %arg5[%add3A_316] : memref<102400xf32, #tpu.memory_space<hbm>> -> memref<400xf32, #tpu.memory_space<hbm>>
    tpu.wait_dma2 semaphore(%arg16 : memref<!tpu.dma_semaphore, #tpu.memory_space<semaphore_mem>>) src(%dma_wait3A_333 : memref<400xf32, #tpu.memory_space<hbm>>) dst(%arg10 : memref<400xf32, #tpu.memory_space<vmem>>)
    %dma_wait3A_334 = arith.constant 44304 : i32
    %dma_wait3A_335 = tpu.memref_slice %arg7[%dma_wait3A_334] : memref<94352xf32, #tpu.memory_space<vmem>> -> memref<6256xf32, #tpu.memory_space<vmem>>
    %dma_wait3A_336 = arith.constant 0 : i32
    %dma_wait3A_337 = tpu.memref_slice %arg13[%dma_wait3A_336] : memref<6400xf32, #tpu.memory_space<vmem_shared>> -> memref<6256xf32, #tpu.memory_space<vmem_shared>>
    %dma_wait3A_338 = arith.constant 44304 : i32
    %dma_wait3A_339 = tpu.memref_slice %arg7[%dma_wait3A_338] : memref<94352xf32, #tpu.memory_space<vmem>> -> memref<6256xf32, #tpu.memory_space<vmem>>
    %dma_wait3A_340 = arith.constant 0 : i32
    %dma_wait3A_341 = tpu.memref_slice %arg13[%dma_wait3A_340] : memref<6400xf32, #tpu.memory_space<vmem_shared>> -> memref<6256xf32, #tpu.memory_space<vmem_shared>>
    tpu.wait_dma2 semaphore(%arg17 : memref<!tpu.dma_semaphore, #tpu.memory_space<semaphore_mem>>) src(%dma_wait3A_341 : memref<6256xf32, #tpu.memory_space<vmem_shared>>) dst(%dma_wait3A_339 : memref<6256xf32, #tpu.memory_space<vmem>>)
    %scan3A_342 = arith.constant 0 : i32
    %scan3A_343 = arith.constant 0 : i32
    %scan3A_344 = arith.constant 25 : i32
    %scan3A_345 = arith.addi %scan3A_343, %scan3A_344 : i32
    %scan3A_346 = arith.constant 1 : i32
    scf.for %scan3A_640 = %scan3A_343 to %scan3A_345 step %scan3A_346  : i32 {
      %mul3A_641 = arith.constant 16 : i32
      %mul3A_642 = arith.muli %scan3A_640, %mul3A_641 : i32
      %add3A_643 = vector.broadcast %mul3A_642 : i32 to vector<16xi32>
      %add3A_644 = arith.addi %add3A_643, %iota3A : vector<16xi32>
      %broadcast_in_dim3A = arith.constant 0.000000e+00 : f32
      %broadcast_in_dim3A_645 = vector.broadcast %broadcast_in_dim3A : f32 to vector<16xf32>
      %mul3A_646 = arith.constant 16 : i32
      %mul3A_647 = arith.muli %scan3A_640, %mul3A_646 : i32
      %get3A = arith.index_cast %mul3A_647 : i32 to index
      %get3A_648 = tpu.vector_load %arg10[%get3A] {strides = array<i32>} : memref<400xf32, #tpu.memory_space<vmem>>, vector<16xf32>,
      %parallel_loop3A = arith.constant 0 : i32
      %parallel_loop3A_649 = arith.constant 32 : i32
      %parallel_loop3A_650 = arith.constant 1 : i32
      %parallel_loop3A_651:4 = scf.for %parallel_loop3A_663 = %parallel_loop3A to %parallel_loop3A_649 step %parallel_loop3A_650 iter_args(%parallel_loop3A_664 = %get3A_648, %parallel_loop3A_665 = %broadcast_in_dim3A_645, %parallel_loop3A_666 = %broadcast_in_dim3A_645, %parallel_loop3A_667 = %broadcast_in_dim3A_645) -> (vector<16xf32>, vector<16xf32>, vector<16xf32>, vector<16xf32>)  : i32 {
        %parallel_loop3A_668 = arith.constant 400 : i32
        %parallel_loop3A_669 = arith.muli %parallel_loop3A_663, %parallel_loop3A_668 : i32
        %parallel_loop3A_670 = vector.broadcast %parallel_loop3A_669 : i32 to vector<16xi32>
        %parallel_loop3A_671 = arith.addi %parallel_loop3A_670, %add3A_644 : vector<16xi32>
        %parallel_loop3A_672 = tpu.vector_load_idx %arg8[%parallel_loop3A_671] : memref<12800xi32, #tpu.memory_space<vmem>>[vector<16xi32>], vector<16xi32>,
        %parallel_loop3A_673 = tpu.vector_load_idx %arg7[%parallel_loop3A_672] : memref<94352xf32, #tpu.memory_space<vmem>>[vector<16xi32>], vector<16xf32>,
        %parallel_loop3A_674 = tpu.vector_load_idx %arg9[%parallel_loop3A_671] : memref<12800xf32, #tpu.memory_space<vmem>>[vector<16xi32>], vector<16xf32>,
        %parallel_loop3A_675 = arith.mulf %parallel_loop3A_674, %parallel_loop3A_673 : vector<16xf32>
        %parallel_loop3A_676 = arith.addf %parallel_loop3A_664, %parallel_loop3A_675 : vector<16xf32>
        scf.yield %parallel_loop3A_665, %parallel_loop3A_666, %parallel_loop3A_667, %parallel_loop3A_676 : vector<16xf32>, vector<16xf32>, vector<16xf32>, vector<16xf32>
      } {sc.loop_unroll_factor = 8 : i64, sc.parallel_access}
      %add3A_652 = arith.addf %parallel_loop3A_651#0, %parallel_loop3A_651#1 : vector<16xf32>
      %add3A_653 = arith.addf %parallel_loop3A_651#2, %parallel_loop3A_651#3 : vector<16xf32>
      %add3A_654 = arith.addf %add3A_652, %add3A_653 : vector<16xf32>
      %neg3A = arith.constant 0.000000e+00 : f32
      %neg3A_655 = vector.broadcast %neg3A : f32 to vector<16xf32>
      %neg3A_656 = arith.subf %neg3A_655, %add3A_654 : vector<16xf32>
      %exp3A = math.exp %neg3A_656 : vector<16xf32>
      %add3A_657 = arith.constant 1.000000e+00 : f32
      %add3A_658 = vector.broadcast %add3A_657 : f32 to vector<16xf32>
      %add3A_659 = arith.addf %add3A_658, %exp3A : vector<16xf32>
      %div3A = arith.divf %add3A_654, %add3A_659 : vector<16xf32>
      %mul3A_660 = arith.constant 16 : i32
      %mul3A_661 = arith.muli %scan3A_640, %mul3A_660 : i32
      %swap3A = arith.index_cast %mul3A_661 : i32 to index
      %swap3A_662 = tpu.vector_load %arg11[%swap3A] {strides = array<i32>} : memref<400xf32, #tpu.memory_space<vmem>>, vector<16xf32>,
      tpu.vector_store %arg11[%swap3A], %div3A {strides = array<i32>} : memref<400xf32, #tpu.memory_space<vmem>>, vector<16xf32>,
    }
    %scan3A_347 = arith.constant 25 : i32
    %mul3A_348 = arith.constant 12800 : i32
    %mul3A_349 = arith.muli %arg1, %mul3A_348 : i32
    %add3A_350 = arith.constant 1843200 : i32
    %add3A_351 = arith.addi %add3A_350, %mul3A_349 : i32
    %dma_start3A_352 = tpu.memref_slice %arg3[%add3A_351] : memref<3276800xi32, #tpu.memory_space<hbm>> -> memref<12800xi32, #tpu.memory_space<hbm>>
    %dma_start3A_353 = tpu.memref_slice %arg3[%add3A_351] : memref<3276800xi32, #tpu.memory_space<hbm>> -> memref<12800xi32, #tpu.memory_space<hbm>>
    tpu.enqueue_dma source(%dma_start3A_353 : memref<12800xi32, #tpu.memory_space<hbm>>) target(%arg8 : memref<12800xi32, #tpu.memory_space<vmem>>) target_semaphore(%arg14 : memref<!tpu.dma_semaphore, #tpu.memory_space<semaphore_mem>>)
    %dma_start3A_354 = tpu.memref_slice %arg4[%add3A_351] : memref<3276800xf32, #tpu.memory_space<hbm>> -> memref<12800xf32, #tpu.memory_space<hbm>>
    %dma_start3A_355 = tpu.memref_slice %arg4[%add3A_351] : memref<3276800xf32, #tpu.memory_space<hbm>> -> memref<12800xf32, #tpu.memory_space<hbm>>
    tpu.enqueue_dma source(%dma_start3A_355 : memref<12800xf32, #tpu.memory_space<hbm>>) target(%arg9 : memref<12800xf32, #tpu.memory_space<vmem>>) target_semaphore(%arg15 : memref<!tpu.dma_semaphore, #tpu.memory_space<semaphore_mem>>)
    %add3A_356 = arith.constant 57600 : i32
    %add3A_357 = arith.addi %add3A_356, %mul3A_0 : i32
    %dma_start3A_358 = tpu.memref_slice %arg5[%add3A_357] : memref<102400xf32, #tpu.memory_space<hbm>> -> memref<400xf32, #tpu.memory_space<hbm>>
    %dma_start3A_359 = tpu.memref_slice %arg5[%add3A_357] : memref<102400xf32, #tpu.memory_space<hbm>> -> memref<400xf32, #tpu.memory_space<hbm>>
    tpu.enqueue_dma source(%dma_start3A_359 : memref<400xf32, #tpu.memory_space<hbm>>) target(%arg10 : memref<400xf32, #tpu.memory_space<vmem>>) target_semaphore(%arg16 : memref<!tpu.dma_semaphore, #tpu.memory_space<semaphore_mem>>)
    "tpu.region"() ({
      %run_scoped3A = tpu.sem_alloc : memref<!tpu.dma_semaphore, #tpu.memory_space<semaphore_mem>>
      %dma_start3A_640 = tpu.memref_slice %arg12[%mul3A_0] : memref<6400xf32, #tpu.memory_space<vmem_shared>> -> memref<400xf32, #tpu.memory_space<vmem_shared>>
      %dma_start3A_641 = tpu.memref_slice %arg12[%mul3A_0] : memref<6400xf32, #tpu.memory_space<vmem_shared>> -> memref<400xf32, #tpu.memory_space<vmem_shared>>
      tpu.enqueue_dma source(%arg11 : memref<400xf32, #tpu.memory_space<vmem>>) target(%dma_start3A_641 : memref<400xf32, #tpu.memory_space<vmem_shared>>) target_semaphore(%run_scoped3A : memref<!tpu.dma_semaphore, #tpu.memory_space<semaphore_mem>>)
      %dma_wait3A_642 = tpu.memref_slice %arg12[%mul3A_0] : memref<6400xf32, #tpu.memory_space<vmem_shared>> -> memref<400xf32, #tpu.memory_space<vmem_shared>>
      %dma_wait3A_643 = tpu.memref_slice %arg12[%mul3A_0] : memref<6400xf32, #tpu.memory_space<vmem_shared>> -> memref<400xf32, #tpu.memory_space<vmem_shared>>
      tpu.wait_dma2 semaphore(%run_scoped3A : memref<!tpu.dma_semaphore, #tpu.memory_space<semaphore_mem>>) src(%arg11 : memref<400xf32, #tpu.memory_space<vmem>>) dst(%dma_wait3A_643 : memref<400xf32, #tpu.memory_space<vmem_shared>>)
      tpu.yield
    }) : () -> ()
    %barrier3A_360 = arith.constant 0 : index
    tpu.barrier barrier_id(%barrier3A_360)
    %dma_start3A_361 = arith.constant 50560 : i32
    %dma_start3A_362 = tpu.memref_slice %arg7[%dma_start3A_361] : memref<94352xf32, #tpu.memory_space<vmem>> -> memref<6256xf32, #tpu.memory_space<vmem>>
    %dma_start3A_363 = arith.constant 0 : i32
    %dma_start3A_364 = tpu.memref_slice %arg12[%dma_start3A_363] : memref<6400xf32, #tpu.memory_space<vmem_shared>> -> memref<6256xf32, #tpu.memory_space<vmem_shared>>
    %dma_start3A_365 = arith.constant 50560 : i32
    %dma_start3A_366 = tpu.memref_slice %arg7[%dma_start3A_365] : memref<94352xf32, #tpu.memory_space<vmem>> -> memref<6256xf32, #tpu.memory_space<vmem>>
    %dma_start3A_367 = arith.constant 0 : i32
    %dma_start3A_368 = tpu.memref_slice %arg12[%dma_start3A_367] : memref<6400xf32, #tpu.memory_space<vmem_shared>> -> memref<6256xf32, #tpu.memory_space<vmem_shared>>
    tpu.enqueue_dma source(%dma_start3A_368 : memref<6256xf32, #tpu.memory_space<vmem_shared>>) target(%dma_start3A_366 : memref<6256xf32, #tpu.memory_space<vmem>>) target_semaphore(%arg17 : memref<!tpu.dma_semaphore, #tpu.memory_space<semaphore_mem>>)
    %dma_wait3A_369 = tpu.memref_slice %arg3[%add3A_351] : memref<3276800xi32, #tpu.memory_space<hbm>> -> memref<12800xi32, #tpu.memory_space<hbm>>
    %dma_wait3A_370 = tpu.memref_slice %arg3[%add3A_351] : memref<3276800xi32, #tpu.memory_space<hbm>> -> memref<12800xi32, #tpu.memory_space<hbm>>
    tpu.wait_dma2 semaphore(%arg14 : memref<!tpu.dma_semaphore, #tpu.memory_space<semaphore_mem>>) src(%dma_wait3A_370 : memref<12800xi32, #tpu.memory_space<hbm>>) dst(%arg8 : memref<12800xi32, #tpu.memory_space<vmem>>)
    %dma_wait3A_371 = tpu.memref_slice %arg4[%add3A_351] : memref<3276800xf32, #tpu.memory_space<hbm>> -> memref<12800xf32, #tpu.memory_space<hbm>>
    %dma_wait3A_372 = tpu.memref_slice %arg4[%add3A_351] : memref<3276800xf32, #tpu.memory_space<hbm>> -> memref<12800xf32, #tpu.memory_space<hbm>>
    tpu.wait_dma2 semaphore(%arg15 : memref<!tpu.dma_semaphore, #tpu.memory_space<semaphore_mem>>) src(%dma_wait3A_372 : memref<12800xf32, #tpu.memory_space<hbm>>) dst(%arg9 : memref<12800xf32, #tpu.memory_space<vmem>>)
    %dma_wait3A_373 = tpu.memref_slice %arg5[%add3A_357] : memref<102400xf32, #tpu.memory_space<hbm>> -> memref<400xf32, #tpu.memory_space<hbm>>
    %dma_wait3A_374 = tpu.memref_slice %arg5[%add3A_357] : memref<102400xf32, #tpu.memory_space<hbm>> -> memref<400xf32, #tpu.memory_space<hbm>>
    tpu.wait_dma2 semaphore(%arg16 : memref<!tpu.dma_semaphore, #tpu.memory_space<semaphore_mem>>) src(%dma_wait3A_374 : memref<400xf32, #tpu.memory_space<hbm>>) dst(%arg10 : memref<400xf32, #tpu.memory_space<vmem>>)
    %dma_wait3A_375 = arith.constant 50560 : i32
    %dma_wait3A_376 = tpu.memref_slice %arg7[%dma_wait3A_375] : memref<94352xf32, #tpu.memory_space<vmem>> -> memref<6256xf32, #tpu.memory_space<vmem>>
    %dma_wait3A_377 = arith.constant 0 : i32
    %dma_wait3A_378 = tpu.memref_slice %arg12[%dma_wait3A_377] : memref<6400xf32, #tpu.memory_space<vmem_shared>> -> memref<6256xf32, #tpu.memory_space<vmem_shared>>
    %dma_wait3A_379 = arith.constant 50560 : i32
    %dma_wait3A_380 = tpu.memref_slice %arg7[%dma_wait3A_379] : memref<94352xf32, #tpu.memory_space<vmem>> -> memref<6256xf32, #tpu.memory_space<vmem>>
    %dma_wait3A_381 = arith.constant 0 : i32
    %dma_wait3A_382 = tpu.memref_slice %arg12[%dma_wait3A_381] : memref<6400xf32, #tpu.memory_space<vmem_shared>> -> memref<6256xf32, #tpu.memory_space<vmem_shared>>
    tpu.wait_dma2 semaphore(%arg17 : memref<!tpu.dma_semaphore, #tpu.memory_space<semaphore_mem>>) src(%dma_wait3A_382 : memref<6256xf32, #tpu.memory_space<vmem_shared>>) dst(%dma_wait3A_380 : memref<6256xf32, #tpu.memory_space<vmem>>)
    %scan3A_383 = arith.constant 0 : i32
    %scan3A_384 = arith.constant 0 : i32
    %scan3A_385 = arith.constant 25 : i32
    %scan3A_386 = arith.addi %scan3A_384, %scan3A_385 : i32
    %scan3A_387 = arith.constant 1 : i32
    scf.for %scan3A_640 = %scan3A_384 to %scan3A_386 step %scan3A_387  : i32 {
      %mul3A_641 = arith.constant 16 : i32
      %mul3A_642 = arith.muli %scan3A_640, %mul3A_641 : i32
      %add3A_643 = vector.broadcast %mul3A_642 : i32 to vector<16xi32>
      %add3A_644 = arith.addi %add3A_643, %iota3A : vector<16xi32>
      %broadcast_in_dim3A = arith.constant 0.000000e+00 : f32
      %broadcast_in_dim3A_645 = vector.broadcast %broadcast_in_dim3A : f32 to vector<16xf32>
      %mul3A_646 = arith.constant 16 : i32
      %mul3A_647 = arith.muli %scan3A_640, %mul3A_646 : i32
      %get3A = arith.index_cast %mul3A_647 : i32 to index
      %get3A_648 = tpu.vector_load %arg10[%get3A] {strides = array<i32>} : memref<400xf32, #tpu.memory_space<vmem>>, vector<16xf32>,
      %parallel_loop3A = arith.constant 0 : i32
      %parallel_loop3A_649 = arith.constant 32 : i32
      %parallel_loop3A_650 = arith.constant 1 : i32
      %parallel_loop3A_651:4 = scf.for %parallel_loop3A_663 = %parallel_loop3A to %parallel_loop3A_649 step %parallel_loop3A_650 iter_args(%parallel_loop3A_664 = %get3A_648, %parallel_loop3A_665 = %broadcast_in_dim3A_645, %parallel_loop3A_666 = %broadcast_in_dim3A_645, %parallel_loop3A_667 = %broadcast_in_dim3A_645) -> (vector<16xf32>, vector<16xf32>, vector<16xf32>, vector<16xf32>)  : i32 {
        %parallel_loop3A_668 = arith.constant 400 : i32
        %parallel_loop3A_669 = arith.muli %parallel_loop3A_663, %parallel_loop3A_668 : i32
        %parallel_loop3A_670 = vector.broadcast %parallel_loop3A_669 : i32 to vector<16xi32>
        %parallel_loop3A_671 = arith.addi %parallel_loop3A_670, %add3A_644 : vector<16xi32>
        %parallel_loop3A_672 = tpu.vector_load_idx %arg8[%parallel_loop3A_671] : memref<12800xi32, #tpu.memory_space<vmem>>[vector<16xi32>], vector<16xi32>,
        %parallel_loop3A_673 = tpu.vector_load_idx %arg7[%parallel_loop3A_672] : memref<94352xf32, #tpu.memory_space<vmem>>[vector<16xi32>], vector<16xf32>,
        %parallel_loop3A_674 = tpu.vector_load_idx %arg9[%parallel_loop3A_671] : memref<12800xf32, #tpu.memory_space<vmem>>[vector<16xi32>], vector<16xf32>,
        %parallel_loop3A_675 = arith.mulf %parallel_loop3A_674, %parallel_loop3A_673 : vector<16xf32>
        %parallel_loop3A_676 = arith.addf %parallel_loop3A_664, %parallel_loop3A_675 : vector<16xf32>
        scf.yield %parallel_loop3A_665, %parallel_loop3A_666, %parallel_loop3A_667, %parallel_loop3A_676 : vector<16xf32>, vector<16xf32>, vector<16xf32>, vector<16xf32>
      } {sc.loop_unroll_factor = 8 : i64, sc.parallel_access}
      %add3A_652 = arith.addf %parallel_loop3A_651#0, %parallel_loop3A_651#1 : vector<16xf32>
      %add3A_653 = arith.addf %parallel_loop3A_651#2, %parallel_loop3A_651#3 : vector<16xf32>
      %add3A_654 = arith.addf %add3A_652, %add3A_653 : vector<16xf32>
      %neg3A = arith.constant 0.000000e+00 : f32
      %neg3A_655 = vector.broadcast %neg3A : f32 to vector<16xf32>
      %neg3A_656 = arith.subf %neg3A_655, %add3A_654 : vector<16xf32>
      %exp3A = math.exp %neg3A_656 : vector<16xf32>
      %add3A_657 = arith.constant 1.000000e+00 : f32
      %add3A_658 = vector.broadcast %add3A_657 : f32 to vector<16xf32>
      %add3A_659 = arith.addf %add3A_658, %exp3A : vector<16xf32>
      %div3A = arith.divf %add3A_654, %add3A_659 : vector<16xf32>
      %mul3A_660 = arith.constant 16 : i32
      %mul3A_661 = arith.muli %scan3A_640, %mul3A_660 : i32
      %swap3A = arith.index_cast %mul3A_661 : i32 to index
      %swap3A_662 = tpu.vector_load %arg11[%swap3A] {strides = array<i32>} : memref<400xf32, #tpu.memory_space<vmem>>, vector<16xf32>,
      tpu.vector_store %arg11[%swap3A], %div3A {strides = array<i32>} : memref<400xf32, #tpu.memory_space<vmem>>, vector<16xf32>,
    }
    %scan3A_388 = arith.constant 25 : i32
    %mul3A_389 = arith.constant 12800 : i32
    %mul3A_390 = arith.muli %arg1, %mul3A_389 : i32
    %add3A_391 = arith.constant 2048000 : i32
    %add3A_392 = arith.addi %add3A_391, %mul3A_390 : i32
    %dma_start3A_393 = tpu.memref_slice %arg3[%add3A_392] : memref<3276800xi32, #tpu.memory_space<hbm>> -> memref<12800xi32, #tpu.memory_space<hbm>>
    %dma_start3A_394 = tpu.memref_slice %arg3[%add3A_392] : memref<3276800xi32, #tpu.memory_space<hbm>> -> memref<12800xi32, #tpu.memory_space<hbm>>
    tpu.enqueue_dma source(%dma_start3A_394 : memref<12800xi32, #tpu.memory_space<hbm>>) target(%arg8 : memref<12800xi32, #tpu.memory_space<vmem>>) target_semaphore(%arg14 : memref<!tpu.dma_semaphore, #tpu.memory_space<semaphore_mem>>)
    %dma_start3A_395 = tpu.memref_slice %arg4[%add3A_392] : memref<3276800xf32, #tpu.memory_space<hbm>> -> memref<12800xf32, #tpu.memory_space<hbm>>
    %dma_start3A_396 = tpu.memref_slice %arg4[%add3A_392] : memref<3276800xf32, #tpu.memory_space<hbm>> -> memref<12800xf32, #tpu.memory_space<hbm>>
    tpu.enqueue_dma source(%dma_start3A_396 : memref<12800xf32, #tpu.memory_space<hbm>>) target(%arg9 : memref<12800xf32, #tpu.memory_space<vmem>>) target_semaphore(%arg15 : memref<!tpu.dma_semaphore, #tpu.memory_space<semaphore_mem>>)
    %add3A_397 = arith.constant 64000 : i32
    %add3A_398 = arith.addi %add3A_397, %mul3A_0 : i32
    %dma_start3A_399 = tpu.memref_slice %arg5[%add3A_398] : memref<102400xf32, #tpu.memory_space<hbm>> -> memref<400xf32, #tpu.memory_space<hbm>>
    %dma_start3A_400 = tpu.memref_slice %arg5[%add3A_398] : memref<102400xf32, #tpu.memory_space<hbm>> -> memref<400xf32, #tpu.memory_space<hbm>>
    tpu.enqueue_dma source(%dma_start3A_400 : memref<400xf32, #tpu.memory_space<hbm>>) target(%arg10 : memref<400xf32, #tpu.memory_space<vmem>>) target_semaphore(%arg16 : memref<!tpu.dma_semaphore, #tpu.memory_space<semaphore_mem>>)
    "tpu.region"() ({
      %run_scoped3A = tpu.sem_alloc : memref<!tpu.dma_semaphore, #tpu.memory_space<semaphore_mem>>
      %dma_start3A_640 = tpu.memref_slice %arg13[%mul3A_0] : memref<6400xf32, #tpu.memory_space<vmem_shared>> -> memref<400xf32, #tpu.memory_space<vmem_shared>>
      %dma_start3A_641 = tpu.memref_slice %arg13[%mul3A_0] : memref<6400xf32, #tpu.memory_space<vmem_shared>> -> memref<400xf32, #tpu.memory_space<vmem_shared>>
      tpu.enqueue_dma source(%arg11 : memref<400xf32, #tpu.memory_space<vmem>>) target(%dma_start3A_641 : memref<400xf32, #tpu.memory_space<vmem_shared>>) target_semaphore(%run_scoped3A : memref<!tpu.dma_semaphore, #tpu.memory_space<semaphore_mem>>)
      %dma_wait3A_642 = tpu.memref_slice %arg13[%mul3A_0] : memref<6400xf32, #tpu.memory_space<vmem_shared>> -> memref<400xf32, #tpu.memory_space<vmem_shared>>
      %dma_wait3A_643 = tpu.memref_slice %arg13[%mul3A_0] : memref<6400xf32, #tpu.memory_space<vmem_shared>> -> memref<400xf32, #tpu.memory_space<vmem_shared>>
      tpu.wait_dma2 semaphore(%run_scoped3A : memref<!tpu.dma_semaphore, #tpu.memory_space<semaphore_mem>>) src(%arg11 : memref<400xf32, #tpu.memory_space<vmem>>) dst(%dma_wait3A_643 : memref<400xf32, #tpu.memory_space<vmem_shared>>)
      tpu.yield
    }) : () -> ()
    %barrier3A_401 = arith.constant 0 : index
    tpu.barrier barrier_id(%barrier3A_401)
    %dma_start3A_402 = arith.constant 56816 : i32
    %dma_start3A_403 = tpu.memref_slice %arg7[%dma_start3A_402] : memref<94352xf32, #tpu.memory_space<vmem>> -> memref<6256xf32, #tpu.memory_space<vmem>>
    %dma_start3A_404 = arith.constant 0 : i32
    %dma_start3A_405 = tpu.memref_slice %arg13[%dma_start3A_404] : memref<6400xf32, #tpu.memory_space<vmem_shared>> -> memref<6256xf32, #tpu.memory_space<vmem_shared>>
    %dma_start3A_406 = arith.constant 56816 : i32
    %dma_start3A_407 = tpu.memref_slice %arg7[%dma_start3A_406] : memref<94352xf32, #tpu.memory_space<vmem>> -> memref<6256xf32, #tpu.memory_space<vmem>>
    %dma_start3A_408 = arith.constant 0 : i32
    %dma_start3A_409 = tpu.memref_slice %arg13[%dma_start3A_408] : memref<6400xf32, #tpu.memory_space<vmem_shared>> -> memref<6256xf32, #tpu.memory_space<vmem_shared>>
    tpu.enqueue_dma source(%dma_start3A_409 : memref<6256xf32, #tpu.memory_space<vmem_shared>>) target(%dma_start3A_407 : memref<6256xf32, #tpu.memory_space<vmem>>) target_semaphore(%arg17 : memref<!tpu.dma_semaphore, #tpu.memory_space<semaphore_mem>>)
    %dma_wait3A_410 = tpu.memref_slice %arg3[%add3A_392] : memref<3276800xi32, #tpu.memory_space<hbm>> -> memref<12800xi32, #tpu.memory_space<hbm>>
    %dma_wait3A_411 = tpu.memref_slice %arg3[%add3A_392] : memref<3276800xi32, #tpu.memory_space<hbm>> -> memref<12800xi32, #tpu.memory_space<hbm>>
    tpu.wait_dma2 semaphore(%arg14 : memref<!tpu.dma_semaphore, #tpu.memory_space<semaphore_mem>>) src(%dma_wait3A_411 : memref<12800xi32, #tpu.memory_space<hbm>>) dst(%arg8 : memref<12800xi32, #tpu.memory_space<vmem>>)
    %dma_wait3A_412 = tpu.memref_slice %arg4[%add3A_392] : memref<3276800xf32, #tpu.memory_space<hbm>> -> memref<12800xf32, #tpu.memory_space<hbm>>
    %dma_wait3A_413 = tpu.memref_slice %arg4[%add3A_392] : memref<3276800xf32, #tpu.memory_space<hbm>> -> memref<12800xf32, #tpu.memory_space<hbm>>
    tpu.wait_dma2 semaphore(%arg15 : memref<!tpu.dma_semaphore, #tpu.memory_space<semaphore_mem>>) src(%dma_wait3A_413 : memref<12800xf32, #tpu.memory_space<hbm>>) dst(%arg9 : memref<12800xf32, #tpu.memory_space<vmem>>)
    %dma_wait3A_414 = tpu.memref_slice %arg5[%add3A_398] : memref<102400xf32, #tpu.memory_space<hbm>> -> memref<400xf32, #tpu.memory_space<hbm>>
    %dma_wait3A_415 = tpu.memref_slice %arg5[%add3A_398] : memref<102400xf32, #tpu.memory_space<hbm>> -> memref<400xf32, #tpu.memory_space<hbm>>
    tpu.wait_dma2 semaphore(%arg16 : memref<!tpu.dma_semaphore, #tpu.memory_space<semaphore_mem>>) src(%dma_wait3A_415 : memref<400xf32, #tpu.memory_space<hbm>>) dst(%arg10 : memref<400xf32, #tpu.memory_space<vmem>>)
    %dma_wait3A_416 = arith.constant 56816 : i32
    %dma_wait3A_417 = tpu.memref_slice %arg7[%dma_wait3A_416] : memref<94352xf32, #tpu.memory_space<vmem>> -> memref<6256xf32, #tpu.memory_space<vmem>>
    %dma_wait3A_418 = arith.constant 0 : i32
    %dma_wait3A_419 = tpu.memref_slice %arg13[%dma_wait3A_418] : memref<6400xf32, #tpu.memory_space<vmem_shared>> -> memref<6256xf32, #tpu.memory_space<vmem_shared>>
    %dma_wait3A_420 = arith.constant 56816 : i32
    %dma_wait3A_421 = tpu.memref_slice %arg7[%dma_wait3A_420] : memref<94352xf32, #tpu.memory_space<vmem>> -> memref<6256xf32, #tpu.memory_space<vmem>>
    %dma_wait3A_422 = arith.constant 0 : i32
    %dma_wait3A_423 = tpu.memref_slice %arg13[%dma_wait3A_422] : memref<6400xf32, #tpu.memory_space<vmem_shared>> -> memref<6256xf32, #tpu.memory_space<vmem_shared>>
    tpu.wait_dma2 semaphore(%arg17 : memref<!tpu.dma_semaphore, #tpu.memory_space<semaphore_mem>>) src(%dma_wait3A_423 : memref<6256xf32, #tpu.memory_space<vmem_shared>>) dst(%dma_wait3A_421 : memref<6256xf32, #tpu.memory_space<vmem>>)
    %scan3A_424 = arith.constant 0 : i32
    %scan3A_425 = arith.constant 0 : i32
    %scan3A_426 = arith.constant 25 : i32
    %scan3A_427 = arith.addi %scan3A_425, %scan3A_426 : i32
    %scan3A_428 = arith.constant 1 : i32
    scf.for %scan3A_640 = %scan3A_425 to %scan3A_427 step %scan3A_428  : i32 {
      %mul3A_641 = arith.constant 16 : i32
      %mul3A_642 = arith.muli %scan3A_640, %mul3A_641 : i32
      %add3A_643 = vector.broadcast %mul3A_642 : i32 to vector<16xi32>
      %add3A_644 = arith.addi %add3A_643, %iota3A : vector<16xi32>
      %broadcast_in_dim3A = arith.constant 0.000000e+00 : f32
      %broadcast_in_dim3A_645 = vector.broadcast %broadcast_in_dim3A : f32 to vector<16xf32>
      %mul3A_646 = arith.constant 16 : i32
      %mul3A_647 = arith.muli %scan3A_640, %mul3A_646 : i32
      %get3A = arith.index_cast %mul3A_647 : i32 to index
      %get3A_648 = tpu.vector_load %arg10[%get3A] {strides = array<i32>} : memref<400xf32, #tpu.memory_space<vmem>>, vector<16xf32>,
      %parallel_loop3A = arith.constant 0 : i32
      %parallel_loop3A_649 = arith.constant 32 : i32
      %parallel_loop3A_650 = arith.constant 1 : i32
      %parallel_loop3A_651:4 = scf.for %parallel_loop3A_663 = %parallel_loop3A to %parallel_loop3A_649 step %parallel_loop3A_650 iter_args(%parallel_loop3A_664 = %get3A_648, %parallel_loop3A_665 = %broadcast_in_dim3A_645, %parallel_loop3A_666 = %broadcast_in_dim3A_645, %parallel_loop3A_667 = %broadcast_in_dim3A_645) -> (vector<16xf32>, vector<16xf32>, vector<16xf32>, vector<16xf32>)  : i32 {
        %parallel_loop3A_668 = arith.constant 400 : i32
        %parallel_loop3A_669 = arith.muli %parallel_loop3A_663, %parallel_loop3A_668 : i32
        %parallel_loop3A_670 = vector.broadcast %parallel_loop3A_669 : i32 to vector<16xi32>
        %parallel_loop3A_671 = arith.addi %parallel_loop3A_670, %add3A_644 : vector<16xi32>
        %parallel_loop3A_672 = tpu.vector_load_idx %arg8[%parallel_loop3A_671] : memref<12800xi32, #tpu.memory_space<vmem>>[vector<16xi32>], vector<16xi32>,
        %parallel_loop3A_673 = tpu.vector_load_idx %arg7[%parallel_loop3A_672] : memref<94352xf32, #tpu.memory_space<vmem>>[vector<16xi32>], vector<16xf32>,
        %parallel_loop3A_674 = tpu.vector_load_idx %arg9[%parallel_loop3A_671] : memref<12800xf32, #tpu.memory_space<vmem>>[vector<16xi32>], vector<16xf32>,
        %parallel_loop3A_675 = arith.mulf %parallel_loop3A_674, %parallel_loop3A_673 : vector<16xf32>
        %parallel_loop3A_676 = arith.addf %parallel_loop3A_664, %parallel_loop3A_675 : vector<16xf32>
        scf.yield %parallel_loop3A_665, %parallel_loop3A_666, %parallel_loop3A_667, %parallel_loop3A_676 : vector<16xf32>, vector<16xf32>, vector<16xf32>, vector<16xf32>
      } {sc.loop_unroll_factor = 8 : i64, sc.parallel_access}
      %add3A_652 = arith.addf %parallel_loop3A_651#0, %parallel_loop3A_651#1 : vector<16xf32>
      %add3A_653 = arith.addf %parallel_loop3A_651#2, %parallel_loop3A_651#3 : vector<16xf32>
      %add3A_654 = arith.addf %add3A_652, %add3A_653 : vector<16xf32>
      %neg3A = arith.constant 0.000000e+00 : f32
      %neg3A_655 = vector.broadcast %neg3A : f32 to vector<16xf32>
      %neg3A_656 = arith.subf %neg3A_655, %add3A_654 : vector<16xf32>
      %exp3A = math.exp %neg3A_656 : vector<16xf32>
      %add3A_657 = arith.constant 1.000000e+00 : f32
      %add3A_658 = vector.broadcast %add3A_657 : f32 to vector<16xf32>
      %add3A_659 = arith.addf %add3A_658, %exp3A : vector<16xf32>
      %div3A = arith.divf %add3A_654, %add3A_659 : vector<16xf32>
      %mul3A_660 = arith.constant 16 : i32
      %mul3A_661 = arith.muli %scan3A_640, %mul3A_660 : i32
      %swap3A = arith.index_cast %mul3A_661 : i32 to index
      %swap3A_662 = tpu.vector_load %arg11[%swap3A] {strides = array<i32>} : memref<400xf32, #tpu.memory_space<vmem>>, vector<16xf32>,
      tpu.vector_store %arg11[%swap3A], %div3A {strides = array<i32>} : memref<400xf32, #tpu.memory_space<vmem>>, vector<16xf32>,
    }
    %scan3A_429 = arith.constant 25 : i32
    %mul3A_430 = arith.constant 12800 : i32
    %mul3A_431 = arith.muli %arg1, %mul3A_430 : i32
    %add3A_432 = arith.constant 2252800 : i32
    %add3A_433 = arith.addi %add3A_432, %mul3A_431 : i32
    %dma_start3A_434 = tpu.memref_slice %arg3[%add3A_433] : memref<3276800xi32, #tpu.memory_space<hbm>> -> memref<12800xi32, #tpu.memory_space<hbm>>
    %dma_start3A_435 = tpu.memref_slice %arg3[%add3A_433] : memref<3276800xi32, #tpu.memory_space<hbm>> -> memref<12800xi32, #tpu.memory_space<hbm>>
    tpu.enqueue_dma source(%dma_start3A_435 : memref<12800xi32, #tpu.memory_space<hbm>>) target(%arg8 : memref<12800xi32, #tpu.memory_space<vmem>>) target_semaphore(%arg14 : memref<!tpu.dma_semaphore, #tpu.memory_space<semaphore_mem>>)
    %dma_start3A_436 = tpu.memref_slice %arg4[%add3A_433] : memref<3276800xf32, #tpu.memory_space<hbm>> -> memref<12800xf32, #tpu.memory_space<hbm>>
    %dma_start3A_437 = tpu.memref_slice %arg4[%add3A_433] : memref<3276800xf32, #tpu.memory_space<hbm>> -> memref<12800xf32, #tpu.memory_space<hbm>>
    tpu.enqueue_dma source(%dma_start3A_437 : memref<12800xf32, #tpu.memory_space<hbm>>) target(%arg9 : memref<12800xf32, #tpu.memory_space<vmem>>) target_semaphore(%arg15 : memref<!tpu.dma_semaphore, #tpu.memory_space<semaphore_mem>>)
    %add3A_438 = arith.constant 70400 : i32
    %add3A_439 = arith.addi %add3A_438, %mul3A_0 : i32
    %dma_start3A_440 = tpu.memref_slice %arg5[%add3A_439] : memref<102400xf32, #tpu.memory_space<hbm>> -> memref<400xf32, #tpu.memory_space<hbm>>
    %dma_start3A_441 = tpu.memref_slice %arg5[%add3A_439] : memref<102400xf32, #tpu.memory_space<hbm>> -> memref<400xf32, #tpu.memory_space<hbm>>
    tpu.enqueue_dma source(%dma_start3A_441 : memref<400xf32, #tpu.memory_space<hbm>>) target(%arg10 : memref<400xf32, #tpu.memory_space<vmem>>) target_semaphore(%arg16 : memref<!tpu.dma_semaphore, #tpu.memory_space<semaphore_mem>>)
    "tpu.region"() ({
      %run_scoped3A = tpu.sem_alloc : memref<!tpu.dma_semaphore, #tpu.memory_space<semaphore_mem>>
      %dma_start3A_640 = tpu.memref_slice %arg12[%mul3A_0] : memref<6400xf32, #tpu.memory_space<vmem_shared>> -> memref<400xf32, #tpu.memory_space<vmem_shared>>
      %dma_start3A_641 = tpu.memref_slice %arg12[%mul3A_0] : memref<6400xf32, #tpu.memory_space<vmem_shared>> -> memref<400xf32, #tpu.memory_space<vmem_shared>>
      tpu.enqueue_dma source(%arg11 : memref<400xf32, #tpu.memory_space<vmem>>) target(%dma_start3A_641 : memref<400xf32, #tpu.memory_space<vmem_shared>>) target_semaphore(%run_scoped3A : memref<!tpu.dma_semaphore, #tpu.memory_space<semaphore_mem>>)
      %dma_wait3A_642 = tpu.memref_slice %arg12[%mul3A_0] : memref<6400xf32, #tpu.memory_space<vmem_shared>> -> memref<400xf32, #tpu.memory_space<vmem_shared>>
      %dma_wait3A_643 = tpu.memref_slice %arg12[%mul3A_0] : memref<6400xf32, #tpu.memory_space<vmem_shared>> -> memref<400xf32, #tpu.memory_space<vmem_shared>>
      tpu.wait_dma2 semaphore(%run_scoped3A : memref<!tpu.dma_semaphore, #tpu.memory_space<semaphore_mem>>) src(%arg11 : memref<400xf32, #tpu.memory_space<vmem>>) dst(%dma_wait3A_643 : memref<400xf32, #tpu.memory_space<vmem_shared>>)
      tpu.yield
    }) : () -> ()
    %barrier3A_442 = arith.constant 0 : index
    tpu.barrier barrier_id(%barrier3A_442)
    %dma_start3A_443 = arith.constant 63072 : i32
    %dma_start3A_444 = tpu.memref_slice %arg7[%dma_start3A_443] : memref<94352xf32, #tpu.memory_space<vmem>> -> memref<6256xf32, #tpu.memory_space<vmem>>
    %dma_start3A_445 = arith.constant 0 : i32
    %dma_start3A_446 = tpu.memref_slice %arg12[%dma_start3A_445] : memref<6400xf32, #tpu.memory_space<vmem_shared>> -> memref<6256xf32, #tpu.memory_space<vmem_shared>>
    %dma_start3A_447 = arith.constant 63072 : i32
    %dma_start3A_448 = tpu.memref_slice %arg7[%dma_start3A_447] : memref<94352xf32, #tpu.memory_space<vmem>> -> memref<6256xf32, #tpu.memory_space<vmem>>
    %dma_start3A_449 = arith.constant 0 : i32
    %dma_start3A_450 = tpu.memref_slice %arg12[%dma_start3A_449] : memref<6400xf32, #tpu.memory_space<vmem_shared>> -> memref<6256xf32, #tpu.memory_space<vmem_shared>>
    tpu.enqueue_dma source(%dma_start3A_450 : memref<6256xf32, #tpu.memory_space<vmem_shared>>) target(%dma_start3A_448 : memref<6256xf32, #tpu.memory_space<vmem>>) target_semaphore(%arg17 : memref<!tpu.dma_semaphore, #tpu.memory_space<semaphore_mem>>)
    %dma_wait3A_451 = tpu.memref_slice %arg3[%add3A_433] : memref<3276800xi32, #tpu.memory_space<hbm>> -> memref<12800xi32, #tpu.memory_space<hbm>>
    %dma_wait3A_452 = tpu.memref_slice %arg3[%add3A_433] : memref<3276800xi32, #tpu.memory_space<hbm>> -> memref<12800xi32, #tpu.memory_space<hbm>>
    tpu.wait_dma2 semaphore(%arg14 : memref<!tpu.dma_semaphore, #tpu.memory_space<semaphore_mem>>) src(%dma_wait3A_452 : memref<12800xi32, #tpu.memory_space<hbm>>) dst(%arg8 : memref<12800xi32, #tpu.memory_space<vmem>>)
    %dma_wait3A_453 = tpu.memref_slice %arg4[%add3A_433] : memref<3276800xf32, #tpu.memory_space<hbm>> -> memref<12800xf32, #tpu.memory_space<hbm>>
    %dma_wait3A_454 = tpu.memref_slice %arg4[%add3A_433] : memref<3276800xf32, #tpu.memory_space<hbm>> -> memref<12800xf32, #tpu.memory_space<hbm>>
    tpu.wait_dma2 semaphore(%arg15 : memref<!tpu.dma_semaphore, #tpu.memory_space<semaphore_mem>>) src(%dma_wait3A_454 : memref<12800xf32, #tpu.memory_space<hbm>>) dst(%arg9 : memref<12800xf32, #tpu.memory_space<vmem>>)
    %dma_wait3A_455 = tpu.memref_slice %arg5[%add3A_439] : memref<102400xf32, #tpu.memory_space<hbm>> -> memref<400xf32, #tpu.memory_space<hbm>>
    %dma_wait3A_456 = tpu.memref_slice %arg5[%add3A_439] : memref<102400xf32, #tpu.memory_space<hbm>> -> memref<400xf32, #tpu.memory_space<hbm>>
    tpu.wait_dma2 semaphore(%arg16 : memref<!tpu.dma_semaphore, #tpu.memory_space<semaphore_mem>>) src(%dma_wait3A_456 : memref<400xf32, #tpu.memory_space<hbm>>) dst(%arg10 : memref<400xf32, #tpu.memory_space<vmem>>)
    %dma_wait3A_457 = arith.constant 63072 : i32
    %dma_wait3A_458 = tpu.memref_slice %arg7[%dma_wait3A_457] : memref<94352xf32, #tpu.memory_space<vmem>> -> memref<6256xf32, #tpu.memory_space<vmem>>
    %dma_wait3A_459 = arith.constant 0 : i32
    %dma_wait3A_460 = tpu.memref_slice %arg12[%dma_wait3A_459] : memref<6400xf32, #tpu.memory_space<vmem_shared>> -> memref<6256xf32, #tpu.memory_space<vmem_shared>>
    %dma_wait3A_461 = arith.constant 63072 : i32
    %dma_wait3A_462 = tpu.memref_slice %arg7[%dma_wait3A_461] : memref<94352xf32, #tpu.memory_space<vmem>> -> memref<6256xf32, #tpu.memory_space<vmem>>
    %dma_wait3A_463 = arith.constant 0 : i32
    %dma_wait3A_464 = tpu.memref_slice %arg12[%dma_wait3A_463] : memref<6400xf32, #tpu.memory_space<vmem_shared>> -> memref<6256xf32, #tpu.memory_space<vmem_shared>>
    tpu.wait_dma2 semaphore(%arg17 : memref<!tpu.dma_semaphore, #tpu.memory_space<semaphore_mem>>) src(%dma_wait3A_464 : memref<6256xf32, #tpu.memory_space<vmem_shared>>) dst(%dma_wait3A_462 : memref<6256xf32, #tpu.memory_space<vmem>>)
    %scan3A_465 = arith.constant 0 : i32
    %scan3A_466 = arith.constant 0 : i32
    %scan3A_467 = arith.constant 25 : i32
    %scan3A_468 = arith.addi %scan3A_466, %scan3A_467 : i32
    %scan3A_469 = arith.constant 1 : i32
    scf.for %scan3A_640 = %scan3A_466 to %scan3A_468 step %scan3A_469  : i32 {
      %mul3A_641 = arith.constant 16 : i32
      %mul3A_642 = arith.muli %scan3A_640, %mul3A_641 : i32
      %add3A_643 = vector.broadcast %mul3A_642 : i32 to vector<16xi32>
      %add3A_644 = arith.addi %add3A_643, %iota3A : vector<16xi32>
      %broadcast_in_dim3A = arith.constant 0.000000e+00 : f32
      %broadcast_in_dim3A_645 = vector.broadcast %broadcast_in_dim3A : f32 to vector<16xf32>
      %mul3A_646 = arith.constant 16 : i32
      %mul3A_647 = arith.muli %scan3A_640, %mul3A_646 : i32
      %get3A = arith.index_cast %mul3A_647 : i32 to index
      %get3A_648 = tpu.vector_load %arg10[%get3A] {strides = array<i32>} : memref<400xf32, #tpu.memory_space<vmem>>, vector<16xf32>,
      %parallel_loop3A = arith.constant 0 : i32
      %parallel_loop3A_649 = arith.constant 32 : i32
      %parallel_loop3A_650 = arith.constant 1 : i32
      %parallel_loop3A_651:4 = scf.for %parallel_loop3A_663 = %parallel_loop3A to %parallel_loop3A_649 step %parallel_loop3A_650 iter_args(%parallel_loop3A_664 = %get3A_648, %parallel_loop3A_665 = %broadcast_in_dim3A_645, %parallel_loop3A_666 = %broadcast_in_dim3A_645, %parallel_loop3A_667 = %broadcast_in_dim3A_645) -> (vector<16xf32>, vector<16xf32>, vector<16xf32>, vector<16xf32>)  : i32 {
        %parallel_loop3A_668 = arith.constant 400 : i32
        %parallel_loop3A_669 = arith.muli %parallel_loop3A_663, %parallel_loop3A_668 : i32
        %parallel_loop3A_670 = vector.broadcast %parallel_loop3A_669 : i32 to vector<16xi32>
        %parallel_loop3A_671 = arith.addi %parallel_loop3A_670, %add3A_644 : vector<16xi32>
        %parallel_loop3A_672 = tpu.vector_load_idx %arg8[%parallel_loop3A_671] : memref<12800xi32, #tpu.memory_space<vmem>>[vector<16xi32>], vector<16xi32>,
        %parallel_loop3A_673 = tpu.vector_load_idx %arg7[%parallel_loop3A_672] : memref<94352xf32, #tpu.memory_space<vmem>>[vector<16xi32>], vector<16xf32>,
        %parallel_loop3A_674 = tpu.vector_load_idx %arg9[%parallel_loop3A_671] : memref<12800xf32, #tpu.memory_space<vmem>>[vector<16xi32>], vector<16xf32>,
        %parallel_loop3A_675 = arith.mulf %parallel_loop3A_674, %parallel_loop3A_673 : vector<16xf32>
        %parallel_loop3A_676 = arith.addf %parallel_loop3A_664, %parallel_loop3A_675 : vector<16xf32>
        scf.yield %parallel_loop3A_665, %parallel_loop3A_666, %parallel_loop3A_667, %parallel_loop3A_676 : vector<16xf32>, vector<16xf32>, vector<16xf32>, vector<16xf32>
      } {sc.loop_unroll_factor = 8 : i64, sc.parallel_access}
      %add3A_652 = arith.addf %parallel_loop3A_651#0, %parallel_loop3A_651#1 : vector<16xf32>
      %add3A_653 = arith.addf %parallel_loop3A_651#2, %parallel_loop3A_651#3 : vector<16xf32>
      %add3A_654 = arith.addf %add3A_652, %add3A_653 : vector<16xf32>
      %neg3A = arith.constant 0.000000e+00 : f32
      %neg3A_655 = vector.broadcast %neg3A : f32 to vector<16xf32>
      %neg3A_656 = arith.subf %neg3A_655, %add3A_654 : vector<16xf32>
      %exp3A = math.exp %neg3A_656 : vector<16xf32>
      %add3A_657 = arith.constant 1.000000e+00 : f32
      %add3A_658 = vector.broadcast %add3A_657 : f32 to vector<16xf32>
      %add3A_659 = arith.addf %add3A_658, %exp3A : vector<16xf32>
      %div3A = arith.divf %add3A_654, %add3A_659 : vector<16xf32>
      %mul3A_660 = arith.constant 16 : i32
      %mul3A_661 = arith.muli %scan3A_640, %mul3A_660 : i32
      %swap3A = arith.index_cast %mul3A_661 : i32 to index
      %swap3A_662 = tpu.vector_load %arg11[%swap3A] {strides = array<i32>} : memref<400xf32, #tpu.memory_space<vmem>>, vector<16xf32>,
      tpu.vector_store %arg11[%swap3A], %div3A {strides = array<i32>} : memref<400xf32, #tpu.memory_space<vmem>>, vector<16xf32>,
    }
    %scan3A_470 = arith.constant 25 : i32
    %mul3A_471 = arith.constant 12800 : i32
    %mul3A_472 = arith.muli %arg1, %mul3A_471 : i32
    %add3A_473 = arith.constant 2457600 : i32
    %add3A_474 = arith.addi %add3A_473, %mul3A_472 : i32
    %dma_start3A_475 = tpu.memref_slice %arg3[%add3A_474] : memref<3276800xi32, #tpu.memory_space<hbm>> -> memref<12800xi32, #tpu.memory_space<hbm>>
    %dma_start3A_476 = tpu.memref_slice %arg3[%add3A_474] : memref<3276800xi32, #tpu.memory_space<hbm>> -> memref<12800xi32, #tpu.memory_space<hbm>>
    tpu.enqueue_dma source(%dma_start3A_476 : memref<12800xi32, #tpu.memory_space<hbm>>) target(%arg8 : memref<12800xi32, #tpu.memory_space<vmem>>) target_semaphore(%arg14 : memref<!tpu.dma_semaphore, #tpu.memory_space<semaphore_mem>>)
    %dma_start3A_477 = tpu.memref_slice %arg4[%add3A_474] : memref<3276800xf32, #tpu.memory_space<hbm>> -> memref<12800xf32, #tpu.memory_space<hbm>>
    %dma_start3A_478 = tpu.memref_slice %arg4[%add3A_474] : memref<3276800xf32, #tpu.memory_space<hbm>> -> memref<12800xf32, #tpu.memory_space<hbm>>
    tpu.enqueue_dma source(%dma_start3A_478 : memref<12800xf32, #tpu.memory_space<hbm>>) target(%arg9 : memref<12800xf32, #tpu.memory_space<vmem>>) target_semaphore(%arg15 : memref<!tpu.dma_semaphore, #tpu.memory_space<semaphore_mem>>)
    %add3A_479 = arith.constant 76800 : i32
    %add3A_480 = arith.addi %add3A_479, %mul3A_0 : i32
    %dma_start3A_481 = tpu.memref_slice %arg5[%add3A_480] : memref<102400xf32, #tpu.memory_space<hbm>> -> memref<400xf32, #tpu.memory_space<hbm>>
    %dma_start3A_482 = tpu.memref_slice %arg5[%add3A_480] : memref<102400xf32, #tpu.memory_space<hbm>> -> memref<400xf32, #tpu.memory_space<hbm>>
    tpu.enqueue_dma source(%dma_start3A_482 : memref<400xf32, #tpu.memory_space<hbm>>) target(%arg10 : memref<400xf32, #tpu.memory_space<vmem>>) target_semaphore(%arg16 : memref<!tpu.dma_semaphore, #tpu.memory_space<semaphore_mem>>)
    "tpu.region"() ({
      %run_scoped3A = tpu.sem_alloc : memref<!tpu.dma_semaphore, #tpu.memory_space<semaphore_mem>>
      %dma_start3A_640 = tpu.memref_slice %arg13[%mul3A_0] : memref<6400xf32, #tpu.memory_space<vmem_shared>> -> memref<400xf32, #tpu.memory_space<vmem_shared>>
      %dma_start3A_641 = tpu.memref_slice %arg13[%mul3A_0] : memref<6400xf32, #tpu.memory_space<vmem_shared>> -> memref<400xf32, #tpu.memory_space<vmem_shared>>
      tpu.enqueue_dma source(%arg11 : memref<400xf32, #tpu.memory_space<vmem>>) target(%dma_start3A_641 : memref<400xf32, #tpu.memory_space<vmem_shared>>) target_semaphore(%run_scoped3A : memref<!tpu.dma_semaphore, #tpu.memory_space<semaphore_mem>>)
      %dma_wait3A_642 = tpu.memref_slice %arg13[%mul3A_0] : memref<6400xf32, #tpu.memory_space<vmem_shared>> -> memref<400xf32, #tpu.memory_space<vmem_shared>>
      %dma_wait3A_643 = tpu.memref_slice %arg13[%mul3A_0] : memref<6400xf32, #tpu.memory_space<vmem_shared>> -> memref<400xf32, #tpu.memory_space<vmem_shared>>
      tpu.wait_dma2 semaphore(%run_scoped3A : memref<!tpu.dma_semaphore, #tpu.memory_space<semaphore_mem>>) src(%arg11 : memref<400xf32, #tpu.memory_space<vmem>>) dst(%dma_wait3A_643 : memref<400xf32, #tpu.memory_space<vmem_shared>>)
      tpu.yield
    }) : () -> ()
    %barrier3A_483 = arith.constant 0 : index
    tpu.barrier barrier_id(%barrier3A_483)
    %dma_start3A_484 = arith.constant 69328 : i32
    %dma_start3A_485 = tpu.memref_slice %arg7[%dma_start3A_484] : memref<94352xf32, #tpu.memory_space<vmem>> -> memref<6256xf32, #tpu.memory_space<vmem>>
    %dma_start3A_486 = arith.constant 0 : i32
    %dma_start3A_487 = tpu.memref_slice %arg13[%dma_start3A_486] : memref<6400xf32, #tpu.memory_space<vmem_shared>> -> memref<6256xf32, #tpu.memory_space<vmem_shared>>
    %dma_start3A_488 = arith.constant 69328 : i32
    %dma_start3A_489 = tpu.memref_slice %arg7[%dma_start3A_488] : memref<94352xf32, #tpu.memory_space<vmem>> -> memref<6256xf32, #tpu.memory_space<vmem>>
    %dma_start3A_490 = arith.constant 0 : i32
    %dma_start3A_491 = tpu.memref_slice %arg13[%dma_start3A_490] : memref<6400xf32, #tpu.memory_space<vmem_shared>> -> memref<6256xf32, #tpu.memory_space<vmem_shared>>
    tpu.enqueue_dma source(%dma_start3A_491 : memref<6256xf32, #tpu.memory_space<vmem_shared>>) target(%dma_start3A_489 : memref<6256xf32, #tpu.memory_space<vmem>>) target_semaphore(%arg17 : memref<!tpu.dma_semaphore, #tpu.memory_space<semaphore_mem>>)
    %dma_wait3A_492 = tpu.memref_slice %arg3[%add3A_474] : memref<3276800xi32, #tpu.memory_space<hbm>> -> memref<12800xi32, #tpu.memory_space<hbm>>
    %dma_wait3A_493 = tpu.memref_slice %arg3[%add3A_474] : memref<3276800xi32, #tpu.memory_space<hbm>> -> memref<12800xi32, #tpu.memory_space<hbm>>
    tpu.wait_dma2 semaphore(%arg14 : memref<!tpu.dma_semaphore, #tpu.memory_space<semaphore_mem>>) src(%dma_wait3A_493 : memref<12800xi32, #tpu.memory_space<hbm>>) dst(%arg8 : memref<12800xi32, #tpu.memory_space<vmem>>)
    %dma_wait3A_494 = tpu.memref_slice %arg4[%add3A_474] : memref<3276800xf32, #tpu.memory_space<hbm>> -> memref<12800xf32, #tpu.memory_space<hbm>>
    %dma_wait3A_495 = tpu.memref_slice %arg4[%add3A_474] : memref<3276800xf32, #tpu.memory_space<hbm>> -> memref<12800xf32, #tpu.memory_space<hbm>>
    tpu.wait_dma2 semaphore(%arg15 : memref<!tpu.dma_semaphore, #tpu.memory_space<semaphore_mem>>) src(%dma_wait3A_495 : memref<12800xf32, #tpu.memory_space<hbm>>) dst(%arg9 : memref<12800xf32, #tpu.memory_space<vmem>>)
    %dma_wait3A_496 = tpu.memref_slice %arg5[%add3A_480] : memref<102400xf32, #tpu.memory_space<hbm>> -> memref<400xf32, #tpu.memory_space<hbm>>
    %dma_wait3A_497 = tpu.memref_slice %arg5[%add3A_480] : memref<102400xf32, #tpu.memory_space<hbm>> -> memref<400xf32, #tpu.memory_space<hbm>>
    tpu.wait_dma2 semaphore(%arg16 : memref<!tpu.dma_semaphore, #tpu.memory_space<semaphore_mem>>) src(%dma_wait3A_497 : memref<400xf32, #tpu.memory_space<hbm>>) dst(%arg10 : memref<400xf32, #tpu.memory_space<vmem>>)
    %dma_wait3A_498 = arith.constant 69328 : i32
    %dma_wait3A_499 = tpu.memref_slice %arg7[%dma_wait3A_498] : memref<94352xf32, #tpu.memory_space<vmem>> -> memref<6256xf32, #tpu.memory_space<vmem>>
    %dma_wait3A_500 = arith.constant 0 : i32
    %dma_wait3A_501 = tpu.memref_slice %arg13[%dma_wait3A_500] : memref<6400xf32, #tpu.memory_space<vmem_shared>> -> memref<6256xf32, #tpu.memory_space<vmem_shared>>
    %dma_wait3A_502 = arith.constant 69328 : i32
    %dma_wait3A_503 = tpu.memref_slice %arg7[%dma_wait3A_502] : memref<94352xf32, #tpu.memory_space<vmem>> -> memref<6256xf32, #tpu.memory_space<vmem>>
    %dma_wait3A_504 = arith.constant 0 : i32
    %dma_wait3A_505 = tpu.memref_slice %arg13[%dma_wait3A_504] : memref<6400xf32, #tpu.memory_space<vmem_shared>> -> memref<6256xf32, #tpu.memory_space<vmem_shared>>
    tpu.wait_dma2 semaphore(%arg17 : memref<!tpu.dma_semaphore, #tpu.memory_space<semaphore_mem>>) src(%dma_wait3A_505 : memref<6256xf32, #tpu.memory_space<vmem_shared>>) dst(%dma_wait3A_503 : memref<6256xf32, #tpu.memory_space<vmem>>)
    %scan3A_506 = arith.constant 0 : i32
    %scan3A_507 = arith.constant 0 : i32
    %scan3A_508 = arith.constant 25 : i32
    %scan3A_509 = arith.addi %scan3A_507, %scan3A_508 : i32
    %scan3A_510 = arith.constant 1 : i32
    scf.for %scan3A_640 = %scan3A_507 to %scan3A_509 step %scan3A_510  : i32 {
      %mul3A_641 = arith.constant 16 : i32
      %mul3A_642 = arith.muli %scan3A_640, %mul3A_641 : i32
      %add3A_643 = vector.broadcast %mul3A_642 : i32 to vector<16xi32>
      %add3A_644 = arith.addi %add3A_643, %iota3A : vector<16xi32>
      %broadcast_in_dim3A = arith.constant 0.000000e+00 : f32
      %broadcast_in_dim3A_645 = vector.broadcast %broadcast_in_dim3A : f32 to vector<16xf32>
      %mul3A_646 = arith.constant 16 : i32
      %mul3A_647 = arith.muli %scan3A_640, %mul3A_646 : i32
      %get3A = arith.index_cast %mul3A_647 : i32 to index
      %get3A_648 = tpu.vector_load %arg10[%get3A] {strides = array<i32>} : memref<400xf32, #tpu.memory_space<vmem>>, vector<16xf32>,
      %parallel_loop3A = arith.constant 0 : i32
      %parallel_loop3A_649 = arith.constant 32 : i32
      %parallel_loop3A_650 = arith.constant 1 : i32
      %parallel_loop3A_651:4 = scf.for %parallel_loop3A_663 = %parallel_loop3A to %parallel_loop3A_649 step %parallel_loop3A_650 iter_args(%parallel_loop3A_664 = %get3A_648, %parallel_loop3A_665 = %broadcast_in_dim3A_645, %parallel_loop3A_666 = %broadcast_in_dim3A_645, %parallel_loop3A_667 = %broadcast_in_dim3A_645) -> (vector<16xf32>, vector<16xf32>, vector<16xf32>, vector<16xf32>)  : i32 {
        %parallel_loop3A_668 = arith.constant 400 : i32
        %parallel_loop3A_669 = arith.muli %parallel_loop3A_663, %parallel_loop3A_668 : i32
        %parallel_loop3A_670 = vector.broadcast %parallel_loop3A_669 : i32 to vector<16xi32>
        %parallel_loop3A_671 = arith.addi %parallel_loop3A_670, %add3A_644 : vector<16xi32>
        %parallel_loop3A_672 = tpu.vector_load_idx %arg8[%parallel_loop3A_671] : memref<12800xi32, #tpu.memory_space<vmem>>[vector<16xi32>], vector<16xi32>,
        %parallel_loop3A_673 = tpu.vector_load_idx %arg7[%parallel_loop3A_672] : memref<94352xf32, #tpu.memory_space<vmem>>[vector<16xi32>], vector<16xf32>,
        %parallel_loop3A_674 = tpu.vector_load_idx %arg9[%parallel_loop3A_671] : memref<12800xf32, #tpu.memory_space<vmem>>[vector<16xi32>], vector<16xf32>,
        %parallel_loop3A_675 = arith.mulf %parallel_loop3A_674, %parallel_loop3A_673 : vector<16xf32>
        %parallel_loop3A_676 = arith.addf %parallel_loop3A_664, %parallel_loop3A_675 : vector<16xf32>
        scf.yield %parallel_loop3A_665, %parallel_loop3A_666, %parallel_loop3A_667, %parallel_loop3A_676 : vector<16xf32>, vector<16xf32>, vector<16xf32>, vector<16xf32>
      } {sc.loop_unroll_factor = 8 : i64, sc.parallel_access}
      %add3A_652 = arith.addf %parallel_loop3A_651#0, %parallel_loop3A_651#1 : vector<16xf32>
      %add3A_653 = arith.addf %parallel_loop3A_651#2, %parallel_loop3A_651#3 : vector<16xf32>
      %add3A_654 = arith.addf %add3A_652, %add3A_653 : vector<16xf32>
      %neg3A = arith.constant 0.000000e+00 : f32
      %neg3A_655 = vector.broadcast %neg3A : f32 to vector<16xf32>
      %neg3A_656 = arith.subf %neg3A_655, %add3A_654 : vector<16xf32>
      %exp3A = math.exp %neg3A_656 : vector<16xf32>
      %add3A_657 = arith.constant 1.000000e+00 : f32
      %add3A_658 = vector.broadcast %add3A_657 : f32 to vector<16xf32>
      %add3A_659 = arith.addf %add3A_658, %exp3A : vector<16xf32>
      %div3A = arith.divf %add3A_654, %add3A_659 : vector<16xf32>
      %mul3A_660 = arith.constant 16 : i32
      %mul3A_661 = arith.muli %scan3A_640, %mul3A_660 : i32
      %swap3A = arith.index_cast %mul3A_661 : i32 to index
      %swap3A_662 = tpu.vector_load %arg11[%swap3A] {strides = array<i32>} : memref<400xf32, #tpu.memory_space<vmem>>, vector<16xf32>,
      tpu.vector_store %arg11[%swap3A], %div3A {strides = array<i32>} : memref<400xf32, #tpu.memory_space<vmem>>, vector<16xf32>,
    }
    %scan3A_511 = arith.constant 25 : i32
    %mul3A_512 = arith.constant 12800 : i32
    %mul3A_513 = arith.muli %arg1, %mul3A_512 : i32
    %add3A_514 = arith.constant 2662400 : i32
    %add3A_515 = arith.addi %add3A_514, %mul3A_513 : i32
    %dma_start3A_516 = tpu.memref_slice %arg3[%add3A_515] : memref<3276800xi32, #tpu.memory_space<hbm>> -> memref<12800xi32, #tpu.memory_space<hbm>>
    %dma_start3A_517 = tpu.memref_slice %arg3[%add3A_515] : memref<3276800xi32, #tpu.memory_space<hbm>> -> memref<12800xi32, #tpu.memory_space<hbm>>
    tpu.enqueue_dma source(%dma_start3A_517 : memref<12800xi32, #tpu.memory_space<hbm>>) target(%arg8 : memref<12800xi32, #tpu.memory_space<vmem>>) target_semaphore(%arg14 : memref<!tpu.dma_semaphore, #tpu.memory_space<semaphore_mem>>)
    %dma_start3A_518 = tpu.memref_slice %arg4[%add3A_515] : memref<3276800xf32, #tpu.memory_space<hbm>> -> memref<12800xf32, #tpu.memory_space<hbm>>
    %dma_start3A_519 = tpu.memref_slice %arg4[%add3A_515] : memref<3276800xf32, #tpu.memory_space<hbm>> -> memref<12800xf32, #tpu.memory_space<hbm>>
    tpu.enqueue_dma source(%dma_start3A_519 : memref<12800xf32, #tpu.memory_space<hbm>>) target(%arg9 : memref<12800xf32, #tpu.memory_space<vmem>>) target_semaphore(%arg15 : memref<!tpu.dma_semaphore, #tpu.memory_space<semaphore_mem>>)
    %add3A_520 = arith.constant 83200 : i32
    %add3A_521 = arith.addi %add3A_520, %mul3A_0 : i32
    %dma_start3A_522 = tpu.memref_slice %arg5[%add3A_521] : memref<102400xf32, #tpu.memory_space<hbm>> -> memref<400xf32, #tpu.memory_space<hbm>>
    %dma_start3A_523 = tpu.memref_slice %arg5[%add3A_521] : memref<102400xf32, #tpu.memory_space<hbm>> -> memref<400xf32, #tpu.memory_space<hbm>>
    tpu.enqueue_dma source(%dma_start3A_523 : memref<400xf32, #tpu.memory_space<hbm>>) target(%arg10 : memref<400xf32, #tpu.memory_space<vmem>>) target_semaphore(%arg16 : memref<!tpu.dma_semaphore, #tpu.memory_space<semaphore_mem>>)
    "tpu.region"() ({
      %run_scoped3A = tpu.sem_alloc : memref<!tpu.dma_semaphore, #tpu.memory_space<semaphore_mem>>
      %dma_start3A_640 = tpu.memref_slice %arg12[%mul3A_0] : memref<6400xf32, #tpu.memory_space<vmem_shared>> -> memref<400xf32, #tpu.memory_space<vmem_shared>>
      %dma_start3A_641 = tpu.memref_slice %arg12[%mul3A_0] : memref<6400xf32, #tpu.memory_space<vmem_shared>> -> memref<400xf32, #tpu.memory_space<vmem_shared>>
      tpu.enqueue_dma source(%arg11 : memref<400xf32, #tpu.memory_space<vmem>>) target(%dma_start3A_641 : memref<400xf32, #tpu.memory_space<vmem_shared>>) target_semaphore(%run_scoped3A : memref<!tpu.dma_semaphore, #tpu.memory_space<semaphore_mem>>)
      %dma_wait3A_642 = tpu.memref_slice %arg12[%mul3A_0] : memref<6400xf32, #tpu.memory_space<vmem_shared>> -> memref<400xf32, #tpu.memory_space<vmem_shared>>
      %dma_wait3A_643 = tpu.memref_slice %arg12[%mul3A_0] : memref<6400xf32, #tpu.memory_space<vmem_shared>> -> memref<400xf32, #tpu.memory_space<vmem_shared>>
      tpu.wait_dma2 semaphore(%run_scoped3A : memref<!tpu.dma_semaphore, #tpu.memory_space<semaphore_mem>>) src(%arg11 : memref<400xf32, #tpu.memory_space<vmem>>) dst(%dma_wait3A_643 : memref<400xf32, #tpu.memory_space<vmem_shared>>)
      tpu.yield
    }) : () -> ()
    %barrier3A_524 = arith.constant 0 : index
    tpu.barrier barrier_id(%barrier3A_524)
    %dma_start3A_525 = arith.constant 75584 : i32
    %dma_start3A_526 = tpu.memref_slice %arg7[%dma_start3A_525] : memref<94352xf32, #tpu.memory_space<vmem>> -> memref<6256xf32, #tpu.memory_space<vmem>>
    %dma_start3A_527 = arith.constant 0 : i32
    %dma_start3A_528 = tpu.memref_slice %arg12[%dma_start3A_527] : memref<6400xf32, #tpu.memory_space<vmem_shared>> -> memref<6256xf32, #tpu.memory_space<vmem_shared>>
    %dma_start3A_529 = arith.constant 75584 : i32
    %dma_start3A_530 = tpu.memref_slice %arg7[%dma_start3A_529] : memref<94352xf32, #tpu.memory_space<vmem>> -> memref<6256xf32, #tpu.memory_space<vmem>>
    %dma_start3A_531 = arith.constant 0 : i32
    %dma_start3A_532 = tpu.memref_slice %arg12[%dma_start3A_531] : memref<6400xf32, #tpu.memory_space<vmem_shared>> -> memref<6256xf32, #tpu.memory_space<vmem_shared>>
    tpu.enqueue_dma source(%dma_start3A_532 : memref<6256xf32, #tpu.memory_space<vmem_shared>>) target(%dma_start3A_530 : memref<6256xf32, #tpu.memory_space<vmem>>) target_semaphore(%arg17 : memref<!tpu.dma_semaphore, #tpu.memory_space<semaphore_mem>>)
    %dma_wait3A_533 = tpu.memref_slice %arg3[%add3A_515] : memref<3276800xi32, #tpu.memory_space<hbm>> -> memref<12800xi32, #tpu.memory_space<hbm>>
    %dma_wait3A_534 = tpu.memref_slice %arg3[%add3A_515] : memref<3276800xi32, #tpu.memory_space<hbm>> -> memref<12800xi32, #tpu.memory_space<hbm>>
    tpu.wait_dma2 semaphore(%arg14 : memref<!tpu.dma_semaphore, #tpu.memory_space<semaphore_mem>>) src(%dma_wait3A_534 : memref<12800xi32, #tpu.memory_space<hbm>>) dst(%arg8 : memref<12800xi32, #tpu.memory_space<vmem>>)
    %dma_wait3A_535 = tpu.memref_slice %arg4[%add3A_515] : memref<3276800xf32, #tpu.memory_space<hbm>> -> memref<12800xf32, #tpu.memory_space<hbm>>
    %dma_wait3A_536 = tpu.memref_slice %arg4[%add3A_515] : memref<3276800xf32, #tpu.memory_space<hbm>> -> memref<12800xf32, #tpu.memory_space<hbm>>
    tpu.wait_dma2 semaphore(%arg15 : memref<!tpu.dma_semaphore, #tpu.memory_space<semaphore_mem>>) src(%dma_wait3A_536 : memref<12800xf32, #tpu.memory_space<hbm>>) dst(%arg9 : memref<12800xf32, #tpu.memory_space<vmem>>)
    %dma_wait3A_537 = tpu.memref_slice %arg5[%add3A_521] : memref<102400xf32, #tpu.memory_space<hbm>> -> memref<400xf32, #tpu.memory_space<hbm>>
    %dma_wait3A_538 = tpu.memref_slice %arg5[%add3A_521] : memref<102400xf32, #tpu.memory_space<hbm>> -> memref<400xf32, #tpu.memory_space<hbm>>
    tpu.wait_dma2 semaphore(%arg16 : memref<!tpu.dma_semaphore, #tpu.memory_space<semaphore_mem>>) src(%dma_wait3A_538 : memref<400xf32, #tpu.memory_space<hbm>>) dst(%arg10 : memref<400xf32, #tpu.memory_space<vmem>>)
    %dma_wait3A_539 = arith.constant 75584 : i32
    %dma_wait3A_540 = tpu.memref_slice %arg7[%dma_wait3A_539] : memref<94352xf32, #tpu.memory_space<vmem>> -> memref<6256xf32, #tpu.memory_space<vmem>>
    %dma_wait3A_541 = arith.constant 0 : i32
    %dma_wait3A_542 = tpu.memref_slice %arg12[%dma_wait3A_541] : memref<6400xf32, #tpu.memory_space<vmem_shared>> -> memref<6256xf32, #tpu.memory_space<vmem_shared>>
    %dma_wait3A_543 = arith.constant 75584 : i32
    %dma_wait3A_544 = tpu.memref_slice %arg7[%dma_wait3A_543] : memref<94352xf32, #tpu.memory_space<vmem>> -> memref<6256xf32, #tpu.memory_space<vmem>>
    %dma_wait3A_545 = arith.constant 0 : i32
    %dma_wait3A_546 = tpu.memref_slice %arg12[%dma_wait3A_545] : memref<6400xf32, #tpu.memory_space<vmem_shared>> -> memref<6256xf32, #tpu.memory_space<vmem_shared>>
    tpu.wait_dma2 semaphore(%arg17 : memref<!tpu.dma_semaphore, #tpu.memory_space<semaphore_mem>>) src(%dma_wait3A_546 : memref<6256xf32, #tpu.memory_space<vmem_shared>>) dst(%dma_wait3A_544 : memref<6256xf32, #tpu.memory_space<vmem>>)
    %scan3A_547 = arith.constant 0 : i32
    %scan3A_548 = arith.constant 0 : i32
    %scan3A_549 = arith.constant 25 : i32
    %scan3A_550 = arith.addi %scan3A_548, %scan3A_549 : i32
    %scan3A_551 = arith.constant 1 : i32
    scf.for %scan3A_640 = %scan3A_548 to %scan3A_550 step %scan3A_551  : i32 {
      %mul3A_641 = arith.constant 16 : i32
      %mul3A_642 = arith.muli %scan3A_640, %mul3A_641 : i32
      %add3A_643 = vector.broadcast %mul3A_642 : i32 to vector<16xi32>
      %add3A_644 = arith.addi %add3A_643, %iota3A : vector<16xi32>
      %broadcast_in_dim3A = arith.constant 0.000000e+00 : f32
      %broadcast_in_dim3A_645 = vector.broadcast %broadcast_in_dim3A : f32 to vector<16xf32>
      %mul3A_646 = arith.constant 16 : i32
      %mul3A_647 = arith.muli %scan3A_640, %mul3A_646 : i32
      %get3A = arith.index_cast %mul3A_647 : i32 to index
      %get3A_648 = tpu.vector_load %arg10[%get3A] {strides = array<i32>} : memref<400xf32, #tpu.memory_space<vmem>>, vector<16xf32>,
      %parallel_loop3A = arith.constant 0 : i32
      %parallel_loop3A_649 = arith.constant 32 : i32
      %parallel_loop3A_650 = arith.constant 1 : i32
      %parallel_loop3A_651:4 = scf.for %parallel_loop3A_663 = %parallel_loop3A to %parallel_loop3A_649 step %parallel_loop3A_650 iter_args(%parallel_loop3A_664 = %get3A_648, %parallel_loop3A_665 = %broadcast_in_dim3A_645, %parallel_loop3A_666 = %broadcast_in_dim3A_645, %parallel_loop3A_667 = %broadcast_in_dim3A_645) -> (vector<16xf32>, vector<16xf32>, vector<16xf32>, vector<16xf32>)  : i32 {
        %parallel_loop3A_668 = arith.constant 400 : i32
        %parallel_loop3A_669 = arith.muli %parallel_loop3A_663, %parallel_loop3A_668 : i32
        %parallel_loop3A_670 = vector.broadcast %parallel_loop3A_669 : i32 to vector<16xi32>
        %parallel_loop3A_671 = arith.addi %parallel_loop3A_670, %add3A_644 : vector<16xi32>
        %parallel_loop3A_672 = tpu.vector_load_idx %arg8[%parallel_loop3A_671] : memref<12800xi32, #tpu.memory_space<vmem>>[vector<16xi32>], vector<16xi32>,
        %parallel_loop3A_673 = tpu.vector_load_idx %arg7[%parallel_loop3A_672] : memref<94352xf32, #tpu.memory_space<vmem>>[vector<16xi32>], vector<16xf32>,
        %parallel_loop3A_674 = tpu.vector_load_idx %arg9[%parallel_loop3A_671] : memref<12800xf32, #tpu.memory_space<vmem>>[vector<16xi32>], vector<16xf32>,
        %parallel_loop3A_675 = arith.mulf %parallel_loop3A_674, %parallel_loop3A_673 : vector<16xf32>
        %parallel_loop3A_676 = arith.addf %parallel_loop3A_664, %parallel_loop3A_675 : vector<16xf32>
        scf.yield %parallel_loop3A_665, %parallel_loop3A_666, %parallel_loop3A_667, %parallel_loop3A_676 : vector<16xf32>, vector<16xf32>, vector<16xf32>, vector<16xf32>
      } {sc.loop_unroll_factor = 8 : i64, sc.parallel_access}
      %add3A_652 = arith.addf %parallel_loop3A_651#0, %parallel_loop3A_651#1 : vector<16xf32>
      %add3A_653 = arith.addf %parallel_loop3A_651#2, %parallel_loop3A_651#3 : vector<16xf32>
      %add3A_654 = arith.addf %add3A_652, %add3A_653 : vector<16xf32>
      %neg3A = arith.constant 0.000000e+00 : f32
      %neg3A_655 = vector.broadcast %neg3A : f32 to vector<16xf32>
      %neg3A_656 = arith.subf %neg3A_655, %add3A_654 : vector<16xf32>
      %exp3A = math.exp %neg3A_656 : vector<16xf32>
      %add3A_657 = arith.constant 1.000000e+00 : f32
      %add3A_658 = vector.broadcast %add3A_657 : f32 to vector<16xf32>
      %add3A_659 = arith.addf %add3A_658, %exp3A : vector<16xf32>
      %div3A = arith.divf %add3A_654, %add3A_659 : vector<16xf32>
      %mul3A_660 = arith.constant 16 : i32
      %mul3A_661 = arith.muli %scan3A_640, %mul3A_660 : i32
      %swap3A = arith.index_cast %mul3A_661 : i32 to index
      %swap3A_662 = tpu.vector_load %arg11[%swap3A] {strides = array<i32>} : memref<400xf32, #tpu.memory_space<vmem>>, vector<16xf32>,
      tpu.vector_store %arg11[%swap3A], %div3A {strides = array<i32>} : memref<400xf32, #tpu.memory_space<vmem>>, vector<16xf32>,
    }
    %scan3A_552 = arith.constant 25 : i32
    %mul3A_553 = arith.constant 12800 : i32
    %mul3A_554 = arith.muli %arg1, %mul3A_553 : i32
    %add3A_555 = arith.constant 2867200 : i32
    %add3A_556 = arith.addi %add3A_555, %mul3A_554 : i32
    %dma_start3A_557 = tpu.memref_slice %arg3[%add3A_556] : memref<3276800xi32, #tpu.memory_space<hbm>> -> memref<12800xi32, #tpu.memory_space<hbm>>
    %dma_start3A_558 = tpu.memref_slice %arg3[%add3A_556] : memref<3276800xi32, #tpu.memory_space<hbm>> -> memref<12800xi32, #tpu.memory_space<hbm>>
    tpu.enqueue_dma source(%dma_start3A_558 : memref<12800xi32, #tpu.memory_space<hbm>>) target(%arg8 : memref<12800xi32, #tpu.memory_space<vmem>>) target_semaphore(%arg14 : memref<!tpu.dma_semaphore, #tpu.memory_space<semaphore_mem>>)
    %dma_start3A_559 = tpu.memref_slice %arg4[%add3A_556] : memref<3276800xf32, #tpu.memory_space<hbm>> -> memref<12800xf32, #tpu.memory_space<hbm>>
    %dma_start3A_560 = tpu.memref_slice %arg4[%add3A_556] : memref<3276800xf32, #tpu.memory_space<hbm>> -> memref<12800xf32, #tpu.memory_space<hbm>>
    tpu.enqueue_dma source(%dma_start3A_560 : memref<12800xf32, #tpu.memory_space<hbm>>) target(%arg9 : memref<12800xf32, #tpu.memory_space<vmem>>) target_semaphore(%arg15 : memref<!tpu.dma_semaphore, #tpu.memory_space<semaphore_mem>>)
    %add3A_561 = arith.constant 89600 : i32
    %add3A_562 = arith.addi %add3A_561, %mul3A_0 : i32
    %dma_start3A_563 = tpu.memref_slice %arg5[%add3A_562] : memref<102400xf32, #tpu.memory_space<hbm>> -> memref<400xf32, #tpu.memory_space<hbm>>
    %dma_start3A_564 = tpu.memref_slice %arg5[%add3A_562] : memref<102400xf32, #tpu.memory_space<hbm>> -> memref<400xf32, #tpu.memory_space<hbm>>
    tpu.enqueue_dma source(%dma_start3A_564 : memref<400xf32, #tpu.memory_space<hbm>>) target(%arg10 : memref<400xf32, #tpu.memory_space<vmem>>) target_semaphore(%arg16 : memref<!tpu.dma_semaphore, #tpu.memory_space<semaphore_mem>>)
    "tpu.region"() ({
      %run_scoped3A = tpu.sem_alloc : memref<!tpu.dma_semaphore, #tpu.memory_space<semaphore_mem>>
      %dma_start3A_640 = tpu.memref_slice %arg13[%mul3A_0] : memref<6400xf32, #tpu.memory_space<vmem_shared>> -> memref<400xf32, #tpu.memory_space<vmem_shared>>
      %dma_start3A_641 = tpu.memref_slice %arg13[%mul3A_0] : memref<6400xf32, #tpu.memory_space<vmem_shared>> -> memref<400xf32, #tpu.memory_space<vmem_shared>>
      tpu.enqueue_dma source(%arg11 : memref<400xf32, #tpu.memory_space<vmem>>) target(%dma_start3A_641 : memref<400xf32, #tpu.memory_space<vmem_shared>>) target_semaphore(%run_scoped3A : memref<!tpu.dma_semaphore, #tpu.memory_space<semaphore_mem>>)
      %dma_wait3A_642 = tpu.memref_slice %arg13[%mul3A_0] : memref<6400xf32, #tpu.memory_space<vmem_shared>> -> memref<400xf32, #tpu.memory_space<vmem_shared>>
      %dma_wait3A_643 = tpu.memref_slice %arg13[%mul3A_0] : memref<6400xf32, #tpu.memory_space<vmem_shared>> -> memref<400xf32, #tpu.memory_space<vmem_shared>>
      tpu.wait_dma2 semaphore(%run_scoped3A : memref<!tpu.dma_semaphore, #tpu.memory_space<semaphore_mem>>) src(%arg11 : memref<400xf32, #tpu.memory_space<vmem>>) dst(%dma_wait3A_643 : memref<400xf32, #tpu.memory_space<vmem_shared>>)
      tpu.yield
    }) : () -> ()
    %barrier3A_565 = arith.constant 0 : index
    tpu.barrier barrier_id(%barrier3A_565)
    %dma_start3A_566 = arith.constant 81840 : i32
    %dma_start3A_567 = tpu.memref_slice %arg7[%dma_start3A_566] : memref<94352xf32, #tpu.memory_space<vmem>> -> memref<6256xf32, #tpu.memory_space<vmem>>
    %dma_start3A_568 = arith.constant 0 : i32
    %dma_start3A_569 = tpu.memref_slice %arg13[%dma_start3A_568] : memref<6400xf32, #tpu.memory_space<vmem_shared>> -> memref<6256xf32, #tpu.memory_space<vmem_shared>>
    %dma_start3A_570 = arith.constant 81840 : i32
    %dma_start3A_571 = tpu.memref_slice %arg7[%dma_start3A_570] : memref<94352xf32, #tpu.memory_space<vmem>> -> memref<6256xf32, #tpu.memory_space<vmem>>
    %dma_start3A_572 = arith.constant 0 : i32
    %dma_start3A_573 = tpu.memref_slice %arg13[%dma_start3A_572] : memref<6400xf32, #tpu.memory_space<vmem_shared>> -> memref<6256xf32, #tpu.memory_space<vmem_shared>>
    tpu.enqueue_dma source(%dma_start3A_573 : memref<6256xf32, #tpu.memory_space<vmem_shared>>) target(%dma_start3A_571 : memref<6256xf32, #tpu.memory_space<vmem>>) target_semaphore(%arg17 : memref<!tpu.dma_semaphore, #tpu.memory_space<semaphore_mem>>)
    %dma_wait3A_574 = tpu.memref_slice %arg3[%add3A_556] : memref<3276800xi32, #tpu.memory_space<hbm>> -> memref<12800xi32, #tpu.memory_space<hbm>>
    %dma_wait3A_575 = tpu.memref_slice %arg3[%add3A_556] : memref<3276800xi32, #tpu.memory_space<hbm>> -> memref<12800xi32, #tpu.memory_space<hbm>>
    tpu.wait_dma2 semaphore(%arg14 : memref<!tpu.dma_semaphore, #tpu.memory_space<semaphore_mem>>) src(%dma_wait3A_575 : memref<12800xi32, #tpu.memory_space<hbm>>) dst(%arg8 : memref<12800xi32, #tpu.memory_space<vmem>>)
    %dma_wait3A_576 = tpu.memref_slice %arg4[%add3A_556] : memref<3276800xf32, #tpu.memory_space<hbm>> -> memref<12800xf32, #tpu.memory_space<hbm>>
    %dma_wait3A_577 = tpu.memref_slice %arg4[%add3A_556] : memref<3276800xf32, #tpu.memory_space<hbm>> -> memref<12800xf32, #tpu.memory_space<hbm>>
    tpu.wait_dma2 semaphore(%arg15 : memref<!tpu.dma_semaphore, #tpu.memory_space<semaphore_mem>>) src(%dma_wait3A_577 : memref<12800xf32, #tpu.memory_space<hbm>>) dst(%arg9 : memref<12800xf32, #tpu.memory_space<vmem>>)
    %dma_wait3A_578 = tpu.memref_slice %arg5[%add3A_562] : memref<102400xf32, #tpu.memory_space<hbm>> -> memref<400xf32, #tpu.memory_space<hbm>>
    %dma_wait3A_579 = tpu.memref_slice %arg5[%add3A_562] : memref<102400xf32, #tpu.memory_space<hbm>> -> memref<400xf32, #tpu.memory_space<hbm>>
    tpu.wait_dma2 semaphore(%arg16 : memref<!tpu.dma_semaphore, #tpu.memory_space<semaphore_mem>>) src(%dma_wait3A_579 : memref<400xf32, #tpu.memory_space<hbm>>) dst(%arg10 : memref<400xf32, #tpu.memory_space<vmem>>)
    %dma_wait3A_580 = arith.constant 81840 : i32
    %dma_wait3A_581 = tpu.memref_slice %arg7[%dma_wait3A_580] : memref<94352xf32, #tpu.memory_space<vmem>> -> memref<6256xf32, #tpu.memory_space<vmem>>
    %dma_wait3A_582 = arith.constant 0 : i32
    %dma_wait3A_583 = tpu.memref_slice %arg13[%dma_wait3A_582] : memref<6400xf32, #tpu.memory_space<vmem_shared>> -> memref<6256xf32, #tpu.memory_space<vmem_shared>>
    %dma_wait3A_584 = arith.constant 81840 : i32
    %dma_wait3A_585 = tpu.memref_slice %arg7[%dma_wait3A_584] : memref<94352xf32, #tpu.memory_space<vmem>> -> memref<6256xf32, #tpu.memory_space<vmem>>
    %dma_wait3A_586 = arith.constant 0 : i32
    %dma_wait3A_587 = tpu.memref_slice %arg13[%dma_wait3A_586] : memref<6400xf32, #tpu.memory_space<vmem_shared>> -> memref<6256xf32, #tpu.memory_space<vmem_shared>>
    tpu.wait_dma2 semaphore(%arg17 : memref<!tpu.dma_semaphore, #tpu.memory_space<semaphore_mem>>) src(%dma_wait3A_587 : memref<6256xf32, #tpu.memory_space<vmem_shared>>) dst(%dma_wait3A_585 : memref<6256xf32, #tpu.memory_space<vmem>>)
    %scan3A_588 = arith.constant 0 : i32
    %scan3A_589 = arith.constant 0 : i32
    %scan3A_590 = arith.constant 25 : i32
    %scan3A_591 = arith.addi %scan3A_589, %scan3A_590 : i32
    %scan3A_592 = arith.constant 1 : i32
    scf.for %scan3A_640 = %scan3A_589 to %scan3A_591 step %scan3A_592  : i32 {
      %mul3A_641 = arith.constant 16 : i32
      %mul3A_642 = arith.muli %scan3A_640, %mul3A_641 : i32
      %add3A_643 = vector.broadcast %mul3A_642 : i32 to vector<16xi32>
      %add3A_644 = arith.addi %add3A_643, %iota3A : vector<16xi32>
      %broadcast_in_dim3A = arith.constant 0.000000e+00 : f32
      %broadcast_in_dim3A_645 = vector.broadcast %broadcast_in_dim3A : f32 to vector<16xf32>
      %mul3A_646 = arith.constant 16 : i32
      %mul3A_647 = arith.muli %scan3A_640, %mul3A_646 : i32
      %get3A = arith.index_cast %mul3A_647 : i32 to index
      %get3A_648 = tpu.vector_load %arg10[%get3A] {strides = array<i32>} : memref<400xf32, #tpu.memory_space<vmem>>, vector<16xf32>,
      %parallel_loop3A = arith.constant 0 : i32
      %parallel_loop3A_649 = arith.constant 32 : i32
      %parallel_loop3A_650 = arith.constant 1 : i32
      %parallel_loop3A_651:4 = scf.for %parallel_loop3A_663 = %parallel_loop3A to %parallel_loop3A_649 step %parallel_loop3A_650 iter_args(%parallel_loop3A_664 = %get3A_648, %parallel_loop3A_665 = %broadcast_in_dim3A_645, %parallel_loop3A_666 = %broadcast_in_dim3A_645, %parallel_loop3A_667 = %broadcast_in_dim3A_645) -> (vector<16xf32>, vector<16xf32>, vector<16xf32>, vector<16xf32>)  : i32 {
        %parallel_loop3A_668 = arith.constant 400 : i32
        %parallel_loop3A_669 = arith.muli %parallel_loop3A_663, %parallel_loop3A_668 : i32
        %parallel_loop3A_670 = vector.broadcast %parallel_loop3A_669 : i32 to vector<16xi32>
        %parallel_loop3A_671 = arith.addi %parallel_loop3A_670, %add3A_644 : vector<16xi32>
        %parallel_loop3A_672 = tpu.vector_load_idx %arg8[%parallel_loop3A_671] : memref<12800xi32, #tpu.memory_space<vmem>>[vector<16xi32>], vector<16xi32>,
        %parallel_loop3A_673 = tpu.vector_load_idx %arg7[%parallel_loop3A_672] : memref<94352xf32, #tpu.memory_space<vmem>>[vector<16xi32>], vector<16xf32>,
        %parallel_loop3A_674 = tpu.vector_load_idx %arg9[%parallel_loop3A_671] : memref<12800xf32, #tpu.memory_space<vmem>>[vector<16xi32>], vector<16xf32>,
        %parallel_loop3A_675 = arith.mulf %parallel_loop3A_674, %parallel_loop3A_673 : vector<16xf32>
        %parallel_loop3A_676 = arith.addf %parallel_loop3A_664, %parallel_loop3A_675 : vector<16xf32>
        scf.yield %parallel_loop3A_665, %parallel_loop3A_666, %parallel_loop3A_667, %parallel_loop3A_676 : vector<16xf32>, vector<16xf32>, vector<16xf32>, vector<16xf32>
      } {sc.loop_unroll_factor = 8 : i64, sc.parallel_access}
      %add3A_652 = arith.addf %parallel_loop3A_651#0, %parallel_loop3A_651#1 : vector<16xf32>
      %add3A_653 = arith.addf %parallel_loop3A_651#2, %parallel_loop3A_651#3 : vector<16xf32>
      %add3A_654 = arith.addf %add3A_652, %add3A_653 : vector<16xf32>
      %neg3A = arith.constant 0.000000e+00 : f32
      %neg3A_655 = vector.broadcast %neg3A : f32 to vector<16xf32>
      %neg3A_656 = arith.subf %neg3A_655, %add3A_654 : vector<16xf32>
      %exp3A = math.exp %neg3A_656 : vector<16xf32>
      %add3A_657 = arith.constant 1.000000e+00 : f32
      %add3A_658 = vector.broadcast %add3A_657 : f32 to vector<16xf32>
      %add3A_659 = arith.addf %add3A_658, %exp3A : vector<16xf32>
      %div3A = arith.divf %add3A_654, %add3A_659 : vector<16xf32>
      %mul3A_660 = arith.constant 16 : i32
      %mul3A_661 = arith.muli %scan3A_640, %mul3A_660 : i32
      %swap3A = arith.index_cast %mul3A_661 : i32 to index
      %swap3A_662 = tpu.vector_load %arg11[%swap3A] {strides = array<i32>} : memref<400xf32, #tpu.memory_space<vmem>>, vector<16xf32>,
      tpu.vector_store %arg11[%swap3A], %div3A {strides = array<i32>} : memref<400xf32, #tpu.memory_space<vmem>>, vector<16xf32>,
    }
    %scan3A_593 = arith.constant 25 : i32
    %mul3A_594 = arith.constant 12800 : i32
    %mul3A_595 = arith.muli %arg1, %mul3A_594 : i32
    %add3A_596 = arith.constant 3072000 : i32
    %add3A_597 = arith.addi %add3A_596, %mul3A_595 : i32
    %dma_start3A_598 = tpu.memref_slice %arg3[%add3A_597] : memref<3276800xi32, #tpu.memory_space<hbm>> -> memref<12800xi32, #tpu.memory_space<hbm>>
    %dma_start3A_599 = tpu.memref_slice %arg3[%add3A_597] : memref<3276800xi32, #tpu.memory_space<hbm>> -> memref<12800xi32, #tpu.memory_space<hbm>>
    tpu.enqueue_dma source(%dma_start3A_599 : memref<12800xi32, #tpu.memory_space<hbm>>) target(%arg8 : memref<12800xi32, #tpu.memory_space<vmem>>) target_semaphore(%arg14 : memref<!tpu.dma_semaphore, #tpu.memory_space<semaphore_mem>>)
    %dma_start3A_600 = tpu.memref_slice %arg4[%add3A_597] : memref<3276800xf32, #tpu.memory_space<hbm>> -> memref<12800xf32, #tpu.memory_space<hbm>>
    %dma_start3A_601 = tpu.memref_slice %arg4[%add3A_597] : memref<3276800xf32, #tpu.memory_space<hbm>> -> memref<12800xf32, #tpu.memory_space<hbm>>
    tpu.enqueue_dma source(%dma_start3A_601 : memref<12800xf32, #tpu.memory_space<hbm>>) target(%arg9 : memref<12800xf32, #tpu.memory_space<vmem>>) target_semaphore(%arg15 : memref<!tpu.dma_semaphore, #tpu.memory_space<semaphore_mem>>)
    %add3A_602 = arith.constant 96000 : i32
    %add3A_603 = arith.addi %add3A_602, %mul3A_0 : i32
    %dma_start3A_604 = tpu.memref_slice %arg5[%add3A_603] : memref<102400xf32, #tpu.memory_space<hbm>> -> memref<400xf32, #tpu.memory_space<hbm>>
    %dma_start3A_605 = tpu.memref_slice %arg5[%add3A_603] : memref<102400xf32, #tpu.memory_space<hbm>> -> memref<400xf32, #tpu.memory_space<hbm>>
    tpu.enqueue_dma source(%dma_start3A_605 : memref<400xf32, #tpu.memory_space<hbm>>) target(%arg10 : memref<400xf32, #tpu.memory_space<vmem>>) target_semaphore(%arg16 : memref<!tpu.dma_semaphore, #tpu.memory_space<semaphore_mem>>)
    "tpu.region"() ({
      %run_scoped3A = tpu.sem_alloc : memref<!tpu.dma_semaphore, #tpu.memory_space<semaphore_mem>>
      %dma_start3A_640 = tpu.memref_slice %arg12[%mul3A_0] : memref<6400xf32, #tpu.memory_space<vmem_shared>> -> memref<400xf32, #tpu.memory_space<vmem_shared>>
      %dma_start3A_641 = tpu.memref_slice %arg12[%mul3A_0] : memref<6400xf32, #tpu.memory_space<vmem_shared>> -> memref<400xf32, #tpu.memory_space<vmem_shared>>
      tpu.enqueue_dma source(%arg11 : memref<400xf32, #tpu.memory_space<vmem>>) target(%dma_start3A_641 : memref<400xf32, #tpu.memory_space<vmem_shared>>) target_semaphore(%run_scoped3A : memref<!tpu.dma_semaphore, #tpu.memory_space<semaphore_mem>>)
      %dma_wait3A_642 = tpu.memref_slice %arg12[%mul3A_0] : memref<6400xf32, #tpu.memory_space<vmem_shared>> -> memref<400xf32, #tpu.memory_space<vmem_shared>>
      %dma_wait3A_643 = tpu.memref_slice %arg12[%mul3A_0] : memref<6400xf32, #tpu.memory_space<vmem_shared>> -> memref<400xf32, #tpu.memory_space<vmem_shared>>
      tpu.wait_dma2 semaphore(%run_scoped3A : memref<!tpu.dma_semaphore, #tpu.memory_space<semaphore_mem>>) src(%arg11 : memref<400xf32, #tpu.memory_space<vmem>>) dst(%dma_wait3A_643 : memref<400xf32, #tpu.memory_space<vmem_shared>>)
      tpu.yield
    }) : () -> ()
    %barrier3A_606 = arith.constant 0 : index
    tpu.barrier barrier_id(%barrier3A_606)
    %dma_start3A_607 = arith.constant 88096 : i32
    %dma_start3A_608 = tpu.memref_slice %arg7[%dma_start3A_607] : memref<94352xf32, #tpu.memory_space<vmem>> -> memref<6256xf32, #tpu.memory_space<vmem>>
    %dma_start3A_609 = arith.constant 0 : i32
    %dma_start3A_610 = tpu.memref_slice %arg12[%dma_start3A_609] : memref<6400xf32, #tpu.memory_space<vmem_shared>> -> memref<6256xf32, #tpu.memory_space<vmem_shared>>
    %dma_start3A_611 = arith.constant 88096 : i32
    %dma_start3A_612 = tpu.memref_slice %arg7[%dma_start3A_611] : memref<94352xf32, #tpu.memory_space<vmem>> -> memref<6256xf32, #tpu.memory_space<vmem>>
    %dma_start3A_613 = arith.constant 0 : i32
    %dma_start3A_614 = tpu.memref_slice %arg12[%dma_start3A_613] : memref<6400xf32, #tpu.memory_space<vmem_shared>> -> memref<6256xf32, #tpu.memory_space<vmem_shared>>
    tpu.enqueue_dma source(%dma_start3A_614 : memref<6256xf32, #tpu.memory_space<vmem_shared>>) target(%dma_start3A_612 : memref<6256xf32, #tpu.memory_space<vmem>>) target_semaphore(%arg17 : memref<!tpu.dma_semaphore, #tpu.memory_space<semaphore_mem>>)
    %dma_wait3A_615 = tpu.memref_slice %arg3[%add3A_597] : memref<3276800xi32, #tpu.memory_space<hbm>> -> memref<12800xi32, #tpu.memory_space<hbm>>
    %dma_wait3A_616 = tpu.memref_slice %arg3[%add3A_597] : memref<3276800xi32, #tpu.memory_space<hbm>> -> memref<12800xi32, #tpu.memory_space<hbm>>
    tpu.wait_dma2 semaphore(%arg14 : memref<!tpu.dma_semaphore, #tpu.memory_space<semaphore_mem>>) src(%dma_wait3A_616 : memref<12800xi32, #tpu.memory_space<hbm>>) dst(%arg8 : memref<12800xi32, #tpu.memory_space<vmem>>)
    %dma_wait3A_617 = tpu.memref_slice %arg4[%add3A_597] : memref<3276800xf32, #tpu.memory_space<hbm>> -> memref<12800xf32, #tpu.memory_space<hbm>>
    %dma_wait3A_618 = tpu.memref_slice %arg4[%add3A_597] : memref<3276800xf32, #tpu.memory_space<hbm>> -> memref<12800xf32, #tpu.memory_space<hbm>>
    tpu.wait_dma2 semaphore(%arg15 : memref<!tpu.dma_semaphore, #tpu.memory_space<semaphore_mem>>) src(%dma_wait3A_618 : memref<12800xf32, #tpu.memory_space<hbm>>) dst(%arg9 : memref<12800xf32, #tpu.memory_space<vmem>>)
    %dma_wait3A_619 = tpu.memref_slice %arg5[%add3A_603] : memref<102400xf32, #tpu.memory_space<hbm>> -> memref<400xf32, #tpu.memory_space<hbm>>
    %dma_wait3A_620 = tpu.memref_slice %arg5[%add3A_603] : memref<102400xf32, #tpu.memory_space<hbm>> -> memref<400xf32, #tpu.memory_space<hbm>>
    tpu.wait_dma2 semaphore(%arg16 : memref<!tpu.dma_semaphore, #tpu.memory_space<semaphore_mem>>) src(%dma_wait3A_620 : memref<400xf32, #tpu.memory_space<hbm>>) dst(%arg10 : memref<400xf32, #tpu.memory_space<vmem>>)
    %dma_wait3A_621 = arith.constant 88096 : i32
    %dma_wait3A_622 = tpu.memref_slice %arg7[%dma_wait3A_621] : memref<94352xf32, #tpu.memory_space<vmem>> -> memref<6256xf32, #tpu.memory_space<vmem>>
    %dma_wait3A_623 = arith.constant 0 : i32
    %dma_wait3A_624 = tpu.memref_slice %arg12[%dma_wait3A_623] : memref<6400xf32, #tpu.memory_space<vmem_shared>> -> memref<6256xf32, #tpu.memory_space<vmem_shared>>
    %dma_wait3A_625 = arith.constant 88096 : i32
    %dma_wait3A_626 = tpu.memref_slice %arg7[%dma_wait3A_625] : memref<94352xf32, #tpu.memory_space<vmem>> -> memref<6256xf32, #tpu.memory_space<vmem>>
    %dma_wait3A_627 = arith.constant 0 : i32
    %dma_wait3A_628 = tpu.memref_slice %arg12[%dma_wait3A_627] : memref<6400xf32, #tpu.memory_space<vmem_shared>> -> memref<6256xf32, #tpu.memory_space<vmem_shared>>
    tpu.wait_dma2 semaphore(%arg17 : memref<!tpu.dma_semaphore, #tpu.memory_space<semaphore_mem>>) src(%dma_wait3A_628 : memref<6256xf32, #tpu.memory_space<vmem_shared>>) dst(%dma_wait3A_626 : memref<6256xf32, #tpu.memory_space<vmem>>)
    %scan3A_629 = arith.constant 0 : i32
    %scan3A_630 = arith.constant 0 : i32
    %scan3A_631 = arith.constant 25 : i32
    %scan3A_632 = arith.addi %scan3A_630, %scan3A_631 : i32
    %scan3A_633 = arith.constant 1 : i32
    scf.for %scan3A_640 = %scan3A_630 to %scan3A_632 step %scan3A_633  : i32 {
      %mul3A_641 = arith.constant 16 : i32
      %mul3A_642 = arith.muli %scan3A_640, %mul3A_641 : i32
      %add3A_643 = vector.broadcast %mul3A_642 : i32 to vector<16xi32>
      %add3A_644 = arith.addi %add3A_643, %iota3A : vector<16xi32>
      %broadcast_in_dim3A = arith.constant 0.000000e+00 : f32
      %broadcast_in_dim3A_645 = vector.broadcast %broadcast_in_dim3A : f32 to vector<16xf32>
      %mul3A_646 = arith.constant 16 : i32
      %mul3A_647 = arith.muli %scan3A_640, %mul3A_646 : i32
      %get3A = arith.index_cast %mul3A_647 : i32 to index
      %get3A_648 = tpu.vector_load %arg10[%get3A] {strides = array<i32>} : memref<400xf32, #tpu.memory_space<vmem>>, vector<16xf32>,
      %parallel_loop3A = arith.constant 0 : i32
      %parallel_loop3A_649 = arith.constant 32 : i32
      %parallel_loop3A_650 = arith.constant 1 : i32
      %parallel_loop3A_651:4 = scf.for %parallel_loop3A_658 = %parallel_loop3A to %parallel_loop3A_649 step %parallel_loop3A_650 iter_args(%parallel_loop3A_659 = %get3A_648, %parallel_loop3A_660 = %broadcast_in_dim3A_645, %parallel_loop3A_661 = %broadcast_in_dim3A_645, %parallel_loop3A_662 = %broadcast_in_dim3A_645) -> (vector<16xf32>, vector<16xf32>, vector<16xf32>, vector<16xf32>)  : i32 {
        %parallel_loop3A_663 = arith.constant 400 : i32
        %parallel_loop3A_664 = arith.muli %parallel_loop3A_658, %parallel_loop3A_663 : i32
        %parallel_loop3A_665 = vector.broadcast %parallel_loop3A_664 : i32 to vector<16xi32>
        %parallel_loop3A_666 = arith.addi %parallel_loop3A_665, %add3A_644 : vector<16xi32>
        %parallel_loop3A_667 = tpu.vector_load_idx %arg8[%parallel_loop3A_666] : memref<12800xi32, #tpu.memory_space<vmem>>[vector<16xi32>], vector<16xi32>,
        %parallel_loop3A_668 = tpu.vector_load_idx %arg7[%parallel_loop3A_667] : memref<94352xf32, #tpu.memory_space<vmem>>[vector<16xi32>], vector<16xf32>,
        %parallel_loop3A_669 = tpu.vector_load_idx %arg9[%parallel_loop3A_666] : memref<12800xf32, #tpu.memory_space<vmem>>[vector<16xi32>], vector<16xf32>,
        %parallel_loop3A_670 = arith.mulf %parallel_loop3A_669, %parallel_loop3A_668 : vector<16xf32>
        %parallel_loop3A_671 = arith.addf %parallel_loop3A_659, %parallel_loop3A_670 : vector<16xf32>
        scf.yield %parallel_loop3A_660, %parallel_loop3A_661, %parallel_loop3A_662, %parallel_loop3A_671 : vector<16xf32>, vector<16xf32>, vector<16xf32>, vector<16xf32>
      } {sc.loop_unroll_factor = 8 : i64, sc.parallel_access}
      %add3A_652 = arith.addf %parallel_loop3A_651#0, %parallel_loop3A_651#1 : vector<16xf32>
      %add3A_653 = arith.addf %parallel_loop3A_651#2, %parallel_loop3A_651#3 : vector<16xf32>
      %add3A_654 = arith.addf %add3A_652, %add3A_653 : vector<16xf32>
      %mul3A_655 = arith.constant 16 : i32
      %mul3A_656 = arith.muli %scan3A_640, %mul3A_655 : i32
      %swap3A = arith.index_cast %mul3A_656 : i32 to index
      %swap3A_657 = tpu.vector_load %arg11[%swap3A] {strides = array<i32>} : memref<400xf32, #tpu.memory_space<vmem>>, vector<16xf32>,
      tpu.vector_store %arg11[%swap3A], %add3A_654 {strides = array<i32>} : memref<400xf32, #tpu.memory_space<vmem>>, vector<16xf32>,
    }
    %scan3A_634 = arith.constant 25 : i32
    "tpu.region"() ({
      %run_scoped3A = tpu.sem_alloc : memref<!tpu.dma_semaphore, #tpu.memory_space<semaphore_mem>>
      %dma_start3A_640 = tpu.memref_slice %arg13[%mul3A_0] : memref<6400xf32, #tpu.memory_space<vmem_shared>> -> memref<400xf32, #tpu.memory_space<vmem_shared>>
      %dma_start3A_641 = tpu.memref_slice %arg13[%mul3A_0] : memref<6400xf32, #tpu.memory_space<vmem_shared>> -> memref<400xf32, #tpu.memory_space<vmem_shared>>
      tpu.enqueue_dma source(%arg11 : memref<400xf32, #tpu.memory_space<vmem>>) target(%dma_start3A_641 : memref<400xf32, #tpu.memory_space<vmem_shared>>) target_semaphore(%run_scoped3A : memref<!tpu.dma_semaphore, #tpu.memory_space<semaphore_mem>>)
      %dma_wait3A_642 = tpu.memref_slice %arg13[%mul3A_0] : memref<6400xf32, #tpu.memory_space<vmem_shared>> -> memref<400xf32, #tpu.memory_space<vmem_shared>>
      %dma_wait3A_643 = tpu.memref_slice %arg13[%mul3A_0] : memref<6400xf32, #tpu.memory_space<vmem_shared>> -> memref<400xf32, #tpu.memory_space<vmem_shared>>
      tpu.wait_dma2 semaphore(%run_scoped3A : memref<!tpu.dma_semaphore, #tpu.memory_space<semaphore_mem>>) src(%arg11 : memref<400xf32, #tpu.memory_space<vmem>>) dst(%dma_wait3A_643 : memref<400xf32, #tpu.memory_space<vmem_shared>>)
      tpu.yield
    }) : () -> ()
    %barrier3A_635 = arith.constant 0 : index
    tpu.barrier barrier_id(%barrier3A_635)
    %eq3A = arith.constant 0 : i32
    %eq3A_636 = arith.cmpi eq, %arg0, %eq3A : i32
    %eq3A_637 = arith.constant 0 : i32
    %eq3A_638 = arith.cmpi eq, %arg1, %eq3A_637 : i32
    %and3A = arith.andi %eq3A_636, %eq3A_638 : i1
    %convert_element_type3A = arith.extui %and3A : i1 to i32
    %cond3A = arith.constant 0 : i32
    %cond3A_639 = arith.cmpi ne, %convert_element_type3A, %cond3A : i32
    scf.if %cond3A_639 {
      "tpu.region"() ({
        %run_scoped3A = tpu.sem_alloc : memref<!tpu.dma_semaphore, #tpu.memory_space<semaphore_mem>>
        %dma_start3A_640 = arith.constant 0 : i32
        %dma_start3A_641 = tpu.memref_slice %arg11[%dma_start3A_640] : memref<400xf32, #tpu.memory_space<vmem>> -> memref<272xf32, #tpu.memory_space<vmem>>
        %dma_start3A_642 = arith.constant 5984 : i32
        %dma_start3A_643 = tpu.memref_slice %arg13[%dma_start3A_642] : memref<6400xf32, #tpu.memory_space<vmem_shared>> -> memref<272xf32, #tpu.memory_space<vmem_shared>>
        %dma_start3A_644 = arith.constant 0 : i32
        %dma_start3A_645 = tpu.memref_slice %arg11[%dma_start3A_644] : memref<400xf32, #tpu.memory_space<vmem>> -> memref<272xf32, #tpu.memory_space<vmem>>
        %dma_start3A_646 = arith.constant 5984 : i32
        %dma_start3A_647 = tpu.memref_slice %arg13[%dma_start3A_646] : memref<6400xf32, #tpu.memory_space<vmem_shared>> -> memref<272xf32, #tpu.memory_space<vmem_shared>>
        tpu.enqueue_dma source(%dma_start3A_647 : memref<272xf32, #tpu.memory_space<vmem_shared>>) target(%dma_start3A_645 : memref<272xf32, #tpu.memory_space<vmem>>) target_semaphore(%run_scoped3A : memref<!tpu.dma_semaphore, #tpu.memory_space<semaphore_mem>>)
        %dma_wait3A_648 = arith.constant 0 : i32
        %dma_wait3A_649 = tpu.memref_slice %arg11[%dma_wait3A_648] : memref<400xf32, #tpu.memory_space<vmem>> -> memref<272xf32, #tpu.memory_space<vmem>>
        %dma_wait3A_650 = arith.constant 5984 : i32
        %dma_wait3A_651 = tpu.memref_slice %arg13[%dma_wait3A_650] : memref<6400xf32, #tpu.memory_space<vmem_shared>> -> memref<272xf32, #tpu.memory_space<vmem_shared>>
        %dma_wait3A_652 = arith.constant 0 : i32
        %dma_wait3A_653 = tpu.memref_slice %arg11[%dma_wait3A_652] : memref<400xf32, #tpu.memory_space<vmem>> -> memref<272xf32, #tpu.memory_space<vmem>>
        %dma_wait3A_654 = arith.constant 5984 : i32
        %dma_wait3A_655 = tpu.memref_slice %arg13[%dma_wait3A_654] : memref<6400xf32, #tpu.memory_space<vmem_shared>> -> memref<272xf32, #tpu.memory_space<vmem_shared>>
        tpu.wait_dma2 semaphore(%run_scoped3A : memref<!tpu.dma_semaphore, #tpu.memory_space<semaphore_mem>>) src(%dma_wait3A_655 : memref<272xf32, #tpu.memory_space<vmem_shared>>) dst(%dma_wait3A_653 : memref<272xf32, #tpu.memory_space<vmem>>)
        tpu.yield
      }) : () -> ()
      "tpu.region"() ({
        %run_scoped3A = tpu.sem_alloc : memref<!tpu.dma_semaphore, #tpu.memory_space<semaphore_mem>>
        %dma_start3A_640 = arith.constant 0 : i32
        %dma_start3A_641 = tpu.memref_slice %arg11[%dma_start3A_640] : memref<400xf32, #tpu.memory_space<vmem>> -> memref<272xf32, #tpu.memory_space<vmem>>
        %dma_start3A_642 = arith.constant 0 : i32
        %dma_start3A_643 = tpu.memref_slice %arg11[%dma_start3A_642] : memref<400xf32, #tpu.memory_space<vmem>> -> memref<272xf32, #tpu.memory_space<vmem>>
        tpu.enqueue_dma source(%dma_start3A_643 : memref<272xf32, #tpu.memory_space<vmem>>) target(%arg6 : memref<272xf32, #tpu.memory_space<hbm>>) target_semaphore(%run_scoped3A : memref<!tpu.dma_semaphore, #tpu.memory_space<semaphore_mem>>)
        %dma_wait3A_644 = arith.constant 0 : i32
        %dma_wait3A_645 = tpu.memref_slice %arg11[%dma_wait3A_644] : memref<400xf32, #tpu.memory_space<vmem>> -> memref<272xf32, #tpu.memory_space<vmem>>
        %dma_wait3A_646 = arith.constant 0 : i32
        %dma_wait3A_647 = tpu.memref_slice %arg11[%dma_wait3A_646] : memref<400xf32, #tpu.memory_space<vmem>> -> memref<272xf32, #tpu.memory_space<vmem>>
        tpu.wait_dma2 semaphore(%run_scoped3A : memref<!tpu.dma_semaphore, #tpu.memory_space<semaphore_mem>>) src(%dma_wait3A_647 : memref<272xf32, #tpu.memory_space<vmem>>) dst(%arg6 : memref<272xf32, #tpu.memory_space<hbm>>)
        tpu.yield
      }) : () -> ()
    } else {
    }
    return
  }
}

</mosaic_0001>

<sc_bundles>
// kernel: _forward.3.cloned.1.call-start
scs
__scs_entry_jumppad:
0x0: {  	(pc) =	sbr.rel $0x88, $3  }
0x1: {  	(tag) =	ssettag $0x0;
	lr =	simm.s32 $0x1  }
0x2: {  	[smem:$0x3F9D] =	sst lr;
	_ =	strace $0xD0000000  }
0x3: {  	_ = 	snop  }
0x4: {  	_ = 	snop  }
0x5: {  	_ = 	snop  }
0x6: {  	_ = 	snop  }
0x7: {  	_ = 	snop  }
__scs_overlays_trampoline_lowered:
0x8: {  	[smem:$0x3FAC] =	sst s0  }
0x9: {  	[smem:$0x3FAD] =	sst s1  }
0xa: {  	[smem:$0x3FAE] =	sst s2  }
0xb: {  	[smem:$0x3FAF] =	sst s3  }
0xc: {  	[smem:$0x3FB0] =	sst s4  }
0xd: {  	[smem:$0x3FB1] =	sst s5  }
0xe: {  	[smem:$0x3FB2] =	sst s6  }
0xf: {  	[smem:$0x3FB3] =	sst s7  }
0x10: {  	[smem:$0x3FB4] =	sst s8  }
0x11: {  	[smem:$0x3FB5] =	sst s9;
	s0 =	simm.s32 @!p0 $0x0  }
0x12: {  	s1 =	sld [smem:$0x3F9B];
	s0 =	simm.s32 @p0 $0x1  }
0x13: {  	[smem:$0x3FB6] =	sst s0;
	s0 =	simm.s32 @!p1 $0x0  }
0x14: {  	s2 =	sld [smem:$0x3F9A];
	s0 =	simm.s32 @p1 $0x1  }
0x15: {  	[smem:$0x3FB7] =	sst s0;
	s0 =	simm.s32 @!p2 $0x0  }
0x16: {  	s3 =	sld [smem:$0x3FDB];
	s0 =	simm.s32 @p2 $0x1  }
0x17: {  	s4 =	simm.s32 $0x1BF5;
	[smem:$0x3FB9] =	sst s0  }
0x18: {  	s0 =	sld [smem:$0x3F9C];
	_ =	swait.ge [sflag:s4], $0x0  }
0x19: {  	s7 =	sld [smem:$0x3F9D]  }
0x1a: {  	s8 =	sadd.s32 $0xFFFFE003, lr  }
0x1b: {  	s9 =	sadd.s32 $0xFFFFFEF7, lr;
	s5 =	simm.s32 $0xFFFFFFFF;
	p2 =	slt.u32 s8, $0xFFFFF086  }
0x1c: {  	p1 =	slt.u32 s9, $0xF7A;
	s5 =	simm.s32 @!p2 $0x0  }
0x1d: {  	s5 =	simm.s32 @p1 $0x1;
	p0 =	seq.s32 s7, s2  }
0x1e: {  	s7 =	smul.u32 @!p0 $0xF7A, s2;
	p2 =	seq.s32 @!p0 s5, $0x0  }
0x1f: {  	s9 =	smul.u32 $0xF7A, s1;
	s8 =	simm.s32 @!p0 $0x1BF5;
	p2 =	por !p2, p0  }
0x20: {  	[sflag:s8] =	ssyncset.s32 @!p0 $0xFFFFF086;
	s6 =	sadd.s32 @!p0 s3, s7;
	s7 =	simm.s32 @!p0 $0x108  }
0x21: {  	s3 =	sadd.s32 s3, s9;
	s6 =	sadd.s32 @!p0 $0x88, s6;
	s7 =	simm.s32 @p2 $0x1082  }
0x22: {  	[simem:s7], [sflag:s8] =	dma.local @!p0 [hbm:s6], $0xF7A  }
0x23: {  	s9 =	sor.u32 $0xD0000000, s2;
	s6 =	simm.s32 $0x108;
	_ =	swait.ge @!p0 [sflag:s8], $0x0  }
0x24: {  	s3 =	sadd.s32 $0x88, s3;
	s6 =	simm.s32 @!p1 $0x1082;
	[sflag:s4] =	ssyncset.s32 $0xFFFFF086  }
0x25: {  	[simem:s6], [sflag:s4] =	dma.local [hbm:s3], $0xF7A  }
0x26: {  	[smem:$0x3F9D] =	sst s1;
	(tag) =	ssettag s2;
	_ =	strace s9  }
0x27: {  	s1 =	sld [smem:$0x3FAD]  }
0x28: {  	s2 =	sld [smem:$0x3FAE]  }
0x29: {  	s4 =	sld [smem:$0x3FB0]  }
0x2a: {  	p0 =	seq.s32 s5, $0x0;
	s5 =	sld [smem:$0x3FB1]  }
0x2b: {  	s6 =	sld [smem:$0x3FB2]  }
0x2c: {  	s7 =	sld [smem:$0x3FB3]  }
0x2d: {  	s3 =	simm.s32 $0x108;
	s8 =	sld [smem:$0x3FB4]  }
0x2e: {  	s3 =	simm.s32 @!p0 $0x1082;
	s9 =	sld [smem:$0x3FB5]  }
0x2f: {  	lr =	sadd.s32 s0, s3;
	s0 =	sld [smem:$0x3FAC]  }
0x30: {  	s3 =	sld [smem:$0x3FAF]  }
0x31: {  	[smem:$0x3FB8] =	sst s10  }
0x32: {  	s10 =	sld [smem:$0x3FB6];
	_ =	sdelay $0x3  }
0x33: {  	p0 =	seq.s32 s10, $0x1;
	s10 =	sld [smem:$0x3FB8];
	_ =	sdelay $0x3  }
0x34: {  	[smem:$0x3FB8] =	sst s10  }
0x35: {  	s10 =	sld [smem:$0x3FB7];
	_ =	sdelay $0x3  }
0x36: {  	p1 =	seq.s32 s10, $0x1;
	s10 =	sld [smem:$0x3FB8];
	_ =	sdelay $0x3  }
0x37: {  	[smem:$0x3FB8] =	sst s10  }
0x38: {  	s10 =	sld [smem:$0x3FB9]  }
0x39: {  	_ = 	snop;
	(pc) =	sbr.ind lr, $3  }
0x3a: {  	_ = 	snop  }
0x3b: {  	_ = 	snop  }
0x3c: {  	p2 =	seq.s32 s10, $0x1;
	s10 =	sld [smem:$0x3FB8]  }
0x3d: {  	_ =	shalt  }
0x3e: {  	_ =	shalt  }
0x3f: {  	_ =	shalt  }
0x40: {  	_ =	shalt  }
0x41: {  	_ =	shalt  }
0x42: {  	_ =	shalt  }
0x43: {  	_ =	shalt  }
0x44: {  	_ =	shalt  }
0x45: {  	_ =	shalt  }
0x46: {  	_ =	shalt  }
0x47: {  	_ =	shalt  }
0x48: {  	_ =	shalt  }
0x49: {  	_ =	shalt  }
0x4a: {  	_ =	shalt  }
0x4b: {  	_ =	shalt  }
0x4c: {  	_ =	shalt  }
0x4d: {  	_ =	shalt  }
0x4e: {  	_ =	shalt  }
0x4f: {  	_ =	shalt  }
0x50: {  	_ =	shalt  }
0x51: {  	_ =	shalt  }
0x52: {  	_ =	shalt  }
0x53: {  	_ =	shalt  }
0x54: {  	_ =	shalt  }
0x55: {  	_ =	shalt  }
0x56: {  	_ =	shalt  }
0x57: {  	_ =	shalt  }
0x58: {  	_ =	shalt  }
0x59: {  	_ =	shalt  }
0x5a: {  	_ =	shalt  }
0x5b: {  	_ =	shalt  }
0x5c: {  	_ =	shalt  }
0x5d: {  	_ =	shalt  }
0x5e: {  	_ =	shalt  }
0x5f: {  	_ =	shalt  }
0x60: {  	_ =	shalt  }
0x61: {  	_ =	shalt  }
0x62: {  	_ =	shalt  }
0x63: {  	_ =	shalt  }
0x64: {  	_ =	shalt  }
0x65: {  	_ =	shalt  }
0x66: {  	_ =	shalt  }
0x67: {  	_ =	shalt  }
0x68: {  	_ =	shalt  }
0x69: {  	_ =	shalt  }
0x6a: {  	_ =	shalt  }
0x6b: {  	_ =	shalt  }
0x6c: {  	_ =	shalt  }
0x6d: {  	_ =	shalt  }
0x6e: {  	_ =	shalt  }
0x6f: {  	_ =	shalt  }
0x70: {  	_ =	shalt  }
0x71: {  	_ =	shalt  }
0x72: {  	_ =	shalt  }
0x73: {  	_ =	shalt  }
0x74: {  	_ =	shalt  }
0x75: {  	_ =	shalt  }
0x76: {  	_ =	shalt  }
0x77: {  	_ =	shalt  }
0x78: {  	_ =	shalt  }
0x79: {  	_ =	shalt  }
0x7a: {  	_ =	shalt  }
0x7b: {  	_ =	shalt  }
0x7c: {  	_ =	shalt  }
0x7d: {  	_ =	shalt  }
0x7e: {  	_ =	shalt  }
0x7f: {  	_ =	shalt  }
0x80: {  	_ =	shalt  }
0x81: {  	_ =	shalt  }
0x82: {  	_ =	shalt  }
0x83: {  	_ =	shalt  }
0x84: {  	_ =	shalt  }
0x85: {  	_ =	shalt  }
0x86: {  	_ =	shalt  }
0x87: {  	_ =	shalt  }
.Lfunc_end0:
.L_simem_size_0:
called_computation_lowered:
.L_overlay_start_0:
0x88: {  	s2 =	sld [smem:$0x3FD9]  }
0x89: {  	s3 =	sld [smem:$0x3FFE];
	_ =	sdelay $0x1  }
0x8a: {  	s1 =	srdreg.scid  }
0x8b: {  	s0 =	sand.u32 $0x1, s1  }
0x8c: {  	s18 =	sshll.u32 s0, $0xA;
	s2 =	sadd.s32 s3, s2  }
0x8d: {  	s2 =	sadd.s32 s2, s18  }
0x8e: {  	[smem:$0x3FC4] =	sst s2  }
0x8f: {  	_ = 	snop  }
0x90: {  	s2 =	sld [smem:$0x3FC9]  }
0x91: {  	s19 =	sld [smem:$0x3FC8]  }
0x92: {  	s4 =	sld [smem:$0x3FC7]  }
0x93: {  	s5 =	sld [smem:$0x3FC6]  }
0x94: {  	s6 =	sld [smem:$0x3FD0];
	(tm) =	ssettm $0x1  }
0x95: {  	s7 =	sld [smem:$0x3FFB];
	_ =	sdelay $0x3  }
0x96: {  	_ =	strace s7  }
0x97: {  	s7 =	sld [smem:$0x3FFC];
	_ =	sdelay $0x3  }
0x98: {  	_ =	strace s7  }
0x99: {  	s7 =	sld [smem:$0x3FFD];
	_ =	sdelay $0x3  }
0x9a: {  	_ =	strace s7  }
0x9b: {  	_ =	strace $0x8FFFFFFF  }
0x9c: {  	s20 =	sld [smem:$0x3FDB];
	_ =	sdelay $0x1  }
0x9d: {  	s8 =	simm.s32 $_scs_section_size  }
0x9e: {  	s9 =	simm.s32 $_size__tile_overlayer_lowered;
	s10 =	simm.s32 $_tile_overlayer_lowered  }
0x9f: {  	s23 =	simm.s32 $0x1BFF;
	s22 =	sshll.u32 s10, $0x1;
	s7 =	sadd.s32 s8, s20  }
0xa0: {  	s11 =	simm.s32 $0x0;
	s21 =	sshll.u32 s9, $0x1;
	s9 =	sadd.s32 s22, s7  }
0xa1: {  	[timem:s11], [sflag:s23] =	dma.local [hbm:s9], s21  }
0xa2: {  	_ =	swait.ge [sflag:s23], s21  }
0xa3: {  	s8 =	ssub.s32 $0x0, s21;
	[sflag:s23] =	ssyncset.done $0x0  }
0xa4: {  	[sflag:s23] =	ssyncadd.s32 s8;
	_ =	sdelay $0x1  }
0xa5: {  	s24 =	simm.s32 $0x1B8B  }
0xa6: {  	_ =	swait.ge [sflag:s24], $0x1  }
0xa7: {  	[sflag:s24] =	ssyncset.done $0x0  }
0xa8: {  	s25 =	simm.s32 $0x1B8E;
	[sflag:s24] =	ssyncadd.s32 $0xFFFFFFFF  }
0xa9: {  	s26 =	simm.s32 $execute0_lowered;
	[smem:$0x3FD2] =	sst s25  }
0xaa: {  	s8 =	sshll.u32 s26, $0x1;
	_ =	strace $0x80000046;
	[dreg:$0x1] =	wrdreg $0xFFFFFFFF  }
0xab: {  	s28 =	simm.s32 $_size_execute0_lowered;
	s7 =	sadd.s32 s7, s8;
	[dreg:$0x0] =	wrdreg $0x0  }
0xac: {  	s8 =	sshll.u32 s28, $0x1;
	[dreg:$0x2] =	wrdreg s7  }
0xad: {  	[dreg:$0x3] =	wrdreg s8  }
0xae: {  	[dreg:$0x4] =	wrdreg $0xC0  }
0xaf: {  	_ =	task [dreg:s11], $0x5FFFF  }
0xb0: {  	[dreg:$0x1] =	wrdreg $0xFFFFFFFF  }
0xb1: {  	[dreg:$0x0] =	wrdreg $0x60  }
0xb2: {  	[dreg:$0x2] =	wrdreg s2  }
0xb3: {  	[dreg:$0x3] =	wrdreg s19  }
0xb4: {  	[dreg:$0x4] =	wrdreg s4  }
0xb5: {  	[dreg:$0x5] =	wrdreg s5  }
0xb6: {  	[dreg:$0x6] =	wrdreg s6  }
0xb7: {  	[dreg:$0x7] =	wrdreg $0x1D9000  }
0xb8: {  	[dreg:$0x8] =	wrdreg $0x1DA900  }
0xb9: {  	[dreg:$0x9] =	wrdreg $0x9  }
0xba: {  	_ =	task.clear_ibuf [dreg:s11], $0xAFFFF;
	_ =	strace $0x90000046  }
0xbb: {  	s29 =	simm.s32 $0x9;
	_ =	strace $0x80000048  }
0xbc: {  	_ =	swait.ge [sflag:s29], $0x1  }
0xbd: {  	[sflag:s29] =	ssyncadd.s32 $0xFFFFFFFF  }
0xbe: {  	_ =	strace $0x90000048  }
0xbf: {  	_ =	sfence  }
0xc0: {  	s30 =	sld [smem:$0x0];
	_ =	sdelay $0x2  }
0xc1: {  	s31 =	sshll.u32 s1, $0xD;
	s1 =	sshrl.u32 s1, $0x2  }
0xc2: {  	s3 =	sand.u32 $0x4000, s31;
	s1 =	sadd.s32 s1, s30  }
0xc3: {  	s0 =	sor.u32 s3, s0;
	s1 =	sshll.u32 s1, $0x11  }
0xc4: {  	s0 =	sor.u32 s1, s0  }
0xc5: {  	s0 =	sadd.s32 $0x8F2B, s0  }
0xc6: {  	[sflag:s0] =	ssyncadd.remote.s32 $0x1  }
0xc7: {  	_ =	sfence.sel $0xFFFF  }
0xc8: {  	[dreg:$0x0] =	wrdreg $0xFFFFFFFF;
	(pc) =	sbr.abs _section_cstart, $3  }
0xc9: {  	[dreg:$0x1] =	wrdreg $0xFFFFFFFF  }
0xca: {  	_ =	task.clear_ibuf [dreg:s11], $0x2FFFF;
	_ =	strace $0x9FFFFFFF  }
0xcb: {  	(tm) =	ssettm $0x7FFFFFFF  }
tec
execute0_lowered:
.L_overlay_start_1:
0x0: {  	(tag) =	ssettag $0x1  }
0x1: {  	s3 =	rddreg [dreg:$0x1];
	s10 =	stileid.u32  }
0x2: {  	s0 =	rddreg [dreg:$0x2];
	s4 =	smul.u32 $0x3200, s10  }
0x3: {  	s1 =	srdreg.scid;
	s2 =	rddreg [dreg:$0x3]  }
0x4: {  	s6 =	sand.u32 $0x1, s1;
	s1 =	simm.s32 $0x0;
	s4 =	sshrl.u32 s4, $0x3  }
0x5: {  	s5 =	smul.u32 $0x190, s10;
	s7 =	ssub.s32 $0x2, s6;
	s9 =	sadd.s32 $0x6400, s4  }
0x6: {  	[smem:$0x7FF] =	sst s1;
	s8 =	sshrl.u32 s7, $0x1;
	s20 =	sadd.s32 s3, s9  }
0x7: {  	s21 =	sadd.s32 $0xC800, s4;
	s9 =	sadd.s32 s0, s9;
	[dreg:$0x8] =	wrdreg s20  }
0x8: {  	s7 =	ssub.s32 s7, s8;
	s22 =	sadd.s32 s3, s21;
	[dreg:$0x9] =	wrdreg s9  }
0x9: {  	s23 =	sadd.s32 $0x12C00, s4;
	s8 =	sadd.s32 s0, s21;
	[dreg:$0xa] =	wrdreg s22  }
0xa: {  	s25 =	sadd.s32 $0x19000, s4;
	s24 =	sadd.s32 s3, s23;
	[dreg:$0xb] =	wrdreg s8  }
0xb: {  	s11 =	sadd.s32 $0x1F400, s4;
	s26 =	sadd.s32 s3, s25;
	[dreg:$0xc] =	wrdreg s24  }
0xc: {  	s13 =	sadd.s32 $0x25800, s4;
	s12 =	sadd.s32 s3, s11;
	[dreg:$0xe] =	wrdreg s26  }
0xd: {  	s15 =	sadd.s32 $0x2BC00, s4;
	s14 =	sadd.s32 s3, s13;
	[dreg:$0x10] =	wrdreg s12  }
0xe: {  	s17 =	sadd.s32 $0x32000, s4;
	s16 =	sadd.s32 s3, s15;
	[dreg:$0x12] =	wrdreg s14  }
0xf: {  	s19 =	sshrl.u32 s5, $0x3;
	s18 =	sadd.s32 s3, s17;
	[dreg:$0x14] =	wrdreg s16  }
0x10: {  	s2 =	sadd.s32 s2, s19;
	[dreg:$0x16] =	wrdreg s18  }
0x11: {  	s9 =	sadd.s32 s0, s23;
	s18 =	sor.u32 s10, s6;
	s6 =	rddreg [dreg:$0x6]  }
0x12: {  	s19 =	sadd.s32 $0x38400, s4;
	s8 =	sadd.s32 s0, s25;
	[dreg:$0xd] =	wrdreg s9  }
0x13: {  	s21 =	sadd.s32 $0x3E800, s4;
	s20 =	sadd.s32 s3, s19;
	[dreg:$0xf] =	wrdreg s8  }
0x14: {  	s22 =	sadd.s32 s3, s21;
	[dreg:$0x18] =	wrdreg s20  }
0x15: {  	s16 =	sadd.s32 s0, s4;
	[dreg:$0x1a] =	wrdreg s22  }
0x16: {  	s23 =	sadd.s32 $0x44C00, s4;
	s9 =	sadd.s32 s0, s11;
	[smem:$0x7F3] =	sst s16  }
0x17: {  	s25 =	sadd.s32 $0x4B000, s4;
	s8 =	sadd.s32 s0, s13;
	[dreg:$0x11] =	wrdreg s9  }
0x18: {  	s24 =	sadd.s32 s3, s23;
	s26 =	sadd.s32 s3, s25;
	[dreg:$0x13] =	wrdreg s8  }
0x19: {  	s11 =	sadd.s32 $0x51400, s4;
	s13 =	sadd.s32 $0x57800, s4;
	[dreg:$0x1c] =	wrdreg s24  }
0x1a: {  	s9 =	sadd.s32 s0, s15;
	s8 =	sadd.s32 s0, s17;
	[dreg:$0x1e] =	wrdreg s26  }
0x1b: {  	s15 =	sadd.s32 s3, s4;
	s17 =	sadd.s32 $0x5DC00, s4;
	s4 =	rddreg [dreg:$0x5]  }
0x1c: {  	[dreg:$0x15] =	wrdreg s9  }
0x1d: {  	s12 =	sadd.s32 s3, s11;
	[dreg:$0x17] =	wrdreg s8  }
0x1e: {  	s14 =	sadd.s32 s3, s13;
	[smem:$0x7EE] =	sst s12  }
0x1f: {  	[smem:$0x7F0] =	sst s14  }
0x20: {  	s9 =	sadd.s32 s0, s19;
	[smem:$0x7F2] =	sst s15  }
0x21: {  	s28 =	simm.s32 $0x5;
	s8 =	sadd.s32 s0, s21;
	[dreg:$0x19] =	wrdreg s9  }
0x22: {  	s29 =	simm.s32 $0x17100;
	s3 =	sadd.s32 s3, s17;
	[dreg:$0x1b] =	wrdreg s8  }
0x23: {  	s31 =	simm.s32 $0x1A300;
	s9 =	sadd.s32 s0, s23;
	[smem:$0x7F4] =	sst s3  }
0x24: {  	s30 =	simm.s32 $0x1;
	s8 =	sadd.s32 s0, s25;
	[dreg:$0x1d] =	wrdreg s9  }
0x25: {  	s10 =	simm.s32 $0x4;
	[dreg:$0x1f] =	wrdreg s8;
	s9 =	sadd.s32 s0, s11  }
0x26: {  	p0 =	sne.s32 s18, $0x0;
	s8 =	sadd.s32 s0, s13;
	[smem:$0x7EF] =	sst s9  }
0x27: {  	s20 =	sadd.s32 $0x320, s2;
	s0 =	sadd.s32 s0, s17;
	[smem:$0x7F1] =	sst s8  }
0x28: {  	s22 =	sadd.s32 $0x960, s2;
	s19 =	smax.u32 s7, $0x1;
	[smem:$0x7F5] =	sst s0  }
0x29: {  	s18 =	sadd.s32 $0x1900, s2;
	_ =	strace $0x80000047;
	[smem:$0x7F6] =	sst s19  }
0x2a: {  	s24 =	sadd.s32 $0xFA0, s2;
	s21 =	sadd.s32 $0x640, s2;
	[smem:$0x7F7] =	sst s20  }
0x2b: {  	s26 =	sadd.s32 $0x15E0, s2;
	s7 =	simm.s32 $0x1D700;
	[smem:$0x7F8] =	sst s21  }
0x2c: {  	s23 =	sadd.s32 $0xC80, s2;
	s25 =	sadd.s32 $0x12C0, s2;
	[smem:$0x7F9] =	sst s22  }
0x2d: {  	s3 =	simm.s32 $0x2;
	s11 =	simm.s32 $0x0;
	[smem:$0x7FA] =	sst s23  }
0x2e: {  	s8 =	sadd.s32 s5, s4;
	s9 =	sadd.s32 s5, s6;
	[smem:$0x7FB] =	sst s24  }
0x2f: {  	s0 =	simm.s32 $0x1D500;
	s5 =	simm.s32 $0x3;
	[smem:$0x7FC] =	sst s25  }
0x30: {  	[smem:$0x7FD] =	sst s26;
	s19 =	sadd.s32 $0x1C20, s2;
	s20 =	sadd.s32 $0x1F40, s2  }
0x31: {  	s21 =	sadd.s32 $0x2260, s2;
	s22 =	sadd.s32 $0x2580, s2;
	s23 =	sadd.s32 $0x28A0, s2  }
0x32: {  	v0 =	vlaneseq.u32;
	s24 =	sadd.s32 $0x2BC0, s2;
	s25 =	sadd.s32 $0x2EE0, s2;
	s26 =	sadd.s32 $0x1760, s6  }
.LBB2_1:
0x33: {  	s12 =	rddreg [dreg:$0x0]  }
0x34: {  	[tilespmem:s1], [sflag:$0x5] =	stream.linear.gather [hbm4b:s12+s1], $0x200, $0x38;
	[tilespmem:$0x1DC20] =	vst v63  }
0x35: {  	_ =	swait.ge [sflag:s28], $0x200  }
0x36: {  	s16 =	sld [smem:$0x7F2]  }
0x37: {  	[sflag:s28] =	ssyncset.done $0x0  }
0x38: {  	s17 =	sld [smem:$0x7F3];
	[sflag:s28] =	ssyncadd.s32 $0xFFFFFE00  }
0x39: {  	[tilespmem:s29], [sflag:$0x1] =	stream.linear.gather [hbm4b:s16+s1], $0x3200, $0x38;
	[tilespmem:$0x1DC20] =	vst v63  }
0x3a: {  	_ = 	snop  }
0x3b: {  	[tilespmem:s31], [sflag:$0x2] =	stream.linear.gather [hbm4b:s17+s1], $0x3200, $0x38;
	[tilespmem:$0x1DC20] =	vst v63  }
0x3c: {  	_ = 	snop  }
0x3d: {  	[tilespmem:s0], [sflag:$0x3] =	stream.linear.gather [hbm4b:s2+s1], $0x190, $0x38;
	[tilespmem:$0x1DC20] =	vst v63  }
0x3e: {  	_ =	swait.ge [sflag:s30], $0x3200  }
0x3f: {  	[sflag:s30] =	ssyncset.done $0x0  }
0x40: {  	[sflag:s30] =	ssyncadd.s32 $0xFFFFCE00  }
0x41: {  	_ =	swait.ge [sflag:s3], $0x3200  }
0x42: {  	[sflag:s3] =	ssyncset.done $0x0  }
0x43: {  	[sflag:s3] =	ssyncadd.s32 $0xFFFFCE00  }
0x44: {  	_ =	swait.ge [sflag:s5], $0x190  }
0x45: {  	[sflag:s5] =	ssyncset.done $0x0  }
0x46: {  	s12 =	simm.s32 $0x0;
	[sflag:s5] =	ssyncadd.s32 $0xFFFFFE70  }
.LBB2_2:
0x47: {  	s13 =	sshll.u32 s12, $0x4  }
0x48: {  	s14 =	simm.s32 $0xAF0;
	v1 =	vor.u32 s13, v0  }
0x49: {  	v3 =	vadd.s32 s14, v1  }
0x4a: {  	s15 =	simm.s32 $0x640  }
0x4b: {  	s16 =	simm.s32 $0x7D0;
	v10 =	vadd.s32 s15, v1  }
0x4c: {  	s17 =	simm.s32 $0x960;
	v11 =	vadd.s32 s16, v1  }
0x4d: {  	v2 =	vld [tilespmem:s13+$0x1D500];
	v12 =	vadd.s32 s17, v1  }
0x4e: {  	s15 =	simm.s32 $0x0;
	v7 =	vld.idx.msk [tilespmem:v3+s31+$0x0], $0xffff  }
0x4f: {  	s16 =	simm.s32 $0x320;
	v14 =	vadd.s32 s15, v1;
	v16 =	vld.idx.msk [tilespmem:v3+s29+$0x0], $0xffff  }
0x50: {  	s17 =	simm.s32 $0x4B0;
	v17 =	vadd.s32 s16, v1;
	v3 =	vld.idx.msk [tilespmem:v10+s31+$0x0], $0xffff  }
0x51: {  	v18 =	vadd.s32 s17, v1;
	v5 =	vld.idx.msk [tilespmem:v11+s31+$0x0], $0xffff  }
0x52: {  	v4 =	vld.idx.msk [tilespmem:v12+s31+$0x0], $0xffff  }
0x53: {  	s15 =	simm.s32 $0x190;
	v10 =	vld.idx.msk [tilespmem:v10+s29+$0x0], $0xffff  }
0x54: {  	v15 =	vadd.s32 s15, v1;
	v6 =	vld.idx.msk [tilespmem:v14+s31+$0x0], $0xffff  }
0x55: {  	v9 =	vld.idx.msk [tilespmem:v17+s31+$0x0], $0xffff  }
0x56: {  	v13 =	vld.idx.msk [tilespmem:v18+s31+$0x0], $0xffff  }
0x57: {  	v22 =	vld.idx.msk [tilespmem:v14+s29+$0x0], $0xffff  }
0x58: {  	v20 =	vld.idx.msk [tilespmem:v17+s29+$0x0], $0xffff  }
0x59: {  	v21 =	vld.idx.msk [tilespmem:v15+s29+$0x0], $0xffff  }
0x5a: {  	v19 =	vld.idx.msk [tilespmem:v18+s29+$0x0], $0xffff  }
0x5b: {  	v18 =	vld.idx.msk [tilespmem:v11+s29+$0x0], $0xffff  }
0x5c: {  	v17 =	vld.idx.msk [tilespmem:v12+s29+$0x0], $0xffff  }
0x5d: {  	v8 =	vld.idx.msk [tilespmem:v15+s31+$0x0], $0xffff  }
0x5e: {  	v14 =	vld.idx.msk [tilespmem:v16+s1+$0x0], $0xffff  }
0x5f: {  	v16 =	vld.idx.msk [tilespmem:v10+s1+$0x0], $0xffff  }
0x60: {  	s14 =	simm.s32 $0x0;
	s15 =	simm.s32 $0x1770;
	v11 =	vimm.f32 $0.0e+00;
	v12 =	vimm.f32 $0.0e+00;
	v10 =	vimm.f32 $0.0e+00;
	v15 =	vld.idx.msk [tilespmem:v22+s1+$0x0], $0xffff  }
.LBB2_3:
0x61: {  	v22 =	vadd.s32 s15, v1;
	v21 =	vld.idx.msk [tilespmem:v21+s1+$0x0], $0xffff  }
0x62: {  	s16 =	sadd.s32 $0xFFFFFB50, s15;
	v20 =	vld.idx.msk [tilespmem:v20+s1+$0x0], $0xffff  }
0x63: {  	v23 =	vadd.s32 s16, v1;
	s16 =	sadd.s32 $0xFFFFFCE0, s15;
	v19 =	vld.idx.msk [tilespmem:v19+s1+$0x0], $0xffff  }
0x64: {  	v24 =	vadd.s32 s16, v1;
	s16 =	sadd.s32 $0xFFFFFE70, s15;
	v18 =	vld.idx.msk [tilespmem:v18+s1+$0x0], $0xffff  }
0x65: {  	s17 =	sadd.s32 $0xFFFFF510, s15;
	v25 =	vadd.s32 s16, v1;
	v17 =	vld.idx.msk [tilespmem:v17+s1+$0x0], $0xffff  }
0x66: {  	v26 =	vadd.s32 s17, v1;
	s16 =	sadd.s32 $0xFFFFF6A0, s15;
	v27 =	vld.idx.msk [tilespmem:v22+s31+$0x0], $0xffff  }
0x67: {  	v14 =	vmul.f32 v7, v14;
	v16 =	vmul.f32 v3, v16;
	v28 =	vadd.s32 s16, v1;
	s16 =	sadd.s32 $0xFFFFF830, s15;
	v22 =	vld.idx.msk [tilespmem:v22+s29+$0x0], $0xffff  }
0x68: {  	v6 =	vmul.f32 v6, v15;
	v29 =	vadd.s32 s16, v1;
	s16 =	sadd.s32 $0xFFFFF9C0, s15;
	v7 =	vmul.f32 v8, v21;
	v3 =	vld.idx.msk [tilespmem:v23+s31+$0x0], $0xffff  }
0x69: {  	v15 =	vadd.s32 s16, v1;
	v8 =	vmul.f32 v9, v20;
	v9 =	vmul.f32 v13, v19;
	v21 =	vld.idx.msk [tilespmem:v24+s31+$0x0], $0xffff  }
0x6a: {  	v2 =	vadd.f32 v6, v2;
	v13 =	vadd.f32 v7, v10;
	v5 =	vmul.f32 v5, v18;
	v19 =	vld.idx.msk [tilespmem:v25+s31+$0x0], $0xffff  }
0x6b: {  	v11 =	vadd.f32 v8, v11;
	v12 =	vadd.f32 v9, v12;
	v4 =	vmul.f32 v4, v17;
	v6 =	vld.idx.msk [tilespmem:v26+s31+$0x0], $0xffff  }
0x6c: {  	v2 =	vadd.f32 v16, v2;
	v10 =	vadd.f32 v5, v13;
	v7 =	vmov v27;
	v8 =	vld.idx.msk [tilespmem:v28+s31+$0x0], $0xffff  }
0x6d: {  	s14 =	sadd.s32 $0x8, s14;
	v11 =	vadd.f32 v4, v11;
	v12 =	vadd.f32 v14, v12;
	v9 =	vld.idx.msk [tilespmem:v29+s31+$0x0], $0xffff  }
0x6e: {  	p1 =	slt.u32 s14, $0x18;
	v13 =	vld.idx.msk [tilespmem:v15+s31+$0x0], $0xffff  }
0x6f: {  	v5 =	vmov v21;
	v16 =	vld.idx.msk [tilespmem:v23+s29+$0x0], $0xffff  }
0x70: {  	v4 =	vmov v19;
	v23 =	vld.idx.msk [tilespmem:v26+s29+$0x0], $0xffff  }
0x71: {  	v21 =	vld.idx.msk [tilespmem:v28+s29+$0x0], $0xffff  }
0x72: {  	v20 =	vld.idx.msk [tilespmem:v29+s29+$0x0], $0xffff  }
0x73: {  	v19 =	vld.idx.msk [tilespmem:v15+s29+$0x0], $0xffff  }
.Ltmp0:
0x74: {  	v18 =	vld.idx.msk [tilespmem:v24+s29+$0x0], $0xffff;
	(pc) =	sbr.rel @p1 .LBB2_3-.Ltmp0, $4  }
0x75: {  	v17 =	vld.idx.msk [tilespmem:v25+s29+$0x0], $0xffff  }
0x76: {  	v14 =	vld.idx.msk [tilespmem:v22+s1+$0x0], $0xffff  }
0x77: {  	v16 =	vld.idx.msk [tilespmem:v16+s1+$0x0], $0xffff  }
0x78: {  	s15 =	sadd.s32 $0xC80, s15;
	v15 =	vld.idx.msk [tilespmem:v23+s1+$0x0], $0xffff  }
0x79: {  	_ =	sdelay $0x3  }
0x7a: {  	v1 =	vld.idx.msk [tilespmem:v21+s1+$0x0], $0xffff  }
0x7b: {  	v20 =	vld.idx.msk [tilespmem:v20+s1+$0x0], $0xffff  }
0x7c: {  	v19 =	vld.idx.msk [tilespmem:v19+s1+$0x0], $0xffff  }
0x7d: {  	v18 =	vld.idx.msk [tilespmem:v18+s1+$0x0], $0xffff  }
0x7e: {  	v17 =	vld.idx.msk [tilespmem:v17+s1+$0x0], $0xffff  }
0x7f: {  	v7 =	vmul.f32 v7, v14;
	v3 =	vmul.f32 v3, v16  }
0x80: {  	v6 =	vmul.f32 v6, v15;
	v1 =	vmul.f32 v8, v1  }
0x81: {  	v59 =	vmul.f32 v9, v20;
	v60 =	vmul.f32 v13, v19  }
0x82: {  	v5 =	vmul.f32 v5, v18;
	v2 =	vadd.f32 v6, v2;
	v1 =	vadd.f32 v1, v10  }
0x83: {  	v4 =	vmul.f32 v4, v17;
	v61 =	vadd.f32 v59, v11;
	v62 =	vadd.f32 v60, v12  }
0x84: {  	v2 =	vadd.f32 v3, v2;
	v1 =	vadd.f32 v5, v1  }
0x85: {  	v3 =	vadd.f32 v4, v61;
	v63 =	vadd.f32 v7, v62;
	_ =	sdelay $0x1  }
0x86: {  	v1 =	vadd.f32 v1, v2;
	v2 =	vadd.f32 v63, v3;
	_ =	sdelay $0x1  }
0x87: {  	v1 =	vadd.f32 v2, v1;
	_ =	sdelay $0x1  }
0x88: {  	v2 =	vsub.f32 $0.0e+00, v1;
	_ =	sdelay $0x1  }
0x89: {  	v2 =	vmul.f32 $1.442695020e+00, v2;
	_ =	sdelay $0x1  }
0x8a: {  	(erf) = vpow2.f32 v2;
	_ =	sdelay $0x8  }
0x8b: {  	v2 =	vpop (erf)  }
0x8c: {  	v2 =	vadd.f32 $1.000000000e+00, v2;
	_ =	sdelay $0x1  }
0x8d: {  	(erf) = vrcp.f32 v2;
	_ =	sdelay $0x5  }
0x8e: {  	s12 =	sadd.s32 $0x1, s12  }
0x8f: {  	p1 =	sne.s32 s12, $0x19  }
.Ltmp1:
0x90: {  	_ = 	snop;
	(pc) =	sbr.rel @p1 .LBB2_2-.Ltmp1, $3  }
0x91: {  	v2 =	vpop (erf)  }
0x92: {  	v1 =	vmul.f32 v2, v1;
	_ =	sdelay $0x1  }
0x93: {  	[tilespmem:s13+$0x1D700] =	vst v1  }
0x94: {  	s13 =	rddreg [dreg:$0x8]  }
0x95: {  	s12 =	simm.s32 $0x0;
	s15 =	rddreg [dreg:$0x9]  }
0x96: {  	[tilespmem:s29], [sflag:$0x1] =	stream.linear.gather [hbm4b:s13+s12], $0x3200, $0x38;
	[tilespmem:$0x1DC20] =	vst v63  }
0x97: {  	s16 =	sld [smem:$0x7F7]  }
0x98: {  	[tilespmem:s31], [sflag:$0x2] =	stream.linear.gather [hbm4b:s15+s12], $0x3200, $0x38;
	[tilespmem:$0x1DC20] =	vst v63  }
0x99: {  	_ = 	snop  }
0x9a: {  	[tilespmem:s0], [sflag:$0x3] =	stream.linear.gather [hbm4b:s16+s12], $0x190, $0x38;
	[tilespmem:$0x1DC20] =	vst v63  }
0x9b: {  	_ = 	snop  }
0x9c: {  	[spmem:s8] =	stream.linear.scatter [tilespmem:s7], [sflag:$0x5], $0x190, $0x38;
	[tilespmem:$0x1DC20] =	vst v63  }
0x9d: {  	_ =	swait.ge [sflag:s28], $0x190  }
0x9e: {  	[sflag:s28] =	ssyncset.done $0x0  }
0x9f: {  	[sflag:s28] =	ssyncadd.s32 $0xFFFFFE70  }
0xa0: {  	s17 =	simm.s32 $0x200;
	[bflag:$0x0] =	sbarrier.arrive $0xFFFF  }
0xa1: {  	[tilespmem:s17], [sflag:$0x4] =	stream.linear.gather [spmem:s4], $0x1870, $0x38;
	[tilespmem:$0x1DC20] =	vst v63  }
0xa2: {  	_ =	swait.ge [sflag:s30], $0x3200  }
0xa3: {  	[sflag:s30] =	ssyncset.done $0x0  }
0xa4: {  	[sflag:s30] =	ssyncadd.s32 $0xFFFFCE00  }
0xa5: {  	_ =	swait.ge [sflag:s3], $0x3200  }
0xa6: {  	[sflag:s3] =	ssyncset.done $0x0  }
0xa7: {  	[sflag:s3] =	ssyncadd.s32 $0xFFFFCE00  }
0xa8: {  	_ =	swait.ge [sflag:s5], $0x190  }
0xa9: {  	[sflag:s5] =	ssyncset.done $0x0  }
0xaa: {  	[sflag:s5] =	ssyncadd.s32 $0xFFFFFE70  }
0xab: {  	_ =	swait.ge [sflag:s10], $0x1870  }
0xac: {  	[sflag:s10] =	ssyncset.done $0x0  }
0xad: {  	[sflag:s10] =	ssyncadd.s32 $0xFFFFE790  }
.LBB2_6:
0xae: {  	s13 =	sshll.u32 s12, $0x4  }
0xaf: {  	s14 =	simm.s32 $0xAF0;
	v1 =	vor.u32 s13, v0  }
0xb0: {  	v3 =	vadd.s32 s14, v1  }
0xb1: {  	s15 =	simm.s32 $0x640  }
0xb2: {  	s16 =	simm.s32 $0x7D0;
	v10 =	vadd.s32 s15, v1  }
0xb3: {  	s17 =	simm.s32 $0x960;
	v11 =	vadd.s32 s16, v1  }
0xb4: {  	v2 =	vld [tilespmem:s13+$0x1D500];
	v12 =	vadd.s32 s17, v1  }
0xb5: {  	s15 =	simm.s32 $0x0;
	v7 =	vld.idx.msk [tilespmem:v3+s31+$0x0], $0xffff  }
0xb6: {  	s16 =	simm.s32 $0x320;
	v14 =	vadd.s32 s15, v1;
	v16 =	vld.idx.msk [tilespmem:v3+s29+$0x0], $0xffff  }
0xb7: {  	s17 =	simm.s32 $0x4B0;
	v17 =	vadd.s32 s16, v1;
	v3 =	vld.idx.msk [tilespmem:v10+s31+$0x0], $0xffff  }
0xb8: {  	v18 =	vadd.s32 s17, v1;
	v5 =	vld.idx.msk [tilespmem:v11+s31+$0x0], $0xffff  }
0xb9: {  	v4 =	vld.idx.msk [tilespmem:v12+s31+$0x0], $0xffff  }
0xba: {  	s15 =	simm.s32 $0x190;
	v10 =	vld.idx.msk [tilespmem:v10+s29+$0x0], $0xffff  }
0xbb: {  	v15 =	vadd.s32 s15, v1;
	v6 =	vld.idx.msk [tilespmem:v14+s31+$0x0], $0xffff  }
0xbc: {  	v9 =	vld.idx.msk [tilespmem:v17+s31+$0x0], $0xffff  }
0xbd: {  	v13 =	vld.idx.msk [tilespmem:v18+s31+$0x0], $0xffff  }
0xbe: {  	v22 =	vld.idx.msk [tilespmem:v14+s29+$0x0], $0xffff  }
0xbf: {  	v20 =	vld.idx.msk [tilespmem:v17+s29+$0x0], $0xffff  }
0xc0: {  	v21 =	vld.idx.msk [tilespmem:v15+s29+$0x0], $0xffff  }
0xc1: {  	v19 =	vld.idx.msk [tilespmem:v18+s29+$0x0], $0xffff  }
0xc2: {  	v18 =	vld.idx.msk [tilespmem:v11+s29+$0x0], $0xffff  }
0xc3: {  	v17 =	vld.idx.msk [tilespmem:v12+s29+$0x0], $0xffff  }
0xc4: {  	v8 =	vld.idx.msk [tilespmem:v15+s31+$0x0], $0xffff  }
0xc5: {  	v14 =	vld.idx.msk [tilespmem:v16+s1+$0x0], $0xffff  }
0xc6: {  	v16 =	vld.idx.msk [tilespmem:v10+s1+$0x0], $0xffff  }
0xc7: {  	s14 =	simm.s32 $0x0;
	s15 =	simm.s32 $0x1770;
	v11 =	vimm.f32 $0.0e+00;
	v12 =	vimm.f32 $0.0e+00;
	v10 =	vimm.f32 $0.0e+00;
	v15 =	vld.idx.msk [tilespmem:v22+s1+$0x0], $0xffff  }
.LBB2_7:
0xc8: {  	v22 =	vadd.s32 s15, v1;
	v21 =	vld.idx.msk [tilespmem:v21+s1+$0x0], $0xffff  }
0xc9: {  	s16 =	sadd.s32 $0xFFFFFB50, s15;
	v20 =	vld.idx.msk [tilespmem:v20+s1+$0x0], $0xffff  }
0xca: {  	v23 =	vadd.s32 s16, v1;
	s16 =	sadd.s32 $0xFFFFFCE0, s15;
	v19 =	vld.idx.msk [tilespmem:v19+s1+$0x0], $0xffff  }
0xcb: {  	v24 =	vadd.s32 s16, v1;
	s16 =	sadd.s32 $0xFFFFFE70, s15;
	v18 =	vld.idx.msk [tilespmem:v18+s1+$0x0], $0xffff  }
0xcc: {  	s17 =	sadd.s32 $0xFFFFF510, s15;
	v25 =	vadd.s32 s16, v1;
	v17 =	vld.idx.msk [tilespmem:v17+s1+$0x0], $0xffff  }
0xcd: {  	v26 =	vadd.s32 s17, v1;
	s16 =	sadd.s32 $0xFFFFF6A0, s15;
	v27 =	vld.idx.msk [tilespmem:v22+s31+$0x0], $0xffff  }
0xce: {  	v14 =	vmul.f32 v7, v14;
	v16 =	vmul.f32 v3, v16;
	v28 =	vadd.s32 s16, v1;
	s16 =	sadd.s32 $0xFFFFF830, s15;
	v22 =	vld.idx.msk [tilespmem:v22+s29+$0x0], $0xffff  }
0xcf: {  	v6 =	vmul.f32 v6, v15;
	v29 =	vadd.s32 s16, v1;
	s16 =	sadd.s32 $0xFFFFF9C0, s15;
	v7 =	vmul.f32 v8, v21;
	v3 =	vld.idx.msk [tilespmem:v23+s31+$0x0], $0xffff  }
0xd0: {  	v15 =	vadd.s32 s16, v1;
	v8 =	vmul.f32 v9, v20;
	v9 =	vmul.f32 v13, v19;
	v21 =	vld.idx.msk [tilespmem:v24+s31+$0x0], $0xffff  }
0xd1: {  	v2 =	vadd.f32 v6, v2;
	v13 =	vadd.f32 v7, v10;
	v5 =	vmul.f32 v5, v18;
	v19 =	vld.idx.msk [tilespmem:v25+s31+$0x0], $0xffff  }
0xd2: {  	v11 =	vadd.f32 v8, v11;
	v12 =	vadd.f32 v9, v12;
	v4 =	vmul.f32 v4, v17;
	v6 =	vld.idx.msk [tilespmem:v26+s31+$0x0], $0xffff  }
0xd3: {  	v2 =	vadd.f32 v16, v2;
	v10 =	vadd.f32 v5, v13;
	v7 =	vmov v27;
	v8 =	vld.idx.msk [tilespmem:v28+s31+$0x0], $0xffff  }
0xd4: {  	s14 =	sadd.s32 $0x8, s14;
	v11 =	vadd.f32 v4, v11;
	v12 =	vadd.f32 v14, v12;
	v9 =	vld.idx.msk [tilespmem:v29+s31+$0x0], $0xffff  }
0xd5: {  	p1 =	slt.u32 s14, $0x18;
	v13 =	vld.idx.msk [tilespmem:v15+s31+$0x0], $0xffff  }
0xd6: {  	v5 =	vmov v21;
	v16 =	vld.idx.msk [tilespmem:v23+s29+$0x0], $0xffff  }
0xd7: {  	v4 =	vmov v19;
	v23 =	vld.idx.msk [tilespmem:v26+s29+$0x0], $0xffff  }
0xd8: {  	v21 =	vld.idx.msk [tilespmem:v28+s29+$0x0], $0xffff  }
0xd9: {  	v20 =	vld.idx.msk [tilespmem:v29+s29+$0x0], $0xffff  }
0xda: {  	v19 =	vld.idx.msk [tilespmem:v15+s29+$0x0], $0xffff  }
.Ltmp2:
0xdb: {  	v18 =	vld.idx.msk [tilespmem:v24+s29+$0x0], $0xffff;
	(pc) =	sbr.rel @p1 .LBB2_7-.Ltmp2, $4  }
0xdc: {  	v17 =	vld.idx.msk [tilespmem:v25+s29+$0x0], $0xffff  }
0xdd: {  	v14 =	vld.idx.msk [tilespmem:v22+s1+$0x0], $0xffff  }
0xde: {  	v16 =	vld.idx.msk [tilespmem:v16+s1+$0x0], $0xffff  }
0xdf: {  	s15 =	sadd.s32 $0xC80, s15;
	v15 =	vld.idx.msk [tilespmem:v23+s1+$0x0], $0xffff  }
0xe0: {  	_ =	sdelay $0x3  }
0xe1: {  	v1 =	vld.idx.msk [tilespmem:v21+s1+$0x0], $0xffff  }
0xe2: {  	v20 =	vld.idx.msk [tilespmem:v20+s1+$0x0], $0xffff  }
0xe3: {  	v19 =	vld.idx.msk [tilespmem:v19+s1+$0x0], $0xffff  }
0xe4: {  	v18 =	vld.idx.msk [tilespmem:v18+s1+$0x0], $0xffff  }
0xe5: {  	v17 =	vld.idx.msk [tilespmem:v17+s1+$0x0], $0xffff  }
0xe6: {  	v7 =	vmul.f32 v7, v14;
	v3 =	vmul.f32 v3, v16  }
0xe7: {  	v6 =	vmul.f32 v6, v15;
	v1 =	vmul.f32 v8, v1  }
0xe8: {  	v59 =	vmul.f32 v9, v20;
	v60 =	vmul.f32 v13, v19  }
0xe9: {  	v5 =	vmul.f32 v5, v18;
	v2 =	vadd.f32 v6, v2;
	v1 =	vadd.f32 v1, v10  }
0xea: {  	v4 =	vmul.f32 v4, v17;
	v61 =	vadd.f32 v59, v11;
	v62 =	vadd.f32 v60, v12  }
0xeb: {  	v2 =	vadd.f32 v3, v2;
	v1 =	vadd.f32 v5, v1  }
0xec: {  	v3 =	vadd.f32 v4, v61;
	v63 =	vadd.f32 v7, v62;
	_ =	sdelay $0x1  }
0xed: {  	v1 =	vadd.f32 v1, v2;
	v2 =	vadd.f32 v63, v3;
	_ =	sdelay $0x1  }
0xee: {  	v1 =	vadd.f32 v2, v1;
	_ =	sdelay $0x1  }
0xef: {  	v2 =	vsub.f32 $0.0e+00, v1;
	_ =	sdelay $0x1  }
0xf0: {  	v2 =	vmul.f32 $1.442695020e+00, v2;
	_ =	sdelay $0x1  }
0xf1: {  	(erf) = vpow2.f32 v2;
	_ =	sdelay $0x8  }
0xf2: {  	v2 =	vpop (erf)  }
0xf3: {  	v2 =	vadd.f32 $1.000000000e+00, v2;
	_ =	sdelay $0x1  }
0xf4: {  	(erf) = vrcp.f32 v2;
	_ =	sdelay $0x5  }
0xf5: {  	s12 =	sadd.s32 $0x1, s12  }
0xf6: {  	p1 =	sne.s32 s12, $0x19  }
.Ltmp3:
0xf7: {  	_ = 	snop;
	(pc) =	sbr.rel @p1 .LBB2_6-.Ltmp3, $3  }
0xf8: {  	v2 =	vpop (erf)  }
0xf9: {  	v1 =	vmul.f32 v2, v1;
	_ =	sdelay $0x1  }
0xfa: {  	[tilespmem:s13+$0x1D700] =	vst v1  }
0xfb: {  	s13 =	rddreg [dreg:$0xa]  }
0xfc: {  	s12 =	simm.s32 $0x0;
	s15 =	rddreg [dreg:$0xb]  }
0xfd: {  	[tilespmem:s29], [sflag:$0x1] =	stream.linear.gather [hbm4b:s13+s12], $0x3200, $0x38;
	[tilespmem:$0x1DC20] =	vst v63  }
0xfe: {  	s16 =	sld [smem:$0x7F8]  }
0xff: {  	[tilespmem:s31], [sflag:$0x2] =	stream.linear.gather [hbm4b:s15+s12], $0x3200, $0x38;
	[tilespmem:$0x1DC20] =	vst v63  }
0x100: {  	_ = 	snop  }
0x101: {  	[tilespmem:s0], [sflag:$0x3] =	stream.linear.gather [hbm4b:s16+s12], $0x190, $0x38;
	[tilespmem:$0x1DC20] =	vst v63  }
0x102: {  	_ = 	snop  }
0x103: {  	[spmem:s9] =	stream.linear.scatter [tilespmem:s7], [sflag:$0x5], $0x190, $0x38;
	[tilespmem:$0x1DC20] =	vst v63  }
0x104: {  	_ =	swait.ge [sflag:s28], $0x190  }
0x105: {  	[sflag:s28] =	ssyncset.done $0x0  }
0x106: {  	[sflag:s28] =	ssyncadd.s32 $0xFFFFFE70  }
0x107: {  	s17 =	simm.s32 $0x1A70;
	[bflag:$0x0] =	sbarrier.arrive $0xFFFF  }
0x108: {  	[tilespmem:s17], [sflag:$0x4] =	stream.linear.gather [spmem:s6], $0x1870, $0x38;
	[tilespmem:$0x1DC20] =	vst v63  }
0x109: {  	_ =	swait.ge [sflag:s30], $0x3200  }
0x10a: {  	[sflag:s30] =	ssyncset.done $0x0  }
0x10b: {  	[sflag:s30] =	ssyncadd.s32 $0xFFFFCE00  }
0x10c: {  	_ =	swait.ge [sflag:s3], $0x3200  }
0x10d: {  	[sflag:s3] =	ssyncset.done $0x0  }
0x10e: {  	[sflag:s3] =	ssyncadd.s32 $0xFFFFCE00  }
0x10f: {  	_ =	swait.ge [sflag:s5], $0x190  }
0x110: {  	[sflag:s5] =	ssyncset.done $0x0  }
0x111: {  	[sflag:s5] =	ssyncadd.s32 $0xFFFFFE70  }
0x112: {  	_ =	swait.ge [sflag:s10], $0x1870  }
0x113: {  	[sflag:s10] =	ssyncset.done $0x0  }
0x114: {  	[sflag:s10] =	ssyncadd.s32 $0xFFFFE790  }
.LBB2_10:
0x115: {  	s13 =	sshll.u32 s12, $0x4  }
0x116: {  	s14 =	simm.s32 $0xAF0;
	v1 =	vor.u32 s13, v0  }
0x117: {  	v3 =	vadd.s32 s14, v1  }
0x118: {  	s15 =	simm.s32 $0x640  }
0x119: {  	s16 =	simm.s32 $0x7D0;
	v10 =	vadd.s32 s15, v1  }
0x11a: {  	s17 =	simm.s32 $0x960;
	v11 =	vadd.s32 s16, v1  }
0x11b: {  	v2 =	vld [tilespmem:s13+$0x1D500];
	v12 =	vadd.s32 s17, v1  }
0x11c: {  	s15 =	simm.s32 $0x0;
	v7 =	vld.idx.msk [tilespmem:v3+s31+$0x0], $0xffff  }
0x11d: {  	s16 =	simm.s32 $0x320;
	v14 =	vadd.s32 s15, v1;
	v16 =	vld.idx.msk [tilespmem:v3+s29+$0x0], $0xffff  }
0x11e: {  	s17 =	simm.s32 $0x4B0;
	v17 =	vadd.s32 s16, v1;
	v3 =	vld.idx.msk [tilespmem:v10+s31+$0x0], $0xffff  }
0x11f: {  	v18 =	vadd.s32 s17, v1;
	v5 =	vld.idx.msk [tilespmem:v11+s31+$0x0], $0xffff  }
0x120: {  	v4 =	vld.idx.msk [tilespmem:v12+s31+$0x0], $0xffff  }
0x121: {  	s15 =	simm.s32 $0x190;
	v10 =	vld.idx.msk [tilespmem:v10+s29+$0x0], $0xffff  }
0x122: {  	v15 =	vadd.s32 s15, v1;
	v6 =	vld.idx.msk [tilespmem:v14+s31+$0x0], $0xffff  }
0x123: {  	v9 =	vld.idx.msk [tilespmem:v17+s31+$0x0], $0xffff  }
0x124: {  	v13 =	vld.idx.msk [tilespmem:v18+s31+$0x0], $0xffff  }
0x125: {  	v22 =	vld.idx.msk [tilespmem:v14+s29+$0x0], $0xffff  }
0x126: {  	v20 =	vld.idx.msk [tilespmem:v17+s29+$0x0], $0xffff  }
0x127: {  	v21 =	vld.idx.msk [tilespmem:v15+s29+$0x0], $0xffff  }
0x128: {  	v19 =	vld.idx.msk [tilespmem:v18+s29+$0x0], $0xffff  }
0x129: {  	v18 =	vld.idx.msk [tilespmem:v11+s29+$0x0], $0xffff  }
0x12a: {  	v17 =	vld.idx.msk [tilespmem:v12+s29+$0x0], $0xffff  }
0x12b: {  	v8 =	vld.idx.msk [tilespmem:v15+s31+$0x0], $0xffff  }
0x12c: {  	v14 =	vld.idx.msk [tilespmem:v16+s1+$0x0], $0xffff  }
0x12d: {  	v16 =	vld.idx.msk [tilespmem:v10+s1+$0x0], $0xffff  }
0x12e: {  	s14 =	simm.s32 $0x0;
	s15 =	simm.s32 $0x1770;
	v11 =	vimm.f32 $0.0e+00;
	v12 =	vimm.f32 $0.0e+00;
	v10 =	vimm.f32 $0.0e+00;
	v15 =	vld.idx.msk [tilespmem:v22+s1+$0x0], $0xffff  }
.LBB2_11:
0x12f: {  	v22 =	vadd.s32 s15, v1;
	v21 =	vld.idx.msk [tilespmem:v21+s1+$0x0], $0xffff  }
0x130: {  	s16 =	sadd.s32 $0xFFFFFB50, s15;
	v20 =	vld.idx.msk [tilespmem:v20+s1+$0x0], $0xffff  }
0x131: {  	v23 =	vadd.s32 s16, v1;
	s16 =	sadd.s32 $0xFFFFFCE0, s15;
	v19 =	vld.idx.msk [tilespmem:v19+s1+$0x0], $0xffff  }
0x132: {  	v24 =	vadd.s32 s16, v1;
	s16 =	sadd.s32 $0xFFFFFE70, s15;
	v18 =	vld.idx.msk [tilespmem:v18+s1+$0x0], $0xffff  }
0x133: {  	s17 =	sadd.s32 $0xFFFFF510, s15;
	v25 =	vadd.s32 s16, v1;
	v17 =	vld.idx.msk [tilespmem:v17+s1+$0x0], $0xffff  }
0x134: {  	v26 =	vadd.s32 s17, v1;
	s16 =	sadd.s32 $0xFFFFF6A0, s15;
	v27 =	vld.idx.msk [tilespmem:v22+s31+$0x0], $0xffff  }
0x135: {  	v14 =	vmul.f32 v7, v14;
	v16 =	vmul.f32 v3, v16;
	v28 =	vadd.s32 s16, v1;
	s16 =	sadd.s32 $0xFFFFF830, s15;
	v22 =	vld.idx.msk [tilespmem:v22+s29+$0x0], $0xffff  }
0x136: {  	v6 =	vmul.f32 v6, v15;
	v29 =	vadd.s32 s16, v1;
	s16 =	sadd.s32 $0xFFFFF9C0, s15;
	v7 =	vmul.f32 v8, v21;
	v3 =	vld.idx.msk [tilespmem:v23+s31+$0x0], $0xffff  }
0x137: {  	v15 =	vadd.s32 s16, v1;
	v8 =	vmul.f32 v9, v20;
	v9 =	vmul.f32 v13, v19;
	v21 =	vld.idx.msk [tilespmem:v24+s31+$0x0], $0xffff  }
0x138: {  	v2 =	vadd.f32 v6, v2;
	v13 =	vadd.f32 v7, v10;
	v5 =	vmul.f32 v5, v18;
	v19 =	vld.idx.msk [tilespmem:v25+s31+$0x0], $0xffff  }
0x139: {  	v11 =	vadd.f32 v8, v11;
	v12 =	vadd.f32 v9, v12;
	v4 =	vmul.f32 v4, v17;
	v6 =	vld.idx.msk [tilespmem:v26+s31+$0x0], $0xffff  }
0x13a: {  	v2 =	vadd.f32 v16, v2;
	v10 =	vadd.f32 v5, v13;
	v7 =	vmov v27;
	v8 =	vld.idx.msk [tilespmem:v28+s31+$0x0], $0xffff  }
0x13b: {  	s14 =	sadd.s32 $0x8, s14;
	v11 =	vadd.f32 v4, v11;
	v12 =	vadd.f32 v14, v12;
	v9 =	vld.idx.msk [tilespmem:v29+s31+$0x0], $0xffff  }
0x13c: {  	p1 =	slt.u32 s14, $0x18;
	v13 =	vld.idx.msk [tilespmem:v15+s31+$0x0], $0xffff  }
0x13d: {  	v5 =	vmov v21;
	v16 =	vld.idx.msk [tilespmem:v23+s29+$0x0], $0xffff  }
0x13e: {  	v4 =	vmov v19;
	v23 =	vld.idx.msk [tilespmem:v26+s29+$0x0], $0xffff  }
0x13f: {  	v21 =	vld.idx.msk [tilespmem:v28+s29+$0x0], $0xffff  }
0x140: {  	v20 =	vld.idx.msk [tilespmem:v29+s29+$0x0], $0xffff  }
0x141: {  	v19 =	vld.idx.msk [tilespmem:v15+s29+$0x0], $0xffff  }
.Ltmp4:
0x142: {  	v18 =	vld.idx.msk [tilespmem:v24+s29+$0x0], $0xffff;
	(pc) =	sbr.rel @p1 .LBB2_11-.Ltmp4, $4  }
0x143: {  	v17 =	vld.idx.msk [tilespmem:v25+s29+$0x0], $0xffff  }
0x144: {  	v14 =	vld.idx.msk [tilespmem:v22+s1+$0x0], $0xffff  }
0x145: {  	v16 =	vld.idx.msk [tilespmem:v16+s1+$0x0], $0xffff  }
0x146: {  	s15 =	sadd.s32 $0xC80, s15;
	v15 =	vld.idx.msk [tilespmem:v23+s1+$0x0], $0xffff  }
0x147: {  	_ =	sdelay $0x3  }
0x148: {  	v1 =	vld.idx.msk [tilespmem:v21+s1+$0x0], $0xffff  }
0x149: {  	v20 =	vld.idx.msk [tilespmem:v20+s1+$0x0], $0xffff  }
0x14a: {  	v19 =	vld.idx.msk [tilespmem:v19+s1+$0x0], $0xffff  }
0x14b: {  	v18 =	vld.idx.msk [tilespmem:v18+s1+$0x0], $0xffff  }
0x14c: {  	v17 =	vld.idx.msk [tilespmem:v17+s1+$0x0], $0xffff  }
0x14d: {  	v7 =	vmul.f32 v7, v14;
	v3 =	vmul.f32 v3, v16  }
0x14e: {  	v6 =	vmul.f32 v6, v15;
	v1 =	vmul.f32 v8, v1  }
0x14f: {  	v59 =	vmul.f32 v9, v20;
	v60 =	vmul.f32 v13, v19  }
0x150: {  	v5 =	vmul.f32 v5, v18;
	v2 =	vadd.f32 v6, v2;
	v1 =	vadd.f32 v1, v10  }
0x151: {  	v4 =	vmul.f32 v4, v17;
	v61 =	vadd.f32 v59, v11;
	v62 =	vadd.f32 v60, v12  }
0x152: {  	v2 =	vadd.f32 v3, v2;
	v1 =	vadd.f32 v5, v1  }
0x153: {  	v3 =	vadd.f32 v4, v61;
	v63 =	vadd.f32 v7, v62;
	_ =	sdelay $0x1  }
0x154: {  	v1 =	vadd.f32 v1, v2;
	v2 =	vadd.f32 v63, v3;
	_ =	sdelay $0x1  }
0x155: {  	v1 =	vadd.f32 v2, v1;
	_ =	sdelay $0x1  }
0x156: {  	v2 =	vsub.f32 $0.0e+00, v1;
	_ =	sdelay $0x1  }
0x157: {  	v2 =	vmul.f32 $1.442695020e+00, v2;
	_ =	sdelay $0x1  }
0x158: {  	(erf) = vpow2.f32 v2;
	_ =	sdelay $0x8  }
0x159: {  	v2 =	vpop (erf)  }
0x15a: {  	v2 =	vadd.f32 $1.000000000e+00, v2;
	_ =	sdelay $0x1  }
0x15b: {  	(erf) = vrcp.f32 v2;
	_ =	sdelay $0x5  }
0x15c: {  	s12 =	sadd.s32 $0x1, s12  }
0x15d: {  	p1 =	sne.s32 s12, $0x19  }
.Ltmp5:
0x15e: {  	_ = 	snop;
	(pc) =	sbr.rel @p1 .LBB2_10-.Ltmp5, $3  }
0x15f: {  	v2 =	vpop (erf)  }
0x160: {  	v1 =	vmul.f32 v2, v1;
	_ =	sdelay $0x1  }
0x161: {  	[tilespmem:s13+$0x1D700] =	vst v1  }
0x162: {  	s13 =	rddreg [dreg:$0xc]  }
0x163: {  	s12 =	simm.s32 $0x0;
	s15 =	rddreg [dreg:$0xd]  }
0x164: {  	[tilespmem:s29], [sflag:$0x1] =	stream.linear.gather [hbm4b:s13+s12], $0x3200, $0x38;
	[tilespmem:$0x1DC20] =	vst v63  }
0x165: {  	s16 =	sld [smem:$0x7F9]  }
0x166: {  	[tilespmem:s31], [sflag:$0x2] =	stream.linear.gather [hbm4b:s15+s12], $0x3200, $0x38;
	[tilespmem:$0x1DC20] =	vst v63  }
0x167: {  	_ = 	snop  }
0x168: {  	[tilespmem:s0], [sflag:$0x3] =	stream.linear.gather [hbm4b:s16+s12], $0x190, $0x38;
	[tilespmem:$0x1DC20] =	vst v63  }
0x169: {  	_ = 	snop  }
0x16a: {  	[spmem:s8] =	stream.linear.scatter [tilespmem:s7], [sflag:$0x5], $0x190, $0x38;
	[tilespmem:$0x1DC20] =	vst v63  }
0x16b: {  	_ =	swait.ge [sflag:s28], $0x190  }
0x16c: {  	[sflag:s28] =	ssyncset.done $0x0  }
0x16d: {  	[sflag:s28] =	ssyncadd.s32 $0xFFFFFE70  }
0x16e: {  	s17 =	simm.s32 $0x32E0;
	[bflag:$0x0] =	sbarrier.arrive $0xFFFF  }
0x16f: {  	[tilespmem:s17], [sflag:$0x4] =	stream.linear.gather [spmem:s4], $0x1870, $0x38;
	[tilespmem:$0x1DC20] =	vst v63  }
0x170: {  	_ =	swait.ge [sflag:s30], $0x3200  }
0x171: {  	[sflag:s30] =	ssyncset.done $0x0  }
0x172: {  	[sflag:s30] =	ssyncadd.s32 $0xFFFFCE00  }
0x173: {  	_ =	swait.ge [sflag:s3], $0x3200  }
0x174: {  	[sflag:s3] =	ssyncset.done $0x0  }
0x175: {  	[sflag:s3] =	ssyncadd.s32 $0xFFFFCE00  }
0x176: {  	_ =	swait.ge [sflag:s5], $0x190  }
0x177: {  	[sflag:s5] =	ssyncset.done $0x0  }
0x178: {  	[sflag:s5] =	ssyncadd.s32 $0xFFFFFE70  }
0x179: {  	_ =	swait.ge [sflag:s10], $0x1870  }
0x17a: {  	[sflag:s10] =	ssyncset.done $0x0  }
0x17b: {  	[sflag:s10] =	ssyncadd.s32 $0xFFFFE790  }
.LBB2_14:
0x17c: {  	s13 =	sshll.u32 s12, $0x4  }
0x17d: {  	s14 =	simm.s32 $0xAF0;
	v1 =	vor.u32 s13, v0  }
0x17e: {  	v3 =	vadd.s32 s14, v1  }
0x17f: {  	s15 =	simm.s32 $0x640  }
0x180: {  	s16 =	simm.s32 $0x7D0;
	v10 =	vadd.s32 s15, v1  }
0x181: {  	s17 =	simm.s32 $0x960;
	v11 =	vadd.s32 s16, v1  }
0x182: {  	v2 =	vld [tilespmem:s13+$0x1D500];
	v12 =	vadd.s32 s17, v1  }
0x183: {  	s15 =	simm.s32 $0x0;
	v7 =	vld.idx.msk [tilespmem:v3+s31+$0x0], $0xffff  }
0x184: {  	s16 =	simm.s32 $0x320;
	v14 =	vadd.s32 s15, v1;
	v16 =	vld.idx.msk [tilespmem:v3+s29+$0x0], $0xffff  }
0x185: {  	s17 =	simm.s32 $0x4B0;
	v17 =	vadd.s32 s16, v1;
	v3 =	vld.idx.msk [tilespmem:v10+s31+$0x0], $0xffff  }
0x186: {  	v18 =	vadd.s32 s17, v1;
	v5 =	vld.idx.msk [tilespmem:v11+s31+$0x0], $0xffff  }
0x187: {  	v4 =	vld.idx.msk [tilespmem:v12+s31+$0x0], $0xffff  }
0x188: {  	s15 =	simm.s32 $0x190;
	v10 =	vld.idx.msk [tilespmem:v10+s29+$0x0], $0xffff  }
0x189: {  	v15 =	vadd.s32 s15, v1;
	v6 =	vld.idx.msk [tilespmem:v14+s31+$0x0], $0xffff  }
0x18a: {  	v9 =	vld.idx.msk [tilespmem:v17+s31+$0x0], $0xffff  }
0x18b: {  	v13 =	vld.idx.msk [tilespmem:v18+s31+$0x0], $0xffff  }
0x18c: {  	v22 =	vld.idx.msk [tilespmem:v14+s29+$0x0], $0xffff  }
0x18d: {  	v20 =	vld.idx.msk [tilespmem:v17+s29+$0x0], $0xffff  }
0x18e: {  	v21 =	vld.idx.msk [tilespmem:v15+s29+$0x0], $0xffff  }
0x18f: {  	v19 =	vld.idx.msk [tilespmem:v18+s29+$0x0], $0xffff  }
0x190: {  	v18 =	vld.idx.msk [tilespmem:v11+s29+$0x0], $0xffff  }
0x191: {  	v17 =	vld.idx.msk [tilespmem:v12+s29+$0x0], $0xffff  }
0x192: {  	v8 =	vld.idx.msk [tilespmem:v15+s31+$0x0], $0xffff  }
0x193: {  	v14 =	vld.idx.msk [tilespmem:v16+s1+$0x0], $0xffff  }
0x194: {  	v16 =	vld.idx.msk [tilespmem:v10+s1+$0x0], $0xffff  }
0x195: {  	s14 =	simm.s32 $0x0;
	s15 =	simm.s32 $0x1770;
	v11 =	vimm.f32 $0.0e+00;
	v12 =	vimm.f32 $0.0e+00;
	v10 =	vimm.f32 $0.0e+00;
	v15 =	vld.idx.msk [tilespmem:v22+s1+$0x0], $0xffff  }
.LBB2_15:
0x196: {  	v22 =	vadd.s32 s15, v1;
	v21 =	vld.idx.msk [tilespmem:v21+s1+$0x0], $0xffff  }
0x197: {  	s16 =	sadd.s32 $0xFFFFFB50, s15;
	v20 =	vld.idx.msk [tilespmem:v20+s1+$0x0], $0xffff  }
0x198: {  	v23 =	vadd.s32 s16, v1;
	s16 =	sadd.s32 $0xFFFFFCE0, s15;
	v19 =	vld.idx.msk [tilespmem:v19+s1+$0x0], $0xffff  }
0x199: {  	v24 =	vadd.s32 s16, v1;
	s16 =	sadd.s32 $0xFFFFFE70, s15;
	v18 =	vld.idx.msk [tilespmem:v18+s1+$0x0], $0xffff  }
0x19a: {  	s17 =	sadd.s32 $0xFFFFF510, s15;
	v25 =	vadd.s32 s16, v1;
	v17 =	vld.idx.msk [tilespmem:v17+s1+$0x0], $0xffff  }
0x19b: {  	v26 =	vadd.s32 s17, v1;
	s16 =	sadd.s32 $0xFFFFF6A0, s15;
	v27 =	vld.idx.msk [tilespmem:v22+s31+$0x0], $0xffff  }
0x19c: {  	v14 =	vmul.f32 v7, v14;
	v16 =	vmul.f32 v3, v16;
	v28 =	vadd.s32 s16, v1;
	s16 =	sadd.s32 $0xFFFFF830, s15;
	v22 =	vld.idx.msk [tilespmem:v22+s29+$0x0], $0xffff  }
0x19d: {  	v6 =	vmul.f32 v6, v15;
	v29 =	vadd.s32 s16, v1;
	s16 =	sadd.s32 $0xFFFFF9C0, s15;
	v7 =	vmul.f32 v8, v21;
	v3 =	vld.idx.msk [tilespmem:v23+s31+$0x0], $0xffff  }
0x19e: {  	v15 =	vadd.s32 s16, v1;
	v8 =	vmul.f32 v9, v20;
	v9 =	vmul.f32 v13, v19;
	v21 =	vld.idx.msk [tilespmem:v24+s31+$0x0], $0xffff  }
0x19f: {  	v2 =	vadd.f32 v6, v2;
	v13 =	vadd.f32 v7, v10;
	v5 =	vmul.f32 v5, v18;
	v19 =	vld.idx.msk [tilespmem:v25+s31+$0x0], $0xffff  }
0x1a0: {  	v11 =	vadd.f32 v8, v11;
	v12 =	vadd.f32 v9, v12;
	v4 =	vmul.f32 v4, v17;
	v6 =	vld.idx.msk [tilespmem:v26+s31+$0x0], $0xffff  }
0x1a1: {  	v2 =	vadd.f32 v16, v2;
	v10 =	vadd.f32 v5, v13;
	v7 =	vmov v27;
	v8 =	vld.idx.msk [tilespmem:v28+s31+$0x0], $0xffff  }
0x1a2: {  	s14 =	sadd.s32 $0x8, s14;
	v11 =	vadd.f32 v4, v11;
	v12 =	vadd.f32 v14, v12;
	v9 =	vld.idx.msk [tilespmem:v29+s31+$0x0], $0xffff  }
0x1a3: {  	p1 =	slt.u32 s14, $0x18;
	v13 =	vld.idx.msk [tilespmem:v15+s31+$0x0], $0xffff  }
0x1a4: {  	v5 =	vmov v21;
	v16 =	vld.idx.msk [tilespmem:v23+s29+$0x0], $0xffff  }
0x1a5: {  	v4 =	vmov v19;
	v23 =	vld.idx.msk [tilespmem:v26+s29+$0x0], $0xffff  }
0x1a6: {  	v21 =	vld.idx.msk [tilespmem:v28+s29+$0x0], $0xffff  }
0x1a7: {  	v20 =	vld.idx.msk [tilespmem:v29+s29+$0x0], $0xffff  }
0x1a8: {  	v19 =	vld.idx.msk [tilespmem:v15+s29+$0x0], $0xffff  }
.Ltmp6:
0x1a9: {  	v18 =	vld.idx.msk [tilespmem:v24+s29+$0x0], $0xffff;
	(pc) =	sbr.rel @p1 .LBB2_15-.Ltmp6, $4  }
0x1aa: {  	v17 =	vld.idx.msk [tilespmem:v25+s29+$0x0], $0xffff  }
0x1ab: {  	v14 =	vld.idx.msk [tilespmem:v22+s1+$0x0], $0xffff  }
0x1ac: {  	v16 =	vld.idx.msk [tilespmem:v16+s1+$0x0], $0xffff  }
0x1ad: {  	s15 =	sadd.s32 $0xC80, s15;
	v15 =	vld.idx.msk [tilespmem:v23+s1+$0x0], $0xffff  }
0x1ae: {  	_ =	sdelay $0x3  }
0x1af: {  	v1 =	vld.idx.msk [tilespmem:v21+s1+$0x0], $0xffff  }
0x1b0: {  	v20 =	vld.idx.msk [tilespmem:v20+s1+$0x0], $0xffff  }
0x1b1: {  	v19 =	vld.idx.msk [tilespmem:v19+s1+$0x0], $0xffff  }
0x1b2: {  	v18 =	vld.idx.msk [tilespmem:v18+s1+$0x0], $0xffff  }
0x1b3: {  	v17 =	vld.idx.msk [tilespmem:v17+s1+$0x0], $0xffff  }
0x1b4: {  	v7 =	vmul.f32 v7, v14;
	v3 =	vmul.f32 v3, v16  }
0x1b5: {  	v6 =	vmul.f32 v6, v15;
	v1 =	vmul.f32 v8, v1  }
0x1b6: {  	v59 =	vmul.f32 v9, v20;
	v60 =	vmul.f32 v13, v19  }
0x1b7: {  	v5 =	vmul.f32 v5, v18;
	v2 =	vadd.f32 v6, v2;
	v1 =	vadd.f32 v1, v10  }
0x1b8: {  	v4 =	vmul.f32 v4, v17;
	v61 =	vadd.f32 v59, v11;
	v62 =	vadd.f32 v60, v12  }
0x1b9: {  	v2 =	vadd.f32 v3, v2;
	v1 =	vadd.f32 v5, v1  }
0x1ba: {  	v3 =	vadd.f32 v4, v61;
	v63 =	vadd.f32 v7, v62;
	_ =	sdelay $0x1  }
0x1bb: {  	v1 =	vadd.f32 v1, v2;
	v2 =	vadd.f32 v63, v3;
	_ =	sdelay $0x1  }
0x1bc: {  	v1 =	vadd.f32 v2, v1;
	_ =	sdelay $0x1  }
0x1bd: {  	v2 =	vsub.f32 $0.0e+00, v1;
	_ =	sdelay $0x1  }
0x1be: {  	v2 =	vmul.f32 $1.442695020e+00, v2;
	_ =	sdelay $0x1  }
0x1bf: {  	(erf) = vpow2.f32 v2;
	_ =	sdelay $0x8  }
0x1c0: {  	v2 =	vpop (erf)  }
0x1c1: {  	v2 =	vadd.f32 $1.000000000e+00, v2;
	_ =	sdelay $0x1  }
0x1c2: {  	(erf) = vrcp.f32 v2;
	_ =	sdelay $0x5  }
0x1c3: {  	s12 =	sadd.s32 $0x1, s12  }
0x1c4: {  	p1 =	sne.s32 s12, $0x19  }
.Ltmp7:
0x1c5: {  	_ = 	snop;
	(pc) =	sbr.rel @p1 .LBB2_14-.Ltmp7, $3  }
0x1c6: {  	v2 =	vpop (erf)  }
0x1c7: {  	v1 =	vmul.f32 v2, v1;
	_ =	sdelay $0x1  }
0x1c8: {  	[tilespmem:s13+$0x1D700] =	vst v1  }
0x1c9: {  	s13 =	rddreg [dreg:$0xe]  }
0x1ca: {  	s12 =	simm.s32 $0x0;
	s15 =	rddreg [dreg:$0xf]  }
0x1cb: {  	[tilespmem:s29], [sflag:$0x1] =	stream.linear.gather [hbm4b:s13+s12], $0x3200, $0x38;
	[tilespmem:$0x1DC20] =	vst v63  }
0x1cc: {  	s16 =	sld [smem:$0x7FA]  }
0x1cd: {  	[tilespmem:s31], [sflag:$0x2] =	stream.linear.gather [hbm4b:s15+s12], $0x3200, $0x38;
	[tilespmem:$0x1DC20] =	vst v63  }
0x1ce: {  	_ = 	snop  }
0x1cf: {  	[tilespmem:s0], [sflag:$0x3] =	stream.linear.gather [hbm4b:s16+s12], $0x190, $0x38;
	[tilespmem:$0x1DC20] =	vst v63  }
0x1d0: {  	_ = 	snop  }
0x1d1: {  	[spmem:s9] =	stream.linear.scatter [tilespmem:s7], [sflag:$0x5], $0x190, $0x38;
	[tilespmem:$0x1DC20] =	vst v63  }
0x1d2: {  	_ =	swait.ge [sflag:s28], $0x190  }
0x1d3: {  	[sflag:s28] =	ssyncset.done $0x0  }
0x1d4: {  	[sflag:s28] =	ssyncadd.s32 $0xFFFFFE70  }
0x1d5: {  	s17 =	simm.s32 $0x4B50;
	[bflag:$0x0] =	sbarrier.arrive $0xFFFF  }
0x1d6: {  	[tilespmem:s17], [sflag:$0x4] =	stream.linear.gather [spmem:s6], $0x1870, $0x38;
	[tilespmem:$0x1DC20] =	vst v63  }
0x1d7: {  	_ =	swait.ge [sflag:s30], $0x3200  }
0x1d8: {  	[sflag:s30] =	ssyncset.done $0x0  }
0x1d9: {  	[sflag:s30] =	ssyncadd.s32 $0xFFFFCE00  }
0x1da: {  	_ =	swait.ge [sflag:s3], $0x3200  }
0x1db: {  	[sflag:s3] =	ssyncset.done $0x0  }
0x1dc: {  	[sflag:s3] =	ssyncadd.s32 $0xFFFFCE00  }
0x1dd: {  	_ =	swait.ge [sflag:s5], $0x190  }
0x1de: {  	[sflag:s5] =	ssyncset.done $0x0  }
0x1df: {  	[sflag:s5] =	ssyncadd.s32 $0xFFFFFE70  }
0x1e0: {  	_ =	swait.ge [sflag:s10], $0x1870  }
0x1e1: {  	[sflag:s10] =	ssyncset.done $0x0  }
0x1e2: {  	[sflag:s10] =	ssyncadd.s32 $0xFFFFE790  }
.LBB2_18:
0x1e3: {  	s13 =	sshll.u32 s12, $0x4  }
0x1e4: {  	s14 =	simm.s32 $0xAF0;
	v1 =	vor.u32 s13, v0  }
0x1e5: {  	v3 =	vadd.s32 s14, v1  }
0x1e6: {  	s15 =	simm.s32 $0x640  }
0x1e7: {  	s16 =	simm.s32 $0x7D0;
	v10 =	vadd.s32 s15, v1  }
0x1e8: {  	s17 =	simm.s32 $0x960;
	v11 =	vadd.s32 s16, v1  }
0x1e9: {  	v2 =	vld [tilespmem:s13+$0x1D500];
	v12 =	vadd.s32 s17, v1  }
0x1ea: {  	s15 =	simm.s32 $0x0;
	v7 =	vld.idx.msk [tilespmem:v3+s31+$0x0], $0xffff  }
0x1eb: {  	s16 =	simm.s32 $0x320;
	v14 =	vadd.s32 s15, v1;
	v16 =	vld.idx.msk [tilespmem:v3+s29+$0x0], $0xffff  }
0x1ec: {  	s17 =	simm.s32 $0x4B0;
	v17 =	vadd.s32 s16, v1;
	v3 =	vld.idx.msk [tilespmem:v10+s31+$0x0], $0xffff  }
0x1ed: {  	v18 =	vadd.s32 s17, v1;
	v5 =	vld.idx.msk [tilespmem:v11+s31+$0x0], $0xffff  }
0x1ee: {  	v4 =	vld.idx.msk [tilespmem:v12+s31+$0x0], $0xffff  }
0x1ef: {  	s15 =	simm.s32 $0x190;
	v10 =	vld.idx.msk [tilespmem:v10+s29+$0x0], $0xffff  }
0x1f0: {  	v15 =	vadd.s32 s15, v1;
	v6 =	vld.idx.msk [tilespmem:v14+s31+$0x0], $0xffff  }
0x1f1: {  	v9 =	vld.idx.msk [tilespmem:v17+s31+$0x0], $0xffff  }
0x1f2: {  	v13 =	vld.idx.msk [tilespmem:v18+s31+$0x0], $0xffff  }
0x1f3: {  	v22 =	vld.idx.msk [tilespmem:v14+s29+$0x0], $0xffff  }
0x1f4: {  	v20 =	vld.idx.msk [tilespmem:v17+s29+$0x0], $0xffff  }
0x1f5: {  	v21 =	vld.idx.msk [tilespmem:v15+s29+$0x0], $0xffff  }
0x1f6: {  	v19 =	vld.idx.msk [tilespmem:v18+s29+$0x0], $0xffff  }
0x1f7: {  	v18 =	vld.idx.msk [tilespmem:v11+s29+$0x0], $0xffff  }
0x1f8: {  	v17 =	vld.idx.msk [tilespmem:v12+s29+$0x0], $0xffff  }
0x1f9: {  	v8 =	vld.idx.msk [tilespmem:v15+s31+$0x0], $0xffff  }
0x1fa: {  	v14 =	vld.idx.msk [tilespmem:v16+s1+$0x0], $0xffff  }
0x1fb: {  	v16 =	vld.idx.msk [tilespmem:v10+s1+$0x0], $0xffff  }
0x1fc: {  	s14 =	simm.s32 $0x0;
	s15 =	simm.s32 $0x1770;
	v11 =	vimm.f32 $0.0e+00;
	v12 =	vimm.f32 $0.0e+00;
	v10 =	vimm.f32 $0.0e+00;
	v15 =	vld.idx.msk [tilespmem:v22+s1+$0x0], $0xffff  }
.LBB2_19:
0x1fd: {  	v22 =	vadd.s32 s15, v1;
	v21 =	vld.idx.msk [tilespmem:v21+s1+$0x0], $0xffff  }
0x1fe: {  	s16 =	sadd.s32 $0xFFFFFB50, s15;
	v20 =	vld.idx.msk [tilespmem:v20+s1+$0x0], $0xffff  }
0x1ff: {  	v23 =	vadd.s32 s16, v1;
	s16 =	sadd.s32 $0xFFFFFCE0, s15;
	v19 =	vld.idx.msk [tilespmem:v19+s1+$0x0], $0xffff  }
0x200: {  	v24 =	vadd.s32 s16, v1;
	s16 =	sadd.s32 $0xFFFFFE70, s15;
	v18 =	vld.idx.msk [tilespmem:v18+s1+$0x0], $0xffff  }
0x201: {  	s17 =	sadd.s32 $0xFFFFF510, s15;
	v25 =	vadd.s32 s16, v1;
	v17 =	vld.idx.msk [tilespmem:v17+s1+$0x0], $0xffff  }
0x202: {  	v26 =	vadd.s32 s17, v1;
	s16 =	sadd.s32 $0xFFFFF6A0, s15;
	v27 =	vld.idx.msk [tilespmem:v22+s31+$0x0], $0xffff  }
0x203: {  	v14 =	vmul.f32 v7, v14;
	v16 =	vmul.f32 v3, v16;
	v28 =	vadd.s32 s16, v1;
	s16 =	sadd.s32 $0xFFFFF830, s15;
	v22 =	vld.idx.msk [tilespmem:v22+s29+$0x0], $0xffff  }
0x204: {  	v6 =	vmul.f32 v6, v15;
	v29 =	vadd.s32 s16, v1;
	s16 =	sadd.s32 $0xFFFFF9C0, s15;
	v7 =	vmul.f32 v8, v21;
	v3 =	vld.idx.msk [tilespmem:v23+s31+$0x0], $0xffff  }
0x205: {  	v15 =	vadd.s32 s16, v1;
	v8 =	vmul.f32 v9, v20;
	v9 =	vmul.f32 v13, v19;
	v21 =	vld.idx.msk [tilespmem:v24+s31+$0x0], $0xffff  }
0x206: {  	v2 =	vadd.f32 v6, v2;
	v13 =	vadd.f32 v7, v10;
	v5 =	vmul.f32 v5, v18;
	v19 =	vld.idx.msk [tilespmem:v25+s31+$0x0], $0xffff  }
0x207: {  	v11 =	vadd.f32 v8, v11;
	v12 =	vadd.f32 v9, v12;
	v4 =	vmul.f32 v4, v17;
	v6 =	vld.idx.msk [tilespmem:v26+s31+$0x0], $0xffff  }
0x208: {  	v2 =	vadd.f32 v16, v2;
	v10 =	vadd.f32 v5, v13;
	v7 =	vmov v27;
	v8 =	vld.idx.msk [tilespmem:v28+s31+$0x0], $0xffff  }
0x209: {  	s14 =	sadd.s32 $0x8, s14;
	v11 =	vadd.f32 v4, v11;
	v12 =	vadd.f32 v14, v12;
	v9 =	vld.idx.msk [tilespmem:v29+s31+$0x0], $0xffff  }
0x20a: {  	p1 =	slt.u32 s14, $0x18;
	v13 =	vld.idx.msk [tilespmem:v15+s31+$0x0], $0xffff  }
0x20b: {  	v5 =	vmov v21;
	v16 =	vld.idx.msk [tilespmem:v23+s29+$0x0], $0xffff  }
0x20c: {  	v4 =	vmov v19;
	v23 =	vld.idx.msk [tilespmem:v26+s29+$0x0], $0xffff  }
0x20d: {  	v21 =	vld.idx.msk [tilespmem:v28+s29+$0x0], $0xffff  }
0x20e: {  	v20 =	vld.idx.msk [tilespmem:v29+s29+$0x0], $0xffff  }
0x20f: {  	v19 =	vld.idx.msk [tilespmem:v15+s29+$0x0], $0xffff  }
.Ltmp8:
0x210: {  	v18 =	vld.idx.msk [tilespmem:v24+s29+$0x0], $0xffff;
	(pc) =	sbr.rel @p1 .LBB2_19-.Ltmp8, $4  }
0x211: {  	v17 =	vld.idx.msk [tilespmem:v25+s29+$0x0], $0xffff  }
0x212: {  	v14 =	vld.idx.msk [tilespmem:v22+s1+$0x0], $0xffff  }
0x213: {  	v16 =	vld.idx.msk [tilespmem:v16+s1+$0x0], $0xffff  }
0x214: {  	s15 =	sadd.s32 $0xC80, s15;
	v15 =	vld.idx.msk [tilespmem:v23+s1+$0x0], $0xffff  }
0x215: {  	_ =	sdelay $0x3  }
0x216: {  	v1 =	vld.idx.msk [tilespmem:v21+s1+$0x0], $0xffff  }
0x217: {  	v20 =	vld.idx.msk [tilespmem:v20+s1+$0x0], $0xffff  }
0x218: {  	v19 =	vld.idx.msk [tilespmem:v19+s1+$0x0], $0xffff  }
0x219: {  	v18 =	vld.idx.msk [tilespmem:v18+s1+$0x0], $0xffff  }
0x21a: {  	v17 =	vld.idx.msk [tilespmem:v17+s1+$0x0], $0xffff  }
0x21b: {  	v7 =	vmul.f32 v7, v14;
	v3 =	vmul.f32 v3, v16  }
0x21c: {  	v6 =	vmul.f32 v6, v15;
	v1 =	vmul.f32 v8, v1  }
0x21d: {  	v59 =	vmul.f32 v9, v20;
	v60 =	vmul.f32 v13, v19  }
0x21e: {  	v5 =	vmul.f32 v5, v18;
	v2 =	vadd.f32 v6, v2;
	v1 =	vadd.f32 v1, v10  }
0x21f: {  	v4 =	vmul.f32 v4, v17;
	v61 =	vadd.f32 v59, v11;
	v62 =	vadd.f32 v60, v12  }
0x220: {  	v2 =	vadd.f32 v3, v2;
	v1 =	vadd.f32 v5, v1  }
0x221: {  	v3 =	vadd.f32 v4, v61;
	v63 =	vadd.f32 v7, v62;
	_ =	sdelay $0x1  }
0x222: {  	v1 =	vadd.f32 v1, v2;
	v2 =	vadd.f32 v63, v3;
	_ =	sdelay $0x1  }
0x223: {  	v1 =	vadd.f32 v2, v1;
	_ =	sdelay $0x1  }
0x224: {  	v2 =	vsub.f32 $0.0e+00, v1;
	_ =	sdelay $0x1  }
0x225: {  	v2 =	vmul.f32 $1.442695020e+00, v2;
	_ =	sdelay $0x1  }
0x226: {  	(erf) = vpow2.f32 v2;
	_ =	sdelay $0x8  }
0x227: {  	v2 =	vpop (erf)  }
0x228: {  	v2 =	vadd.f32 $1.000000000e+00, v2;
	_ =	sdelay $0x1  }
0x229: {  	(erf) = vrcp.f32 v2;
	_ =	sdelay $0x5  }
0x22a: {  	s12 =	sadd.s32 $0x1, s12  }
0x22b: {  	p1 =	sne.s32 s12, $0x19  }
.Ltmp9:
0x22c: {  	_ = 	snop;
	(pc) =	sbr.rel @p1 .LBB2_18-.Ltmp9, $3  }
0x22d: {  	v2 =	vpop (erf)  }
0x22e: {  	v1 =	vmul.f32 v2, v1;
	_ =	sdelay $0x1  }
0x22f: {  	[tilespmem:s13+$0x1D700] =	vst v1  }
0x230: {  	s13 =	rddreg [dreg:$0x10]  }
0x231: {  	s12 =	simm.s32 $0x0;
	s15 =	rddreg [dreg:$0x11]  }
0x232: {  	[tilespmem:s29], [sflag:$0x1] =	stream.linear.gather [hbm4b:s13+s12], $0x3200, $0x38;
	[tilespmem:$0x1DC20] =	vst v63  }
0x233: {  	s16 =	sld [smem:$0x7FB]  }
0x234: {  	[tilespmem:s31], [sflag:$0x2] =	stream.linear.gather [hbm4b:s15+s12], $0x3200, $0x38;
	[tilespmem:$0x1DC20] =	vst v63  }
0x235: {  	_ = 	snop  }
0x236: {  	[tilespmem:s0], [sflag:$0x3] =	stream.linear.gather [hbm4b:s16+s12], $0x190, $0x38;
	[tilespmem:$0x1DC20] =	vst v63  }
0x237: {  	_ = 	snop  }
0x238: {  	[spmem:s8] =	stream.linear.scatter [tilespmem:s7], [sflag:$0x5], $0x190, $0x38;
	[tilespmem:$0x1DC20] =	vst v63  }
0x239: {  	_ =	swait.ge [sflag:s28], $0x190  }
0x23a: {  	[sflag:s28] =	ssyncset.done $0x0  }
0x23b: {  	[sflag:s28] =	ssyncadd.s32 $0xFFFFFE70  }
0x23c: {  	s17 =	simm.s32 $0x63C0;
	[bflag:$0x0] =	sbarrier.arrive $0xFFFF  }
0x23d: {  	[tilespmem:s17], [sflag:$0x4] =	stream.linear.gather [spmem:s4], $0x1870, $0x38;
	[tilespmem:$0x1DC20] =	vst v63  }
0x23e: {  	_ =	swait.ge [sflag:s30], $0x3200  }
0x23f: {  	[sflag:s30] =	ssyncset.done $0x0  }
0x240: {  	[sflag:s30] =	ssyncadd.s32 $0xFFFFCE00  }
0x241: {  	_ =	swait.ge [sflag:s3], $0x3200  }
0x242: {  	[sflag:s3] =	ssyncset.done $0x0  }
0x243: {  	[sflag:s3] =	ssyncadd.s32 $0xFFFFCE00  }
0x244: {  	_ =	swait.ge [sflag:s5], $0x190  }
0x245: {  	[sflag:s5] =	ssyncset.done $0x0  }
0x246: {  	[sflag:s5] =	ssyncadd.s32 $0xFFFFFE70  }
0x247: {  	_ =	swait.ge [sflag:s10], $0x1870  }
0x248: {  	[sflag:s10] =	ssyncset.done $0x0  }
0x249: {  	[sflag:s10] =	ssyncadd.s32 $0xFFFFE790  }
.LBB2_22:
0x24a: {  	s13 =	sshll.u32 s12, $0x4  }
0x24b: {  	s14 =	simm.s32 $0xAF0;
	v1 =	vor.u32 s13, v0  }
0x24c: {  	v3 =	vadd.s32 s14, v1  }
0x24d: {  	s15 =	simm.s32 $0x640  }
0x24e: {  	s16 =	simm.s32 $0x7D0;
	v10 =	vadd.s32 s15, v1  }
0x24f: {  	s17 =	simm.s32 $0x960;
	v11 =	vadd.s32 s16, v1  }
0x250: {  	v2 =	vld [tilespmem:s13+$0x1D500];
	v12 =	vadd.s32 s17, v1  }
0x251: {  	s15 =	simm.s32 $0x0;
	v7 =	vld.idx.msk [tilespmem:v3+s31+$0x0], $0xffff  }
0x252: {  	s16 =	simm.s32 $0x320;
	v14 =	vadd.s32 s15, v1;
	v16 =	vld.idx.msk [tilespmem:v3+s29+$0x0], $0xffff  }
0x253: {  	s17 =	simm.s32 $0x4B0;
	v17 =	vadd.s32 s16, v1;
	v3 =	vld.idx.msk [tilespmem:v10+s31+$0x0], $0xffff  }
0x254: {  	v18 =	vadd.s32 s17, v1;
	v5 =	vld.idx.msk [tilespmem:v11+s31+$0x0], $0xffff  }
0x255: {  	v4 =	vld.idx.msk [tilespmem:v12+s31+$0x0], $0xffff  }
0x256: {  	s15 =	simm.s32 $0x190;
	v10 =	vld.idx.msk [tilespmem:v10+s29+$0x0], $0xffff  }
0x257: {  	v15 =	vadd.s32 s15, v1;
	v6 =	vld.idx.msk [tilespmem:v14+s31+$0x0], $0xffff  }
0x258: {  	v9 =	vld.idx.msk [tilespmem:v17+s31+$0x0], $0xffff  }
0x259: {  	v13 =	vld.idx.msk [tilespmem:v18+s31+$0x0], $0xffff  }
0x25a: {  	v22 =	vld.idx.msk [tilespmem:v14+s29+$0x0], $0xffff  }
0x25b: {  	v20 =	vld.idx.msk [tilespmem:v17+s29+$0x0], $0xffff  }
0x25c: {  	v21 =	vld.idx.msk [tilespmem:v15+s29+$0x0], $0xffff  }
0x25d: {  	v19 =	vld.idx.msk [tilespmem:v18+s29+$0x0], $0xffff  }
0x25e: {  	v18 =	vld.idx.msk [tilespmem:v11+s29+$0x0], $0xffff  }
0x25f: {  	v17 =	vld.idx.msk [tilespmem:v12+s29+$0x0], $0xffff  }
0x260: {  	v8 =	vld.idx.msk [tilespmem:v15+s31+$0x0], $0xffff  }
0x261: {  	v14 =	vld.idx.msk [tilespmem:v16+s1+$0x0], $0xffff  }
0x262: {  	v16 =	vld.idx.msk [tilespmem:v10+s1+$0x0], $0xffff  }
0x263: {  	s14 =	simm.s32 $0x0;
	s15 =	simm.s32 $0x1770;
	v11 =	vimm.f32 $0.0e+00;
	v12 =	vimm.f32 $0.0e+00;
	v10 =	vimm.f32 $0.0e+00;
	v15 =	vld.idx.msk [tilespmem:v22+s1+$0x0], $0xffff  }
.LBB2_23:
0x264: {  	v22 =	vadd.s32 s15, v1;
	v21 =	vld.idx.msk [tilespmem:v21+s1+$0x0], $0xffff  }
0x265: {  	s16 =	sadd.s32 $0xFFFFFB50, s15;
	v20 =	vld.idx.msk [tilespmem:v20+s1+$0x0], $0xffff  }
0x266: {  	v23 =	vadd.s32 s16, v1;
	s16 =	sadd.s32 $0xFFFFFCE0, s15;
	v19 =	vld.idx.msk [tilespmem:v19+s1+$0x0], $0xffff  }
0x267: {  	v24 =	vadd.s32 s16, v1;
	s16 =	sadd.s32 $0xFFFFFE70, s15;
	v18 =	vld.idx.msk [tilespmem:v18+s1+$0x0], $0xffff  }
0x268: {  	s17 =	sadd.s32 $0xFFFFF510, s15;
	v25 =	vadd.s32 s16, v1;
	v17 =	vld.idx.msk [tilespmem:v17+s1+$0x0], $0xffff  }
0x269: {  	v26 =	vadd.s32 s17, v1;
	s16 =	sadd.s32 $0xFFFFF6A0, s15;
	v27 =	vld.idx.msk [tilespmem:v22+s31+$0x0], $0xffff  }
0x26a: {  	v14 =	vmul.f32 v7, v14;
	v16 =	vmul.f32 v3, v16;
	v28 =	vadd.s32 s16, v1;
	s16 =	sadd.s32 $0xFFFFF830, s15;
	v22 =	vld.idx.msk [tilespmem:v22+s29+$0x0], $0xffff  }
0x26b: {  	v6 =	vmul.f32 v6, v15;
	v29 =	vadd.s32 s16, v1;
	s16 =	sadd.s32 $0xFFFFF9C0, s15;
	v7 =	vmul.f32 v8, v21;
	v3 =	vld.idx.msk [tilespmem:v23+s31+$0x0], $0xffff  }
0x26c: {  	v15 =	vadd.s32 s16, v1;
	v8 =	vmul.f32 v9, v20;
	v9 =	vmul.f32 v13, v19;
	v21 =	vld.idx.msk [tilespmem:v24+s31+$0x0], $0xffff  }
0x26d: {  	v2 =	vadd.f32 v6, v2;
	v13 =	vadd.f32 v7, v10;
	v5 =	vmul.f32 v5, v18;
	v19 =	vld.idx.msk [tilespmem:v25+s31+$0x0], $0xffff  }
0x26e: {  	v11 =	vadd.f32 v8, v11;
	v12 =	vadd.f32 v9, v12;
	v4 =	vmul.f32 v4, v17;
	v6 =	vld.idx.msk [tilespmem:v26+s31+$0x0], $0xffff  }
0x26f: {  	v2 =	vadd.f32 v16, v2;
	v10 =	vadd.f32 v5, v13;
	v7 =	vmov v27;
	v8 =	vld.idx.msk [tilespmem:v28+s31+$0x0], $0xffff  }
0x270: {  	s14 =	sadd.s32 $0x8, s14;
	v11 =	vadd.f32 v4, v11;
	v12 =	vadd.f32 v14, v12;
	v9 =	vld.idx.msk [tilespmem:v29+s31+$0x0], $0xffff  }
0x271: {  	p1 =	slt.u32 s14, $0x18;
	v13 =	vld.idx.msk [tilespmem:v15+s31+$0x0], $0xffff  }
0x272: {  	v5 =	vmov v21;
	v16 =	vld.idx.msk [tilespmem:v23+s29+$0x0], $0xffff  }
0x273: {  	v4 =	vmov v19;
	v23 =	vld.idx.msk [tilespmem:v26+s29+$0x0], $0xffff  }
0x274: {  	v21 =	vld.idx.msk [tilespmem:v28+s29+$0x0], $0xffff  }
0x275: {  	v20 =	vld.idx.msk [tilespmem:v29+s29+$0x0], $0xffff  }
0x276: {  	v19 =	vld.idx.msk [tilespmem:v15+s29+$0x0], $0xffff  }
.Ltmp10:
0x277: {  	v18 =	vld.idx.msk [tilespmem:v24+s29+$0x0], $0xffff;
	(pc) =	sbr.rel @p1 .LBB2_23-.Ltmp10, $4  }
0x278: {  	v17 =	vld.idx.msk [tilespmem:v25+s29+$0x0], $0xffff  }
0x279: {  	v14 =	vld.idx.msk [tilespmem:v22+s1+$0x0], $0xffff  }
0x27a: {  	v16 =	vld.idx.msk [tilespmem:v16+s1+$0x0], $0xffff  }
0x27b: {  	s15 =	sadd.s32 $0xC80, s15;
	v15 =	vld.idx.msk [tilespmem:v23+s1+$0x0], $0xffff  }
0x27c: {  	_ =	sdelay $0x3  }
0x27d: {  	v1 =	vld.idx.msk [tilespmem:v21+s1+$0x0], $0xffff  }
0x27e: {  	v20 =	vld.idx.msk [tilespmem:v20+s1+$0x0], $0xffff  }
0x27f: {  	v19 =	vld.idx.msk [tilespmem:v19+s1+$0x0], $0xffff  }
0x280: {  	v18 =	vld.idx.msk [tilespmem:v18+s1+$0x0], $0xffff  }
0x281: {  	v17 =	vld.idx.msk [tilespmem:v17+s1+$0x0], $0xffff  }
0x282: {  	v7 =	vmul.f32 v7, v14;
	v3 =	vmul.f32 v3, v16  }
0x283: {  	v6 =	vmul.f32 v6, v15;
	v1 =	vmul.f32 v8, v1  }
0x284: {  	v59 =	vmul.f32 v9, v20;
	v60 =	vmul.f32 v13, v19  }
0x285: {  	v5 =	vmul.f32 v5, v18;
	v2 =	vadd.f32 v6, v2;
	v1 =	vadd.f32 v1, v10  }
0x286: {  	v4 =	vmul.f32 v4, v17;
	v61 =	vadd.f32 v59, v11;
	v62 =	vadd.f32 v60, v12  }
0x287: {  	v2 =	vadd.f32 v3, v2;
	v1 =	vadd.f32 v5, v1  }
0x288: {  	v3 =	vadd.f32 v4, v61;
	v63 =	vadd.f32 v7, v62;
	_ =	sdelay $0x1  }
0x289: {  	v1 =	vadd.f32 v1, v2;
	v2 =	vadd.f32 v63, v3;
	_ =	sdelay $0x1  }
0x28a: {  	v1 =	vadd.f32 v2, v1;
	_ =	sdelay $0x1  }
0x28b: {  	v2 =	vsub.f32 $0.0e+00, v1;
	_ =	sdelay $0x1  }
0x28c: {  	v2 =	vmul.f32 $1.442695020e+00, v2;
	_ =	sdelay $0x1  }
0x28d: {  	(erf) = vpow2.f32 v2;
	_ =	sdelay $0x8  }
0x28e: {  	v2 =	vpop (erf)  }
0x28f: {  	v2 =	vadd.f32 $1.000000000e+00, v2;
	_ =	sdelay $0x1  }
0x290: {  	(erf) = vrcp.f32 v2;
	_ =	sdelay $0x5  }
0x291: {  	s12 =	sadd.s32 $0x1, s12  }
0x292: {  	p1 =	sne.s32 s12, $0x19  }
.Ltmp11:
0x293: {  	_ = 	snop;
	(pc) =	sbr.rel @p1 .LBB2_22-.Ltmp11, $3  }
0x294: {  	v2 =	vpop (erf)  }
0x295: {  	v1 =	vmul.f32 v2, v1;
	_ =	sdelay $0x1  }
0x296: {  	[tilespmem:s13+$0x1D700] =	vst v1  }
0x297: {  	s13 =	rddreg [dreg:$0x12]  }
0x298: {  	s12 =	simm.s32 $0x0;
	s15 =	rddreg [dreg:$0x13]  }
0x299: {  	[tilespmem:s29], [sflag:$0x1] =	stream.linear.gather [hbm4b:s13+s12], $0x3200, $0x38;
	[tilespmem:$0x1DC20] =	vst v63  }
0x29a: {  	s16 =	sld [smem:$0x7FC]  }
0x29b: {  	[tilespmem:s31], [sflag:$0x2] =	stream.linear.gather [hbm4b:s15+s12], $0x3200, $0x38;
	[tilespmem:$0x1DC20] =	vst v63  }
0x29c: {  	_ = 	snop  }
0x29d: {  	[tilespmem:s0], [sflag:$0x3] =	stream.linear.gather [hbm4b:s16+s12], $0x190, $0x38;
	[tilespmem:$0x1DC20] =	vst v63  }
0x29e: {  	_ = 	snop  }
0x29f: {  	[spmem:s9] =	stream.linear.scatter [tilespmem:s7], [sflag:$0x5], $0x190, $0x38;
	[tilespmem:$0x1DC20] =	vst v63  }
0x2a0: {  	_ =	swait.ge [sflag:s28], $0x190  }
0x2a1: {  	[sflag:s28] =	ssyncset.done $0x0  }
0x2a2: {  	[sflag:s28] =	ssyncadd.s32 $0xFFFFFE70  }
0x2a3: {  	s17 =	simm.s32 $0x7C30;
	[bflag:$0x0] =	sbarrier.arrive $0xFFFF  }
0x2a4: {  	[tilespmem:s17], [sflag:$0x4] =	stream.linear.gather [spmem:s6], $0x1870, $0x38;
	[tilespmem:$0x1DC20] =	vst v63  }
0x2a5: {  	_ =	swait.ge [sflag:s30], $0x3200  }
0x2a6: {  	[sflag:s30] =	ssyncset.done $0x0  }
0x2a7: {  	[sflag:s30] =	ssyncadd.s32 $0xFFFFCE00  }
0x2a8: {  	_ =	swait.ge [sflag:s3], $0x3200  }
0x2a9: {  	[sflag:s3] =	ssyncset.done $0x0  }
0x2aa: {  	[sflag:s3] =	ssyncadd.s32 $0xFFFFCE00  }
0x2ab: {  	_ =	swait.ge [sflag:s5], $0x190  }
0x2ac: {  	[sflag:s5] =	ssyncset.done $0x0  }
0x2ad: {  	[sflag:s5] =	ssyncadd.s32 $0xFFFFFE70  }
0x2ae: {  	_ =	swait.ge [sflag:s10], $0x1870  }
0x2af: {  	[sflag:s10] =	ssyncset.done $0x0  }
0x2b0: {  	[sflag:s10] =	ssyncadd.s32 $0xFFFFE790  }
.LBB2_26:
0x2b1: {  	s13 =	sshll.u32 s12, $0x4  }
0x2b2: {  	s14 =	simm.s32 $0xAF0;
	v1 =	vor.u32 s13, v0  }
0x2b3: {  	v3 =	vadd.s32 s14, v1  }
0x2b4: {  	s15 =	simm.s32 $0x640  }
0x2b5: {  	s16 =	simm.s32 $0x7D0;
	v10 =	vadd.s32 s15, v1  }
0x2b6: {  	s17 =	simm.s32 $0x960;
	v11 =	vadd.s32 s16, v1  }
0x2b7: {  	v2 =	vld [tilespmem:s13+$0x1D500];
	v12 =	vadd.s32 s17, v1  }
0x2b8: {  	s15 =	simm.s32 $0x0;
	v7 =	vld.idx.msk [tilespmem:v3+s31+$0x0], $0xffff  }
0x2b9: {  	s16 =	simm.s32 $0x320;
	v14 =	vadd.s32 s15, v1;
	v16 =	vld.idx.msk [tilespmem:v3+s29+$0x0], $0xffff  }
0x2ba: {  	s17 =	simm.s32 $0x4B0;
	v17 =	vadd.s32 s16, v1;
	v3 =	vld.idx.msk [tilespmem:v10+s31+$0x0], $0xffff  }
0x2bb: {  	v18 =	vadd.s32 s17, v1;
	v5 =	vld.idx.msk [tilespmem:v11+s31+$0x0], $0xffff  }
0x2bc: {  	v4 =	vld.idx.msk [tilespmem:v12+s31+$0x0], $0xffff  }
0x2bd: {  	s15 =	simm.s32 $0x190;
	v10 =	vld.idx.msk [tilespmem:v10+s29+$0x0], $0xffff  }
0x2be: {  	v15 =	vadd.s32 s15, v1;
	v6 =	vld.idx.msk [tilespmem:v14+s31+$0x0], $0xffff  }
0x2bf: {  	v9 =	vld.idx.msk [tilespmem:v17+s31+$0x0], $0xffff  }
0x2c0: {  	v13 =	vld.idx.msk [tilespmem:v18+s31+$0x0], $0xffff  }
0x2c1: {  	v22 =	vld.idx.msk [tilespmem:v14+s29+$0x0], $0xffff  }
0x2c2: {  	v20 =	vld.idx.msk [tilespmem:v17+s29+$0x0], $0xffff  }
0x2c3: {  	v21 =	vld.idx.msk [tilespmem:v15+s29+$0x0], $0xffff  }
0x2c4: {  	v19 =	vld.idx.msk [tilespmem:v18+s29+$0x0], $0xffff  }
0x2c5: {  	v18 =	vld.idx.msk [tilespmem:v11+s29+$0x0], $0xffff  }
0x2c6: {  	v17 =	vld.idx.msk [tilespmem:v12+s29+$0x0], $0xffff  }
0x2c7: {  	v8 =	vld.idx.msk [tilespmem:v15+s31+$0x0], $0xffff  }
0x2c8: {  	v14 =	vld.idx.msk [tilespmem:v16+s1+$0x0], $0xffff  }
0x2c9: {  	v16 =	vld.idx.msk [tilespmem:v10+s1+$0x0], $0xffff  }
0x2ca: {  	s14 =	simm.s32 $0x0;
	s15 =	simm.s32 $0x1770;
	v11 =	vimm.f32 $0.0e+00;
	v12 =	vimm.f32 $0.0e+00;
	v10 =	vimm.f32 $0.0e+00;
	v15 =	vld.idx.msk [tilespmem:v22+s1+$0x0], $0xffff  }
.LBB2_27:
0x2cb: {  	v22 =	vadd.s32 s15, v1;
	v21 =	vld.idx.msk [tilespmem:v21+s1+$0x0], $0xffff  }
0x2cc: {  	s16 =	sadd.s32 $0xFFFFFB50, s15;
	v20 =	vld.idx.msk [tilespmem:v20+s1+$0x0], $0xffff  }
0x2cd: {  	v23 =	vadd.s32 s16, v1;
	s16 =	sadd.s32 $0xFFFFFCE0, s15;
	v19 =	vld.idx.msk [tilespmem:v19+s1+$0x0], $0xffff  }
0x2ce: {  	v24 =	vadd.s32 s16, v1;
	s16 =	sadd.s32 $0xFFFFFE70, s15;
	v18 =	vld.idx.msk [tilespmem:v18+s1+$0x0], $0xffff  }
0x2cf: {  	s17 =	sadd.s32 $0xFFFFF510, s15;
	v25 =	vadd.s32 s16, v1;
	v17 =	vld.idx.msk [tilespmem:v17+s1+$0x0], $0xffff  }
0x2d0: {  	v26 =	vadd.s32 s17, v1;
	s16 =	sadd.s32 $0xFFFFF6A0, s15;
	v27 =	vld.idx.msk [tilespmem:v22+s31+$0x0], $0xffff  }
0x2d1: {  	v14 =	vmul.f32 v7, v14;
	v16 =	vmul.f32 v3, v16;
	v28 =	vadd.s32 s16, v1;
	s16 =	sadd.s32 $0xFFFFF830, s15;
	v22 =	vld.idx.msk [tilespmem:v22+s29+$0x0], $0xffff  }
0x2d2: {  	v6 =	vmul.f32 v6, v15;
	v29 =	vadd.s32 s16, v1;
	s16 =	sadd.s32 $0xFFFFF9C0, s15;
	v7 =	vmul.f32 v8, v21;
	v3 =	vld.idx.msk [tilespmem:v23+s31+$0x0], $0xffff  }
0x2d3: {  	v15 =	vadd.s32 s16, v1;
	v8 =	vmul.f32 v9, v20;
	v9 =	vmul.f32 v13, v19;
	v21 =	vld.idx.msk [tilespmem:v24+s31+$0x0], $0xffff  }
0x2d4: {  	v2 =	vadd.f32 v6, v2;
	v13 =	vadd.f32 v7, v10;
	v5 =	vmul.f32 v5, v18;
	v19 =	vld.idx.msk [tilespmem:v25+s31+$0x0], $0xffff  }
0x2d5: {  	v11 =	vadd.f32 v8, v11;
	v12 =	vadd.f32 v9, v12;
	v4 =	vmul.f32 v4, v17;
	v6 =	vld.idx.msk [tilespmem:v26+s31+$0x0], $0xffff  }
0x2d6: {  	v2 =	vadd.f32 v16, v2;
	v10 =	vadd.f32 v5, v13;
	v7 =	vmov v27;
	v8 =	vld.idx.msk [tilespmem:v28+s31+$0x0], $0xffff  }
0x2d7: {  	s14 =	sadd.s32 $0x8, s14;
	v11 =	vadd.f32 v4, v11;
	v12 =	vadd.f32 v14, v12;
	v9 =	vld.idx.msk [tilespmem:v29+s31+$0x0], $0xffff  }
0x2d8: {  	p1 =	slt.u32 s14, $0x18;
	v13 =	vld.idx.msk [tilespmem:v15+s31+$0x0], $0xffff  }
0x2d9: {  	v5 =	vmov v21;
	v16 =	vld.idx.msk [tilespmem:v23+s29+$0x0], $0xffff  }
0x2da: {  	v4 =	vmov v19;
	v23 =	vld.idx.msk [tilespmem:v26+s29+$0x0], $0xffff  }
0x2db: {  	v21 =	vld.idx.msk [tilespmem:v28+s29+$0x0], $0xffff  }
0x2dc: {  	v20 =	vld.idx.msk [tilespmem:v29+s29+$0x0], $0xffff  }
0x2dd: {  	v19 =	vld.idx.msk [tilespmem:v15+s29+$0x0], $0xffff  }
.Ltmp12:
0x2de: {  	v18 =	vld.idx.msk [tilespmem:v24+s29+$0x0], $0xffff;
	(pc) =	sbr.rel @p1 .LBB2_27-.Ltmp12, $4  }
0x2df: {  	v17 =	vld.idx.msk [tilespmem:v25+s29+$0x0], $0xffff  }
0x2e0: {  	v14 =	vld.idx.msk [tilespmem:v22+s1+$0x0], $0xffff  }
0x2e1: {  	v16 =	vld.idx.msk [tilespmem:v16+s1+$0x0], $0xffff  }
0x2e2: {  	s15 =	sadd.s32 $0xC80, s15;
	v15 =	vld.idx.msk [tilespmem:v23+s1+$0x0], $0xffff  }
0x2e3: {  	_ =	sdelay $0x3  }
0x2e4: {  	v1 =	vld.idx.msk [tilespmem:v21+s1+$0x0], $0xffff  }
0x2e5: {  	v20 =	vld.idx.msk [tilespmem:v20+s1+$0x0], $0xffff  }
0x2e6: {  	v19 =	vld.idx.msk [tilespmem:v19+s1+$0x0], $0xffff  }
0x2e7: {  	v18 =	vld.idx.msk [tilespmem:v18+s1+$0x0], $0xffff  }
0x2e8: {  	v17 =	vld.idx.msk [tilespmem:v17+s1+$0x0], $0xffff  }
0x2e9: {  	v7 =	vmul.f32 v7, v14;
	v3 =	vmul.f32 v3, v16  }
0x2ea: {  	v6 =	vmul.f32 v6, v15;
	v1 =	vmul.f32 v8, v1  }
0x2eb: {  	v59 =	vmul.f32 v9, v20;
	v60 =	vmul.f32 v13, v19  }
0x2ec: {  	v5 =	vmul.f32 v5, v18;
	v2 =	vadd.f32 v6, v2;
	v1 =	vadd.f32 v1, v10  }
0x2ed: {  	v4 =	vmul.f32 v4, v17;
	v61 =	vadd.f32 v59, v11;
	v62 =	vadd.f32 v60, v12  }
0x2ee: {  	v2 =	vadd.f32 v3, v2;
	v1 =	vadd.f32 v5, v1  }
0x2ef: {  	v3 =	vadd.f32 v4, v61;
	v63 =	vadd.f32 v7, v62;
	_ =	sdelay $0x1  }
0x2f0: {  	v1 =	vadd.f32 v1, v2;
	v2 =	vadd.f32 v63, v3;
	_ =	sdelay $0x1  }
0x2f1: {  	v1 =	vadd.f32 v2, v1;
	_ =	sdelay $0x1  }
0x2f2: {  	v2 =	vsub.f32 $0.0e+00, v1;
	_ =	sdelay $0x1  }
0x2f3: {  	v2 =	vmul.f32 $1.442695020e+00, v2;
	_ =	sdelay $0x1  }
0x2f4: {  	(erf) = vpow2.f32 v2;
	_ =	sdelay $0x8  }
0x2f5: {  	v2 =	vpop (erf)  }
0x2f6: {  	v2 =	vadd.f32 $1.000000000e+00, v2;
	_ =	sdelay $0x1  }
0x2f7: {  	(erf) = vrcp.f32 v2;
	_ =	sdelay $0x5  }
0x2f8: {  	s12 =	sadd.s32 $0x1, s12  }
0x2f9: {  	p1 =	sne.s32 s12, $0x19  }
.Ltmp13:
0x2fa: {  	_ = 	snop;
	(pc) =	sbr.rel @p1 .LBB2_26-.Ltmp13, $3  }
0x2fb: {  	v2 =	vpop (erf)  }
0x2fc: {  	v1 =	vmul.f32 v2, v1;
	_ =	sdelay $0x1  }
0x2fd: {  	[tilespmem:s13+$0x1D700] =	vst v1  }
0x2fe: {  	s13 =	rddreg [dreg:$0x14]  }
0x2ff: {  	s12 =	simm.s32 $0x0;
	s15 =	rddreg [dreg:$0x15]  }
0x300: {  	[tilespmem:s29], [sflag:$0x1] =	stream.linear.gather [hbm4b:s13+s12], $0x3200, $0x38;
	[tilespmem:$0x1DC20] =	vst v63  }
0x301: {  	s16 =	sld [smem:$0x7FD]  }
0x302: {  	[tilespmem:s31], [sflag:$0x2] =	stream.linear.gather [hbm4b:s15+s12], $0x3200, $0x38;
	[tilespmem:$0x1DC20] =	vst v63  }
0x303: {  	_ = 	snop  }
0x304: {  	[tilespmem:s0], [sflag:$0x3] =	stream.linear.gather [hbm4b:s16+s12], $0x190, $0x38;
	[tilespmem:$0x1DC20] =	vst v63  }
0x305: {  	_ = 	snop  }
0x306: {  	[spmem:s8] =	stream.linear.scatter [tilespmem:s7], [sflag:$0x5], $0x190, $0x38;
	[tilespmem:$0x1DC20] =	vst v63  }
0x307: {  	_ =	swait.ge [sflag:s28], $0x190  }
0x308: {  	[sflag:s28] =	ssyncset.done $0x0  }
0x309: {  	[sflag:s28] =	ssyncadd.s32 $0xFFFFFE70  }
0x30a: {  	s17 =	simm.s32 $0x94A0;
	[bflag:$0x0] =	sbarrier.arrive $0xFFFF  }
0x30b: {  	[tilespmem:s17], [sflag:$0x4] =	stream.linear.gather [spmem:s4], $0x1870, $0x38;
	[tilespmem:$0x1DC20] =	vst v63  }
0x30c: {  	_ =	swait.ge [sflag:s30], $0x3200  }
0x30d: {  	[sflag:s30] =	ssyncset.done $0x0  }
0x30e: {  	[sflag:s30] =	ssyncadd.s32 $0xFFFFCE00  }
0x30f: {  	_ =	swait.ge [sflag:s3], $0x3200  }
0x310: {  	[sflag:s3] =	ssyncset.done $0x0  }
0x311: {  	[sflag:s3] =	ssyncadd.s32 $0xFFFFCE00  }
0x312: {  	_ =	swait.ge [sflag:s5], $0x190  }
0x313: {  	[sflag:s5] =	ssyncset.done $0x0  }
0x314: {  	[sflag:s5] =	ssyncadd.s32 $0xFFFFFE70  }
0x315: {  	_ =	swait.ge [sflag:s10], $0x1870  }
0x316: {  	[sflag:s10] =	ssyncset.done $0x0  }
0x317: {  	[sflag:s10] =	ssyncadd.s32 $0xFFFFE790  }
.LBB2_30:
0x318: {  	s13 =	sshll.u32 s12, $0x4  }
0x319: {  	s14 =	simm.s32 $0xAF0;
	v1 =	vor.u32 s13, v0  }
0x31a: {  	v3 =	vadd.s32 s14, v1  }
0x31b: {  	s15 =	simm.s32 $0x640  }
0x31c: {  	s16 =	simm.s32 $0x7D0;
	v10 =	vadd.s32 s15, v1  }
0x31d: {  	s17 =	simm.s32 $0x960;
	v11 =	vadd.s32 s16, v1  }
0x31e: {  	v2 =	vld [tilespmem:s13+$0x1D500];
	v12 =	vadd.s32 s17, v1  }
0x31f: {  	s15 =	simm.s32 $0x0;
	v7 =	vld.idx.msk [tilespmem:v3+s31+$0x0], $0xffff  }
0x320: {  	s16 =	simm.s32 $0x320;
	v14 =	vadd.s32 s15, v1;
	v16 =	vld.idx.msk [tilespmem:v3+s29+$0x0], $0xffff  }
0x321: {  	s17 =	simm.s32 $0x4B0;
	v17 =	vadd.s32 s16, v1;
	v3 =	vld.idx.msk [tilespmem:v10+s31+$0x0], $0xffff  }
0x322: {  	v18 =	vadd.s32 s17, v1;
	v5 =	vld.idx.msk [tilespmem:v11+s31+$0x0], $0xffff  }
0x323: {  	v4 =	vld.idx.msk [tilespmem:v12+s31+$0x0], $0xffff  }
0x324: {  	s15 =	simm.s32 $0x190;
	v10 =	vld.idx.msk [tilespmem:v10+s29+$0x0], $0xffff  }
0x325: {  	v15 =	vadd.s32 s15, v1;
	v6 =	vld.idx.msk [tilespmem:v14+s31+$0x0], $0xffff  }
0x326: {  	v9 =	vld.idx.msk [tilespmem:v17+s31+$0x0], $0xffff  }
0x327: {  	v13 =	vld.idx.msk [tilespmem:v18+s31+$0x0], $0xffff  }
0x328: {  	v22 =	vld.idx.msk [tilespmem:v14+s29+$0x0], $0xffff  }
0x329: {  	v20 =	vld.idx.msk [tilespmem:v17+s29+$0x0], $0xffff  }
0x32a: {  	v21 =	vld.idx.msk [tilespmem:v15+s29+$0x0], $0xffff  }
0x32b: {  	v19 =	vld.idx.msk [tilespmem:v18+s29+$0x0], $0xffff  }
0x32c: {  	v18 =	vld.idx.msk [tilespmem:v11+s29+$0x0], $0xffff  }
0x32d: {  	v17 =	vld.idx.msk [tilespmem:v12+s29+$0x0], $0xffff  }
0x32e: {  	v8 =	vld.idx.msk [tilespmem:v15+s31+$0x0], $0xffff  }
0x32f: {  	v14 =	vld.idx.msk [tilespmem:v16+s1+$0x0], $0xffff  }
0x330: {  	v16 =	vld.idx.msk [tilespmem:v10+s1+$0x0], $0xffff  }
0x331: {  	s14 =	simm.s32 $0x0;
	s15 =	simm.s32 $0x1770;
	v11 =	vimm.f32 $0.0e+00;
	v12 =	vimm.f32 $0.0e+00;
	v10 =	vimm.f32 $0.0e+00;
	v15 =	vld.idx.msk [tilespmem:v22+s1+$0x0], $0xffff  }
.LBB2_31:
0x332: {  	v22 =	vadd.s32 s15, v1;
	v21 =	vld.idx.msk [tilespmem:v21+s1+$0x0], $0xffff  }
0x333: {  	s16 =	sadd.s32 $0xFFFFFB50, s15;
	v20 =	vld.idx.msk [tilespmem:v20+s1+$0x0], $0xffff  }
0x334: {  	v23 =	vadd.s32 s16, v1;
	s16 =	sadd.s32 $0xFFFFFCE0, s15;
	v19 =	vld.idx.msk [tilespmem:v19+s1+$0x0], $0xffff  }
0x335: {  	v24 =	vadd.s32 s16, v1;
	s16 =	sadd.s32 $0xFFFFFE70, s15;
	v18 =	vld.idx.msk [tilespmem:v18+s1+$0x0], $0xffff  }
0x336: {  	s17 =	sadd.s32 $0xFFFFF510, s15;
	v25 =	vadd.s32 s16, v1;
	v17 =	vld.idx.msk [tilespmem:v17+s1+$0x0], $0xffff  }
0x337: {  	v26 =	vadd.s32 s17, v1;
	s16 =	sadd.s32 $0xFFFFF6A0, s15;
	v27 =	vld.idx.msk [tilespmem:v22+s31+$0x0], $0xffff  }
0x338: {  	v14 =	vmul.f32 v7, v14;
	v16 =	vmul.f32 v3, v16;
	v28 =	vadd.s32 s16, v1;
	s16 =	sadd.s32 $0xFFFFF830, s15;
	v22 =	vld.idx.msk [tilespmem:v22+s29+$0x0], $0xffff  }
0x339: {  	v6 =	vmul.f32 v6, v15;
	v29 =	vadd.s32 s16, v1;
	s16 =	sadd.s32 $0xFFFFF9C0, s15;
	v7 =	vmul.f32 v8, v21;
	v3 =	vld.idx.msk [tilespmem:v23+s31+$0x0], $0xffff  }
0x33a: {  	v15 =	vadd.s32 s16, v1;
	v8 =	vmul.f32 v9, v20;
	v9 =	vmul.f32 v13, v19;
	v21 =	vld.idx.msk [tilespmem:v24+s31+$0x0], $0xffff  }
0x33b: {  	v2 =	vadd.f32 v6, v2;
	v13 =	vadd.f32 v7, v10;
	v5 =	vmul.f32 v5, v18;
	v19 =	vld.idx.msk [tilespmem:v25+s31+$0x0], $0xffff  }
0x33c: {  	v11 =	vadd.f32 v8, v11;
	v12 =	vadd.f32 v9, v12;
	v4 =	vmul.f32 v4, v17;
	v6 =	vld.idx.msk [tilespmem:v26+s31+$0x0], $0xffff  }
0x33d: {  	v2 =	vadd.f32 v16, v2;
	v10 =	vadd.f32 v5, v13;
	v7 =	vmov v27;
	v8 =	vld.idx.msk [tilespmem:v28+s31+$0x0], $0xffff  }
0x33e: {  	s14 =	sadd.s32 $0x8, s14;
	v11 =	vadd.f32 v4, v11;
	v12 =	vadd.f32 v14, v12;
	v9 =	vld.idx.msk [tilespmem:v29+s31+$0x0], $0xffff  }
0x33f: {  	p1 =	slt.u32 s14, $0x18;
	v13 =	vld.idx.msk [tilespmem:v15+s31+$0x0], $0xffff  }
0x340: {  	v5 =	vmov v21;
	v16 =	vld.idx.msk [tilespmem:v23+s29+$0x0], $0xffff  }
0x341: {  	v4 =	vmov v19;
	v23 =	vld.idx.msk [tilespmem:v26+s29+$0x0], $0xffff  }
0x342: {  	v21 =	vld.idx.msk [tilespmem:v28+s29+$0x0], $0xffff  }
0x343: {  	v20 =	vld.idx.msk [tilespmem:v29+s29+$0x0], $0xffff  }
0x344: {  	v19 =	vld.idx.msk [tilespmem:v15+s29+$0x0], $0xffff  }
.Ltmp14:
0x345: {  	v18 =	vld.idx.msk [tilespmem:v24+s29+$0x0], $0xffff;
	(pc) =	sbr.rel @p1 .LBB2_31-.Ltmp14, $4  }
0x346: {  	v17 =	vld.idx.msk [tilespmem:v25+s29+$0x0], $0xffff  }
0x347: {  	v14 =	vld.idx.msk [tilespmem:v22+s1+$0x0], $0xffff  }
0x348: {  	v16 =	vld.idx.msk [tilespmem:v16+s1+$0x0], $0xffff  }
0x349: {  	s15 =	sadd.s32 $0xC80, s15;
	v15 =	vld.idx.msk [tilespmem:v23+s1+$0x0], $0xffff  }
0x34a: {  	_ =	sdelay $0x3  }
0x34b: {  	v1 =	vld.idx.msk [tilespmem:v21+s1+$0x0], $0xffff  }
0x34c: {  	v20 =	vld.idx.msk [tilespmem:v20+s1+$0x0], $0xffff  }
0x34d: {  	v19 =	vld.idx.msk [tilespmem:v19+s1+$0x0], $0xffff  }
0x34e: {  	v18 =	vld.idx.msk [tilespmem:v18+s1+$0x0], $0xffff  }
0x34f: {  	v17 =	vld.idx.msk [tilespmem:v17+s1+$0x0], $0xffff  }
0x350: {  	v7 =	vmul.f32 v7, v14;
	v3 =	vmul.f32 v3, v16  }
0x351: {  	v6 =	vmul.f32 v6, v15;
	v1 =	vmul.f32 v8, v1  }
0x352: {  	v59 =	vmul.f32 v9, v20;
	v60 =	vmul.f32 v13, v19  }
0x353: {  	v5 =	vmul.f32 v5, v18;
	v2 =	vadd.f32 v6, v2;
	v1 =	vadd.f32 v1, v10  }
0x354: {  	v4 =	vmul.f32 v4, v17;
	v61 =	vadd.f32 v59, v11;
	v62 =	vadd.f32 v60, v12  }
0x355: {  	v2 =	vadd.f32 v3, v2;
	v1 =	vadd.f32 v5, v1  }
0x356: {  	v3 =	vadd.f32 v4, v61;
	v63 =	vadd.f32 v7, v62;
	_ =	sdelay $0x1  }
0x357: {  	v1 =	vadd.f32 v1, v2;
	v2 =	vadd.f32 v63, v3;
	_ =	sdelay $0x1  }
0x358: {  	v1 =	vadd.f32 v2, v1;
	_ =	sdelay $0x1  }
0x359: {  	v2 =	vsub.f32 $0.0e+00, v1;
	_ =	sdelay $0x1  }
0x35a: {  	v2 =	vmul.f32 $1.442695020e+00, v2;
	_ =	sdelay $0x1  }
0x35b: {  	(erf) = vpow2.f32 v2;
	_ =	sdelay $0x8  }
0x35c: {  	v2 =	vpop (erf)  }
0x35d: {  	v2 =	vadd.f32 $1.000000000e+00, v2;
	_ =	sdelay $0x1  }
0x35e: {  	(erf) = vrcp.f32 v2;
	_ =	sdelay $0x5  }
0x35f: {  	s12 =	sadd.s32 $0x1, s12  }
0x360: {  	p1 =	sne.s32 s12, $0x19  }
.Ltmp15:
0x361: {  	_ = 	snop;
	(pc) =	sbr.rel @p1 .LBB2_30-.Ltmp15, $3  }
0x362: {  	v2 =	vpop (erf)  }
0x363: {  	v1 =	vmul.f32 v2, v1;
	_ =	sdelay $0x1  }
0x364: {  	[tilespmem:s13+$0x1D700] =	vst v1  }
0x365: {  	s12 =	simm.s32 $0x0;
	s13 =	rddreg [dreg:$0x16]  }
0x366: {  	[tilespmem:s29], [sflag:$0x1] =	stream.linear.gather [hbm4b:s13+s12], $0x3200, $0x38;
	[tilespmem:$0x1DC20] =	vst v63  }
0x367: {  	s16 =	rddreg [dreg:$0x17]  }
0x368: {  	[tilespmem:s31], [sflag:$0x2] =	stream.linear.gather [hbm4b:s16+s12], $0x3200, $0x38;
	[tilespmem:$0x1DC20] =	vst v63  }
0x369: {  	_ = 	snop  }
0x36a: {  	[tilespmem:s0], [sflag:$0x3] =	stream.linear.gather [hbm4b:s18+s12], $0x190, $0x38;
	[tilespmem:$0x1DC20] =	vst v63  }
0x36b: {  	_ = 	snop  }
0x36c: {  	[spmem:s9] =	stream.linear.scatter [tilespmem:s7], [sflag:$0x5], $0x190, $0x38;
	[tilespmem:$0x1DC20] =	vst v63  }
0x36d: {  	_ =	swait.ge [sflag:s28], $0x190  }
0x36e: {  	[sflag:s28] =	ssyncset.done $0x0  }
0x36f: {  	[sflag:s28] =	ssyncadd.s32 $0xFFFFFE70  }
0x370: {  	s17 =	simm.s32 $0xAD10;
	[bflag:$0x0] =	sbarrier.arrive $0xFFFF  }
0x371: {  	[tilespmem:s17], [sflag:$0x4] =	stream.linear.gather [spmem:s6], $0x1870, $0x38;
	[tilespmem:$0x1DC20] =	vst v63  }
0x372: {  	_ =	swait.ge [sflag:s30], $0x3200  }
0x373: {  	[sflag:s30] =	ssyncset.done $0x0  }
0x374: {  	[sflag:s30] =	ssyncadd.s32 $0xFFFFCE00  }
0x375: {  	_ =	swait.ge [sflag:s3], $0x3200  }
0x376: {  	[sflag:s3] =	ssyncset.done $0x0  }
0x377: {  	[sflag:s3] =	ssyncadd.s32 $0xFFFFCE00  }
0x378: {  	_ =	swait.ge [sflag:s5], $0x190  }
0x379: {  	[sflag:s5] =	ssyncset.done $0x0  }
0x37a: {  	[sflag:s5] =	ssyncadd.s32 $0xFFFFFE70  }
0x37b: {  	_ =	swait.ge [sflag:s10], $0x1870  }
0x37c: {  	[sflag:s10] =	ssyncset.done $0x0  }
0x37d: {  	[sflag:s10] =	ssyncadd.s32 $0xFFFFE790  }
.LBB2_34:
0x37e: {  	s13 =	sshll.u32 s12, $0x4  }
0x37f: {  	s14 =	simm.s32 $0xAF0;
	v1 =	vor.u32 s13, v0  }
0x380: {  	v3 =	vadd.s32 s14, v1  }
0x381: {  	s15 =	simm.s32 $0x640  }
0x382: {  	s16 =	simm.s32 $0x7D0;
	v10 =	vadd.s32 s15, v1  }
0x383: {  	s17 =	simm.s32 $0x960;
	v11 =	vadd.s32 s16, v1  }
0x384: {  	v2 =	vld [tilespmem:s13+$0x1D500];
	v12 =	vadd.s32 s17, v1  }
0x385: {  	s15 =	simm.s32 $0x0;
	v7 =	vld.idx.msk [tilespmem:v3+s31+$0x0], $0xffff  }
0x386: {  	s16 =	simm.s32 $0x320;
	v14 =	vadd.s32 s15, v1;
	v16 =	vld.idx.msk [tilespmem:v3+s29+$0x0], $0xffff  }
0x387: {  	s17 =	simm.s32 $0x4B0;
	v17 =	vadd.s32 s16, v1;
	v3 =	vld.idx.msk [tilespmem:v10+s31+$0x0], $0xffff  }
0x388: {  	v18 =	vadd.s32 s17, v1;
	v5 =	vld.idx.msk [tilespmem:v11+s31+$0x0], $0xffff  }
0x389: {  	v4 =	vld.idx.msk [tilespmem:v12+s31+$0x0], $0xffff  }
0x38a: {  	s15 =	simm.s32 $0x190;
	v10 =	vld.idx.msk [tilespmem:v10+s29+$0x0], $0xffff  }
0x38b: {  	v15 =	vadd.s32 s15, v1;
	v6 =	vld.idx.msk [tilespmem:v14+s31+$0x0], $0xffff  }
0x38c: {  	v9 =	vld.idx.msk [tilespmem:v17+s31+$0x0], $0xffff  }
0x38d: {  	v13 =	vld.idx.msk [tilespmem:v18+s31+$0x0], $0xffff  }
0x38e: {  	v22 =	vld.idx.msk [tilespmem:v14+s29+$0x0], $0xffff  }
0x38f: {  	v20 =	vld.idx.msk [tilespmem:v17+s29+$0x0], $0xffff  }
0x390: {  	v21 =	vld.idx.msk [tilespmem:v15+s29+$0x0], $0xffff  }
0x391: {  	v19 =	vld.idx.msk [tilespmem:v18+s29+$0x0], $0xffff  }
0x392: {  	v18 =	vld.idx.msk [tilespmem:v11+s29+$0x0], $0xffff  }
0x393: {  	v17 =	vld.idx.msk [tilespmem:v12+s29+$0x0], $0xffff  }
0x394: {  	v8 =	vld.idx.msk [tilespmem:v15+s31+$0x0], $0xffff  }
0x395: {  	v14 =	vld.idx.msk [tilespmem:v16+s1+$0x0], $0xffff  }
0x396: {  	v16 =	vld.idx.msk [tilespmem:v10+s1+$0x0], $0xffff  }
0x397: {  	s14 =	simm.s32 $0x0;
	s15 =	simm.s32 $0x1770;
	v11 =	vimm.f32 $0.0e+00;
	v12 =	vimm.f32 $0.0e+00;
	v10 =	vimm.f32 $0.0e+00;
	v15 =	vld.idx.msk [tilespmem:v22+s1+$0x0], $0xffff  }
.LBB2_35:
0x398: {  	v22 =	vadd.s32 s15, v1;
	v21 =	vld.idx.msk [tilespmem:v21+s1+$0x0], $0xffff  }
0x399: {  	s16 =	sadd.s32 $0xFFFFFB50, s15;
	v20 =	vld.idx.msk [tilespmem:v20+s1+$0x0], $0xffff  }
0x39a: {  	v23 =	vadd.s32 s16, v1;
	s16 =	sadd.s32 $0xFFFFFCE0, s15;
	v19 =	vld.idx.msk [tilespmem:v19+s1+$0x0], $0xffff  }
0x39b: {  	v24 =	vadd.s32 s16, v1;
	s16 =	sadd.s32 $0xFFFFFE70, s15;
	v18 =	vld.idx.msk [tilespmem:v18+s1+$0x0], $0xffff  }
0x39c: {  	s17 =	sadd.s32 $0xFFFFF510, s15;
	v25 =	vadd.s32 s16, v1;
	v17 =	vld.idx.msk [tilespmem:v17+s1+$0x0], $0xffff  }
0x39d: {  	v26 =	vadd.s32 s17, v1;
	s16 =	sadd.s32 $0xFFFFF6A0, s15;
	v27 =	vld.idx.msk [tilespmem:v22+s31+$0x0], $0xffff  }
0x39e: {  	v14 =	vmul.f32 v7, v14;
	v16 =	vmul.f32 v3, v16;
	v28 =	vadd.s32 s16, v1;
	s16 =	sadd.s32 $0xFFFFF830, s15;
	v22 =	vld.idx.msk [tilespmem:v22+s29+$0x0], $0xffff  }
0x39f: {  	v6 =	vmul.f32 v6, v15;
	v29 =	vadd.s32 s16, v1;
	s16 =	sadd.s32 $0xFFFFF9C0, s15;
	v7 =	vmul.f32 v8, v21;
	v3 =	vld.idx.msk [tilespmem:v23+s31+$0x0], $0xffff  }
0x3a0: {  	v15 =	vadd.s32 s16, v1;
	v8 =	vmul.f32 v9, v20;
	v9 =	vmul.f32 v13, v19;
	v21 =	vld.idx.msk [tilespmem:v24+s31+$0x0], $0xffff  }
0x3a1: {  	v2 =	vadd.f32 v6, v2;
	v13 =	vadd.f32 v7, v10;
	v5 =	vmul.f32 v5, v18;
	v19 =	vld.idx.msk [tilespmem:v25+s31+$0x0], $0xffff  }
0x3a2: {  	v11 =	vadd.f32 v8, v11;
	v12 =	vadd.f32 v9, v12;
	v4 =	vmul.f32 v4, v17;
	v6 =	vld.idx.msk [tilespmem:v26+s31+$0x0], $0xffff  }
0x3a3: {  	v2 =	vadd.f32 v16, v2;
	v10 =	vadd.f32 v5, v13;
	v7 =	vmov v27;
	v8 =	vld.idx.msk [tilespmem:v28+s31+$0x0], $0xffff  }
0x3a4: {  	s14 =	sadd.s32 $0x8, s14;
	v11 =	vadd.f32 v4, v11;
	v12 =	vadd.f32 v14, v12;
	v9 =	vld.idx.msk [tilespmem:v29+s31+$0x0], $0xffff  }
0x3a5: {  	p1 =	slt.u32 s14, $0x18;
	v13 =	vld.idx.msk [tilespmem:v15+s31+$0x0], $0xffff  }
0x3a6: {  	v5 =	vmov v21;
	v16 =	vld.idx.msk [tilespmem:v23+s29+$0x0], $0xffff  }
0x3a7: {  	v4 =	vmov v19;
	v23 =	vld.idx.msk [tilespmem:v26+s29+$0x0], $0xffff  }
0x3a8: {  	v21 =	vld.idx.msk [tilespmem:v28+s29+$0x0], $0xffff  }
0x3a9: {  	v20 =	vld.idx.msk [tilespmem:v29+s29+$0x0], $0xffff  }
0x3aa: {  	v19 =	vld.idx.msk [tilespmem:v15+s29+$0x0], $0xffff  }
.Ltmp16:
0x3ab: {  	v18 =	vld.idx.msk [tilespmem:v24+s29+$0x0], $0xffff;
	(pc) =	sbr.rel @p1 .LBB2_35-.Ltmp16, $4  }
0x3ac: {  	v17 =	vld.idx.msk [tilespmem:v25+s29+$0x0], $0xffff  }
0x3ad: {  	v14 =	vld.idx.msk [tilespmem:v22+s1+$0x0], $0xffff  }
0x3ae: {  	v16 =	vld.idx.msk [tilespmem:v16+s1+$0x0], $0xffff  }
0x3af: {  	s15 =	sadd.s32 $0xC80, s15;
	v15 =	vld.idx.msk [tilespmem:v23+s1+$0x0], $0xffff  }
0x3b0: {  	_ =	sdelay $0x3  }
0x3b1: {  	v1 =	vld.idx.msk [tilespmem:v21+s1+$0x0], $0xffff  }
0x3b2: {  	v20 =	vld.idx.msk [tilespmem:v20+s1+$0x0], $0xffff  }
0x3b3: {  	v19 =	vld.idx.msk [tilespmem:v19+s1+$0x0], $0xffff  }
0x3b4: {  	v18 =	vld.idx.msk [tilespmem:v18+s1+$0x0], $0xffff  }
0x3b5: {  	v17 =	vld.idx.msk [tilespmem:v17+s1+$0x0], $0xffff  }
0x3b6: {  	v7 =	vmul.f32 v7, v14;
	v3 =	vmul.f32 v3, v16  }
0x3b7: {  	v6 =	vmul.f32 v6, v15;
	v1 =	vmul.f32 v8, v1  }
0x3b8: {  	v59 =	vmul.f32 v9, v20;
	v60 =	vmul.f32 v13, v19  }
0x3b9: {  	v5 =	vmul.f32 v5, v18;
	v2 =	vadd.f32 v6, v2;
	v1 =	vadd.f32 v1, v10  }
0x3ba: {  	v4 =	vmul.f32 v4, v17;
	v61 =	vadd.f32 v59, v11;
	v62 =	vadd.f32 v60, v12  }
0x3bb: {  	v2 =	vadd.f32 v3, v2;
	v1 =	vadd.f32 v5, v1  }
0x3bc: {  	v3 =	vadd.f32 v4, v61;
	v63 =	vadd.f32 v7, v62;
	_ =	sdelay $0x1  }
0x3bd: {  	v1 =	vadd.f32 v1, v2;
	v2 =	vadd.f32 v63, v3;
	_ =	sdelay $0x1  }
0x3be: {  	v1 =	vadd.f32 v2, v1;
	_ =	sdelay $0x1  }
0x3bf: {  	v2 =	vsub.f32 $0.0e+00, v1;
	_ =	sdelay $0x1  }
0x3c0: {  	v2 =	vmul.f32 $1.442695020e+00, v2;
	_ =	sdelay $0x1  }
0x3c1: {  	(erf) = vpow2.f32 v2;
	_ =	sdelay $0x8  }
0x3c2: {  	v2 =	vpop (erf)  }
0x3c3: {  	v2 =	vadd.f32 $1.000000000e+00, v2;
	_ =	sdelay $0x1  }
0x3c4: {  	(erf) = vrcp.f32 v2;
	_ =	sdelay $0x5  }
0x3c5: {  	s12 =	sadd.s32 $0x1, s12  }
0x3c6: {  	p1 =	sne.s32 s12, $0x19  }
.Ltmp17:
0x3c7: {  	_ = 	snop;
	(pc) =	sbr.rel @p1 .LBB2_34-.Ltmp17, $3  }
0x3c8: {  	v2 =	vpop (erf)  }
0x3c9: {  	v1 =	vmul.f32 v2, v1;
	_ =	sdelay $0x1  }
0x3ca: {  	[tilespmem:s13+$0x1D700] =	vst v1  }
0x3cb: {  	s12 =	simm.s32 $0x0;
	s13 =	rddreg [dreg:$0x18]  }
0x3cc: {  	[tilespmem:s29], [sflag:$0x1] =	stream.linear.gather [hbm4b:s13+s12], $0x3200, $0x38;
	[tilespmem:$0x1DC20] =	vst v63  }
0x3cd: {  	s16 =	rddreg [dreg:$0x19]  }
0x3ce: {  	[tilespmem:s31], [sflag:$0x2] =	stream.linear.gather [hbm4b:s16+s12], $0x3200, $0x38;
	[tilespmem:$0x1DC20] =	vst v63  }
0x3cf: {  	_ = 	snop  }
0x3d0: {  	[tilespmem:s0], [sflag:$0x3] =	stream.linear.gather [hbm4b:s19+s12], $0x190, $0x38;
	[tilespmem:$0x1DC20] =	vst v63  }
0x3d1: {  	_ = 	snop  }
0x3d2: {  	[spmem:s8] =	stream.linear.scatter [tilespmem:s7], [sflag:$0x5], $0x190, $0x38;
	[tilespmem:$0x1DC20] =	vst v63  }
0x3d3: {  	_ =	swait.ge [sflag:s28], $0x190  }
0x3d4: {  	[sflag:s28] =	ssyncset.done $0x0  }
0x3d5: {  	[sflag:s28] =	ssyncadd.s32 $0xFFFFFE70  }
0x3d6: {  	s17 =	simm.s32 $0xC580;
	[bflag:$0x0] =	sbarrier.arrive $0xFFFF  }
0x3d7: {  	[tilespmem:s17], [sflag:$0x4] =	stream.linear.gather [spmem:s4], $0x1870, $0x38;
	[tilespmem:$0x1DC20] =	vst v63  }
0x3d8: {  	_ =	swait.ge [sflag:s30], $0x3200  }
0x3d9: {  	[sflag:s30] =	ssyncset.done $0x0  }
0x3da: {  	[sflag:s30] =	ssyncadd.s32 $0xFFFFCE00  }
0x3db: {  	_ =	swait.ge [sflag:s3], $0x3200  }
0x3dc: {  	[sflag:s3] =	ssyncset.done $0x0  }
0x3dd: {  	[sflag:s3] =	ssyncadd.s32 $0xFFFFCE00  }
0x3de: {  	_ =	swait.ge [sflag:s5], $0x190  }
0x3df: {  	[sflag:s5] =	ssyncset.done $0x0  }
0x3e0: {  	[sflag:s5] =	ssyncadd.s32 $0xFFFFFE70  }
0x3e1: {  	_ =	swait.ge [sflag:s10], $0x1870  }
0x3e2: {  	[sflag:s10] =	ssyncset.done $0x0  }
0x3e3: {  	[sflag:s10] =	ssyncadd.s32 $0xFFFFE790  }
.LBB2_38:
0x3e4: {  	s13 =	sshll.u32 s12, $0x4  }
0x3e5: {  	s14 =	simm.s32 $0xAF0;
	v1 =	vor.u32 s13, v0  }
0x3e6: {  	v3 =	vadd.s32 s14, v1  }
0x3e7: {  	s15 =	simm.s32 $0x640  }
0x3e8: {  	s16 =	simm.s32 $0x7D0;
	v10 =	vadd.s32 s15, v1  }
0x3e9: {  	s17 =	simm.s32 $0x960;
	v11 =	vadd.s32 s16, v1  }
0x3ea: {  	v2 =	vld [tilespmem:s13+$0x1D500];
	v12 =	vadd.s32 s17, v1  }
0x3eb: {  	s15 =	simm.s32 $0x0;
	v7 =	vld.idx.msk [tilespmem:v3+s31+$0x0], $0xffff  }
0x3ec: {  	s16 =	simm.s32 $0x320;
	v14 =	vadd.s32 s15, v1;
	v16 =	vld.idx.msk [tilespmem:v3+s29+$0x0], $0xffff  }
0x3ed: {  	s17 =	simm.s32 $0x4B0;
	v17 =	vadd.s32 s16, v1;
	v3 =	vld.idx.msk [tilespmem:v10+s31+$0x0], $0xffff  }
0x3ee: {  	v18 =	vadd.s32 s17, v1;
	v5 =	vld.idx.msk [tilespmem:v11+s31+$0x0], $0xffff  }
0x3ef: {  	v4 =	vld.idx.msk [tilespmem:v12+s31+$0x0], $0xffff  }
0x3f0: {  	s15 =	simm.s32 $0x190;
	v10 =	vld.idx.msk [tilespmem:v10+s29+$0x0], $0xffff  }
0x3f1: {  	v15 =	vadd.s32 s15, v1;
	v6 =	vld.idx.msk [tilespmem:v14+s31+$0x0], $0xffff  }
0x3f2: {  	v9 =	vld.idx.msk [tilespmem:v17+s31+$0x0], $0xffff  }
0x3f3: {  	v13 =	vld.idx.msk [tilespmem:v18+s31+$0x0], $0xffff  }
0x3f4: {  	v22 =	vld.idx.msk [tilespmem:v14+s29+$0x0], $0xffff  }
0x3f5: {  	v20 =	vld.idx.msk [tilespmem:v17+s29+$0x0], $0xffff  }
0x3f6: {  	v21 =	vld.idx.msk [tilespmem:v15+s29+$0x0], $0xffff  }
0x3f7: {  	v19 =	vld.idx.msk [tilespmem:v18+s29+$0x0], $0xffff  }
0x3f8: {  	v18 =	vld.idx.msk [tilespmem:v11+s29+$0x0], $0xffff  }
0x3f9: {  	v17 =	vld.idx.msk [tilespmem:v12+s29+$0x0], $0xffff  }
0x3fa: {  	v8 =	vld.idx.msk [tilespmem:v15+s31+$0x0], $0xffff  }
0x3fb: {  	v14 =	vld.idx.msk [tilespmem:v16+s1+$0x0], $0xffff  }
0x3fc: {  	v16 =	vld.idx.msk [tilespmem:v10+s1+$0x0], $0xffff  }
0x3fd: {  	s14 =	simm.s32 $0x0;
	s15 =	simm.s32 $0x1770;
	v11 =	vimm.f32 $0.0e+00;
	v12 =	vimm.f32 $0.0e+00;
	v10 =	vimm.f32 $0.0e+00;
	v15 =	vld.idx.msk [tilespmem:v22+s1+$0x0], $0xffff  }
.LBB2_39:
0x3fe: {  	v22 =	vadd.s32 s15, v1;
	v21 =	vld.idx.msk [tilespmem:v21+s1+$0x0], $0xffff  }
0x3ff: {  	s16 =	sadd.s32 $0xFFFFFB50, s15;
	v20 =	vld.idx.msk [tilespmem:v20+s1+$0x0], $0xffff  }
0x400: {  	v23 =	vadd.s32 s16, v1;
	s16 =	sadd.s32 $0xFFFFFCE0, s15;
	v19 =	vld.idx.msk [tilespmem:v19+s1+$0x0], $0xffff  }
0x401: {  	v24 =	vadd.s32 s16, v1;
	s16 =	sadd.s32 $0xFFFFFE70, s15;
	v18 =	vld.idx.msk [tilespmem:v18+s1+$0x0], $0xffff  }
0x402: {  	s17 =	sadd.s32 $0xFFFFF510, s15;
	v25 =	vadd.s32 s16, v1;
	v17 =	vld.idx.msk [tilespmem:v17+s1+$0x0], $0xffff  }
0x403: {  	v26 =	vadd.s32 s17, v1;
	s16 =	sadd.s32 $0xFFFFF6A0, s15;
	v27 =	vld.idx.msk [tilespmem:v22+s31+$0x0], $0xffff  }
0x404: {  	v14 =	vmul.f32 v7, v14;
	v16 =	vmul.f32 v3, v16;
	v28 =	vadd.s32 s16, v1;
	s16 =	sadd.s32 $0xFFFFF830, s15;
	v22 =	vld.idx.msk [tilespmem:v22+s29+$0x0], $0xffff  }
0x405: {  	v6 =	vmul.f32 v6, v15;
	v29 =	vadd.s32 s16, v1;
	s16 =	sadd.s32 $0xFFFFF9C0, s15;
	v7 =	vmul.f32 v8, v21;
	v3 =	vld.idx.msk [tilespmem:v23+s31+$0x0], $0xffff  }
0x406: {  	v15 =	vadd.s32 s16, v1;
	v8 =	vmul.f32 v9, v20;
	v9 =	vmul.f32 v13, v19;
	v21 =	vld.idx.msk [tilespmem:v24+s31+$0x0], $0xffff  }
0x407: {  	v2 =	vadd.f32 v6, v2;
	v13 =	vadd.f32 v7, v10;
	v5 =	vmul.f32 v5, v18;
	v19 =	vld.idx.msk [tilespmem:v25+s31+$0x0], $0xffff  }
0x408: {  	v11 =	vadd.f32 v8, v11;
	v12 =	vadd.f32 v9, v12;
	v4 =	vmul.f32 v4, v17;
	v6 =	vld.idx.msk [tilespmem:v26+s31+$0x0], $0xffff  }
0x409: {  	v2 =	vadd.f32 v16, v2;
	v10 =	vadd.f32 v5, v13;
	v7 =	vmov v27;
	v8 =	vld.idx.msk [tilespmem:v28+s31+$0x0], $0xffff  }
0x40a: {  	s14 =	sadd.s32 $0x8, s14;
	v11 =	vadd.f32 v4, v11;
	v12 =	vadd.f32 v14, v12;
	v9 =	vld.idx.msk [tilespmem:v29+s31+$0x0], $0xffff  }
0x40b: {  	p1 =	slt.u32 s14, $0x18;
	v13 =	vld.idx.msk [tilespmem:v15+s31+$0x0], $0xffff  }
0x40c: {  	v5 =	vmov v21;
	v16 =	vld.idx.msk [tilespmem:v23+s29+$0x0], $0xffff  }
0x40d: {  	v4 =	vmov v19;
	v23 =	vld.idx.msk [tilespmem:v26+s29+$0x0], $0xffff  }
0x40e: {  	v21 =	vld.idx.msk [tilespmem:v28+s29+$0x0], $0xffff  }
0x40f: {  	v20 =	vld.idx.msk [tilespmem:v29+s29+$0x0], $0xffff  }
0x410: {  	v19 =	vld.idx.msk [tilespmem:v15+s29+$0x0], $0xffff  }
.Ltmp18:
0x411: {  	v18 =	vld.idx.msk [tilespmem:v24+s29+$0x0], $0xffff;
	(pc) =	sbr.rel @p1 .LBB2_39-.Ltmp18, $4  }
0x412: {  	v17 =	vld.idx.msk [tilespmem:v25+s29+$0x0], $0xffff  }
0x413: {  	v14 =	vld.idx.msk [tilespmem:v22+s1+$0x0], $0xffff  }
0x414: {  	v16 =	vld.idx.msk [tilespmem:v16+s1+$0x0], $0xffff  }
0x415: {  	s15 =	sadd.s32 $0xC80, s15;
	v15 =	vld.idx.msk [tilespmem:v23+s1+$0x0], $0xffff  }
0x416: {  	_ =	sdelay $0x3  }
0x417: {  	v1 =	vld.idx.msk [tilespmem:v21+s1+$0x0], $0xffff  }
0x418: {  	v20 =	vld.idx.msk [tilespmem:v20+s1+$0x0], $0xffff  }
0x419: {  	v19 =	vld.idx.msk [tilespmem:v19+s1+$0x0], $0xffff  }
0x41a: {  	v18 =	vld.idx.msk [tilespmem:v18+s1+$0x0], $0xffff  }
0x41b: {  	v17 =	vld.idx.msk [tilespmem:v17+s1+$0x0], $0xffff  }
0x41c: {  	v7 =	vmul.f32 v7, v14;
	v3 =	vmul.f32 v3, v16  }
0x41d: {  	v6 =	vmul.f32 v6, v15;
	v1 =	vmul.f32 v8, v1  }
0x41e: {  	v59 =	vmul.f32 v9, v20;
	v60 =	vmul.f32 v13, v19  }
0x41f: {  	v5 =	vmul.f32 v5, v18;
	v2 =	vadd.f32 v6, v2;
	v1 =	vadd.f32 v1, v10  }
0x420: {  	v4 =	vmul.f32 v4, v17;
	v61 =	vadd.f32 v59, v11;
	v62 =	vadd.f32 v60, v12  }
0x421: {  	v2 =	vadd.f32 v3, v2;
	v1 =	vadd.f32 v5, v1  }
0x422: {  	v3 =	vadd.f32 v4, v61;
	v63 =	vadd.f32 v7, v62;
	_ =	sdelay $0x1  }
0x423: {  	v1 =	vadd.f32 v1, v2;
	v2 =	vadd.f32 v63, v3;
	_ =	sdelay $0x1  }
0x424: {  	v1 =	vadd.f32 v2, v1;
	_ =	sdelay $0x1  }
0x425: {  	v2 =	vsub.f32 $0.0e+00, v1;
	_ =	sdelay $0x1  }
0x426: {  	v2 =	vmul.f32 $1.442695020e+00, v2;
	_ =	sdelay $0x1  }
0x427: {  	(erf) = vpow2.f32 v2;
	_ =	sdelay $0x8  }
0x428: {  	v2 =	vpop (erf)  }
0x429: {  	v2 =	vadd.f32 $1.000000000e+00, v2;
	_ =	sdelay $0x1  }
0x42a: {  	(erf) = vrcp.f32 v2;
	_ =	sdelay $0x5  }
0x42b: {  	s12 =	sadd.s32 $0x1, s12  }
0x42c: {  	p1 =	sne.s32 s12, $0x19  }
.Ltmp19:
0x42d: {  	_ = 	snop;
	(pc) =	sbr.rel @p1 .LBB2_38-.Ltmp19, $3  }
0x42e: {  	v2 =	vpop (erf)  }
0x42f: {  	v1 =	vmul.f32 v2, v1;
	_ =	sdelay $0x1  }
0x430: {  	[tilespmem:s13+$0x1D700] =	vst v1  }
0x431: {  	s12 =	simm.s32 $0x0;
	s13 =	rddreg [dreg:$0x1a]  }
0x432: {  	[tilespmem:s29], [sflag:$0x1] =	stream.linear.gather [hbm4b:s13+s12], $0x3200, $0x38;
	[tilespmem:$0x1DC20] =	vst v63  }
0x433: {  	s16 =	rddreg [dreg:$0x1b]  }
0x434: {  	[tilespmem:s31], [sflag:$0x2] =	stream.linear.gather [hbm4b:s16+s12], $0x3200, $0x38;
	[tilespmem:$0x1DC20] =	vst v63  }
0x435: {  	_ = 	snop  }
0x436: {  	[tilespmem:s0], [sflag:$0x3] =	stream.linear.gather [hbm4b:s20+s12], $0x190, $0x38;
	[tilespmem:$0x1DC20] =	vst v63  }
0x437: {  	_ = 	snop  }
0x438: {  	[spmem:s9] =	stream.linear.scatter [tilespmem:s7], [sflag:$0x5], $0x190, $0x38;
	[tilespmem:$0x1DC20] =	vst v63  }
0x439: {  	_ =	swait.ge [sflag:s28], $0x190  }
0x43a: {  	[sflag:s28] =	ssyncset.done $0x0  }
0x43b: {  	[sflag:s28] =	ssyncadd.s32 $0xFFFFFE70  }
0x43c: {  	s17 =	simm.s32 $0xDDF0;
	[bflag:$0x0] =	sbarrier.arrive $0xFFFF  }
0x43d: {  	[tilespmem:s17], [sflag:$0x4] =	stream.linear.gather [spmem:s6], $0x1870, $0x38;
	[tilespmem:$0x1DC20] =	vst v63  }
0x43e: {  	_ =	swait.ge [sflag:s30], $0x3200  }
0x43f: {  	[sflag:s30] =	ssyncset.done $0x0  }
0x440: {  	[sflag:s30] =	ssyncadd.s32 $0xFFFFCE00  }
0x441: {  	_ =	swait.ge [sflag:s3], $0x3200  }
0x442: {  	[sflag:s3] =	ssyncset.done $0x0  }
0x443: {  	[sflag:s3] =	ssyncadd.s32 $0xFFFFCE00  }
0x444: {  	_ =	swait.ge [sflag:s5], $0x190  }
0x445: {  	[sflag:s5] =	ssyncset.done $0x0  }
0x446: {  	[sflag:s5] =	ssyncadd.s32 $0xFFFFFE70  }
0x447: {  	_ =	swait.ge [sflag:s10], $0x1870  }
0x448: {  	[sflag:s10] =	ssyncset.done $0x0  }
0x449: {  	[sflag:s10] =	ssyncadd.s32 $0xFFFFE790  }
.LBB2_42:
0x44a: {  	s13 =	sshll.u32 s12, $0x4  }
0x44b: {  	s14 =	simm.s32 $0xAF0;
	v1 =	vor.u32 s13, v0  }
0x44c: {  	v3 =	vadd.s32 s14, v1  }
0x44d: {  	s15 =	simm.s32 $0x640  }
0x44e: {  	s16 =	simm.s32 $0x7D0;
	v10 =	vadd.s32 s15, v1  }
0x44f: {  	s17 =	simm.s32 $0x960;
	v11 =	vadd.s32 s16, v1  }
0x450: {  	v2 =	vld [tilespmem:s13+$0x1D500];
	v12 =	vadd.s32 s17, v1  }
0x451: {  	s15 =	simm.s32 $0x0;
	v7 =	vld.idx.msk [tilespmem:v3+s31+$0x0], $0xffff  }
0x452: {  	s16 =	simm.s32 $0x320;
	v14 =	vadd.s32 s15, v1;
	v16 =	vld.idx.msk [tilespmem:v3+s29+$0x0], $0xffff  }
0x453: {  	s17 =	simm.s32 $0x4B0;
	v17 =	vadd.s32 s16, v1;
	v3 =	vld.idx.msk [tilespmem:v10+s31+$0x0], $0xffff  }
0x454: {  	v18 =	vadd.s32 s17, v1;
	v5 =	vld.idx.msk [tilespmem:v11+s31+$0x0], $0xffff  }
0x455: {  	v4 =	vld.idx.msk [tilespmem:v12+s31+$0x0], $0xffff  }
0x456: {  	s15 =	simm.s32 $0x190;
	v10 =	vld.idx.msk [tilespmem:v10+s29+$0x0], $0xffff  }
0x457: {  	v15 =	vadd.s32 s15, v1;
	v6 =	vld.idx.msk [tilespmem:v14+s31+$0x0], $0xffff  }
0x458: {  	v9 =	vld.idx.msk [tilespmem:v17+s31+$0x0], $0xffff  }
0x459: {  	v13 =	vld.idx.msk [tilespmem:v18+s31+$0x0], $0xffff  }
0x45a: {  	v22 =	vld.idx.msk [tilespmem:v14+s29+$0x0], $0xffff  }
0x45b: {  	v20 =	vld.idx.msk [tilespmem:v17+s29+$0x0], $0xffff  }
0x45c: {  	v21 =	vld.idx.msk [tilespmem:v15+s29+$0x0], $0xffff  }
0x45d: {  	v19 =	vld.idx.msk [tilespmem:v18+s29+$0x0], $0xffff  }
0x45e: {  	v18 =	vld.idx.msk [tilespmem:v11+s29+$0x0], $0xffff  }
0x45f: {  	v17 =	vld.idx.msk [tilespmem:v12+s29+$0x0], $0xffff  }
0x460: {  	v8 =	vld.idx.msk [tilespmem:v15+s31+$0x0], $0xffff  }
0x461: {  	v14 =	vld.idx.msk [tilespmem:v16+s1+$0x0], $0xffff  }
0x462: {  	v16 =	vld.idx.msk [tilespmem:v10+s1+$0x0], $0xffff  }
0x463: {  	s14 =	simm.s32 $0x0;
	s15 =	simm.s32 $0x1770;
	v11 =	vimm.f32 $0.0e+00;
	v12 =	vimm.f32 $0.0e+00;
	v10 =	vimm.f32 $0.0e+00;
	v15 =	vld.idx.msk [tilespmem:v22+s1+$0x0], $0xffff  }
.LBB2_43:
0x464: {  	v22 =	vadd.s32 s15, v1;
	v21 =	vld.idx.msk [tilespmem:v21+s1+$0x0], $0xffff  }
0x465: {  	s16 =	sadd.s32 $0xFFFFFB50, s15;
	v20 =	vld.idx.msk [tilespmem:v20+s1+$0x0], $0xffff  }
0x466: {  	v23 =	vadd.s32 s16, v1;
	s16 =	sadd.s32 $0xFFFFFCE0, s15;
	v19 =	vld.idx.msk [tilespmem:v19+s1+$0x0], $0xffff  }
0x467: {  	v24 =	vadd.s32 s16, v1;
	s16 =	sadd.s32 $0xFFFFFE70, s15;
	v18 =	vld.idx.msk [tilespmem:v18+s1+$0x0], $0xffff  }
0x468: {  	s17 =	sadd.s32 $0xFFFFF510, s15;
	v25 =	vadd.s32 s16, v1;
	v17 =	vld.idx.msk [tilespmem:v17+s1+$0x0], $0xffff  }
0x469: {  	v26 =	vadd.s32 s17, v1;
	s16 =	sadd.s32 $0xFFFFF6A0, s15;
	v27 =	vld.idx.msk [tilespmem:v22+s31+$0x0], $0xffff  }
0x46a: {  	v14 =	vmul.f32 v7, v14;
	v16 =	vmul.f32 v3, v16;
	v28 =	vadd.s32 s16, v1;
	s16 =	sadd.s32 $0xFFFFF830, s15;
	v22 =	vld.idx.msk [tilespmem:v22+s29+$0x0], $0xffff  }
0x46b: {  	v6 =	vmul.f32 v6, v15;
	v29 =	vadd.s32 s16, v1;
	s16 =	sadd.s32 $0xFFFFF9C0, s15;
	v7 =	vmul.f32 v8, v21;
	v3 =	vld.idx.msk [tilespmem:v23+s31+$0x0], $0xffff  }
0x46c: {  	v15 =	vadd.s32 s16, v1;
	v8 =	vmul.f32 v9, v20;
	v9 =	vmul.f32 v13, v19;
	v21 =	vld.idx.msk [tilespmem:v24+s31+$0x0], $0xffff  }
0x46d: {  	v2 =	vadd.f32 v6, v2;
	v13 =	vadd.f32 v7, v10;
	v5 =	vmul.f32 v5, v18;
	v19 =	vld.idx.msk [tilespmem:v25+s31+$0x0], $0xffff  }
0x46e: {  	v11 =	vadd.f32 v8, v11;
	v12 =	vadd.f32 v9, v12;
	v4 =	vmul.f32 v4, v17;
	v6 =	vld.idx.msk [tilespmem:v26+s31+$0x0], $0xffff  }
0x46f: {  	v2 =	vadd.f32 v16, v2;
	v10 =	vadd.f32 v5, v13;
	v7 =	vmov v27;
	v8 =	vld.idx.msk [tilespmem:v28+s31+$0x0], $0xffff  }
0x470: {  	s14 =	sadd.s32 $0x8, s14;
	v11 =	vadd.f32 v4, v11;
	v12 =	vadd.f32 v14, v12;
	v9 =	vld.idx.msk [tilespmem:v29+s31+$0x0], $0xffff  }
0x471: {  	p1 =	slt.u32 s14, $0x18;
	v13 =	vld.idx.msk [tilespmem:v15+s31+$0x0], $0xffff  }
0x472: {  	v5 =	vmov v21;
	v16 =	vld.idx.msk [tilespmem:v23+s29+$0x0], $0xffff  }
0x473: {  	v4 =	vmov v19;
	v23 =	vld.idx.msk [tilespmem:v26+s29+$0x0], $0xffff  }
0x474: {  	v21 =	vld.idx.msk [tilespmem:v28+s29+$0x0], $0xffff  }
0x475: {  	v20 =	vld.idx.msk [tilespmem:v29+s29+$0x0], $0xffff  }
0x476: {  	v19 =	vld.idx.msk [tilespmem:v15+s29+$0x0], $0xffff  }
.Ltmp20:
0x477: {  	v18 =	vld.idx.msk [tilespmem:v24+s29+$0x0], $0xffff;
	(pc) =	sbr.rel @p1 .LBB2_43-.Ltmp20, $4  }
0x478: {  	v17 =	vld.idx.msk [tilespmem:v25+s29+$0x0], $0xffff  }
0x479: {  	v14 =	vld.idx.msk [tilespmem:v22+s1+$0x0], $0xffff  }
0x47a: {  	v16 =	vld.idx.msk [tilespmem:v16+s1+$0x0], $0xffff  }
0x47b: {  	s15 =	sadd.s32 $0xC80, s15;
	v15 =	vld.idx.msk [tilespmem:v23+s1+$0x0], $0xffff  }
0x47c: {  	_ =	sdelay $0x3  }
0x47d: {  	v1 =	vld.idx.msk [tilespmem:v21+s1+$0x0], $0xffff  }
0x47e: {  	v20 =	vld.idx.msk [tilespmem:v20+s1+$0x0], $0xffff  }
0x47f: {  	v19 =	vld.idx.msk [tilespmem:v19+s1+$0x0], $0xffff  }
0x480: {  	v18 =	vld.idx.msk [tilespmem:v18+s1+$0x0], $0xffff  }
0x481: {  	v17 =	vld.idx.msk [tilespmem:v17+s1+$0x0], $0xffff  }
0x482: {  	v7 =	vmul.f32 v7, v14;
	v3 =	vmul.f32 v3, v16  }
0x483: {  	v6 =	vmul.f32 v6, v15;
	v1 =	vmul.f32 v8, v1  }
0x484: {  	v59 =	vmul.f32 v9, v20;
	v60 =	vmul.f32 v13, v19  }
0x485: {  	v5 =	vmul.f32 v5, v18;
	v2 =	vadd.f32 v6, v2;
	v1 =	vadd.f32 v1, v10  }
0x486: {  	v4 =	vmul.f32 v4, v17;
	v61 =	vadd.f32 v59, v11;
	v62 =	vadd.f32 v60, v12  }
0x487: {  	v2 =	vadd.f32 v3, v2;
	v1 =	vadd.f32 v5, v1  }
0x488: {  	v3 =	vadd.f32 v4, v61;
	v63 =	vadd.f32 v7, v62;
	_ =	sdelay $0x1  }
0x489: {  	v1 =	vadd.f32 v1, v2;
	v2 =	vadd.f32 v63, v3;
	_ =	sdelay $0x1  }
0x48a: {  	v1 =	vadd.f32 v2, v1;
	_ =	sdelay $0x1  }
0x48b: {  	v2 =	vsub.f32 $0.0e+00, v1;
	_ =	sdelay $0x1  }
0x48c: {  	v2 =	vmul.f32 $1.442695020e+00, v2;
	_ =	sdelay $0x1  }
0x48d: {  	(erf) = vpow2.f32 v2;
	_ =	sdelay $0x8  }
0x48e: {  	v2 =	vpop (erf)  }
0x48f: {  	v2 =	vadd.f32 $1.000000000e+00, v2;
	_ =	sdelay $0x1  }
0x490: {  	(erf) = vrcp.f32 v2;
	_ =	sdelay $0x5  }
0x491: {  	s12 =	sadd.s32 $0x1, s12  }
0x492: {  	p1 =	sne.s32 s12, $0x19  }
.Ltmp21:
0x493: {  	_ = 	snop;
	(pc) =	sbr.rel @p1 .LBB2_42-.Ltmp21, $3  }
0x494: {  	v2 =	vpop (erf)  }
0x495: {  	v1 =	vmul.f32 v2, v1;
	_ =	sdelay $0x1  }
0x496: {  	[tilespmem:s13+$0x1D700] =	vst v1  }
0x497: {  	s12 =	simm.s32 $0x0;
	s13 =	rddreg [dreg:$0x1c]  }
0x498: {  	[tilespmem:s29], [sflag:$0x1] =	stream.linear.gather [hbm4b:s13+s12], $0x3200, $0x38;
	[tilespmem:$0x1DC20] =	vst v63  }
0x499: {  	s16 =	rddreg [dreg:$0x1d]  }
0x49a: {  	[tilespmem:s31], [sflag:$0x2] =	stream.linear.gather [hbm4b:s16+s12], $0x3200, $0x38;
	[tilespmem:$0x1DC20] =	vst v63  }
0x49b: {  	_ = 	snop  }
0x49c: {  	[tilespmem:s0], [sflag:$0x3] =	stream.linear.gather [hbm4b:s21+s12], $0x190, $0x38;
	[tilespmem:$0x1DC20] =	vst v63  }
0x49d: {  	_ = 	snop  }
0x49e: {  	[spmem:s8] =	stream.linear.scatter [tilespmem:s7], [sflag:$0x5], $0x190, $0x38;
	[tilespmem:$0x1DC20] =	vst v63  }
0x49f: {  	_ =	swait.ge [sflag:s28], $0x190  }
0x4a0: {  	[sflag:s28] =	ssyncset.done $0x0  }
0x4a1: {  	[sflag:s28] =	ssyncadd.s32 $0xFFFFFE70  }
0x4a2: {  	s17 =	simm.s32 $0xF660;
	[bflag:$0x0] =	sbarrier.arrive $0xFFFF  }
0x4a3: {  	[tilespmem:s17], [sflag:$0x4] =	stream.linear.gather [spmem:s4], $0x1870, $0x38;
	[tilespmem:$0x1DC20] =	vst v63  }
0x4a4: {  	_ =	swait.ge [sflag:s30], $0x3200  }
0x4a5: {  	[sflag:s30] =	ssyncset.done $0x0  }
0x4a6: {  	[sflag:s30] =	ssyncadd.s32 $0xFFFFCE00  }
0x4a7: {  	_ =	swait.ge [sflag:s3], $0x3200  }
0x4a8: {  	[sflag:s3] =	ssyncset.done $0x0  }
0x4a9: {  	[sflag:s3] =	ssyncadd.s32 $0xFFFFCE00  }
0x4aa: {  	_ =	swait.ge [sflag:s5], $0x190  }
0x4ab: {  	[sflag:s5] =	ssyncset.done $0x0  }
0x4ac: {  	[sflag:s5] =	ssyncadd.s32 $0xFFFFFE70  }
0x4ad: {  	_ =	swait.ge [sflag:s10], $0x1870  }
0x4ae: {  	[sflag:s10] =	ssyncset.done $0x0  }
0x4af: {  	[sflag:s10] =	ssyncadd.s32 $0xFFFFE790  }
.LBB2_46:
0x4b0: {  	s13 =	sshll.u32 s12, $0x4  }
0x4b1: {  	s14 =	simm.s32 $0xAF0;
	v1 =	vor.u32 s13, v0  }
0x4b2: {  	v3 =	vadd.s32 s14, v1  }
0x4b3: {  	s15 =	simm.s32 $0x640  }
0x4b4: {  	s16 =	simm.s32 $0x7D0;
	v10 =	vadd.s32 s15, v1  }
0x4b5: {  	s17 =	simm.s32 $0x960;
	v11 =	vadd.s32 s16, v1  }
0x4b6: {  	v2 =	vld [tilespmem:s13+$0x1D500];
	v12 =	vadd.s32 s17, v1  }
0x4b7: {  	s15 =	simm.s32 $0x0;
	v7 =	vld.idx.msk [tilespmem:v3+s31+$0x0], $0xffff  }
0x4b8: {  	s16 =	simm.s32 $0x320;
	v14 =	vadd.s32 s15, v1;
	v16 =	vld.idx.msk [tilespmem:v3+s29+$0x0], $0xffff  }
0x4b9: {  	s17 =	simm.s32 $0x4B0;
	v17 =	vadd.s32 s16, v1;
	v3 =	vld.idx.msk [tilespmem:v10+s31+$0x0], $0xffff  }
0x4ba: {  	v18 =	vadd.s32 s17, v1;
	v5 =	vld.idx.msk [tilespmem:v11+s31+$0x0], $0xffff  }
0x4bb: {  	v4 =	vld.idx.msk [tilespmem:v12+s31+$0x0], $0xffff  }
0x4bc: {  	s15 =	simm.s32 $0x190;
	v10 =	vld.idx.msk [tilespmem:v10+s29+$0x0], $0xffff  }
0x4bd: {  	v15 =	vadd.s32 s15, v1;
	v6 =	vld.idx.msk [tilespmem:v14+s31+$0x0], $0xffff  }
0x4be: {  	v9 =	vld.idx.msk [tilespmem:v17+s31+$0x0], $0xffff  }
0x4bf: {  	v13 =	vld.idx.msk [tilespmem:v18+s31+$0x0], $0xffff  }
0x4c0: {  	v22 =	vld.idx.msk [tilespmem:v14+s29+$0x0], $0xffff  }
0x4c1: {  	v20 =	vld.idx.msk [tilespmem:v17+s29+$0x0], $0xffff  }
0x4c2: {  	v21 =	vld.idx.msk [tilespmem:v15+s29+$0x0], $0xffff  }
0x4c3: {  	v19 =	vld.idx.msk [tilespmem:v18+s29+$0x0], $0xffff  }
0x4c4: {  	v18 =	vld.idx.msk [tilespmem:v11+s29+$0x0], $0xffff  }
0x4c5: {  	v17 =	vld.idx.msk [tilespmem:v12+s29+$0x0], $0xffff  }
0x4c6: {  	v8 =	vld.idx.msk [tilespmem:v15+s31+$0x0], $0xffff  }
0x4c7: {  	v14 =	vld.idx.msk [tilespmem:v16+s1+$0x0], $0xffff  }
0x4c8: {  	v16 =	vld.idx.msk [tilespmem:v10+s1+$0x0], $0xffff  }
0x4c9: {  	s14 =	simm.s32 $0x0;
	s15 =	simm.s32 $0x1770;
	v11 =	vimm.f32 $0.0e+00;
	v12 =	vimm.f32 $0.0e+00;
	v10 =	vimm.f32 $0.0e+00;
	v15 =	vld.idx.msk [tilespmem:v22+s1+$0x0], $0xffff  }
.LBB2_47:
0x4ca: {  	v22 =	vadd.s32 s15, v1;
	v21 =	vld.idx.msk [tilespmem:v21+s1+$0x0], $0xffff  }
0x4cb: {  	s16 =	sadd.s32 $0xFFFFFB50, s15;
	v20 =	vld.idx.msk [tilespmem:v20+s1+$0x0], $0xffff  }
0x4cc: {  	v23 =	vadd.s32 s16, v1;
	s16 =	sadd.s32 $0xFFFFFCE0, s15;
	v19 =	vld.idx.msk [tilespmem:v19+s1+$0x0], $0xffff  }
0x4cd: {  	v24 =	vadd.s32 s16, v1;
	s16 =	sadd.s32 $0xFFFFFE70, s15;
	v18 =	vld.idx.msk [tilespmem:v18+s1+$0x0], $0xffff  }
0x4ce: {  	s17 =	sadd.s32 $0xFFFFF510, s15;
	v25 =	vadd.s32 s16, v1;
	v17 =	vld.idx.msk [tilespmem:v17+s1+$0x0], $0xffff  }
0x4cf: {  	v26 =	vadd.s32 s17, v1;
	s16 =	sadd.s32 $0xFFFFF6A0, s15;
	v27 =	vld.idx.msk [tilespmem:v22+s31+$0x0], $0xffff  }
0x4d0: {  	v14 =	vmul.f32 v7, v14;
	v16 =	vmul.f32 v3, v16;
	v28 =	vadd.s32 s16, v1;
	s16 =	sadd.s32 $0xFFFFF830, s15;
	v22 =	vld.idx.msk [tilespmem:v22+s29+$0x0], $0xffff  }
0x4d1: {  	v6 =	vmul.f32 v6, v15;
	v29 =	vadd.s32 s16, v1;
	s16 =	sadd.s32 $0xFFFFF9C0, s15;
	v7 =	vmul.f32 v8, v21;
	v3 =	vld.idx.msk [tilespmem:v23+s31+$0x0], $0xffff  }
0x4d2: {  	v15 =	vadd.s32 s16, v1;
	v8 =	vmul.f32 v9, v20;
	v9 =	vmul.f32 v13, v19;
	v21 =	vld.idx.msk [tilespmem:v24+s31+$0x0], $0xffff  }
0x4d3: {  	v2 =	vadd.f32 v6, v2;
	v13 =	vadd.f32 v7, v10;
	v5 =	vmul.f32 v5, v18;
	v19 =	vld.idx.msk [tilespmem:v25+s31+$0x0], $0xffff  }
0x4d4: {  	v11 =	vadd.f32 v8, v11;
	v12 =	vadd.f32 v9, v12;
	v4 =	vmul.f32 v4, v17;
	v6 =	vld.idx.msk [tilespmem:v26+s31+$0x0], $0xffff  }
0x4d5: {  	v2 =	vadd.f32 v16, v2;
	v10 =	vadd.f32 v5, v13;
	v7 =	vmov v27;
	v8 =	vld.idx.msk [tilespmem:v28+s31+$0x0], $0xffff  }
0x4d6: {  	s14 =	sadd.s32 $0x8, s14;
	v11 =	vadd.f32 v4, v11;
	v12 =	vadd.f32 v14, v12;
	v9 =	vld.idx.msk [tilespmem:v29+s31+$0x0], $0xffff  }
0x4d7: {  	p1 =	slt.u32 s14, $0x18;
	v13 =	vld.idx.msk [tilespmem:v15+s31+$0x0], $0xffff  }
0x4d8: {  	v5 =	vmov v21;
	v16 =	vld.idx.msk [tilespmem:v23+s29+$0x0], $0xffff  }
0x4d9: {  	v4 =	vmov v19;
	v23 =	vld.idx.msk [tilespmem:v26+s29+$0x0], $0xffff  }
0x4da: {  	v21 =	vld.idx.msk [tilespmem:v28+s29+$0x0], $0xffff  }
0x4db: {  	v20 =	vld.idx.msk [tilespmem:v29+s29+$0x0], $0xffff  }
0x4dc: {  	v19 =	vld.idx.msk [tilespmem:v15+s29+$0x0], $0xffff  }
.Ltmp22:
0x4dd: {  	v18 =	vld.idx.msk [tilespmem:v24+s29+$0x0], $0xffff;
	(pc) =	sbr.rel @p1 .LBB2_47-.Ltmp22, $4  }
0x4de: {  	v17 =	vld.idx.msk [tilespmem:v25+s29+$0x0], $0xffff  }
0x4df: {  	v14 =	vld.idx.msk [tilespmem:v22+s1+$0x0], $0xffff  }
0x4e0: {  	v16 =	vld.idx.msk [tilespmem:v16+s1+$0x0], $0xffff  }
0x4e1: {  	s15 =	sadd.s32 $0xC80, s15;
	v15 =	vld.idx.msk [tilespmem:v23+s1+$0x0], $0xffff  }
0x4e2: {  	_ =	sdelay $0x3  }
0x4e3: {  	v1 =	vld.idx.msk [tilespmem:v21+s1+$0x0], $0xffff  }
0x4e4: {  	v20 =	vld.idx.msk [tilespmem:v20+s1+$0x0], $0xffff  }
0x4e5: {  	v19 =	vld.idx.msk [tilespmem:v19+s1+$0x0], $0xffff  }
0x4e6: {  	v18 =	vld.idx.msk [tilespmem:v18+s1+$0x0], $0xffff  }
0x4e7: {  	v17 =	vld.idx.msk [tilespmem:v17+s1+$0x0], $0xffff  }
0x4e8: {  	v7 =	vmul.f32 v7, v14;
	v3 =	vmul.f32 v3, v16  }
0x4e9: {  	v6 =	vmul.f32 v6, v15;
	v1 =	vmul.f32 v8, v1  }
0x4ea: {  	v59 =	vmul.f32 v9, v20;
	v60 =	vmul.f32 v13, v19  }
0x4eb: {  	v5 =	vmul.f32 v5, v18;
	v2 =	vadd.f32 v6, v2;
	v1 =	vadd.f32 v1, v10  }
0x4ec: {  	v4 =	vmul.f32 v4, v17;
	v61 =	vadd.f32 v59, v11;
	v62 =	vadd.f32 v60, v12  }
0x4ed: {  	v2 =	vadd.f32 v3, v2;
	v1 =	vadd.f32 v5, v1  }
0x4ee: {  	v3 =	vadd.f32 v4, v61;
	v63 =	vadd.f32 v7, v62;
	_ =	sdelay $0x1  }
0x4ef: {  	v1 =	vadd.f32 v1, v2;
	v2 =	vadd.f32 v63, v3;
	_ =	sdelay $0x1  }
0x4f0: {  	v1 =	vadd.f32 v2, v1;
	_ =	sdelay $0x1  }
0x4f1: {  	v2 =	vsub.f32 $0.0e+00, v1;
	_ =	sdelay $0x1  }
0x4f2: {  	v2 =	vmul.f32 $1.442695020e+00, v2;
	_ =	sdelay $0x1  }
0x4f3: {  	(erf) = vpow2.f32 v2;
	_ =	sdelay $0x8  }
0x4f4: {  	v2 =	vpop (erf)  }
0x4f5: {  	v2 =	vadd.f32 $1.000000000e+00, v2;
	_ =	sdelay $0x1  }
0x4f6: {  	(erf) = vrcp.f32 v2;
	_ =	sdelay $0x5  }
0x4f7: {  	s12 =	sadd.s32 $0x1, s12  }
0x4f8: {  	p1 =	sne.s32 s12, $0x19  }
.Ltmp23:
0x4f9: {  	_ = 	snop;
	(pc) =	sbr.rel @p1 .LBB2_46-.Ltmp23, $3  }
0x4fa: {  	v2 =	vpop (erf)  }
0x4fb: {  	v1 =	vmul.f32 v2, v1;
	_ =	sdelay $0x1  }
0x4fc: {  	[tilespmem:s13+$0x1D700] =	vst v1  }
0x4fd: {  	s12 =	simm.s32 $0x0;
	s13 =	rddreg [dreg:$0x1e]  }
0x4fe: {  	[tilespmem:s29], [sflag:$0x1] =	stream.linear.gather [hbm4b:s13+s12], $0x3200, $0x38;
	[tilespmem:$0x1DC20] =	vst v63  }
0x4ff: {  	s16 =	rddreg [dreg:$0x1f]  }
0x500: {  	[tilespmem:s31], [sflag:$0x2] =	stream.linear.gather [hbm4b:s16+s12], $0x3200, $0x38;
	[tilespmem:$0x1DC20] =	vst v63  }
0x501: {  	_ = 	snop  }
0x502: {  	[tilespmem:s0], [sflag:$0x3] =	stream.linear.gather [hbm4b:s22+s12], $0x190, $0x38;
	[tilespmem:$0x1DC20] =	vst v63  }
0x503: {  	_ = 	snop  }
0x504: {  	[spmem:s9] =	stream.linear.scatter [tilespmem:s7], [sflag:$0x5], $0x190, $0x38;
	[tilespmem:$0x1DC20] =	vst v63  }
0x505: {  	_ =	swait.ge [sflag:s28], $0x190  }
0x506: {  	[sflag:s28] =	ssyncset.done $0x0  }
0x507: {  	[sflag:s28] =	ssyncadd.s32 $0xFFFFFE70  }
0x508: {  	s17 =	simm.s32 $0x10ED0;
	[bflag:$0x0] =	sbarrier.arrive $0xFFFF  }
0x509: {  	[tilespmem:s17], [sflag:$0x4] =	stream.linear.gather [spmem:s6], $0x1870, $0x38;
	[tilespmem:$0x1DC20] =	vst v63  }
0x50a: {  	_ =	swait.ge [sflag:s30], $0x3200  }
0x50b: {  	[sflag:s30] =	ssyncset.done $0x0  }
0x50c: {  	[sflag:s30] =	ssyncadd.s32 $0xFFFFCE00  }
0x50d: {  	_ =	swait.ge [sflag:s3], $0x3200  }
0x50e: {  	[sflag:s3] =	ssyncset.done $0x0  }
0x50f: {  	[sflag:s3] =	ssyncadd.s32 $0xFFFFCE00  }
0x510: {  	_ =	swait.ge [sflag:s5], $0x190  }
0x511: {  	[sflag:s5] =	ssyncset.done $0x0  }
0x512: {  	[sflag:s5] =	ssyncadd.s32 $0xFFFFFE70  }
0x513: {  	_ =	swait.ge [sflag:s10], $0x1870  }
0x514: {  	[sflag:s10] =	ssyncset.done $0x0  }
0x515: {  	[sflag:s10] =	ssyncadd.s32 $0xFFFFE790  }
.LBB2_50:
0x516: {  	s13 =	sshll.u32 s12, $0x4  }
0x517: {  	s14 =	simm.s32 $0xAF0;
	v1 =	vor.u32 s13, v0  }
0x518: {  	v3 =	vadd.s32 s14, v1  }
0x519: {  	s15 =	simm.s32 $0x640  }
0x51a: {  	s16 =	simm.s32 $0x7D0;
	v10 =	vadd.s32 s15, v1  }
0x51b: {  	s17 =	simm.s32 $0x960;
	v11 =	vadd.s32 s16, v1  }
0x51c: {  	v2 =	vld [tilespmem:s13+$0x1D500];
	v12 =	vadd.s32 s17, v1  }
0x51d: {  	s15 =	simm.s32 $0x0;
	v7 =	vld.idx.msk [tilespmem:v3+s31+$0x0], $0xffff  }
0x51e: {  	s16 =	simm.s32 $0x320;
	v14 =	vadd.s32 s15, v1;
	v16 =	vld.idx.msk [tilespmem:v3+s29+$0x0], $0xffff  }
0x51f: {  	s17 =	simm.s32 $0x4B0;
	v17 =	vadd.s32 s16, v1;
	v3 =	vld.idx.msk [tilespmem:v10+s31+$0x0], $0xffff  }
0x520: {  	v18 =	vadd.s32 s17, v1;
	v5 =	vld.idx.msk [tilespmem:v11+s31+$0x0], $0xffff  }
0x521: {  	v4 =	vld.idx.msk [tilespmem:v12+s31+$0x0], $0xffff  }
0x522: {  	s15 =	simm.s32 $0x190;
	v10 =	vld.idx.msk [tilespmem:v10+s29+$0x0], $0xffff  }
0x523: {  	v15 =	vadd.s32 s15, v1;
	v6 =	vld.idx.msk [tilespmem:v14+s31+$0x0], $0xffff  }
0x524: {  	v9 =	vld.idx.msk [tilespmem:v17+s31+$0x0], $0xffff  }
0x525: {  	v13 =	vld.idx.msk [tilespmem:v18+s31+$0x0], $0xffff  }
0x526: {  	v22 =	vld.idx.msk [tilespmem:v14+s29+$0x0], $0xffff  }
0x527: {  	v20 =	vld.idx.msk [tilespmem:v17+s29+$0x0], $0xffff  }
0x528: {  	v21 =	vld.idx.msk [tilespmem:v15+s29+$0x0], $0xffff  }
0x529: {  	v19 =	vld.idx.msk [tilespmem:v18+s29+$0x0], $0xffff  }
0x52a: {  	v18 =	vld.idx.msk [tilespmem:v11+s29+$0x0], $0xffff  }
0x52b: {  	v17 =	vld.idx.msk [tilespmem:v12+s29+$0x0], $0xffff  }
0x52c: {  	v8 =	vld.idx.msk [tilespmem:v15+s31+$0x0], $0xffff  }
0x52d: {  	v14 =	vld.idx.msk [tilespmem:v16+s1+$0x0], $0xffff  }
0x52e: {  	v16 =	vld.idx.msk [tilespmem:v10+s1+$0x0], $0xffff  }
0x52f: {  	s14 =	simm.s32 $0x0;
	s15 =	simm.s32 $0x1770;
	v11 =	vimm.f32 $0.0e+00;
	v12 =	vimm.f32 $0.0e+00;
	v10 =	vimm.f32 $0.0e+00;
	v15 =	vld.idx.msk [tilespmem:v22+s1+$0x0], $0xffff  }
.LBB2_51:
0x530: {  	v22 =	vadd.s32 s15, v1;
	v21 =	vld.idx.msk [tilespmem:v21+s1+$0x0], $0xffff  }
0x531: {  	s16 =	sadd.s32 $0xFFFFFB50, s15;
	v20 =	vld.idx.msk [tilespmem:v20+s1+$0x0], $0xffff  }
0x532: {  	v23 =	vadd.s32 s16, v1;
	s16 =	sadd.s32 $0xFFFFFCE0, s15;
	v19 =	vld.idx.msk [tilespmem:v19+s1+$0x0], $0xffff  }
0x533: {  	v24 =	vadd.s32 s16, v1;
	s16 =	sadd.s32 $0xFFFFFE70, s15;
	v18 =	vld.idx.msk [tilespmem:v18+s1+$0x0], $0xffff  }
0x534: {  	s17 =	sadd.s32 $0xFFFFF510, s15;
	v25 =	vadd.s32 s16, v1;
	v17 =	vld.idx.msk [tilespmem:v17+s1+$0x0], $0xffff  }
0x535: {  	v26 =	vadd.s32 s17, v1;
	s16 =	sadd.s32 $0xFFFFF6A0, s15;
	v27 =	vld.idx.msk [tilespmem:v22+s31+$0x0], $0xffff  }
0x536: {  	v14 =	vmul.f32 v7, v14;
	v16 =	vmul.f32 v3, v16;
	v28 =	vadd.s32 s16, v1;
	s16 =	sadd.s32 $0xFFFFF830, s15;
	v22 =	vld.idx.msk [tilespmem:v22+s29+$0x0], $0xffff  }
0x537: {  	v6 =	vmul.f32 v6, v15;
	v29 =	vadd.s32 s16, v1;
	s16 =	sadd.s32 $0xFFFFF9C0, s15;
	v7 =	vmul.f32 v8, v21;
	v3 =	vld.idx.msk [tilespmem:v23+s31+$0x0], $0xffff  }
0x538: {  	v15 =	vadd.s32 s16, v1;
	v8 =	vmul.f32 v9, v20;
	v9 =	vmul.f32 v13, v19;
	v21 =	vld.idx.msk [tilespmem:v24+s31+$0x0], $0xffff  }
0x539: {  	v2 =	vadd.f32 v6, v2;
	v13 =	vadd.f32 v7, v10;
	v5 =	vmul.f32 v5, v18;
	v19 =	vld.idx.msk [tilespmem:v25+s31+$0x0], $0xffff  }
0x53a: {  	v11 =	vadd.f32 v8, v11;
	v12 =	vadd.f32 v9, v12;
	v4 =	vmul.f32 v4, v17;
	v6 =	vld.idx.msk [tilespmem:v26+s31+$0x0], $0xffff  }
0x53b: {  	v2 =	vadd.f32 v16, v2;
	v10 =	vadd.f32 v5, v13;
	v7 =	vmov v27;
	v8 =	vld.idx.msk [tilespmem:v28+s31+$0x0], $0xffff  }
0x53c: {  	s14 =	sadd.s32 $0x8, s14;
	v11 =	vadd.f32 v4, v11;
	v12 =	vadd.f32 v14, v12;
	v9 =	vld.idx.msk [tilespmem:v29+s31+$0x0], $0xffff  }
0x53d: {  	p1 =	slt.u32 s14, $0x18;
	v13 =	vld.idx.msk [tilespmem:v15+s31+$0x0], $0xffff  }
0x53e: {  	v5 =	vmov v21;
	v16 =	vld.idx.msk [tilespmem:v23+s29+$0x0], $0xffff  }
0x53f: {  	v4 =	vmov v19;
	v23 =	vld.idx.msk [tilespmem:v26+s29+$0x0], $0xffff  }
0x540: {  	v21 =	vld.idx.msk [tilespmem:v28+s29+$0x0], $0xffff  }
0x541: {  	v20 =	vld.idx.msk [tilespmem:v29+s29+$0x0], $0xffff  }
0x542: {  	v19 =	vld.idx.msk [tilespmem:v15+s29+$0x0], $0xffff  }
.Ltmp24:
0x543: {  	v18 =	vld.idx.msk [tilespmem:v24+s29+$0x0], $0xffff;
	(pc) =	sbr.rel @p1 .LBB2_51-.Ltmp24, $4  }
0x544: {  	v17 =	vld.idx.msk [tilespmem:v25+s29+$0x0], $0xffff  }
0x545: {  	v14 =	vld.idx.msk [tilespmem:v22+s1+$0x0], $0xffff  }
0x546: {  	v16 =	vld.idx.msk [tilespmem:v16+s1+$0x0], $0xffff  }
0x547: {  	s15 =	sadd.s32 $0xC80, s15;
	v15 =	vld.idx.msk [tilespmem:v23+s1+$0x0], $0xffff  }
0x548: {  	_ =	sdelay $0x3  }
0x549: {  	v1 =	vld.idx.msk [tilespmem:v21+s1+$0x0], $0xffff  }
0x54a: {  	v20 =	vld.idx.msk [tilespmem:v20+s1+$0x0], $0xffff  }
0x54b: {  	v19 =	vld.idx.msk [tilespmem:v19+s1+$0x0], $0xffff  }
0x54c: {  	v18 =	vld.idx.msk [tilespmem:v18+s1+$0x0], $0xffff  }
0x54d: {  	v17 =	vld.idx.msk [tilespmem:v17+s1+$0x0], $0xffff  }
0x54e: {  	v7 =	vmul.f32 v7, v14;
	v3 =	vmul.f32 v3, v16  }
0x54f: {  	v6 =	vmul.f32 v6, v15;
	v1 =	vmul.f32 v8, v1  }
0x550: {  	v59 =	vmul.f32 v9, v20;
	v60 =	vmul.f32 v13, v19  }
0x551: {  	v5 =	vmul.f32 v5, v18;
	v2 =	vadd.f32 v6, v2;
	v1 =	vadd.f32 v1, v10  }
0x552: {  	v4 =	vmul.f32 v4, v17;
	v61 =	vadd.f32 v59, v11;
	v62 =	vadd.f32 v60, v12  }
0x553: {  	v2 =	vadd.f32 v3, v2;
	v1 =	vadd.f32 v5, v1  }
0x554: {  	v3 =	vadd.f32 v4, v61;
	v63 =	vadd.f32 v7, v62;
	_ =	sdelay $0x1  }
0x555: {  	v1 =	vadd.f32 v1, v2;
	v2 =	vadd.f32 v63, v3;
	_ =	sdelay $0x1  }
0x556: {  	v1 =	vadd.f32 v2, v1;
	_ =	sdelay $0x1  }
0x557: {  	v2 =	vsub.f32 $0.0e+00, v1;
	_ =	sdelay $0x1  }
0x558: {  	v2 =	vmul.f32 $1.442695020e+00, v2;
	_ =	sdelay $0x1  }
0x559: {  	(erf) = vpow2.f32 v2;
	_ =	sdelay $0x8  }
0x55a: {  	v2 =	vpop (erf)  }
0x55b: {  	v2 =	vadd.f32 $1.000000000e+00, v2;
	_ =	sdelay $0x1  }
0x55c: {  	(erf) = vrcp.f32 v2;
	_ =	sdelay $0x5  }
0x55d: {  	s12 =	sadd.s32 $0x1, s12  }
0x55e: {  	p1 =	sne.s32 s12, $0x19  }
.Ltmp25:
0x55f: {  	_ = 	snop;
	(pc) =	sbr.rel @p1 .LBB2_50-.Ltmp25, $3  }
0x560: {  	v2 =	vpop (erf)  }
0x561: {  	v1 =	vmul.f32 v2, v1;
	_ =	sdelay $0x1  }
0x562: {  	[tilespmem:s13+$0x1D700] =	vst v1  }
0x563: {  	s13 =	sld [smem:$0x7EE];
	_ =	sdelay $0x1  }
0x564: {  	s12 =	simm.s32 $0x0;
	s16 =	sld [smem:$0x7EF]  }
0x565: {  	[tilespmem:s29], [sflag:$0x1] =	stream.linear.gather [hbm4b:s13+s12], $0x3200, $0x38;
	[tilespmem:$0x1DC20] =	vst v63  }
0x566: {  	_ = 	snop  }
0x567: {  	[tilespmem:s31], [sflag:$0x2] =	stream.linear.gather [hbm4b:s16+s12], $0x3200, $0x38;
	[tilespmem:$0x1DC20] =	vst v63  }
0x568: {  	_ = 	snop  }
0x569: {  	[tilespmem:s0], [sflag:$0x3] =	stream.linear.gather [hbm4b:s23+s12], $0x190, $0x38;
	[tilespmem:$0x1DC20] =	vst v63  }
0x56a: {  	_ = 	snop  }
0x56b: {  	[spmem:s8] =	stream.linear.scatter [tilespmem:s7], [sflag:$0x5], $0x190, $0x38;
	[tilespmem:$0x1DC20] =	vst v63  }
0x56c: {  	_ =	swait.ge [sflag:s28], $0x190  }
0x56d: {  	[sflag:s28] =	ssyncset.done $0x0  }
0x56e: {  	[sflag:s28] =	ssyncadd.s32 $0xFFFFFE70  }
0x56f: {  	s17 =	simm.s32 $0x12740;
	[bflag:$0x0] =	sbarrier.arrive $0xFFFF  }
0x570: {  	[tilespmem:s17], [sflag:$0x4] =	stream.linear.gather [spmem:s4], $0x1870, $0x38;
	[tilespmem:$0x1DC20] =	vst v63  }
0x571: {  	_ =	swait.ge [sflag:s30], $0x3200  }
0x572: {  	[sflag:s30] =	ssyncset.done $0x0  }
0x573: {  	[sflag:s30] =	ssyncadd.s32 $0xFFFFCE00  }
0x574: {  	_ =	swait.ge [sflag:s3], $0x3200  }
0x575: {  	[sflag:s3] =	ssyncset.done $0x0  }
0x576: {  	[sflag:s3] =	ssyncadd.s32 $0xFFFFCE00  }
0x577: {  	_ =	swait.ge [sflag:s5], $0x190  }
0x578: {  	[sflag:s5] =	ssyncset.done $0x0  }
0x579: {  	[sflag:s5] =	ssyncadd.s32 $0xFFFFFE70  }
0x57a: {  	_ =	swait.ge [sflag:s10], $0x1870  }
0x57b: {  	[sflag:s10] =	ssyncset.done $0x0  }
0x57c: {  	[sflag:s10] =	ssyncadd.s32 $0xFFFFE790  }
.LBB2_54:
0x57d: {  	s13 =	sshll.u32 s12, $0x4  }
0x57e: {  	s14 =	simm.s32 $0xAF0;
	v1 =	vor.u32 s13, v0  }
0x57f: {  	v3 =	vadd.s32 s14, v1  }
0x580: {  	s15 =	simm.s32 $0x640  }
0x581: {  	s16 =	simm.s32 $0x7D0;
	v10 =	vadd.s32 s15, v1  }
0x582: {  	s17 =	simm.s32 $0x960;
	v11 =	vadd.s32 s16, v1  }
0x583: {  	v2 =	vld [tilespmem:s13+$0x1D500];
	v12 =	vadd.s32 s17, v1  }
0x584: {  	s15 =	simm.s32 $0x0;
	v7 =	vld.idx.msk [tilespmem:v3+s31+$0x0], $0xffff  }
0x585: {  	s16 =	simm.s32 $0x320;
	v14 =	vadd.s32 s15, v1;
	v16 =	vld.idx.msk [tilespmem:v3+s29+$0x0], $0xffff  }
0x586: {  	s17 =	simm.s32 $0x4B0;
	v17 =	vadd.s32 s16, v1;
	v3 =	vld.idx.msk [tilespmem:v10+s31+$0x0], $0xffff  }
0x587: {  	v18 =	vadd.s32 s17, v1;
	v5 =	vld.idx.msk [tilespmem:v11+s31+$0x0], $0xffff  }
0x588: {  	v4 =	vld.idx.msk [tilespmem:v12+s31+$0x0], $0xffff  }
0x589: {  	s15 =	simm.s32 $0x190;
	v10 =	vld.idx.msk [tilespmem:v10+s29+$0x0], $0xffff  }
0x58a: {  	v15 =	vadd.s32 s15, v1;
	v6 =	vld.idx.msk [tilespmem:v14+s31+$0x0], $0xffff  }
0x58b: {  	v9 =	vld.idx.msk [tilespmem:v17+s31+$0x0], $0xffff  }
0x58c: {  	v13 =	vld.idx.msk [tilespmem:v18+s31+$0x0], $0xffff  }
0x58d: {  	v22 =	vld.idx.msk [tilespmem:v14+s29+$0x0], $0xffff  }
0x58e: {  	v20 =	vld.idx.msk [tilespmem:v17+s29+$0x0], $0xffff  }
0x58f: {  	v21 =	vld.idx.msk [tilespmem:v15+s29+$0x0], $0xffff  }
0x590: {  	v19 =	vld.idx.msk [tilespmem:v18+s29+$0x0], $0xffff  }
0x591: {  	v18 =	vld.idx.msk [tilespmem:v11+s29+$0x0], $0xffff  }
0x592: {  	v17 =	vld.idx.msk [tilespmem:v12+s29+$0x0], $0xffff  }
0x593: {  	v8 =	vld.idx.msk [tilespmem:v15+s31+$0x0], $0xffff  }
0x594: {  	v14 =	vld.idx.msk [tilespmem:v16+s1+$0x0], $0xffff  }
0x595: {  	v16 =	vld.idx.msk [tilespmem:v10+s1+$0x0], $0xffff  }
0x596: {  	s14 =	simm.s32 $0x0;
	s15 =	simm.s32 $0x1770;
	v11 =	vimm.f32 $0.0e+00;
	v12 =	vimm.f32 $0.0e+00;
	v10 =	vimm.f32 $0.0e+00;
	v15 =	vld.idx.msk [tilespmem:v22+s1+$0x0], $0xffff  }
.LBB2_55:
0x597: {  	v22 =	vadd.s32 s15, v1;
	v21 =	vld.idx.msk [tilespmem:v21+s1+$0x0], $0xffff  }
0x598: {  	s16 =	sadd.s32 $0xFFFFFB50, s15;
	v20 =	vld.idx.msk [tilespmem:v20+s1+$0x0], $0xffff  }
0x599: {  	v23 =	vadd.s32 s16, v1;
	s16 =	sadd.s32 $0xFFFFFCE0, s15;
	v19 =	vld.idx.msk [tilespmem:v19+s1+$0x0], $0xffff  }
0x59a: {  	v24 =	vadd.s32 s16, v1;
	s16 =	sadd.s32 $0xFFFFFE70, s15;
	v18 =	vld.idx.msk [tilespmem:v18+s1+$0x0], $0xffff  }
0x59b: {  	s17 =	sadd.s32 $0xFFFFF510, s15;
	v25 =	vadd.s32 s16, v1;
	v17 =	vld.idx.msk [tilespmem:v17+s1+$0x0], $0xffff  }
0x59c: {  	v26 =	vadd.s32 s17, v1;
	s16 =	sadd.s32 $0xFFFFF6A0, s15;
	v27 =	vld.idx.msk [tilespmem:v22+s31+$0x0], $0xffff  }
0x59d: {  	v14 =	vmul.f32 v7, v14;
	v16 =	vmul.f32 v3, v16;
	v28 =	vadd.s32 s16, v1;
	s16 =	sadd.s32 $0xFFFFF830, s15;
	v22 =	vld.idx.msk [tilespmem:v22+s29+$0x0], $0xffff  }
0x59e: {  	v6 =	vmul.f32 v6, v15;
	v29 =	vadd.s32 s16, v1;
	s16 =	sadd.s32 $0xFFFFF9C0, s15;
	v7 =	vmul.f32 v8, v21;
	v3 =	vld.idx.msk [tilespmem:v23+s31+$0x0], $0xffff  }
0x59f: {  	v15 =	vadd.s32 s16, v1;
	v8 =	vmul.f32 v9, v20;
	v9 =	vmul.f32 v13, v19;
	v21 =	vld.idx.msk [tilespmem:v24+s31+$0x0], $0xffff  }
0x5a0: {  	v2 =	vadd.f32 v6, v2;
	v13 =	vadd.f32 v7, v10;
	v5 =	vmul.f32 v5, v18;
	v19 =	vld.idx.msk [tilespmem:v25+s31+$0x0], $0xffff  }
0x5a1: {  	v11 =	vadd.f32 v8, v11;
	v12 =	vadd.f32 v9, v12;
	v4 =	vmul.f32 v4, v17;
	v6 =	vld.idx.msk [tilespmem:v26+s31+$0x0], $0xffff  }
0x5a2: {  	v2 =	vadd.f32 v16, v2;
	v10 =	vadd.f32 v5, v13;
	v7 =	vmov v27;
	v8 =	vld.idx.msk [tilespmem:v28+s31+$0x0], $0xffff  }
0x5a3: {  	s14 =	sadd.s32 $0x8, s14;
	v11 =	vadd.f32 v4, v11;
	v12 =	vadd.f32 v14, v12;
	v9 =	vld.idx.msk [tilespmem:v29+s31+$0x0], $0xffff  }
0x5a4: {  	p1 =	slt.u32 s14, $0x18;
	v13 =	vld.idx.msk [tilespmem:v15+s31+$0x0], $0xffff  }
0x5a5: {  	v5 =	vmov v21;
	v16 =	vld.idx.msk [tilespmem:v23+s29+$0x0], $0xffff  }
0x5a6: {  	v4 =	vmov v19;
	v23 =	vld.idx.msk [tilespmem:v26+s29+$0x0], $0xffff  }
0x5a7: {  	v21 =	vld.idx.msk [tilespmem:v28+s29+$0x0], $0xffff  }
0x5a8: {  	v20 =	vld.idx.msk [tilespmem:v29+s29+$0x0], $0xffff  }
0x5a9: {  	v19 =	vld.idx.msk [tilespmem:v15+s29+$0x0], $0xffff  }
.Ltmp26:
0x5aa: {  	v18 =	vld.idx.msk [tilespmem:v24+s29+$0x0], $0xffff;
	(pc) =	sbr.rel @p1 .LBB2_55-.Ltmp26, $4  }
0x5ab: {  	v17 =	vld.idx.msk [tilespmem:v25+s29+$0x0], $0xffff  }
0x5ac: {  	v14 =	vld.idx.msk [tilespmem:v22+s1+$0x0], $0xffff  }
0x5ad: {  	v16 =	vld.idx.msk [tilespmem:v16+s1+$0x0], $0xffff  }
0x5ae: {  	s15 =	sadd.s32 $0xC80, s15;
	v15 =	vld.idx.msk [tilespmem:v23+s1+$0x0], $0xffff  }
0x5af: {  	_ =	sdelay $0x3  }
0x5b0: {  	v1 =	vld.idx.msk [tilespmem:v21+s1+$0x0], $0xffff  }
0x5b1: {  	v20 =	vld.idx.msk [tilespmem:v20+s1+$0x0], $0xffff  }
0x5b2: {  	v19 =	vld.idx.msk [tilespmem:v19+s1+$0x0], $0xffff  }
0x5b3: {  	v18 =	vld.idx.msk [tilespmem:v18+s1+$0x0], $0xffff  }
0x5b4: {  	v17 =	vld.idx.msk [tilespmem:v17+s1+$0x0], $0xffff  }
0x5b5: {  	v7 =	vmul.f32 v7, v14;
	v3 =	vmul.f32 v3, v16  }
0x5b6: {  	v6 =	vmul.f32 v6, v15;
	v1 =	vmul.f32 v8, v1  }
0x5b7: {  	v59 =	vmul.f32 v9, v20;
	v60 =	vmul.f32 v13, v19  }
0x5b8: {  	v5 =	vmul.f32 v5, v18;
	v2 =	vadd.f32 v6, v2;
	v1 =	vadd.f32 v1, v10  }
0x5b9: {  	v4 =	vmul.f32 v4, v17;
	v61 =	vadd.f32 v59, v11;
	v62 =	vadd.f32 v60, v12  }
0x5ba: {  	v2 =	vadd.f32 v3, v2;
	v1 =	vadd.f32 v5, v1  }
0x5bb: {  	v3 =	vadd.f32 v4, v61;
	v63 =	vadd.f32 v7, v62;
	_ =	sdelay $0x1  }
0x5bc: {  	v1 =	vadd.f32 v1, v2;
	v2 =	vadd.f32 v63, v3;
	_ =	sdelay $0x1  }
0x5bd: {  	v1 =	vadd.f32 v2, v1;
	_ =	sdelay $0x1  }
0x5be: {  	v2 =	vsub.f32 $0.0e+00, v1;
	_ =	sdelay $0x1  }
0x5bf: {  	v2 =	vmul.f32 $1.442695020e+00, v2;
	_ =	sdelay $0x1  }
0x5c0: {  	(erf) = vpow2.f32 v2;
	_ =	sdelay $0x8  }
0x5c1: {  	v2 =	vpop (erf)  }
0x5c2: {  	v2 =	vadd.f32 $1.000000000e+00, v2;
	_ =	sdelay $0x1  }
0x5c3: {  	(erf) = vrcp.f32 v2;
	_ =	sdelay $0x5  }
0x5c4: {  	s12 =	sadd.s32 $0x1, s12  }
0x5c5: {  	p1 =	sne.s32 s12, $0x19  }
.Ltmp27:
0x5c6: {  	_ = 	snop;
	(pc) =	sbr.rel @p1 .LBB2_54-.Ltmp27, $3  }
0x5c7: {  	v2 =	vpop (erf)  }
0x5c8: {  	v1 =	vmul.f32 v2, v1;
	_ =	sdelay $0x1  }
0x5c9: {  	[tilespmem:s13+$0x1D700] =	vst v1  }
0x5ca: {  	s13 =	sld [smem:$0x7F0];
	_ =	sdelay $0x1  }
0x5cb: {  	s12 =	simm.s32 $0x0;
	s16 =	sld [smem:$0x7F1]  }
0x5cc: {  	[tilespmem:s29], [sflag:$0x1] =	stream.linear.gather [hbm4b:s13+s12], $0x3200, $0x38;
	[tilespmem:$0x1DC20] =	vst v63  }
0x5cd: {  	_ = 	snop  }
0x5ce: {  	[tilespmem:s31], [sflag:$0x2] =	stream.linear.gather [hbm4b:s16+s12], $0x3200, $0x38;
	[tilespmem:$0x1DC20] =	vst v63  }
0x5cf: {  	_ = 	snop  }
0x5d0: {  	[tilespmem:s0], [sflag:$0x3] =	stream.linear.gather [hbm4b:s24+s12], $0x190, $0x38;
	[tilespmem:$0x1DC20] =	vst v63  }
0x5d1: {  	_ = 	snop  }
0x5d2: {  	[spmem:s9] =	stream.linear.scatter [tilespmem:s7], [sflag:$0x5], $0x190, $0x38;
	[tilespmem:$0x1DC20] =	vst v63  }
0x5d3: {  	_ =	swait.ge [sflag:s28], $0x190  }
0x5d4: {  	[sflag:s28] =	ssyncset.done $0x0  }
0x5d5: {  	[sflag:s28] =	ssyncadd.s32 $0xFFFFFE70  }
0x5d6: {  	s17 =	simm.s32 $0x13FB0;
	[bflag:$0x0] =	sbarrier.arrive $0xFFFF  }
0x5d7: {  	[tilespmem:s17], [sflag:$0x4] =	stream.linear.gather [spmem:s6], $0x1870, $0x38;
	[tilespmem:$0x1DC20] =	vst v63  }
0x5d8: {  	_ =	swait.ge [sflag:s30], $0x3200  }
0x5d9: {  	[sflag:s30] =	ssyncset.done $0x0  }
0x5da: {  	[sflag:s30] =	ssyncadd.s32 $0xFFFFCE00  }
0x5db: {  	_ =	swait.ge [sflag:s3], $0x3200  }
0x5dc: {  	[sflag:s3] =	ssyncset.done $0x0  }
0x5dd: {  	[sflag:s3] =	ssyncadd.s32 $0xFFFFCE00  }
0x5de: {  	_ =	swait.ge [sflag:s5], $0x190  }
0x5df: {  	[sflag:s5] =	ssyncset.done $0x0  }
0x5e0: {  	[sflag:s5] =	ssyncadd.s32 $0xFFFFFE70  }
0x5e1: {  	_ =	swait.ge [sflag:s10], $0x1870  }
0x5e2: {  	[sflag:s10] =	ssyncset.done $0x0  }
0x5e3: {  	[sflag:s10] =	ssyncadd.s32 $0xFFFFE790  }
.LBB2_58:
0x5e4: {  	s13 =	sshll.u32 s12, $0x4  }
0x5e5: {  	s14 =	simm.s32 $0xAF0;
	v1 =	vor.u32 s13, v0  }
0x5e6: {  	v3 =	vadd.s32 s14, v1  }
0x5e7: {  	s15 =	simm.s32 $0x640  }
0x5e8: {  	s16 =	simm.s32 $0x7D0;
	v10 =	vadd.s32 s15, v1  }
0x5e9: {  	s17 =	simm.s32 $0x960;
	v11 =	vadd.s32 s16, v1  }
0x5ea: {  	v2 =	vld [tilespmem:s13+$0x1D500];
	v12 =	vadd.s32 s17, v1  }
0x5eb: {  	s15 =	simm.s32 $0x0;
	v7 =	vld.idx.msk [tilespmem:v3+s31+$0x0], $0xffff  }
0x5ec: {  	s16 =	simm.s32 $0x320;
	v14 =	vadd.s32 s15, v1;
	v16 =	vld.idx.msk [tilespmem:v3+s29+$0x0], $0xffff  }
0x5ed: {  	s17 =	simm.s32 $0x4B0;
	v17 =	vadd.s32 s16, v1;
	v3 =	vld.idx.msk [tilespmem:v10+s31+$0x0], $0xffff  }
0x5ee: {  	v18 =	vadd.s32 s17, v1;
	v5 =	vld.idx.msk [tilespmem:v11+s31+$0x0], $0xffff  }
0x5ef: {  	v4 =	vld.idx.msk [tilespmem:v12+s31+$0x0], $0xffff  }
0x5f0: {  	s15 =	simm.s32 $0x190;
	v10 =	vld.idx.msk [tilespmem:v10+s29+$0x0], $0xffff  }
0x5f1: {  	v15 =	vadd.s32 s15, v1;
	v6 =	vld.idx.msk [tilespmem:v14+s31+$0x0], $0xffff  }
0x5f2: {  	v9 =	vld.idx.msk [tilespmem:v17+s31+$0x0], $0xffff  }
0x5f3: {  	v13 =	vld.idx.msk [tilespmem:v18+s31+$0x0], $0xffff  }
0x5f4: {  	v22 =	vld.idx.msk [tilespmem:v14+s29+$0x0], $0xffff  }
0x5f5: {  	v20 =	vld.idx.msk [tilespmem:v17+s29+$0x0], $0xffff  }
0x5f6: {  	v21 =	vld.idx.msk [tilespmem:v15+s29+$0x0], $0xffff  }
0x5f7: {  	v19 =	vld.idx.msk [tilespmem:v18+s29+$0x0], $0xffff  }
0x5f8: {  	v18 =	vld.idx.msk [tilespmem:v11+s29+$0x0], $0xffff  }
0x5f9: {  	v17 =	vld.idx.msk [tilespmem:v12+s29+$0x0], $0xffff  }
0x5fa: {  	v8 =	vld.idx.msk [tilespmem:v15+s31+$0x0], $0xffff  }
0x5fb: {  	v14 =	vld.idx.msk [tilespmem:v16+s1+$0x0], $0xffff  }
0x5fc: {  	v16 =	vld.idx.msk [tilespmem:v10+s1+$0x0], $0xffff  }
0x5fd: {  	s14 =	simm.s32 $0x0;
	s15 =	simm.s32 $0x1770;
	v11 =	vimm.f32 $0.0e+00;
	v12 =	vimm.f32 $0.0e+00;
	v10 =	vimm.f32 $0.0e+00;
	v15 =	vld.idx.msk [tilespmem:v22+s1+$0x0], $0xffff  }
.LBB2_59:
0x5fe: {  	v22 =	vadd.s32 s15, v1;
	v21 =	vld.idx.msk [tilespmem:v21+s1+$0x0], $0xffff  }
0x5ff: {  	s16 =	sadd.s32 $0xFFFFFB50, s15;
	v20 =	vld.idx.msk [tilespmem:v20+s1+$0x0], $0xffff  }
0x600: {  	v23 =	vadd.s32 s16, v1;
	s16 =	sadd.s32 $0xFFFFFCE0, s15;
	v19 =	vld.idx.msk [tilespmem:v19+s1+$0x0], $0xffff  }
0x601: {  	v24 =	vadd.s32 s16, v1;
	s16 =	sadd.s32 $0xFFFFFE70, s15;
	v18 =	vld.idx.msk [tilespmem:v18+s1+$0x0], $0xffff  }
0x602: {  	s17 =	sadd.s32 $0xFFFFF510, s15;
	v25 =	vadd.s32 s16, v1;
	v17 =	vld.idx.msk [tilespmem:v17+s1+$0x0], $0xffff  }
0x603: {  	v26 =	vadd.s32 s17, v1;
	s16 =	sadd.s32 $0xFFFFF6A0, s15;
	v27 =	vld.idx.msk [tilespmem:v22+s31+$0x0], $0xffff  }
0x604: {  	v14 =	vmul.f32 v7, v14;
	v16 =	vmul.f32 v3, v16;
	v28 =	vadd.s32 s16, v1;
	s16 =	sadd.s32 $0xFFFFF830, s15;
	v22 =	vld.idx.msk [tilespmem:v22+s29+$0x0], $0xffff  }
0x605: {  	v6 =	vmul.f32 v6, v15;
	v29 =	vadd.s32 s16, v1;
	s16 =	sadd.s32 $0xFFFFF9C0, s15;
	v7 =	vmul.f32 v8, v21;
	v3 =	vld.idx.msk [tilespmem:v23+s31+$0x0], $0xffff  }
0x606: {  	v15 =	vadd.s32 s16, v1;
	v8 =	vmul.f32 v9, v20;
	v9 =	vmul.f32 v13, v19;
	v21 =	vld.idx.msk [tilespmem:v24+s31+$0x0], $0xffff  }
0x607: {  	v2 =	vadd.f32 v6, v2;
	v13 =	vadd.f32 v7, v10;
	v5 =	vmul.f32 v5, v18;
	v19 =	vld.idx.msk [tilespmem:v25+s31+$0x0], $0xffff  }
0x608: {  	v11 =	vadd.f32 v8, v11;
	v12 =	vadd.f32 v9, v12;
	v4 =	vmul.f32 v4, v17;
	v6 =	vld.idx.msk [tilespmem:v26+s31+$0x0], $0xffff  }
0x609: {  	v2 =	vadd.f32 v16, v2;
	v10 =	vadd.f32 v5, v13;
	v7 =	vmov v27;
	v8 =	vld.idx.msk [tilespmem:v28+s31+$0x0], $0xffff  }
0x60a: {  	s14 =	sadd.s32 $0x8, s14;
	v11 =	vadd.f32 v4, v11;
	v12 =	vadd.f32 v14, v12;
	v9 =	vld.idx.msk [tilespmem:v29+s31+$0x0], $0xffff  }
0x60b: {  	p1 =	slt.u32 s14, $0x18;
	v13 =	vld.idx.msk [tilespmem:v15+s31+$0x0], $0xffff  }
0x60c: {  	v5 =	vmov v21;
	v16 =	vld.idx.msk [tilespmem:v23+s29+$0x0], $0xffff  }
0x60d: {  	v4 =	vmov v19;
	v23 =	vld.idx.msk [tilespmem:v26+s29+$0x0], $0xffff  }
0x60e: {  	v21 =	vld.idx.msk [tilespmem:v28+s29+$0x0], $0xffff  }
0x60f: {  	v20 =	vld.idx.msk [tilespmem:v29+s29+$0x0], $0xffff  }
0x610: {  	v19 =	vld.idx.msk [tilespmem:v15+s29+$0x0], $0xffff  }
.Ltmp28:
0x611: {  	v18 =	vld.idx.msk [tilespmem:v24+s29+$0x0], $0xffff;
	(pc) =	sbr.rel @p1 .LBB2_59-.Ltmp28, $4  }
0x612: {  	v17 =	vld.idx.msk [tilespmem:v25+s29+$0x0], $0xffff  }
0x613: {  	v14 =	vld.idx.msk [tilespmem:v22+s1+$0x0], $0xffff  }
0x614: {  	v16 =	vld.idx.msk [tilespmem:v16+s1+$0x0], $0xffff  }
0x615: {  	s15 =	sadd.s32 $0xC80, s15;
	v15 =	vld.idx.msk [tilespmem:v23+s1+$0x0], $0xffff  }
0x616: {  	_ =	sdelay $0x3  }
0x617: {  	v1 =	vld.idx.msk [tilespmem:v21+s1+$0x0], $0xffff  }
0x618: {  	v20 =	vld.idx.msk [tilespmem:v20+s1+$0x0], $0xffff  }
0x619: {  	v19 =	vld.idx.msk [tilespmem:v19+s1+$0x0], $0xffff  }
0x61a: {  	v18 =	vld.idx.msk [tilespmem:v18+s1+$0x0], $0xffff  }
0x61b: {  	v17 =	vld.idx.msk [tilespmem:v17+s1+$0x0], $0xffff  }
0x61c: {  	v7 =	vmul.f32 v7, v14;
	v3 =	vmul.f32 v3, v16  }
0x61d: {  	v6 =	vmul.f32 v6, v15;
	v1 =	vmul.f32 v8, v1  }
0x61e: {  	v59 =	vmul.f32 v9, v20;
	v60 =	vmul.f32 v13, v19  }
0x61f: {  	v5 =	vmul.f32 v5, v18;
	v2 =	vadd.f32 v6, v2;
	v1 =	vadd.f32 v1, v10  }
0x620: {  	v4 =	vmul.f32 v4, v17;
	v61 =	vadd.f32 v59, v11;
	v62 =	vadd.f32 v60, v12  }
0x621: {  	v2 =	vadd.f32 v3, v2;
	v1 =	vadd.f32 v5, v1  }
0x622: {  	v3 =	vadd.f32 v4, v61;
	v63 =	vadd.f32 v7, v62;
	_ =	sdelay $0x1  }
0x623: {  	v1 =	vadd.f32 v1, v2;
	v2 =	vadd.f32 v63, v3;
	_ =	sdelay $0x1  }
0x624: {  	v1 =	vadd.f32 v2, v1;
	_ =	sdelay $0x1  }
0x625: {  	v2 =	vsub.f32 $0.0e+00, v1;
	_ =	sdelay $0x1  }
0x626: {  	v2 =	vmul.f32 $1.442695020e+00, v2;
	_ =	sdelay $0x1  }
0x627: {  	(erf) = vpow2.f32 v2;
	_ =	sdelay $0x8  }
0x628: {  	v2 =	vpop (erf)  }
0x629: {  	v2 =	vadd.f32 $1.000000000e+00, v2;
	_ =	sdelay $0x1  }
0x62a: {  	(erf) = vrcp.f32 v2;
	_ =	sdelay $0x5  }
0x62b: {  	s12 =	sadd.s32 $0x1, s12  }
0x62c: {  	p1 =	sne.s32 s12, $0x19  }
.Ltmp29:
0x62d: {  	_ = 	snop;
	(pc) =	sbr.rel @p1 .LBB2_58-.Ltmp29, $3  }
0x62e: {  	v2 =	vpop (erf)  }
0x62f: {  	v1 =	vmul.f32 v2, v1;
	_ =	sdelay $0x1  }
0x630: {  	[tilespmem:s13+$0x1D700] =	vst v1  }
0x631: {  	s13 =	sld [smem:$0x7F4];
	_ =	sdelay $0x1  }
0x632: {  	s12 =	simm.s32 $0x0;
	s16 =	sld [smem:$0x7F5]  }
0x633: {  	[tilespmem:s29], [sflag:$0x1] =	stream.linear.gather [hbm4b:s13+s12], $0x3200, $0x38;
	[tilespmem:$0x1DC20] =	vst v63  }
0x634: {  	_ = 	snop  }
0x635: {  	[tilespmem:s31], [sflag:$0x2] =	stream.linear.gather [hbm4b:s16+s12], $0x3200, $0x38;
	[tilespmem:$0x1DC20] =	vst v63  }
0x636: {  	_ = 	snop  }
0x637: {  	[tilespmem:s0], [sflag:$0x3] =	stream.linear.gather [hbm4b:s25+s12], $0x190, $0x38;
	[tilespmem:$0x1DC20] =	vst v63  }
0x638: {  	_ = 	snop  }
0x639: {  	[spmem:s8] =	stream.linear.scatter [tilespmem:s7], [sflag:$0x5], $0x190, $0x38;
	[tilespmem:$0x1DC20] =	vst v63  }
0x63a: {  	_ =	swait.ge [sflag:s28], $0x190  }
0x63b: {  	[sflag:s28] =	ssyncset.done $0x0  }
0x63c: {  	[sflag:s28] =	ssyncadd.s32 $0xFFFFFE70  }
0x63d: {  	s17 =	simm.s32 $0x15820;
	[bflag:$0x0] =	sbarrier.arrive $0xFFFF  }
0x63e: {  	[tilespmem:s17], [sflag:$0x4] =	stream.linear.gather [spmem:s4], $0x1870, $0x38;
	[tilespmem:$0x1DC20] =	vst v63  }
0x63f: {  	_ =	swait.ge [sflag:s30], $0x3200  }
0x640: {  	[sflag:s30] =	ssyncset.done $0x0  }
0x641: {  	[sflag:s30] =	ssyncadd.s32 $0xFFFFCE00  }
0x642: {  	_ =	swait.ge [sflag:s3], $0x3200  }
0x643: {  	[sflag:s3] =	ssyncset.done $0x0  }
0x644: {  	[sflag:s3] =	ssyncadd.s32 $0xFFFFCE00  }
0x645: {  	_ =	swait.ge [sflag:s5], $0x190  }
0x646: {  	[sflag:s5] =	ssyncset.done $0x0  }
0x647: {  	[sflag:s5] =	ssyncadd.s32 $0xFFFFFE70  }
0x648: {  	_ =	swait.ge [sflag:s10], $0x1870  }
0x649: {  	[sflag:s10] =	ssyncset.done $0x0  }
0x64a: {  	[sflag:s10] =	ssyncadd.s32 $0xFFFFE790  }
.LBB2_62:
0x64b: {  	s13 =	sshll.u32 s12, $0x4  }
0x64c: {  	s14 =	simm.s32 $0xAF0;
	v1 =	vor.u32 s13, v0  }
0x64d: {  	v3 =	vadd.s32 s14, v1  }
0x64e: {  	s15 =	simm.s32 $0x640  }
0x64f: {  	s16 =	simm.s32 $0x7D0;
	v10 =	vadd.s32 s15, v1  }
0x650: {  	s17 =	simm.s32 $0x960;
	v11 =	vadd.s32 s16, v1  }
0x651: {  	v2 =	vld [tilespmem:s13+$0x1D500];
	v12 =	vadd.s32 s17, v1  }
0x652: {  	s15 =	simm.s32 $0x0;
	v7 =	vld.idx.msk [tilespmem:v3+s31+$0x0], $0xffff  }
0x653: {  	s16 =	simm.s32 $0x320;
	v14 =	vadd.s32 s15, v1;
	v16 =	vld.idx.msk [tilespmem:v3+s29+$0x0], $0xffff  }
0x654: {  	s17 =	simm.s32 $0x4B0;
	v17 =	vadd.s32 s16, v1;
	v3 =	vld.idx.msk [tilespmem:v10+s31+$0x0], $0xffff  }
0x655: {  	v18 =	vadd.s32 s17, v1;
	v5 =	vld.idx.msk [tilespmem:v11+s31+$0x0], $0xffff  }
0x656: {  	v4 =	vld.idx.msk [tilespmem:v12+s31+$0x0], $0xffff  }
0x657: {  	s15 =	simm.s32 $0x190;
	v10 =	vld.idx.msk [tilespmem:v10+s29+$0x0], $0xffff  }
0x658: {  	v15 =	vadd.s32 s15, v1;
	v6 =	vld.idx.msk [tilespmem:v14+s31+$0x0], $0xffff  }
0x659: {  	v9 =	vld.idx.msk [tilespmem:v17+s31+$0x0], $0xffff  }
0x65a: {  	v13 =	vld.idx.msk [tilespmem:v18+s31+$0x0], $0xffff  }
0x65b: {  	v22 =	vld.idx.msk [tilespmem:v14+s29+$0x0], $0xffff  }
0x65c: {  	v20 =	vld.idx.msk [tilespmem:v17+s29+$0x0], $0xffff  }
0x65d: {  	v21 =	vld.idx.msk [tilespmem:v15+s29+$0x0], $0xffff  }
0x65e: {  	v19 =	vld.idx.msk [tilespmem:v18+s29+$0x0], $0xffff  }
0x65f: {  	v18 =	vld.idx.msk [tilespmem:v11+s29+$0x0], $0xffff  }
0x660: {  	v17 =	vld.idx.msk [tilespmem:v12+s29+$0x0], $0xffff  }
0x661: {  	v8 =	vld.idx.msk [tilespmem:v15+s31+$0x0], $0xffff  }
0x662: {  	v14 =	vld.idx.msk [tilespmem:v16+s1+$0x0], $0xffff  }
0x663: {  	v16 =	vld.idx.msk [tilespmem:v10+s1+$0x0], $0xffff  }
0x664: {  	s14 =	simm.s32 $0x0;
	s15 =	simm.s32 $0x1770;
	v11 =	vimm.f32 $0.0e+00;
	v12 =	vimm.f32 $0.0e+00;
	v10 =	vimm.f32 $0.0e+00;
	v15 =	vld.idx.msk [tilespmem:v22+s1+$0x0], $0xffff  }
.LBB2_63:
0x665: {  	v22 =	vadd.s32 s15, v1;
	v21 =	vld.idx.msk [tilespmem:v21+s1+$0x0], $0xffff  }
0x666: {  	s16 =	sadd.s32 $0xFFFFFB50, s15;
	v20 =	vld.idx.msk [tilespmem:v20+s1+$0x0], $0xffff  }
0x667: {  	v23 =	vadd.s32 s16, v1;
	s16 =	sadd.s32 $0xFFFFFCE0, s15;
	v19 =	vld.idx.msk [tilespmem:v19+s1+$0x0], $0xffff  }
0x668: {  	v24 =	vadd.s32 s16, v1;
	s16 =	sadd.s32 $0xFFFFFE70, s15;
	v18 =	vld.idx.msk [tilespmem:v18+s1+$0x0], $0xffff  }
0x669: {  	s17 =	sadd.s32 $0xFFFFF510, s15;
	v25 =	vadd.s32 s16, v1;
	v17 =	vld.idx.msk [tilespmem:v17+s1+$0x0], $0xffff  }
0x66a: {  	v26 =	vadd.s32 s17, v1;
	s16 =	sadd.s32 $0xFFFFF6A0, s15;
	v27 =	vld.idx.msk [tilespmem:v22+s31+$0x0], $0xffff  }
0x66b: {  	v14 =	vmul.f32 v7, v14;
	v16 =	vmul.f32 v3, v16;
	v28 =	vadd.s32 s16, v1;
	s16 =	sadd.s32 $0xFFFFF830, s15;
	v22 =	vld.idx.msk [tilespmem:v22+s29+$0x0], $0xffff  }
0x66c: {  	v6 =	vmul.f32 v6, v15;
	v29 =	vadd.s32 s16, v1;
	s16 =	sadd.s32 $0xFFFFF9C0, s15;
	v7 =	vmul.f32 v8, v21;
	v3 =	vld.idx.msk [tilespmem:v23+s31+$0x0], $0xffff  }
0x66d: {  	v15 =	vadd.s32 s16, v1;
	v8 =	vmul.f32 v9, v20;
	v9 =	vmul.f32 v13, v19;
	v21 =	vld.idx.msk [tilespmem:v24+s31+$0x0], $0xffff  }
0x66e: {  	v2 =	vadd.f32 v6, v2;
	v13 =	vadd.f32 v7, v10;
	v5 =	vmul.f32 v5, v18;
	v19 =	vld.idx.msk [tilespmem:v25+s31+$0x0], $0xffff  }
0x66f: {  	v11 =	vadd.f32 v8, v11;
	v12 =	vadd.f32 v9, v12;
	v4 =	vmul.f32 v4, v17;
	v6 =	vld.idx.msk [tilespmem:v26+s31+$0x0], $0xffff  }
0x670: {  	v2 =	vadd.f32 v16, v2;
	v10 =	vadd.f32 v5, v13;
	v7 =	vmov v27;
	v8 =	vld.idx.msk [tilespmem:v28+s31+$0x0], $0xffff  }
0x671: {  	s14 =	sadd.s32 $0x8, s14;
	v11 =	vadd.f32 v4, v11;
	v12 =	vadd.f32 v14, v12;
	v9 =	vld.idx.msk [tilespmem:v29+s31+$0x0], $0xffff  }
0x672: {  	p1 =	slt.u32 s14, $0x18;
	v13 =	vld.idx.msk [tilespmem:v15+s31+$0x0], $0xffff  }
0x673: {  	v5 =	vmov v21;
	v16 =	vld.idx.msk [tilespmem:v23+s29+$0x0], $0xffff  }
0x674: {  	v4 =	vmov v19;
	v23 =	vld.idx.msk [tilespmem:v26+s29+$0x0], $0xffff  }
0x675: {  	v21 =	vld.idx.msk [tilespmem:v28+s29+$0x0], $0xffff  }
0x676: {  	v20 =	vld.idx.msk [tilespmem:v29+s29+$0x0], $0xffff  }
0x677: {  	v19 =	vld.idx.msk [tilespmem:v15+s29+$0x0], $0xffff  }
.Ltmp30:
0x678: {  	v18 =	vld.idx.msk [tilespmem:v24+s29+$0x0], $0xffff;
	(pc) =	sbr.rel @p1 .LBB2_63-.Ltmp30, $4  }
0x679: {  	v17 =	vld.idx.msk [tilespmem:v25+s29+$0x0], $0xffff  }
0x67a: {  	v14 =	vld.idx.msk [tilespmem:v22+s1+$0x0], $0xffff  }
0x67b: {  	v16 =	vld.idx.msk [tilespmem:v16+s1+$0x0], $0xffff  }
0x67c: {  	s15 =	sadd.s32 $0xC80, s15;
	v15 =	vld.idx.msk [tilespmem:v23+s1+$0x0], $0xffff  }
0x67d: {  	_ =	sdelay $0x3  }
0x67e: {  	v1 =	vld.idx.msk [tilespmem:v21+s1+$0x0], $0xffff  }
0x67f: {  	v20 =	vld.idx.msk [tilespmem:v20+s1+$0x0], $0xffff  }
0x680: {  	v19 =	vld.idx.msk [tilespmem:v19+s1+$0x0], $0xffff  }
0x681: {  	v18 =	vld.idx.msk [tilespmem:v18+s1+$0x0], $0xffff  }
0x682: {  	v17 =	vld.idx.msk [tilespmem:v17+s1+$0x0], $0xffff  }
0x683: {  	v7 =	vmul.f32 v7, v14;
	v3 =	vmul.f32 v3, v16  }
0x684: {  	v6 =	vmul.f32 v6, v15;
	v1 =	vmul.f32 v8, v1  }
0x685: {  	v59 =	vmul.f32 v9, v20;
	v60 =	vmul.f32 v13, v19  }
0x686: {  	v5 =	vmul.f32 v5, v18;
	v2 =	vadd.f32 v6, v2;
	v1 =	vadd.f32 v1, v10  }
0x687: {  	v4 =	vmul.f32 v4, v17;
	v61 =	vadd.f32 v59, v11;
	v62 =	vadd.f32 v60, v12  }
0x688: {  	v2 =	vadd.f32 v3, v2;
	v1 =	vadd.f32 v5, v1  }
0x689: {  	s12 =	sadd.s32 $0x1, s12;
	v3 =	vadd.f32 v4, v61;
	v63 =	vadd.f32 v7, v62  }
0x68a: {  	p1 =	sne.s32 s12, $0x19  }
.Ltmp31:
0x68b: {  	v1 =	vadd.f32 v1, v2;
	v2 =	vadd.f32 v63, v3;
	(pc) =	sbr.rel @p1 .LBB2_62-.Ltmp31, $3  }
0x68c: {  	_ = 	snop  }
0x68d: {  	v1 =	vadd.f32 v2, v1;
	_ =	sdelay $0x1  }
0x68e: {  	[tilespmem:s13+$0x1D700] =	vst v1  }
0x68f: {  	[spmem:s9] =	stream.linear.scatter [tilespmem:s7], [sflag:$0x5], $0x190, $0x38;
	[tilespmem:$0x1DC20] =	vst v63  }
0x690: {  	_ =	swait.ge [sflag:s28], $0x190  }
0x691: {  	[sflag:s28] =	ssyncset.done $0x0  }
0x692: {  	[sflag:s28] =	ssyncadd.s32 $0xFFFFFE70  }
0x693: {  	s12 =	simm.s32 @!p0 $0x1D700;
	s13 =	simm.s32 @!p0 $0x5;
	[bflag:$0x0] =	sbarrier.arrive $0xFFFF  }
0x694: {  	[tilespmem:s12], [sflag:$0x5] =	stream.linear.gather @!p0 [spmem:s26], $0x110, $0x38;
	[tilespmem:$0x1DC20] =	vst v63  }
0x695: {  	_ =	swait.ge @!p0 [sflag:s13], $0x110  }
0x696: {  	[sflag:s13] =	ssyncset.done @!p0 $0x0  }
0x697: {  	[sflag:s13] =	ssyncadd.s32 @!p0 $0xFFFFFEF0  }
0x698: {  	s14 =	simm.s32 @!p0 $0x0;
	s15 =	rddreg [dreg:$0x4]  }
0x699: {  	[hbm4b:s15+s14] =	stream.linear.scatter @!p0 [tilespmem:s12], [sflag:$0x5], $0x110, $0x38;
	[tilespmem:$0x1DC20] =	vst v63  }
0x69a: {  	_ =	swait.ge @!p0 [sflag:s13], $0x110  }
0x69b: {  	s17 =	sld [smem:$0x7F6];
	_ =	sdelay $0x1  }
0x69c: {  	s11 =	sadd.s32 $0x1, s11  }
0x69d: {  	p1 =	sne.s32 s11, s17  }
.Ltmp32:
0x69e: {  	_ = 	snop;
	(pc) =	sbr.rel @p1 .LBB2_1-.Ltmp32, $3  }
0x69f: {  	_ =	sdelay $0x1  }
0x6a0: {  	[sflag:s13] =	ssyncset.done @!p0 $0x0  }
0x6a1: {  	[sflag:s13] =	ssyncadd.s32 @!p0 $0xFFFFFEF0  }
0x6a2: {  	_ =	sfence.sel $0x180000  }
0x6a3: {  	[bflag:$0x0] =	sbarrier.arrive $0xFFFF  }
0x6a4: {  	_ =	strace $0x90000047  }
0x6a5: {  	s0 =	stileid.u32;
	[bflag:$0x2] =	sbarrier.arrive $0xFFFF  }
0x6a6: {  	p0 =	sne.s32 s0, $0x0;
	s0 =	rddreg [dreg:$0x7]  }
0x6a7: {  	s0 =	sadd.s32 @!p0 $0x100000, s0  }
0x6a8: {  	[sflag:s0] =	ssyncadd.tile.s32 @!p0 $0x1;
	_ =	shalt  }
.Lfunc_end2:
_tile_overlayer_lowered:
.L_overlay_start_2:
0x6a9: {  	(tag) =	ssettag $0x2  }
0x6aa: {  	s0 =	rddreg [dreg:$0x0];
	s2 =	stileid.u32  }
0x6ab: {  	s1 =	rddreg [dreg:$0x1];
	p0 =	sne.s32 s2, $0x0  }
0x6ac: {  	s3 =	rddreg [dreg:$0x2];
	[bflag:$0x3] =	sbarrier.arrive $0xFFFF;
	s2 =	simm.s32 @!p0 $0x1C05  }
0x6ad: {  	[timem:s3], [sflag:s2] =	dma.local @!p0 [hbm:s0], s1  }
0x6ae: {  	s0 =	simm.s32 @!p0 $0x5  }
0x6af: {  	_ =	swait.ge @!p0 [sflag:s0], s1  }
0x6b0: {  	s1 =	ssub.s32 @!p0 $0x0, s1;
	[sflag:s0] =	ssyncset.done @!p0 $0x0  }
0x6b1: {  	[sflag:s0] =	ssyncadd.s32 @!p0 s1  }
0x6b2: {  	[bflag:$0x3] =	sbarrier.arrive $0xFFFF  }
0x6b3: {  	_ =	shalt  }

</sc_bundles>
